<compile_context>
chip_gen: v7x
topology: tpu7x:2x2x1
jax: 0.10.2.dev20260603
libtpu: 0.0.44.dev20260713+nightly
codegen_flags: <defaults>
</compile_context>

<pallas_src>
import functools

import jax
import jax.numpy as jnp
from jax import lax
from jax.experimental import pallas as pl
from jax.experimental.pallas import tpu as pltpu
from jax.experimental.pallas import tpu_sc as plsc

B = 4
N = 10000
E = 640000
BE = B * E
D = 16
EH = 32
EOUT = 22
ACC_W = 24
TSRC_W = 40
BNP = 40960


def _edge_scalars_body(dist_ref, direc_ref, ce_ref, se_ref, ea0_ref, ea1_ref):
    dist = dist_ref[...]
    direc = direc_ref[...]
    dmin = jnp.min(dist)
    dmax = jnp.max(dist)
    cmin = jnp.min(direc)
    cmax = jnp.max(direc)
    inv_d = 1.0 / dist
    ce_ref[...] = jnp.cos(direc) * inv_d
    se_ref[...] = jnp.sin(direc) * inv_d
    ea0_ref[...] = (dist - dmin) / (dmax - dmin)
    ea1_ref[...] = (direc - cmin) / (cmax - cmin)


def _edge_scalars(dist2d, direc2d):
    shp = jax.ShapeDtypeStruct(dist2d.shape, jnp.float32)
    return pl.pallas_call(
        _edge_scalars_body,
        out_shape=(shp, shp, shp, shp),
    )(dist2d, direc2d)


_NT_BLK = 2048


def _node_tables_body(xf_ref, w1s_ref, w1t_ref, b1_ref, wmax_ref, wmin_ref,
                      tsrc_ref, ttgt_ref):
    xf = xf_ref[...]
    p = jnp.dot(xf, w1s_ref[...],
                preferred_element_type=jnp.float32) + b1_ref[...]
    ttgt_ref[...] = jnp.dot(xf, w1t_ref[...],
                            preferred_element_type=jnp.float32)
    wmax = wmax_ref[...]
    wmin = wmin_ref[...]
    speed = xf[:, D - 2] * (wmax[0] - wmin[0]) + wmin[0]
    wd = xf[:, D - 1] * (wmax[1] - wmin[1]) + wmin[1]
    u = speed * jnp.cos(wd)
    v = speed * jnp.sin(wd)
    pad = jnp.zeros((p.shape[0], TSRC_W - EH - 2), jnp.float32)
    tsrc_ref[...] = jnp.concatenate([p, u[:, None], v[:, None], pad], axis=1)


def _node_tables(xf, w1s, w1t, b1, wmax, wmin):
    nblk = BNP // _NT_BLK
    full = lambda *shape: pl.BlockSpec(shape, lambda i: tuple(0 for _ in shape))
    return pl.pallas_call(
        _node_tables_body,
        grid=(nblk,),
        in_specs=[
            pl.BlockSpec((_NT_BLK, D), lambda i: (i, 0)),
            full(D, EH), full(D, EH), full(EH), full(2), full(2),
        ],
        out_specs=(
            pl.BlockSpec((_NT_BLK, TSRC_W), lambda i: (i, 0)),
            pl.BlockSpec((_NT_BLK, EH), lambda i: (i, 0)),
        ),
        out_shape=(
            jax.ShapeDtypeStruct((BNP, TSRC_W), jnp.float32),
            jax.ShapeDtypeStruct((BNP, EH), jnp.float32),
        ),
    )(xf, w1s, w1t, b1, wmax, wmin)


_MB = 2560
_NEB = E // _MB


def _edge_mlp_body(pre_ref, m_ref, w2_ref, b2_ref, out_ref):
    x = pre_ref[...]
    pre1 = jnp.dot(x, m_ref[...], preferred_element_type=jnp.float32)
    h1 = jax.nn.sigmoid(pre1)
    h2 = jax.nn.sigmoid(
        jnp.dot(h1, w2_ref[...], preferred_element_type=jnp.float32)
        + b2_ref[...])
    pad = jnp.zeros((h2.shape[0], ACC_W - EOUT), jnp.float32)
    out_ref[...] = jnp.concatenate([h2, pad], axis=1)


def _edge_mlp(pre, m1, w2, b2):
    full = lambda *shape: pl.BlockSpec(shape, lambda i: tuple(0 for _ in shape))
    return pl.pallas_call(
        _edge_mlp_body,
        grid=(BES // _MB,),
        in_specs=[
            pl.BlockSpec((_MB, TSRC_W), lambda i: (i, 0)),
            full(TSRC_W, EH), full(EH, EOUT), full(EOUT),
        ],
        out_specs=pl.BlockSpec((_MB, ACC_W), lambda i: (i, 0)),
        out_shape=jax.ShapeDtypeStruct((BES, ACC_W), jnp.float32),
    )(pre, m1, w2, b2)


def _finish_body(*refs):
    p_refs = refs[:-3]
    w3_ref, b3_ref, out_ref = refs[-3:]
    acc = p_refs[0][0, :, :EOUT] + p_refs[0][1, :, :EOUT]
    for pr in p_refs[1:]:
        acc = acc + pr[0, :, :EOUT] + pr[1, :, :EOUT]
    pre = jnp.dot(acc, w3_ref[...], preferred_element_type=jnp.float32) + b3_ref[...]
    out_ref[...] = jax.nn.sigmoid(pre)


def _finish(partials_list, w3, b3):
    nblk = BNP // _NT_BLK
    full = lambda *shape: pl.BlockSpec(shape, lambda i: tuple(0 for _ in shape))
    pspec = pl.BlockSpec((2, _NT_BLK, ACC_W), lambda i: (0, i, 0))
    return pl.pallas_call(
        _finish_body,
        grid=(nblk,),
        in_specs=[pspec] * len(partials_list) + [full(EOUT, D), full(D)],
        out_specs=pl.BlockSpec((_NT_BLK, D), lambda i: (i, 0)),
        out_shape=jax.ShapeDtypeStruct((BNP, D), jnp.float32),
    )(*partials_list, w3, b3)


NC = 2
NS = 16
NW = NC * NS
NSL = 5
ES = E // NSL
BES = B * ES
EPW = ES // NW
KP = 80
RPT = BNP // NS

CH1 = 2000
NP1 = CH1 // KP
NOC1 = EPW // CH1
NG = KP // 16

CH2 = 400
NP2 = CH2 // KP
NOC2 = EPW // CH2


def _sc_gather_body(tsrc_hbm, ttgt_hbm, es_hbm, et_hbm, ce_hbm, se_hbm,
                    ea0_hbm, ea1_hbm, pre_hbm,
                    es_v, et_v, ce_v, se_v, ea0_v, ea1_v, gis, git,
                    praw, qraw):
    cid = lax.axis_index("c")
    sid = lax.axis_index("s")
    wid = sid * NC + cid
    iota = lax.iota(jnp.int32, 16)
    c32 = jnp.full((16,), EH, jnp.int32)
    c33 = jnp.full((16,), EH + 1, jnp.int32)
    c34 = jnp.full((16,), EH + 2, jnp.int32)
    c35 = jnp.full((16,), EH + 3, jnp.int32)
    c36 = jnp.full((16,), EH + 4, jnp.int32)

    def _outer(oc, c):
        ebase = wid * EPW + oc * CH1
        pltpu.sync_copy(es_hbm.at[pl.ds(ebase, CH1)], es_v)
        pltpu.sync_copy(et_hbm.at[pl.ds(ebase, CH1)], et_v)
        pltpu.sync_copy(ce_hbm.at[pl.ds(ebase, CH1)], ce_v)
        pltpu.sync_copy(se_hbm.at[pl.ds(ebase, CH1)], se_v)
        pltpu.sync_copy(ea0_hbm.at[pl.ds(ebase, CH1)], ea0_v)
        pltpu.sync_copy(ea1_hbm.at[pl.ds(ebase, CH1)], ea1_v)

        def _piece(p, c2):
            def _batch(b, c3):
                boff = b * N

                def _gidx(g, c4):
                    off = p * KP + g * 16
                    gis[pl.ds(g * 16, 16)] = es_v[pl.ds(off, 16)] + boff
                    git[pl.ds(g * 16, 16)] = et_v[pl.ds(off, 16)] + boff
                    return c4
                lax.fori_loop(0, NG, _gidx, 0)

                pltpu.sync_copy(tsrc_hbm.at[gis], praw)
                pltpu.sync_copy(ttgt_hbm.at[git], qraw)

                def _add(r, c4):
                    praw[r, pl.ds(0, 16)] = (praw[r, pl.ds(0, 16)]
                                             + qraw[r, pl.ds(0, 16)])
                    praw[r, pl.ds(16, 16)] = (praw[r, pl.ds(16, 16)]
                                              + qraw[r, pl.ds(16, 16)])
                    return c4
                lax.fori_loop(0, KP, _add, 0)

                def _ew(g, c4):
                    off = p * KP + g * 16
                    rw = iota + g * 16
                    uu = plsc.load_gather(praw, [rw, c32])
                    vv = plsc.load_gather(praw, [rw, c33])
                    w = uu * ce_v[pl.ds(off, 16)] + vv * se_v[pl.ds(off, 16)]
                    plsc.store_scatter(praw, [rw, c34], ea0_v[pl.ds(off, 16)])
                    plsc.store_scatter(praw, [rw, c35], ea1_v[pl.ds(off, 16)])
                    plsc.store_scatter(praw, [rw, c36], jnp.maximum(w, 0.0))
                    return c4
                lax.fori_loop(0, NG, _ew, 0)

                rowstart = b * ES + ebase + p * KP
                pltpu.sync_copy(praw, pre_hbm.at[pl.ds(rowstart, KP)])
                return c3
            lax.fori_loop(0, B, _batch, 0)
            return c2
        lax.fori_loop(0, NP1, _piece, 0)
        return c
    lax.fori_loop(0, NOC1, _outer, 0)


@functools.partial(
    pl.kernel,
    out_type=jax.ShapeDtypeStruct((BES, TSRC_W), jnp.float32),
    mesh=plsc.VectorSubcoreMesh(core_axis_name="c", subcore_axis_name="s",
                                num_cores=NC, num_subcores=NS),
    compiler_params=pltpu.CompilerParams(needs_layout_passes=False,
                                         use_tc_tiling_on_sc=False),
    scratch_types=[
        pltpu.VMEM((CH1,), jnp.int32),
        pltpu.VMEM((CH1,), jnp.int32),
        pltpu.VMEM((CH1,), jnp.float32),
        pltpu.VMEM((CH1,), jnp.float32),
        pltpu.VMEM((CH1,), jnp.float32),
        pltpu.VMEM((CH1,), jnp.float32),
        pltpu.VMEM((KP,), jnp.int32),
        pltpu.VMEM((KP,), jnp.int32),
        pltpu.VMEM((KP, TSRC_W), jnp.float32),
        pltpu.VMEM((KP, EH), jnp.float32),
    ],
)
def _sc_gather(*refs):
    _sc_gather_body(*refs)


def _sc_scatter_body(es_hbm, et_hbm, h2_hbm, out_hbm,
                     es_v, et_v, h2_v, gis, git, updn, zb, acc_sh):
    cid = lax.axis_index("c")
    sid = lax.axis_index("s")
    wid = sid * NC + cid
    zv = jnp.zeros((16,), jnp.float32)

    def _zrow(r, c):
        zb[r, pl.ds(0, 16)] = zv
        zb[r, pl.ds(8, 16)] = zv
        return c
    lax.fori_loop(0, 128, _zrow, 0)

    def _zacc(i, c):
        pltpu.sync_copy(zb, acc_sh.at[pl.ds(sid * RPT + i * 128, 128)])
        return c
    lax.fori_loop(0, RPT // 128, _zacc, 0)
    plsc.subcore_barrier()

    def _outer(oc, c):
        ebase = wid * EPW + oc * CH2
        pltpu.sync_copy(es_hbm.at[pl.ds(ebase, CH2)], es_v)
        pltpu.sync_copy(et_hbm.at[pl.ds(ebase, CH2)], et_v)

        def _batch(b, c3):
            boff = b * N
            pltpu.sync_copy(h2_hbm.at[pl.ds(b * ES + ebase, CH2)], h2_v)

            def _piece(p, c2):
                def _gidx(g, c4):
                    off = p * KP + g * 16
                    gis[pl.ds(g * 16, 16)] = es_v[pl.ds(off, 16)] + boff
                    git[pl.ds(g * 16, 16)] = et_v[pl.ds(off, 16)] + boff
                    return c4
                lax.fori_loop(0, NG, _gidx, 0)

                def _neg(r, c4):
                    updn[r, pl.ds(0, 16)] = zv - h2_v[p * KP + r, pl.ds(0, 16)]
                    updn[r, pl.ds(8, 16)] = zv - h2_v[p * KP + r, pl.ds(8, 16)]
                    return c4
                lax.fori_loop(0, KP, _neg, 0)

                pltpu.sync_copy(h2_v.at[pl.ds(p * KP, KP)], acc_sh.at[git],
                                add=True)
                pltpu.sync_copy(updn, acc_sh.at[gis], add=True)
                return c2
            lax.fori_loop(0, NP2, _piece, 0)
            return c3
        lax.fori_loop(0, B, _batch, 0)
        return c
    lax.fori_loop(0, NOC2, _outer, 0)

    plsc.subcore_barrier()
    pltpu.sync_copy(acc_sh.at[pl.ds(sid * RPT, RPT)],
                    out_hbm.at[cid, pl.ds(sid * RPT, RPT)])


@functools.partial(
    pl.kernel,
    out_type=jax.ShapeDtypeStruct((NC, BNP, ACC_W), jnp.float32),
    mesh=plsc.VectorSubcoreMesh(core_axis_name="c", subcore_axis_name="s",
                                num_cores=NC, num_subcores=NS),
    compiler_params=pltpu.CompilerParams(needs_layout_passes=False,
                                         use_tc_tiling_on_sc=False),
    scratch_types=[
        pltpu.VMEM((CH2,), jnp.int32),
        pltpu.VMEM((CH2,), jnp.int32),
        pltpu.VMEM((CH2, ACC_W), jnp.float32),
        pltpu.VMEM((KP,), jnp.int32),
        pltpu.VMEM((KP,), jnp.int32),
        pltpu.VMEM((KP, ACC_W), jnp.float32),
        pltpu.VMEM((128, ACC_W), jnp.float32),
        pltpu.VMEM_SHARED((BNP, ACC_W), jnp.float32),
    ],
)
def _sc_scatter(*refs):
    _sc_scatter_body(*refs)


def kernel(x, edge_index, edge_attr, wind_max, wind_min, W1, b1, W2, b2, W3, b3):
    xf = jnp.pad(x.reshape(B * N, D), ((0, BNP - B * N), (0, 0)))
    dist2d = edge_attr[:, 0].reshape(2500, 256)
    direc2d = edge_attr[:, 1].reshape(2500, 256)
    ce, se, ea0, ea1 = _edge_scalars(dist2d, direc2d)
    ce, se, ea0, ea1 = (a.reshape(E) for a in (ce, se, ea0, ea1))
    tsrc, ttgt = _node_tables(xf, W1[:D, :], W1[D:2 * D, :], b1,
                              wind_max, wind_min)
    es = edge_index[0]
    et = edge_index[1]
    m1 = (jnp.zeros((TSRC_W, EH), jnp.float32)
          .at[:EH].set(jnp.eye(EH, dtype=jnp.float32))
          .at[EH + 2:EH + 5].set(W1[2 * D:, :]))
    sl = lambda a, s: a[s * ES:(s + 1) * ES]
    pres = [_sc_gather(tsrc, ttgt, sl(es, s), sl(et, s), sl(ce, s),
                       sl(se, s), sl(ea0, s), sl(ea1, s))
            for s in range(NSL)]
    h2s = [_edge_mlp(p, m1, W2, b2) for p in pres]
    partials = [_sc_scatter(sl(es, s), sl(et, s), h2s[s]) for s in range(NSL)]
    out = _finish(partials, W3, b3)
    return out[:B * N].reshape(B, N, D)

# --- scband reference (transcript-rebuilt; emitter-appended) ---
"""Pipeline reference for scband-graph-gnn-87574383165968 (READ-ONLY COPY).

The authoritative reference and input builder live on the scoring server;
editing this copy changes nothing except your own understanding.
"""

import jax, jax.numpy as jnp
import numpy as np

B = 4
N = 10000
DEG = 64
E = N * DEG
D = 16
EH = 32
EOUT = 22
NOUT = 16


def setup_inputs(seed: int = 0) -> dict:
    key = jax.random.key(seed)
    ks = jax.random.split(key, 12)
    x = jax.random.uniform(ks[0], (B, N, D), dtype=jnp.float32)
    edge_index = jax.random.randint(ks[1], (2, E), 0, N, dtype=jnp.int32)
    dist = jax.random.uniform(ks[2], (E,), minval=1.0, maxval=300.0, dtype=jnp.float32)
    direc = jax.random.uniform(ks[3], (E,), minval=0.0, maxval=360.0, dtype=jnp.float32)
    edge_attr = jnp.stack([dist, direc], axis=-1)
    wind_max = jnp.array([15.0, 360.0], dtype=jnp.float32)
    wind_min = jnp.array([0.0, 0.0], dtype=jnp.float32)
    in_e = 2 * D + 2 + 1
    W1 = jax.random.normal(ks[4], (in_e, EH), dtype=jnp.float32) / np.sqrt(in_e)
    b1 = jnp.zeros((EH,), dtype=jnp.float32)
    W2 = jax.random.normal(ks[5], (EH, EOUT), dtype=jnp.float32) / np.sqrt(EH)
    b2 = jnp.zeros((EOUT,), dtype=jnp.float32)
    W3 = jax.random.normal(ks[6], (EOUT, NOUT), dtype=jnp.float32) / np.sqrt(EOUT)
    b3 = jnp.zeros((NOUT,), dtype=jnp.float32)
    return {"x": x, "edge_index": edge_index, "edge_attr": edge_attr,
            "wind_max": wind_max, "wind_min": wind_min,
            "W1": W1, "b1": b1, "W2": W2, "b2": b2, "W3": W3, "b3": b3}


def reference(x, edge_index, edge_attr, wind_max, wind_min, W1, b1, W2, b2, W3, b3):
    a_min = edge_attr.min(axis=0)
    a_max = edge_attr.max(axis=0)
    edge_attr_norm = (edge_attr - a_min) / (a_max - a_min)
    edge_src = edge_index[0]
    edge_target = edge_index[1]
    node_src = x[:, edge_src]       # [B, E, D] gather
    node_target = x[:, edge_target]  # [B, E, D] gather
    src_wind = node_src[:, :, -2:] * (wind_max[None, None, :] - wind_min[None, None, :]) + wind_min[None, None, :]
    src_wind_speed = src_wind[:, :, 0]
    src_wind_direc = src_wind[:, :, 1]
    city_dist = jnp.broadcast_to(edge_attr[None, :, 0], (x.shape[0], E))
    city_direc = jnp.broadcast_to(edge_attr[None, :, 1], (x.shape[0], E))
    theta = jnp.abs(city_direc - src_wind_direc)
    edge_weight = jax.nn.relu(src_wind_speed * jnp.cos(theta) / city_dist)
    ean = jnp.broadcast_to(edge_attr_norm[None, :, :], (x.shape[0], E, 2))
    out = jnp.concatenate([node_src, node_target, ean, edge_weight[:, :, None]], axis=-1)
    out = jax.nn.sigmoid(out @ W1 + b1)
    out = jax.nn.sigmoid(out @ W2 + b2)
    out_add = jnp.zeros((x.shape[0], x.shape[1], out.shape[-1]), out.dtype).at[:, edge_target].add(out)
    out_sub = jnp.zeros((x.shape[0], x.shape[1], out.shape[-1]), out.dtype).at[:, edge_src].add(-out)
    out = out_add + out_sub
    out = jax.nn.sigmoid(out @ W3 + b3)
    return out

if __name__ == "__main__":
    import jax
    _d = setup_inputs()
    print(jax.jit(kernel)(*tuple(_d.values())))

</pallas_src>

<mosaic_0001>
#map = affine_map<(d0, d1) -> (0, 0)>
#map1 = affine_map<(d0, d1) -> (0)>
module attributes {stable_mosaic.version = 14 : i64} {
  func.func @_sc_gather(%arg0: i32, %arg1: i32, %arg2: memref<40960x40xf32, #tpu.memory_space<hbm>>, %arg3: memref<40960x32xf32, #tpu.memory_space<hbm>>, %arg4: memref<128000xi32, #tpu.memory_space<hbm>>, %arg5: memref<128000xi32, #tpu.memory_space<hbm>>, %arg6: memref<128000xf32, #tpu.memory_space<hbm>>, %arg7: memref<128000xf32, #tpu.memory_space<hbm>>, %arg8: memref<128000xf32, #tpu.memory_space<hbm>>, %arg9: memref<128000xf32, #tpu.memory_space<hbm>>, %arg10: memref<512000x40xf32, #tpu.memory_space<hbm>>, %arg11: memref<2000xi32, #tpu.memory_space<vmem>>, %arg12: memref<2000xi32, #tpu.memory_space<vmem>>, %arg13: memref<2000xf32, #tpu.memory_space<vmem>>, %arg14: memref<2000xf32, #tpu.memory_space<vmem>>, %arg15: memref<2000xf32, #tpu.memory_space<vmem>>, %arg16: memref<2000xf32, #tpu.memory_space<vmem>>, %arg17: memref<80xi32, #tpu.memory_space<vmem>>, %arg18: memref<80xi32, #tpu.memory_space<vmem>>, %arg19: memref<80x40xf32, #tpu.memory_space<vmem>>, %arg20: memref<80x32xf32, #tpu.memory_space<vmem>>) attributes {dimension_semantics = [#tpu.dimension_semantics<core_parallel>, #tpu.dimension_semantics<subcore_parallel>], iteration_bounds = array<i64: 2, 16>, scalar_prefetch = 0 : i64, scratch_operands = 10 : i64, tpu.core_type = #tpu.core_type<sc_vector_subcore>, window_params = [{transform_indices = #map}, {transform_indices = #map}, {transform_indices = #map1}, {transform_indices = #map1}, {transform_indices = #map1}, {transform_indices = #map1}, {transform_indices = #map1}, {transform_indices = #map1}, {transform_indices = #map}]} {
    %mul3A = arith.constant 2 : i32
    %mul3A_0 = arith.muli %arg1, %mul3A : i32
    %add3A = arith.addi %mul3A_0, %arg0 : i32
    %iota3A = tpu.iota {dimensions = array<i32: 0>} : vector<16xi32>
    %broadcast_in_dim3A = arith.constant 32 : i32
    %broadcast_in_dim3A_1 = vector.broadcast %broadcast_in_dim3A : i32 to vector<16xi32>
    %broadcast_in_dim3A_2 = arith.constant 33 : i32
    %broadcast_in_dim3A_3 = vector.broadcast %broadcast_in_dim3A_2 : i32 to vector<16xi32>
    %broadcast_in_dim3A_4 = arith.constant 34 : i32
    %broadcast_in_dim3A_5 = vector.broadcast %broadcast_in_dim3A_4 : i32 to vector<16xi32>
    %broadcast_in_dim3A_6 = arith.constant 35 : i32
    %broadcast_in_dim3A_7 = vector.broadcast %broadcast_in_dim3A_6 : i32 to vector<16xi32>
    %broadcast_in_dim3A_8 = arith.constant 36 : i32
    %broadcast_in_dim3A_9 = vector.broadcast %broadcast_in_dim3A_8 : i32 to vector<16xi32>
    %scan3A = arith.constant 0 : i32
    %scan3A_10 = arith.constant 0 : i32
    %scan3A_11 = arith.constant 2 : i32
    %scan3A_12 = arith.addi %scan3A_10, %scan3A_11 : i32
    %scan3A_13 = arith.constant 1 : i32
    scf.for %scan3A_15 = %scan3A_10 to %scan3A_12 step %scan3A_13  : i32 {
      %mul3A_16 = arith.constant 4000 : i32
      %mul3A_17 = arith.muli %add3A, %mul3A_16 : i32
      %mul3A_18 = arith.constant 2000 : i32
      %mul3A_19 = arith.muli %scan3A_15, %mul3A_18 : i32
      %add3A_20 = arith.addi %mul3A_17, %mul3A_19 : i32
      "tpu.region"() ({
        %run_scoped3A = tpu.sem_alloc : memref<!tpu.dma_semaphore, #tpu.memory_space<semaphore_mem>>
        %dma_start3A = tpu.memref_slice %arg4[%add3A_20] : memref<128000xi32, #tpu.memory_space<hbm>> -> memref<2000xi32, #tpu.memory_space<hbm>>
        %dma_start3A_27 = tpu.memref_slice %arg4[%add3A_20] : memref<128000xi32, #tpu.memory_space<hbm>> -> memref<2000xi32, #tpu.memory_space<hbm>>
        tpu.enqueue_dma source(%dma_start3A_27 : memref<2000xi32, #tpu.memory_space<hbm>>) target(%arg11 : memref<2000xi32, #tpu.memory_space<vmem>>) target_semaphore(%run_scoped3A : memref<!tpu.dma_semaphore, #tpu.memory_space<semaphore_mem>>)
        %dma_wait3A = tpu.memref_slice %arg4[%add3A_20] : memref<128000xi32, #tpu.memory_space<hbm>> -> memref<2000xi32, #tpu.memory_space<hbm>>
        %dma_wait3A_28 = tpu.memref_slice %arg4[%add3A_20] : memref<128000xi32, #tpu.memory_space<hbm>> -> memref<2000xi32, #tpu.memory_space<hbm>>
        tpu.wait_dma2 semaphore(%run_scoped3A : memref<!tpu.dma_semaphore, #tpu.memory_space<semaphore_mem>>) src(%dma_wait3A_28 : memref<2000xi32, #tpu.memory_space<hbm>>) dst(%arg11 : memref<2000xi32, #tpu.memory_space<vmem>>)
        tpu.yield
      }) : () -> ()
      "tpu.region"() ({
        %run_scoped3A = tpu.sem_alloc : memref<!tpu.dma_semaphore, #tpu.memory_space<semaphore_mem>>
        %dma_start3A = tpu.memref_slice %arg5[%add3A_20] : memref<128000xi32, #tpu.memory_space<hbm>> -> memref<2000xi32, #tpu.memory_space<hbm>>
        %dma_start3A_27 = tpu.memref_slice %arg5[%add3A_20] : memref<128000xi32, #tpu.memory_space<hbm>> -> memref<2000xi32, #tpu.memory_space<hbm>>
        tpu.enqueue_dma source(%dma_start3A_27 : memref<2000xi32, #tpu.memory_space<hbm>>) target(%arg12 : memref<2000xi32, #tpu.memory_space<vmem>>) target_semaphore(%run_scoped3A : memref<!tpu.dma_semaphore, #tpu.memory_space<semaphore_mem>>)
        %dma_wait3A = tpu.memref_slice %arg5[%add3A_20] : memref<128000xi32, #tpu.memory_space<hbm>> -> memref<2000xi32, #tpu.memory_space<hbm>>
        %dma_wait3A_28 = tpu.memref_slice %arg5[%add3A_20] : memref<128000xi32, #tpu.memory_space<hbm>> -> memref<2000xi32, #tpu.memory_space<hbm>>
        tpu.wait_dma2 semaphore(%run_scoped3A : memref<!tpu.dma_semaphore, #tpu.memory_space<semaphore_mem>>) src(%dma_wait3A_28 : memref<2000xi32, #tpu.memory_space<hbm>>) dst(%arg12 : memref<2000xi32, #tpu.memory_space<vmem>>)
        tpu.yield
      }) : () -> ()
      "tpu.region"() ({
        %run_scoped3A = tpu.sem_alloc : memref<!tpu.dma_semaphore, #tpu.memory_space<semaphore_mem>>
        %dma_start3A = tpu.memref_slice %arg6[%add3A_20] : memref<128000xf32, #tpu.memory_space<hbm>> -> memref<2000xf32, #tpu.memory_space<hbm>>
        %dma_start3A_27 = tpu.memref_slice %arg6[%add3A_20] : memref<128000xf32, #tpu.memory_space<hbm>> -> memref<2000xf32, #tpu.memory_space<hbm>>
        tpu.enqueue_dma source(%dma_start3A_27 : memref<2000xf32, #tpu.memory_space<hbm>>) target(%arg13 : memref<2000xf32, #tpu.memory_space<vmem>>) target_semaphore(%run_scoped3A : memref<!tpu.dma_semaphore, #tpu.memory_space<semaphore_mem>>)
        %dma_wait3A = tpu.memref_slice %arg6[%add3A_20] : memref<128000xf32, #tpu.memory_space<hbm>> -> memref<2000xf32, #tpu.memory_space<hbm>>
        %dma_wait3A_28 = tpu.memref_slice %arg6[%add3A_20] : memref<128000xf32, #tpu.memory_space<hbm>> -> memref<2000xf32, #tpu.memory_space<hbm>>
        tpu.wait_dma2 semaphore(%run_scoped3A : memref<!tpu.dma_semaphore, #tpu.memory_space<semaphore_mem>>) src(%dma_wait3A_28 : memref<2000xf32, #tpu.memory_space<hbm>>) dst(%arg13 : memref<2000xf32, #tpu.memory_space<vmem>>)
        tpu.yield
      }) : () -> ()
      "tpu.region"() ({
        %run_scoped3A = tpu.sem_alloc : memref<!tpu.dma_semaphore, #tpu.memory_space<semaphore_mem>>
        %dma_start3A = tpu.memref_slice %arg7[%add3A_20] : memref<128000xf32, #tpu.memory_space<hbm>> -> memref<2000xf32, #tpu.memory_space<hbm>>
        %dma_start3A_27 = tpu.memref_slice %arg7[%add3A_20] : memref<128000xf32, #tpu.memory_space<hbm>> -> memref<2000xf32, #tpu.memory_space<hbm>>
        tpu.enqueue_dma source(%dma_start3A_27 : memref<2000xf32, #tpu.memory_space<hbm>>) target(%arg14 : memref<2000xf32, #tpu.memory_space<vmem>>) target_semaphore(%run_scoped3A : memref<!tpu.dma_semaphore, #tpu.memory_space<semaphore_mem>>)
        %dma_wait3A = tpu.memref_slice %arg7[%add3A_20] : memref<128000xf32, #tpu.memory_space<hbm>> -> memref<2000xf32, #tpu.memory_space<hbm>>
        %dma_wait3A_28 = tpu.memref_slice %arg7[%add3A_20] : memref<128000xf32, #tpu.memory_space<hbm>> -> memref<2000xf32, #tpu.memory_space<hbm>>
        tpu.wait_dma2 semaphore(%run_scoped3A : memref<!tpu.dma_semaphore, #tpu.memory_space<semaphore_mem>>) src(%dma_wait3A_28 : memref<2000xf32, #tpu.memory_space<hbm>>) dst(%arg14 : memref<2000xf32, #tpu.memory_space<vmem>>)
        tpu.yield
      }) : () -> ()
      "tpu.region"() ({
        %run_scoped3A = tpu.sem_alloc : memref<!tpu.dma_semaphore, #tpu.memory_space<semaphore_mem>>
        %dma_start3A = tpu.memref_slice %arg8[%add3A_20] : memref<128000xf32, #tpu.memory_space<hbm>> -> memref<2000xf32, #tpu.memory_space<hbm>>
        %dma_start3A_27 = tpu.memref_slice %arg8[%add3A_20] : memref<128000xf32, #tpu.memory_space<hbm>> -> memref<2000xf32, #tpu.memory_space<hbm>>
        tpu.enqueue_dma source(%dma_start3A_27 : memref<2000xf32, #tpu.memory_space<hbm>>) target(%arg15 : memref<2000xf32, #tpu.memory_space<vmem>>) target_semaphore(%run_scoped3A : memref<!tpu.dma_semaphore, #tpu.memory_space<semaphore_mem>>)
        %dma_wait3A = tpu.memref_slice %arg8[%add3A_20] : memref<128000xf32, #tpu.memory_space<hbm>> -> memref<2000xf32, #tpu.memory_space<hbm>>
        %dma_wait3A_28 = tpu.memref_slice %arg8[%add3A_20] : memref<128000xf32, #tpu.memory_space<hbm>> -> memref<2000xf32, #tpu.memory_space<hbm>>
        tpu.wait_dma2 semaphore(%run_scoped3A : memref<!tpu.dma_semaphore, #tpu.memory_space<semaphore_mem>>) src(%dma_wait3A_28 : memref<2000xf32, #tpu.memory_space<hbm>>) dst(%arg15 : memref<2000xf32, #tpu.memory_space<vmem>>)
        tpu.yield
      }) : () -> ()
      "tpu.region"() ({
        %run_scoped3A = tpu.sem_alloc : memref<!tpu.dma_semaphore, #tpu.memory_space<semaphore_mem>>
        %dma_start3A = tpu.memref_slice %arg9[%add3A_20] : memref<128000xf32, #tpu.memory_space<hbm>> -> memref<2000xf32, #tpu.memory_space<hbm>>
        %dma_start3A_27 = tpu.memref_slice %arg9[%add3A_20] : memref<128000xf32, #tpu.memory_space<hbm>> -> memref<2000xf32, #tpu.memory_space<hbm>>
        tpu.enqueue_dma source(%dma_start3A_27 : memref<2000xf32, #tpu.memory_space<hbm>>) target(%arg16 : memref<2000xf32, #tpu.memory_space<vmem>>) target_semaphore(%run_scoped3A : memref<!tpu.dma_semaphore, #tpu.memory_space<semaphore_mem>>)
        %dma_wait3A = tpu.memref_slice %arg9[%add3A_20] : memref<128000xf32, #tpu.memory_space<hbm>> -> memref<2000xf32, #tpu.memory_space<hbm>>
        %dma_wait3A_28 = tpu.memref_slice %arg9[%add3A_20] : memref<128000xf32, #tpu.memory_space<hbm>> -> memref<2000xf32, #tpu.memory_space<hbm>>
        tpu.wait_dma2 semaphore(%run_scoped3A : memref<!tpu.dma_semaphore, #tpu.memory_space<semaphore_mem>>) src(%dma_wait3A_28 : memref<2000xf32, #tpu.memory_space<hbm>>) dst(%arg16 : memref<2000xf32, #tpu.memory_space<vmem>>)
        tpu.yield
      }) : () -> ()
      %scan3A_21 = arith.constant 0 : i32
      %scan3A_22 = arith.constant 0 : i32
      %scan3A_23 = arith.constant 25 : i32
      %scan3A_24 = arith.addi %scan3A_22, %scan3A_23 : i32
      %scan3A_25 = arith.constant 1 : i32
      scf.for %scan3A_27 = %scan3A_22 to %scan3A_24 step %scan3A_25  : i32 {
        %scan3A_28 = arith.constant 0 : i32
        %scan3A_29 = arith.constant 0 : i32
        %scan3A_30 = arith.constant 4 : i32
        %scan3A_31 = arith.addi %scan3A_29, %scan3A_30 : i32
        %scan3A_32 = arith.constant 1 : i32
        scf.for %scan3A_34 = %scan3A_29 to %scan3A_31 step %scan3A_32  : i32 {
          %mul3A_35 = arith.constant 10000 : i32
          %mul3A_36 = arith.muli %scan3A_34, %mul3A_35 : i32
          %scan3A_37 = arith.constant 0 : i32
          %scan3A_38 = arith.constant 0 : i32
          %scan3A_39 = arith.constant 5 : i32
          %scan3A_40 = arith.addi %scan3A_38, %scan3A_39 : i32
          %scan3A_41 = arith.constant 1 : i32
          scf.for %scan3A_61 = %scan3A_38 to %scan3A_40 step %scan3A_41  : i32 {
            %mul3A_62 = arith.constant 80 : i32
            %mul3A_63 = arith.muli %scan3A_27, %mul3A_62 : i32
            %mul3A_64 = arith.constant 16 : i32
            %mul3A_65 = arith.muli %scan3A_61, %mul3A_64 : i32
            %add3A_66 = arith.addi %mul3A_63, %mul3A_65 : i32
            %get3A = arith.index_cast %add3A_66 : i32 to index
            %get3A_67 = tpu.vector_load %arg11[%get3A] {strides = array<i32>} : memref<2000xi32, #tpu.memory_space<vmem>>, vector<16xi32>,
            %add3A_68 = vector.broadcast %mul3A_36 : i32 to vector<16xi32>
            %add3A_69 = arith.addi %get3A_67, %add3A_68 : vector<16xi32>
            %mul3A_70 = arith.constant 16 : i32
            %mul3A_71 = arith.muli %scan3A_61, %mul3A_70 : i32
            %swap3A = arith.index_cast %mul3A_71 : i32 to index
            %swap3A_72 = tpu.vector_load %arg17[%swap3A] {strides = array<i32>} : memref<80xi32, #tpu.memory_space<vmem>>, vector<16xi32>,
            tpu.vector_store %arg17[%swap3A], %add3A_69 {strides = array<i32>} : memref<80xi32, #tpu.memory_space<vmem>>, vector<16xi32>,
            %get3A_73 = arith.index_cast %add3A_66 : i32 to index
            %get3A_74 = tpu.vector_load %arg12[%get3A_73] {strides = array<i32>} : memref<2000xi32, #tpu.memory_space<vmem>>, vector<16xi32>,
            %add3A_75 = vector.broadcast %mul3A_36 : i32 to vector<16xi32>
            %add3A_76 = arith.addi %get3A_74, %add3A_75 : vector<16xi32>
            %mul3A_77 = arith.constant 16 : i32
            %mul3A_78 = arith.muli %scan3A_61, %mul3A_77 : i32
            %swap3A_79 = arith.index_cast %mul3A_78 : i32 to index
            %swap3A_80 = tpu.vector_load %arg18[%swap3A_79] {strides = array<i32>} : memref<80xi32, #tpu.memory_space<vmem>>, vector<16xi32>,
            tpu.vector_store %arg18[%swap3A_79], %add3A_76 {strides = array<i32>} : memref<80xi32, #tpu.memory_space<vmem>>, vector<16xi32>,
          }
          %scan3A_42 = arith.constant 5 : i32
          "tpu.region"() ({
            %run_scoped3A = tpu.sem_alloc : memref<!tpu.dma_semaphore, #tpu.memory_space<semaphore_mem>>
            %dma_start3A = arith.constant 0 : i32
            %dma_start3A_61 = arith.constant 0 : i32
            %dma_start3A_62 = tpu.memref_slice %arg2[%dma_start3A, %dma_start3A_61] : memref<40960x40xf32, #tpu.memory_space<hbm>> -> memref<40960x40xf32, #tpu.memory_space<hbm>>
            tpu.enqueue_indirect_dma source(%dma_start3A_62 : memref<40960x40xf32, #tpu.memory_space<hbm>>) target(%arg19 : memref<80x40xf32, #tpu.memory_space<vmem>>) offsets(%arg17 : memref<80xi32, #tpu.memory_space<vmem>>) semaphore(%run_scoped3A : memref<!tpu.dma_semaphore, #tpu.memory_space<semaphore_mem>>)
            %dma_wait3A = arith.constant 0 : i32
            %dma_wait3A_63 = arith.constant 0 : i32
            %dma_wait3A_64 = tpu.memref_slice %arg2[%dma_wait3A, %dma_wait3A_63] : memref<40960x40xf32, #tpu.memory_space<hbm>> -> memref<40960x40xf32, #tpu.memory_space<hbm>>
            tpu.wait_indirect_dma semaphore(%run_scoped3A : memref<!tpu.dma_semaphore, #tpu.memory_space<semaphore_mem>>) src(%dma_wait3A_64 : memref<40960x40xf32, #tpu.memory_space<hbm>>) dst(%arg19 : memref<80x40xf32, #tpu.memory_space<vmem>>)
            tpu.yield
          }) : () -> ()
          "tpu.region"() ({
            %run_scoped3A = tpu.sem_alloc : memref<!tpu.dma_semaphore, #tpu.memory_space<semaphore_mem>>
            %dma_start3A = arith.constant 0 : i32
            %dma_start3A_61 = arith.constant 0 : i32
            %dma_start3A_62 = tpu.memref_slice %arg3[%dma_start3A, %dma_start3A_61] : memref<40960x32xf32, #tpu.memory_space<hbm>> -> memref<40960x32xf32, #tpu.memory_space<hbm>>
            tpu.enqueue_indirect_dma source(%dma_start3A_62 : memref<40960x32xf32, #tpu.memory_space<hbm>>) target(%arg20 : memref<80x32xf32, #tpu.memory_space<vmem>>) offsets(%arg18 : memref<80xi32, #tpu.memory_space<vmem>>) semaphore(%run_scoped3A : memref<!tpu.dma_semaphore, #tpu.memory_space<semaphore_mem>>)
            %dma_wait3A = arith.constant 0 : i32
            %dma_wait3A_63 = arith.constant 0 : i32
            %dma_wait3A_64 = tpu.memref_slice %arg3[%dma_wait3A, %dma_wait3A_63] : memref<40960x32xf32, #tpu.memory_space<hbm>> -> memref<40960x32xf32, #tpu.memory_space<hbm>>
            tpu.wait_indirect_dma semaphore(%run_scoped3A : memref<!tpu.dma_semaphore, #tpu.memory_space<semaphore_mem>>) src(%dma_wait3A_64 : memref<40960x32xf32, #tpu.memory_space<hbm>>) dst(%arg20 : memref<80x32xf32, #tpu.memory_space<vmem>>)
            tpu.yield
          }) : () -> ()
          %scan3A_43 = arith.constant 0 : i32
          %scan3A_44 = arith.constant 0 : i32
          %scan3A_45 = arith.constant 80 : i32
          %scan3A_46 = arith.addi %scan3A_44, %scan3A_45 : i32
          %scan3A_47 = arith.constant 1 : i32
          scf.for %scan3A_61 = %scan3A_44 to %scan3A_46 step %scan3A_47  : i32 {
            %get3A = arith.index_cast %scan3A_61 : i32 to index
            %get3A_62 = arith.constant 0 : index
            %get3A_63 = tpu.vector_load %arg19[%get3A, %get3A_62] {strides = array<i32>} : memref<80x40xf32, #tpu.memory_space<vmem>>, vector<16xf32>,
            %get3A_64 = arith.index_cast %scan3A_61 : i32 to index
            %get3A_65 = arith.constant 0 : index
            %get3A_66 = tpu.vector_load %arg20[%get3A_64, %get3A_65] {strides = array<i32>} : memref<80x32xf32, #tpu.memory_space<vmem>>, vector<16xf32>,
            %add3A_67 = arith.addf %get3A_63, %get3A_66 : vector<16xf32>
            %swap3A = arith.index_cast %scan3A_61 : i32 to index
            %swap3A_68 = arith.constant 0 : index
            %swap3A_69 = tpu.vector_load %arg19[%swap3A, %swap3A_68] {strides = array<i32>} : memref<80x40xf32, #tpu.memory_space<vmem>>, vector<16xf32>,
            tpu.vector_store %arg19[%swap3A, %swap3A_68], %add3A_67 {strides = array<i32>} : memref<80x40xf32, #tpu.memory_space<vmem>>, vector<16xf32>,
            %get3A_70 = arith.index_cast %scan3A_61 : i32 to index
            %get3A_71 = arith.constant 16 : index
            %get3A_72 = tpu.vector_load %arg19[%get3A_70, %get3A_71] {strides = array<i32>} : memref<80x40xf32, #tpu.memory_space<vmem>>, vector<16xf32>,
            %get3A_73 = arith.index_cast %scan3A_61 : i32 to index
            %get3A_74 = arith.constant 16 : index
            %get3A_75 = tpu.vector_load %arg20[%get3A_73, %get3A_74] {strides = array<i32>} : memref<80x32xf32, #tpu.memory_space<vmem>>, vector<16xf32>,
            %add3A_76 = arith.addf %get3A_72, %get3A_75 : vector<16xf32>
            %swap3A_77 = arith.index_cast %scan3A_61 : i32 to index
            %swap3A_78 = arith.constant 16 : index
            %swap3A_79 = tpu.vector_load %arg19[%swap3A_77, %swap3A_78] {strides = array<i32>} : memref<80x40xf32, #tpu.memory_space<vmem>>, vector<16xf32>,
            tpu.vector_store %arg19[%swap3A_77, %swap3A_78], %add3A_76 {strides = array<i32>} : memref<80x40xf32, #tpu.memory_space<vmem>>, vector<16xf32>,
          }
          %scan3A_48 = arith.constant 80 : i32
          %scan3A_49 = arith.constant 0 : i32
          %scan3A_50 = arith.constant 0 : i32
          %scan3A_51 = arith.constant 5 : i32
          %scan3A_52 = arith.addi %scan3A_50, %scan3A_51 : i32
          %scan3A_53 = arith.constant 1 : i32
          scf.for %scan3A_61 = %scan3A_50 to %scan3A_52 step %scan3A_53  : i32 {
            %mul3A_62 = arith.constant 80 : i32
            %mul3A_63 = arith.muli %scan3A_27, %mul3A_62 : i32
            %mul3A_64 = arith.constant 16 : i32
            %mul3A_65 = arith.muli %scan3A_61, %mul3A_64 : i32
            %add3A_66 = arith.addi %mul3A_63, %mul3A_65 : i32
            %mul3A_67 = arith.constant 16 : i32
            %mul3A_68 = arith.muli %scan3A_61, %mul3A_67 : i32
            %add3A_69 = vector.broadcast %mul3A_68 : i32 to vector<16xi32>
            %add3A_70 = arith.addi %iota3A, %add3A_69 : vector<16xi32>
            %gather3A = tpu.vector_load_idx %arg19[%add3A_70, %broadcast_in_dim3A_1] : memref<80x40xf32, #tpu.memory_space<vmem>>[vector<16xi32>, vector<16xi32>], vector<16xf32>,
            %gather3A_71 = tpu.vector_load_idx %arg19[%add3A_70, %broadcast_in_dim3A_3] : memref<80x40xf32, #tpu.memory_space<vmem>>[vector<16xi32>, vector<16xi32>], vector<16xf32>,
            %get3A = arith.index_cast %add3A_66 : i32 to index
            %get3A_72 = tpu.vector_load %arg13[%get3A] {strides = array<i32>} : memref<2000xf32, #tpu.memory_space<vmem>>, vector<16xf32>,
            %mul3A_73 = arith.mulf %gather3A, %get3A_72 : vector<16xf32>
            %get3A_74 = arith.index_cast %add3A_66 : i32 to index
            %get3A_75 = tpu.vector_load %arg14[%get3A_74] {strides = array<i32>} : memref<2000xf32, #tpu.memory_space<vmem>>, vector<16xf32>,
            %mul3A_76 = arith.mulf %gather3A_71, %get3A_75 : vector<16xf32>
            %add3A_77 = arith.addf %mul3A_73, %mul3A_76 : vector<16xf32>
            %get3A_78 = arith.index_cast %add3A_66 : i32 to index
            %get3A_79 = tpu.vector_load %arg15[%get3A_78] {strides = array<i32>} : memref<2000xf32, #tpu.memory_space<vmem>>, vector<16xf32>,
            tpu.vector_store_idx %arg19[%add3A_70, %broadcast_in_dim3A_5], %get3A_79 : memref<80x40xf32, #tpu.memory_space<vmem>>[vector<16xi32>, vector<16xi32>], vector<16xf32>,
            %get3A_80 = arith.index_cast %add3A_66 : i32 to index
            %get3A_81 = tpu.vector_load %arg16[%get3A_80] {strides = array<i32>} : memref<2000xf32, #tpu.memory_space<vmem>>, vector<16xf32>,
            tpu.vector_store_idx %arg19[%add3A_70, %broadcast_in_dim3A_7], %get3A_81 : memref<80x40xf32, #tpu.memory_space<vmem>>[vector<16xi32>, vector<16xi32>], vector<16xf32>,
            %max3A = arith.constant 0.000000e+00 : f32
            %max3A_82 = vector.broadcast %max3A : f32 to vector<16xf32>
            %max3A_83 = arith.maximumf %add3A_77, %max3A_82 : vector<16xf32>
            tpu.vector_store_idx %arg19[%add3A_70, %broadcast_in_dim3A_9], %max3A_83 : memref<80x40xf32, #tpu.memory_space<vmem>>[vector<16xi32>, vector<16xi32>], vector<16xf32>,
          }
          %scan3A_54 = arith.constant 5 : i32
          %mul3A_55 = arith.constant 128000 : i32
          %mul3A_56 = arith.muli %scan3A_34, %mul3A_55 : i32
          %add3A_57 = arith.addi %mul3A_56, %add3A_20 : i32
          %mul3A_58 = arith.constant 80 : i32
          %mul3A_59 = arith.muli %scan3A_27, %mul3A_58 : i32
          %add3A_60 = arith.addi %add3A_57, %mul3A_59 : i32
          "tpu.region"() ({
            %run_scoped3A = tpu.sem_alloc : memref<!tpu.dma_semaphore, #tpu.memory_space<semaphore_mem>>
            %dma_start3A = arith.constant 0 : i32
            %dma_start3A_61 = tpu.memref_slice %arg10[%add3A_60, %dma_start3A] : memref<512000x40xf32, #tpu.memory_space<hbm>> -> memref<80x40xf32, #tpu.memory_space<hbm>>
            %dma_start3A_62 = arith.constant 0 : i32
            %dma_start3A_63 = tpu.memref_slice %arg10[%add3A_60, %dma_start3A_62] : memref<512000x40xf32, #tpu.memory_space<hbm>> -> memref<80x40xf32, #tpu.memory_space<hbm>>
            tpu.enqueue_dma source(%arg19 : memref<80x40xf32, #tpu.memory_space<vmem>>) target(%dma_start3A_63 : memref<80x40xf32, #tpu.memory_space<hbm>>) target_semaphore(%run_scoped3A : memref<!tpu.dma_semaphore, #tpu.memory_space<semaphore_mem>>)
            %dma_wait3A = arith.constant 0 : i32
            %dma_wait3A_64 = tpu.memref_slice %arg10[%add3A_60, %dma_wait3A] : memref<512000x40xf32, #tpu.memory_space<hbm>> -> memref<80x40xf32, #tpu.memory_space<hbm>>
            %dma_wait3A_65 = arith.constant 0 : i32
            %dma_wait3A_66 = tpu.memref_slice %arg10[%add3A_60, %dma_wait3A_65] : memref<512000x40xf32, #tpu.memory_space<hbm>> -> memref<80x40xf32, #tpu.memory_space<hbm>>
            tpu.wait_dma2 semaphore(%run_scoped3A : memref<!tpu.dma_semaphore, #tpu.memory_space<semaphore_mem>>) src(%arg19 : memref<80x40xf32, #tpu.memory_space<vmem>>) dst(%dma_wait3A_66 : memref<80x40xf32, #tpu.memory_space<hbm>>)
            tpu.yield
          }) : () -> ()
        }
        %scan3A_33 = arith.constant 4 : i32
      }
      %scan3A_26 = arith.constant 25 : i32
    }
    %scan3A_14 = arith.constant 2 : i32
    return
  }
}

#map = affine_map<(d0, d1) -> (0, 0)>
#map1 = affine_map<(d0, d1) -> (0)>
module attributes {stable_mosaic.version = 14 : i64} {
  func.func @_sc_gather(%arg0: i32, %arg1: i32, %arg2: memref<40960x40xf32, #tpu.memory_space<hbm>>, %arg3: memref<40960x32xf32, #tpu.memory_space<hbm>>, %arg4: memref<128000xi32, #tpu.memory_space<hbm>>, %arg5: memref<128000xi32, #tpu.memory_space<hbm>>, %arg6: memref<128000xf32, #tpu.memory_space<hbm>>, %arg7: memref<128000xf32, #tpu.memory_space<hbm>>, %arg8: memref<128000xf32, #tpu.memory_space<hbm>>, %arg9: memref<128000xf32, #tpu.memory_space<hbm>>, %arg10: memref<512000x40xf32, #tpu.memory_space<hbm>>, %arg11: memref<2000xi32, #tpu.memory_space<vmem>>, %arg12: memref<2000xi32, #tpu.memory_space<vmem>>, %arg13: memref<2000xf32, #tpu.memory_space<vmem>>, %arg14: memref<2000xf32, #tpu.memory_space<vmem>>, %arg15: memref<2000xf32, #tpu.memory_space<vmem>>, %arg16: memref<2000xf32, #tpu.memory_space<vmem>>, %arg17: memref<80xi32, #tpu.memory_space<vmem>>, %arg18: memref<80xi32, #tpu.memory_space<vmem>>, %arg19: memref<80x40xf32, #tpu.memory_space<vmem>>, %arg20: memref<80x32xf32, #tpu.memory_space<vmem>>) attributes {dimension_semantics = [#tpu.dimension_semantics<core_parallel>, #tpu.dimension_semantics<subcore_parallel>], iteration_bounds = array<i64: 2, 16>, scalar_prefetch = 0 : i64, scratch_operands = 10 : i64, tpu.core_type = #tpu.core_type<sc_vector_subcore>, window_params = [{transform_indices = #map}, {transform_indices = #map}, {transform_indices = #map1}, {transform_indices = #map1}, {transform_indices = #map1}, {transform_indices = #map1}, {transform_indices = #map1}, {transform_indices = #map1}, {transform_indices = #map}]} {
    %mul3A = arith.constant 2 : i32
    %mul3A_0 = arith.muli %arg1, %mul3A : i32
    %add3A = arith.addi %mul3A_0, %arg0 : i32
    %iota3A = tpu.iota {dimensions = array<i32: 0>} : vector<16xi32>
    %broadcast_in_dim3A = arith.constant 32 : i32
    %broadcast_in_dim3A_1 = vector.broadcast %broadcast_in_dim3A : i32 to vector<16xi32>
    %broadcast_in_dim3A_2 = arith.constant 33 : i32
    %broadcast_in_dim3A_3 = vector.broadcast %broadcast_in_dim3A_2 : i32 to vector<16xi32>
    %broadcast_in_dim3A_4 = arith.constant 34 : i32
    %broadcast_in_dim3A_5 = vector.broadcast %broadcast_in_dim3A_4 : i32 to vector<16xi32>
    %broadcast_in_dim3A_6 = arith.constant 35 : i32
    %broadcast_in_dim3A_7 = vector.broadcast %broadcast_in_dim3A_6 : i32 to vector<16xi32>
    %broadcast_in_dim3A_8 = arith.constant 36 : i32
    %broadcast_in_dim3A_9 = vector.broadcast %broadcast_in_dim3A_8 : i32 to vector<16xi32>
    %scan3A = arith.constant 0 : i32
    %scan3A_10 = arith.constant 0 : i32
    %scan3A_11 = arith.constant 2 : i32
    %scan3A_12 = arith.addi %scan3A_10, %scan3A_11 : i32
    %scan3A_13 = arith.constant 1 : i32
    scf.for %scan3A_15 = %scan3A_10 to %scan3A_12 step %scan3A_13  : i32 {
      %mul3A_16 = arith.constant 4000 : i32
      %mul3A_17 = arith.muli %add3A, %mul3A_16 : i32
      %mul3A_18 = arith.constant 2000 : i32
      %mul3A_19 = arith.muli %scan3A_15, %mul3A_18 : i32
      %add3A_20 = arith.addi %mul3A_17, %mul3A_19 : i32
      "tpu.region"() ({
        %run_scoped3A = tpu.sem_alloc : memref<!tpu.dma_semaphore, #tpu.memory_space<semaphore_mem>>
        %dma_start3A = tpu.memref_slice %arg4[%add3A_20] : memref<128000xi32, #tpu.memory_space<hbm>> -> memref<2000xi32, #tpu.memory_space<hbm>>
        %dma_start3A_27 = tpu.memref_slice %arg4[%add3A_20] : memref<128000xi32, #tpu.memory_space<hbm>> -> memref<2000xi32, #tpu.memory_space<hbm>>
        tpu.enqueue_dma source(%dma_start3A_27 : memref<2000xi32, #tpu.memory_space<hbm>>) target(%arg11 : memref<2000xi32, #tpu.memory_space<vmem>>) target_semaphore(%run_scoped3A : memref<!tpu.dma_semaphore, #tpu.memory_space<semaphore_mem>>)
        %dma_wait3A = tpu.memref_slice %arg4[%add3A_20] : memref<128000xi32, #tpu.memory_space<hbm>> -> memref<2000xi32, #tpu.memory_space<hbm>>
        %dma_wait3A_28 = tpu.memref_slice %arg4[%add3A_20] : memref<128000xi32, #tpu.memory_space<hbm>> -> memref<2000xi32, #tpu.memory_space<hbm>>
        tpu.wait_dma2 semaphore(%run_scoped3A : memref<!tpu.dma_semaphore, #tpu.memory_space<semaphore_mem>>) src(%dma_wait3A_28 : memref<2000xi32, #tpu.memory_space<hbm>>) dst(%arg11 : memref<2000xi32, #tpu.memory_space<vmem>>)
        tpu.yield
      }) : () -> ()
      "tpu.region"() ({
        %run_scoped3A = tpu.sem_alloc : memref<!tpu.dma_semaphore, #tpu.memory_space<semaphore_mem>>
        %dma_start3A = tpu.memref_slice %arg5[%add3A_20] : memref<128000xi32, #tpu.memory_space<hbm>> -> memref<2000xi32, #tpu.memory_space<hbm>>
        %dma_start3A_27 = tpu.memref_slice %arg5[%add3A_20] : memref<128000xi32, #tpu.memory_space<hbm>> -> memref<2000xi32, #tpu.memory_space<hbm>>
        tpu.enqueue_dma source(%dma_start3A_27 : memref<2000xi32, #tpu.memory_space<hbm>>) target(%arg12 : memref<2000xi32, #tpu.memory_space<vmem>>) target_semaphore(%run_scoped3A : memref<!tpu.dma_semaphore, #tpu.memory_space<semaphore_mem>>)
        %dma_wait3A = tpu.memref_slice %arg5[%add3A_20] : memref<128000xi32, #tpu.memory_space<hbm>> -> memref<2000xi32, #tpu.memory_space<hbm>>
        %dma_wait3A_28 = tpu.memref_slice %arg5[%add3A_20] : memref<128000xi32, #tpu.memory_space<hbm>> -> memref<2000xi32, #tpu.memory_space<hbm>>
        tpu.wait_dma2 semaphore(%run_scoped3A : memref<!tpu.dma_semaphore, #tpu.memory_space<semaphore_mem>>) src(%dma_wait3A_28 : memref<2000xi32, #tpu.memory_space<hbm>>) dst(%arg12 : memref<2000xi32, #tpu.memory_space<vmem>>)
        tpu.yield
      }) : () -> ()
      "tpu.region"() ({
        %run_scoped3A = tpu.sem_alloc : memref<!tpu.dma_semaphore, #tpu.memory_space<semaphore_mem>>
        %dma_start3A = tpu.memref_slice %arg6[%add3A_20] : memref<128000xf32, #tpu.memory_space<hbm>> -> memref<2000xf32, #tpu.memory_space<hbm>>
        %dma_start3A_27 = tpu.memref_slice %arg6[%add3A_20] : memref<128000xf32, #tpu.memory_space<hbm>> -> memref<2000xf32, #tpu.memory_space<hbm>>
        tpu.enqueue_dma source(%dma_start3A_27 : memref<2000xf32, #tpu.memory_space<hbm>>) target(%arg13 : memref<2000xf32, #tpu.memory_space<vmem>>) target_semaphore(%run_scoped3A : memref<!tpu.dma_semaphore, #tpu.memory_space<semaphore_mem>>)
        %dma_wait3A = tpu.memref_slice %arg6[%add3A_20] : memref<128000xf32, #tpu.memory_space<hbm>> -> memref<2000xf32, #tpu.memory_space<hbm>>
        %dma_wait3A_28 = tpu.memref_slice %arg6[%add3A_20] : memref<128000xf32, #tpu.memory_space<hbm>> -> memref<2000xf32, #tpu.memory_space<hbm>>
        tpu.wait_dma2 semaphore(%run_scoped3A : memref<!tpu.dma_semaphore, #tpu.memory_space<semaphore_mem>>) src(%dma_wait3A_28 : memref<2000xf32, #tpu.memory_space<hbm>>) dst(%arg13 : memref<2000xf32, #tpu.memory_space<vmem>>)
        tpu.yield
      }) : () -> ()
      "tpu.region"() ({
        %run_scoped3A = tpu.sem_alloc : memref<!tpu.dma_semaphore, #tpu.memory_space<semaphore_mem>>
        %dma_start3A = tpu.memref_slice %arg7[%add3A_20] : memref<128000xf32, #tpu.memory_space<hbm>> -> memref<2000xf32, #tpu.memory_space<hbm>>
        %dma_start3A_27 = tpu.memref_slice %arg7[%add3A_20] : memref<128000xf32, #tpu.memory_space<hbm>> -> memref<2000xf32, #tpu.memory_space<hbm>>
        tpu.enqueue_dma source(%dma_start3A_27 : memref<2000xf32, #tpu.memory_space<hbm>>) target(%arg14 : memref<2000xf32, #tpu.memory_space<vmem>>) target_semaphore(%run_scoped3A : memref<!tpu.dma_semaphore, #tpu.memory_space<semaphore_mem>>)
        %dma_wait3A = tpu.memref_slice %arg7[%add3A_20] : memref<128000xf32, #tpu.memory_space<hbm>> -> memref<2000xf32, #tpu.memory_space<hbm>>
        %dma_wait3A_28 = tpu.memref_slice %arg7[%add3A_20] : memref<128000xf32, #tpu.memory_space<hbm>> -> memref<2000xf32, #tpu.memory_space<hbm>>
        tpu.wait_dma2 semaphore(%run_scoped3A : memref<!tpu.dma_semaphore, #tpu.memory_space<semaphore_mem>>) src(%dma_wait3A_28 : memref<2000xf32, #tpu.memory_space<hbm>>) dst(%arg14 : memref<2000xf32, #tpu.memory_space<vmem>>)
        tpu.yield
      }) : () -> ()
      "tpu.region"() ({
        %run_scoped3A = tpu.sem_alloc : memref<!tpu.dma_semaphore, #tpu.memory_space<semaphore_mem>>
        %dma_start3A = tpu.memref_slice %arg8[%add3A_20] : memref<128000xf32, #tpu.memory_space<hbm>> -> memref<2000xf32, #tpu.memory_space<hbm>>
        %dma_start3A_27 = tpu.memref_slice %arg8[%add3A_20] : memref<128000xf32, #tpu.memory_space<hbm>> -> memref<2000xf32, #tpu.memory_space<hbm>>
        tpu.enqueue_dma source(%dma_start3A_27 : memref<2000xf32, #tpu.memory_space<hbm>>) target(%arg15 : memref<2000xf32, #tpu.memory_space<vmem>>) target_semaphore(%run_scoped3A : memref<!tpu.dma_semaphore, #tpu.memory_space<semaphore_mem>>)
        %dma_wait3A = tpu.memref_slice %arg8[%add3A_20] : memref<128000xf32, #tpu.memory_space<hbm>> -> memref<2000xf32, #tpu.memory_space<hbm>>
        %dma_wait3A_28 = tpu.memref_slice %arg8[%add3A_20] : memref<128000xf32, #tpu.memory_space<hbm>> -> memref<2000xf32, #tpu.memory_space<hbm>>
        tpu.wait_dma2 semaphore(%run_scoped3A : memref<!tpu.dma_semaphore, #tpu.memory_space<semaphore_mem>>) src(%dma_wait3A_28 : memref<2000xf32, #tpu.memory_space<hbm>>) dst(%arg15 : memref<2000xf32, #tpu.memory_space<vmem>>)
        tpu.yield
      }) : () -> ()
      "tpu.region"() ({
        %run_scoped3A = tpu.sem_alloc : memref<!tpu.dma_semaphore, #tpu.memory_space<semaphore_mem>>
        %dma_start3A = tpu.memref_slice %arg9[%add3A_20] : memref<128000xf32, #tpu.memory_space<hbm>> -> memref<2000xf32, #tpu.memory_space<hbm>>
        %dma_start3A_27 = tpu.memref_slice %arg9[%add3A_20] : memref<128000xf32, #tpu.memory_space<hbm>> -> memref<2000xf32, #tpu.memory_space<hbm>>
        tpu.enqueue_dma source(%dma_start3A_27 : memref<2000xf32, #tpu.memory_space<hbm>>) target(%arg16 : memref<2000xf32, #tpu.memory_space<vmem>>) target_semaphore(%run_scoped3A : memref<!tpu.dma_semaphore, #tpu.memory_space<semaphore_mem>>)
        %dma_wait3A = tpu.memref_slice %arg9[%add3A_20] : memref<128000xf32, #tpu.memory_space<hbm>> -> memref<2000xf32, #tpu.memory_space<hbm>>
        %dma_wait3A_28 = tpu.memref_slice %arg9[%add3A_20] : memref<128000xf32, #tpu.memory_space<hbm>> -> memref<2000xf32, #tpu.memory_space<hbm>>
        tpu.wait_dma2 semaphore(%run_scoped3A : memref<!tpu.dma_semaphore, #tpu.memory_space<semaphore_mem>>) src(%dma_wait3A_28 : memref<2000xf32, #tpu.memory_space<hbm>>) dst(%arg16 : memref<2000xf32, #tpu.memory_space<vmem>>)
        tpu.yield
      }) : () -> ()
      %scan3A_21 = arith.constant 0 : i32
      %scan3A_22 = arith.constant 0 : i32
      %scan3A_23 = arith.constant 25 : i32
      %scan3A_24 = arith.addi %scan3A_22, %scan3A_23 : i32
      %scan3A_25 = arith.constant 1 : i32
      scf.for %scan3A_27 = %scan3A_22 to %scan3A_24 step %scan3A_25  : i32 {
        %scan3A_28 = arith.constant 0 : i32
        %scan3A_29 = arith.constant 0 : i32
        %scan3A_30 = arith.constant 4 : i32
        %scan3A_31 = arith.addi %scan3A_29, %scan3A_30 : i32
        %scan3A_32 = arith.constant 1 : i32
        scf.for %scan3A_34 = %scan3A_29 to %scan3A_31 step %scan3A_32  : i32 {
          %mul3A_35 = arith.constant 10000 : i32
          %mul3A_36 = arith.muli %scan3A_34, %mul3A_35 : i32
          %scan3A_37 = arith.constant 0 : i32
          %scan3A_38 = arith.constant 0 : i32
          %scan3A_39 = arith.constant 5 : i32
          %scan3A_40 = arith.addi %scan3A_38, %scan3A_39 : i32
          %scan3A_41 = arith.constant 1 : i32
          scf.for %scan3A_61 = %scan3A_38 to %scan3A_40 step %scan3A_41  : i32 {
            %mul3A_62 = arith.constant 80 : i32
            %mul3A_63 = arith.muli %scan3A_27, %mul3A_62 : i32
            %mul3A_64 = arith.constant 16 : i32
            %mul3A_65 = arith.muli %scan3A_61, %mul3A_64 : i32
            %add3A_66 = arith.addi %mul3A_63, %mul3A_65 : i32
            %get3A = arith.index_cast %add3A_66 : i32 to index
            %get3A_67 = tpu.vector_load %arg11[%get3A] {strides = array<i32>} : memref<2000xi32, #tpu.memory_space<vmem>>, vector<16xi32>,
            %add3A_68 = vector.broadcast %mul3A_36 : i32 to vector<16xi32>
            %add3A_69 = arith.addi %get3A_67, %add3A_68 : vector<16xi32>
            %mul3A_70 = arith.constant 16 : i32
            %mul3A_71 = arith.muli %scan3A_61, %mul3A_70 : i32
            %swap3A = arith.index_cast %mul3A_71 : i32 to index
            %swap3A_72 = tpu.vector_load %arg17[%swap3A] {strides = array<i32>} : memref<80xi32, #tpu.memory_space<vmem>>, vector<16xi32>,
            tpu.vector_store %arg17[%swap3A], %add3A_69 {strides = array<i32>} : memref<80xi32, #tpu.memory_space<vmem>>, vector<16xi32>,
            %get3A_73 = arith.index_cast %add3A_66 : i32 to index
            %get3A_74 = tpu.vector_load %arg12[%get3A_73] {strides = array<i32>} : memref<2000xi32, #tpu.memory_space<vmem>>, vector<16xi32>,
            %add3A_75 = vector.broadcast %mul3A_36 : i32 to vector<16xi32>
            %add3A_76 = arith.addi %get3A_74, %add3A_75 : vector<16xi32>
            %mul3A_77 = arith.constant 16 : i32
            %mul3A_78 = arith.muli %scan3A_61, %mul3A_77 : i32
            %swap3A_79 = arith.index_cast %mul3A_78 : i32 to index
            %swap3A_80 = tpu.vector_load %arg18[%swap3A_79] {strides = array<i32>} : memref<80xi32, #tpu.memory_space<vmem>>, vector<16xi32>,
            tpu.vector_store %arg18[%swap3A_79], %add3A_76 {strides = array<i32>} : memref<80xi32, #tpu.memory_space<vmem>>, vector<16xi32>,
          }
          %scan3A_42 = arith.constant 5 : i32
          "tpu.region"() ({
            %run_scoped3A = tpu.sem_alloc : memref<!tpu.dma_semaphore, #tpu.memory_space<semaphore_mem>>
            %dma_start3A = arith.constant 0 : i32
            %dma_start3A_61 = arith.constant 0 : i32
            %dma_start3A_62 = tpu.memref_slice %arg2[%dma_start3A, %dma_start3A_61] : memref<40960x40xf32, #tpu.memory_space<hbm>> -> memref<40960x40xf32, #tpu.memory_space<hbm>>
            tpu.enqueue_indirect_dma source(%dma_start3A_62 : memref<40960x40xf32, #tpu.memory_space<hbm>>) target(%arg19 : memref<80x40xf32, #tpu.memory_space<vmem>>) offsets(%arg17 : memref<80xi32, #tpu.memory_space<vmem>>) semaphore(%run_scoped3A : memref<!tpu.dma_semaphore, #tpu.memory_space<semaphore_mem>>)
            %dma_wait3A = arith.constant 0 : i32
            %dma_wait3A_63 = arith.constant 0 : i32
            %dma_wait3A_64 = tpu.memref_slice %arg2[%dma_wait3A, %dma_wait3A_63] : memref<40960x40xf32, #tpu.memory_space<hbm>> -> memref<40960x40xf32, #tpu.memory_space<hbm>>
            tpu.wait_indirect_dma semaphore(%run_scoped3A : memref<!tpu.dma_semaphore, #tpu.memory_space<semaphore_mem>>) src(%dma_wait3A_64 : memref<40960x40xf32, #tpu.memory_space<hbm>>) dst(%arg19 : memref<80x40xf32, #tpu.memory_space<vmem>>)
            tpu.yield
          }) : () -> ()
          "tpu.region"() ({
            %run_scoped3A = tpu.sem_alloc : memref<!tpu.dma_semaphore, #tpu.memory_space<semaphore_mem>>
            %dma_start3A = arith.constant 0 : i32
            %dma_start3A_61 = arith.constant 0 : i32
            %dma_start3A_62 = tpu.memref_slice %arg3[%dma_start3A, %dma_start3A_61] : memref<40960x32xf32, #tpu.memory_space<hbm>> -> memref<40960x32xf32, #tpu.memory_space<hbm>>
            tpu.enqueue_indirect_dma source(%dma_start3A_62 : memref<40960x32xf32, #tpu.memory_space<hbm>>) target(%arg20 : memref<80x32xf32, #tpu.memory_space<vmem>>) offsets(%arg18 : memref<80xi32, #tpu.memory_space<vmem>>) semaphore(%run_scoped3A : memref<!tpu.dma_semaphore, #tpu.memory_space<semaphore_mem>>)
            %dma_wait3A = arith.constant 0 : i32
            %dma_wait3A_63 = arith.constant 0 : i32
            %dma_wait3A_64 = tpu.memref_slice %arg3[%dma_wait3A, %dma_wait3A_63] : memref<40960x32xf32, #tpu.memory_space<hbm>> -> memref<40960x32xf32, #tpu.memory_space<hbm>>
            tpu.wait_indirect_dma semaphore(%run_scoped3A : memref<!tpu.dma_semaphore, #tpu.memory_space<semaphore_mem>>) src(%dma_wait3A_64 : memref<40960x32xf32, #tpu.memory_space<hbm>>) dst(%arg20 : memref<80x32xf32, #tpu.memory_space<vmem>>)
            tpu.yield
          }) : () -> ()
          %scan3A_43 = arith.constant 0 : i32
          %scan3A_44 = arith.constant 0 : i32
          %scan3A_45 = arith.constant 80 : i32
          %scan3A_46 = arith.addi %scan3A_44, %scan3A_45 : i32
          %scan3A_47 = arith.constant 1 : i32
          scf.for %scan3A_61 = %scan3A_44 to %scan3A_46 step %scan3A_47  : i32 {
            %get3A = arith.index_cast %scan3A_61 : i32 to index
            %get3A_62 = arith.constant 0 : index
            %get3A_63 = tpu.vector_load %arg19[%get3A, %get3A_62] {strides = array<i32>} : memref<80x40xf32, #tpu.memory_space<vmem>>, vector<16xf32>,
            %get3A_64 = arith.index_cast %scan3A_61 : i32 to index
            %get3A_65 = arith.constant 0 : index
            %get3A_66 = tpu.vector_load %arg20[%get3A_64, %get3A_65] {strides = array<i32>} : memref<80x32xf32, #tpu.memory_space<vmem>>, vector<16xf32>,
            %add3A_67 = arith.addf %get3A_63, %get3A_66 : vector<16xf32>
            %swap3A = arith.index_cast %scan3A_61 : i32 to index
            %swap3A_68 = arith.constant 0 : index
            %swap3A_69 = tpu.vector_load %arg19[%swap3A, %swap3A_68] {strides = array<i32>} : memref<80x40xf32, #tpu.memory_space<vmem>>, vector<16xf32>,
            tpu.vector_store %arg19[%swap3A, %swap3A_68], %add3A_67 {strides = array<i32>} : memref<80x40xf32, #tpu.memory_space<vmem>>, vector<16xf32>,
            %get3A_70 = arith.index_cast %scan3A_61 : i32 to index
            %get3A_71 = arith.constant 16 : index
            %get3A_72 = tpu.vector_load %arg19[%get3A_70, %get3A_71] {strides = array<i32>} : memref<80x40xf32, #tpu.memory_space<vmem>>, vector<16xf32>,
            %get3A_73 = arith.index_cast %scan3A_61 : i32 to index
            %get3A_74 = arith.constant 16 : index
            %get3A_75 = tpu.vector_load %arg20[%get3A_73, %get3A_74] {strides = array<i32>} : memref<80x32xf32, #tpu.memory_space<vmem>>, vector<16xf32>,
            %add3A_76 = arith.addf %get3A_72, %get3A_75 : vector<16xf32>
            %swap3A_77 = arith.index_cast %scan3A_61 : i32 to index
            %swap3A_78 = arith.constant 16 : index
            %swap3A_79 = tpu.vector_load %arg19[%swap3A_77, %swap3A_78] {strides = array<i32>} : memref<80x40xf32, #tpu.memory_space<vmem>>, vector<16xf32>,
            tpu.vector_store %arg19[%swap3A_77, %swap3A_78], %add3A_76 {strides = array<i32>} : memref<80x40xf32, #tpu.memory_space<vmem>>, vector<16xf32>,
          }
          %scan3A_48 = arith.constant 80 : i32
          %scan3A_49 = arith.constant 0 : i32
          %scan3A_50 = arith.constant 0 : i32
          %scan3A_51 = arith.constant 5 : i32
          %scan3A_52 = arith.addi %scan3A_50, %scan3A_51 : i32
          %scan3A_53 = arith.constant 1 : i32
          scf.for %scan3A_61 = %scan3A_50 to %scan3A_52 step %scan3A_53  : i32 {
            %mul3A_62 = arith.constant 80 : i32
            %mul3A_63 = arith.muli %scan3A_27, %mul3A_62 : i32
            %mul3A_64 = arith.constant 16 : i32
            %mul3A_65 = arith.muli %scan3A_61, %mul3A_64 : i32
            %add3A_66 = arith.addi %mul3A_63, %mul3A_65 : i32
            %mul3A_67 = arith.constant 16 : i32
            %mul3A_68 = arith.muli %scan3A_61, %mul3A_67 : i32
            %add3A_69 = vector.broadcast %mul3A_68 : i32 to vector<16xi32>
            %add3A_70 = arith.addi %iota3A, %add3A_69 : vector<16xi32>
            %gather3A = tpu.vector_load_idx %arg19[%add3A_70, %broadcast_in_dim3A_1] : memref<80x40xf32, #tpu.memory_space<vmem>>[vector<16xi32>, vector<16xi32>], vector<16xf32>,
            %gather3A_71 = tpu.vector_load_idx %arg19[%add3A_70, %broadcast_in_dim3A_3] : memref<80x40xf32, #tpu.memory_space<vmem>>[vector<16xi32>, vector<16xi32>], vector<16xf32>,
            %get3A = arith.index_cast %add3A_66 : i32 to index
            %get3A_72 = tpu.vector_load %arg13[%get3A] {strides = array<i32>} : memref<2000xf32, #tpu.memory_space<vmem>>, vector<16xf32>,
            %mul3A_73 = arith.mulf %gather3A, %get3A_72 : vector<16xf32>
            %get3A_74 = arith.index_cast %add3A_66 : i32 to index
            %get3A_75 = tpu.vector_load %arg14[%get3A_74] {strides = array<i32>} : memref<2000xf32, #tpu.memory_space<vmem>>, vector<16xf32>,
            %mul3A_76 = arith.mulf %gather3A_71, %get3A_75 : vector<16xf32>
            %add3A_77 = arith.addf %mul3A_73, %mul3A_76 : vector<16xf32>
            %get3A_78 = arith.index_cast %add3A_66 : i32 to index
            %get3A_79 = tpu.vector_load %arg15[%get3A_78] {strides = array<i32>} : memref<2000xf32, #tpu.memory_space<vmem>>, vector<16xf32>,
            tpu.vector_store_idx %arg19[%add3A_70, %broadcast_in_dim3A_5], %get3A_79 : memref<80x40xf32, #tpu.memory_space<vmem>>[vector<16xi32>, vector<16xi32>], vector<16xf32>,
            %get3A_80 = arith.index_cast %add3A_66 : i32 to index
            %get3A_81 = tpu.vector_load %arg16[%get3A_80] {strides = array<i32>} : memref<2000xf32, #tpu.memory_space<vmem>>, vector<16xf32>,
            tpu.vector_store_idx %arg19[%add3A_70, %broadcast_in_dim3A_7], %get3A_81 : memref<80x40xf32, #tpu.memory_space<vmem>>[vector<16xi32>, vector<16xi32>], vector<16xf32>,
            %max3A = arith.constant 0.000000e+00 : f32
            %max3A_82 = vector.broadcast %max3A : f32 to vector<16xf32>
            %max3A_83 = arith.maximumf %add3A_77, %max3A_82 : vector<16xf32>
            tpu.vector_store_idx %arg19[%add3A_70, %broadcast_in_dim3A_9], %max3A_83 : memref<80x40xf32, #tpu.memory_space<vmem>>[vector<16xi32>, vector<16xi32>], vector<16xf32>,
          }
          %scan3A_54 = arith.constant 5 : i32
          %mul3A_55 = arith.constant 128000 : i32
          %mul3A_56 = arith.muli %scan3A_34, %mul3A_55 : i32
          %add3A_57 = arith.addi %mul3A_56, %add3A_20 : i32
          %mul3A_58 = arith.constant 80 : i32
          %mul3A_59 = arith.muli %scan3A_27, %mul3A_58 : i32
          %add3A_60 = arith.addi %add3A_57, %mul3A_59 : i32
          "tpu.region"() ({
            %run_scoped3A = tpu.sem_alloc : memref<!tpu.dma_semaphore, #tpu.memory_space<semaphore_mem>>
            %dma_start3A = arith.constant 0 : i32
            %dma_start3A_61 = tpu.memref_slice %arg10[%add3A_60, %dma_start3A] : memref<512000x40xf32, #tpu.memory_space<hbm>> -> memref<80x40xf32, #tpu.memory_space<hbm>>
            %dma_start3A_62 = arith.constant 0 : i32
            %dma_start3A_63 = tpu.memref_slice %arg10[%add3A_60, %dma_start3A_62] : memref<512000x40xf32, #tpu.memory_space<hbm>> -> memref<80x40xf32, #tpu.memory_space<hbm>>
            tpu.enqueue_dma source(%arg19 : memref<80x40xf32, #tpu.memory_space<vmem>>) target(%dma_start3A_63 : memref<80x40xf32, #tpu.memory_space<hbm>>) target_semaphore(%run_scoped3A : memref<!tpu.dma_semaphore, #tpu.memory_space<semaphore_mem>>)
            %dma_wait3A = arith.constant 0 : i32
            %dma_wait3A_64 = tpu.memref_slice %arg10[%add3A_60, %dma_wait3A] : memref<512000x40xf32, #tpu.memory_space<hbm>> -> memref<80x40xf32, #tpu.memory_space<hbm>>
            %dma_wait3A_65 = arith.constant 0 : i32
            %dma_wait3A_66 = tpu.memref_slice %arg10[%add3A_60, %dma_wait3A_65] : memref<512000x40xf32, #tpu.memory_space<hbm>> -> memref<80x40xf32, #tpu.memory_space<hbm>>
            tpu.wait_dma2 semaphore(%run_scoped3A : memref<!tpu.dma_semaphore, #tpu.memory_space<semaphore_mem>>) src(%arg19 : memref<80x40xf32, #tpu.memory_space<vmem>>) dst(%dma_wait3A_66 : memref<80x40xf32, #tpu.memory_space<hbm>>)
            tpu.yield
          }) : () -> ()
        }
        %scan3A_33 = arith.constant 4 : i32
      }
      %scan3A_26 = arith.constant 25 : i32
    }
    %scan3A_14 = arith.constant 2 : i32
    return
  }
}

#map = affine_map<(d0, d1) -> (0, 0)>
#map1 = affine_map<(d0, d1) -> (0)>
module attributes {stable_mosaic.version = 14 : i64} {
  func.func @_sc_gather(%arg0: i32, %arg1: i32, %arg2: memref<40960x40xf32, #tpu.memory_space<hbm>>, %arg3: memref<40960x32xf32, #tpu.memory_space<hbm>>, %arg4: memref<128000xi32, #tpu.memory_space<hbm>>, %arg5: memref<128000xi32, #tpu.memory_space<hbm>>, %arg6: memref<128000xf32, #tpu.memory_space<hbm>>, %arg7: memref<128000xf32, #tpu.memory_space<hbm>>, %arg8: memref<128000xf32, #tpu.memory_space<hbm>>, %arg9: memref<128000xf32, #tpu.memory_space<hbm>>, %arg10: memref<512000x40xf32, #tpu.memory_space<hbm>>, %arg11: memref<2000xi32, #tpu.memory_space<vmem>>, %arg12: memref<2000xi32, #tpu.memory_space<vmem>>, %arg13: memref<2000xf32, #tpu.memory_space<vmem>>, %arg14: memref<2000xf32, #tpu.memory_space<vmem>>, %arg15: memref<2000xf32, #tpu.memory_space<vmem>>, %arg16: memref<2000xf32, #tpu.memory_space<vmem>>, %arg17: memref<80xi32, #tpu.memory_space<vmem>>, %arg18: memref<80xi32, #tpu.memory_space<vmem>>, %arg19: memref<80x40xf32, #tpu.memory_space<vmem>>, %arg20: memref<80x32xf32, #tpu.memory_space<vmem>>) attributes {dimension_semantics = [#tpu.dimension_semantics<core_parallel>, #tpu.dimension_semantics<subcore_parallel>], iteration_bounds = array<i64: 2, 16>, scalar_prefetch = 0 : i64, scratch_operands = 10 : i64, tpu.core_type = #tpu.core_type<sc_vector_subcore>, window_params = [{transform_indices = #map}, {transform_indices = #map}, {transform_indices = #map1}, {transform_indices = #map1}, {transform_indices = #map1}, {transform_indices = #map1}, {transform_indices = #map1}, {transform_indices = #map1}, {transform_indices = #map}]} {
    %mul3A = arith.constant 2 : i32
    %mul3A_0 = arith.muli %arg1, %mul3A : i32
    %add3A = arith.addi %mul3A_0, %arg0 : i32
    %iota3A = tpu.iota {dimensions = array<i32: 0>} : vector<16xi32>
    %broadcast_in_dim3A = arith.constant 32 : i32
    %broadcast_in_dim3A_1 = vector.broadcast %broadcast_in_dim3A : i32 to vector<16xi32>
    %broadcast_in_dim3A_2 = arith.constant 33 : i32
    %broadcast_in_dim3A_3 = vector.broadcast %broadcast_in_dim3A_2 : i32 to vector<16xi32>
    %broadcast_in_dim3A_4 = arith.constant 34 : i32
    %broadcast_in_dim3A_5 = vector.broadcast %broadcast_in_dim3A_4 : i32 to vector<16xi32>
    %broadcast_in_dim3A_6 = arith.constant 35 : i32
    %broadcast_in_dim3A_7 = vector.broadcast %broadcast_in_dim3A_6 : i32 to vector<16xi32>
    %broadcast_in_dim3A_8 = arith.constant 36 : i32
    %broadcast_in_dim3A_9 = vector.broadcast %broadcast_in_dim3A_8 : i32 to vector<16xi32>
    %scan3A = arith.constant 0 : i32
    %scan3A_10 = arith.constant 0 : i32
    %scan3A_11 = arith.constant 2 : i32
    %scan3A_12 = arith.addi %scan3A_10, %scan3A_11 : i32
    %scan3A_13 = arith.constant 1 : i32
    scf.for %scan3A_15 = %scan3A_10 to %scan3A_12 step %scan3A_13  : i32 {
      %mul3A_16 = arith.constant 4000 : i32
      %mul3A_17 = arith.muli %add3A, %mul3A_16 : i32
      %mul3A_18 = arith.constant 2000 : i32
      %mul3A_19 = arith.muli %scan3A_15, %mul3A_18 : i32
      %add3A_20 = arith.addi %mul3A_17, %mul3A_19 : i32
      "tpu.region"() ({
        %run_scoped3A = tpu.sem_alloc : memref<!tpu.dma_semaphore, #tpu.memory_space<semaphore_mem>>
        %dma_start3A = tpu.memref_slice %arg4[%add3A_20] : memref<128000xi32, #tpu.memory_space<hbm>> -> memref<2000xi32, #tpu.memory_space<hbm>>
        %dma_start3A_27 = tpu.memref_slice %arg4[%add3A_20] : memref<128000xi32, #tpu.memory_space<hbm>> -> memref<2000xi32, #tpu.memory_space<hbm>>
        tpu.enqueue_dma source(%dma_start3A_27 : memref<2000xi32, #tpu.memory_space<hbm>>) target(%arg11 : memref<2000xi32, #tpu.memory_space<vmem>>) target_semaphore(%run_scoped3A : memref<!tpu.dma_semaphore, #tpu.memory_space<semaphore_mem>>)
        %dma_wait3A = tpu.memref_slice %arg4[%add3A_20] : memref<128000xi32, #tpu.memory_space<hbm>> -> memref<2000xi32, #tpu.memory_space<hbm>>
        %dma_wait3A_28 = tpu.memref_slice %arg4[%add3A_20] : memref<128000xi32, #tpu.memory_space<hbm>> -> memref<2000xi32, #tpu.memory_space<hbm>>
        tpu.wait_dma2 semaphore(%run_scoped3A : memref<!tpu.dma_semaphore, #tpu.memory_space<semaphore_mem>>) src(%dma_wait3A_28 : memref<2000xi32, #tpu.memory_space<hbm>>) dst(%arg11 : memref<2000xi32, #tpu.memory_space<vmem>>)
        tpu.yield
      }) : () -> ()
      "tpu.region"() ({
        %run_scoped3A = tpu.sem_alloc : memref<!tpu.dma_semaphore, #tpu.memory_space<semaphore_mem>>
        %dma_start3A = tpu.memref_slice %arg5[%add3A_20] : memref<128000xi32, #tpu.memory_space<hbm>> -> memref<2000xi32, #tpu.memory_space<hbm>>
        %dma_start3A_27 = tpu.memref_slice %arg5[%add3A_20] : memref<128000xi32, #tpu.memory_space<hbm>> -> memref<2000xi32, #tpu.memory_space<hbm>>
        tpu.enqueue_dma source(%dma_start3A_27 : memref<2000xi32, #tpu.memory_space<hbm>>) target(%arg12 : memref<2000xi32, #tpu.memory_space<vmem>>) target_semaphore(%run_scoped3A : memref<!tpu.dma_semaphore, #tpu.memory_space<semaphore_mem>>)
        %dma_wait3A = tpu.memref_slice %arg5[%add3A_20] : memref<128000xi32, #tpu.memory_space<hbm>> -> memref<2000xi32, #tpu.memory_space<hbm>>
        %dma_wait3A_28 = tpu.memref_slice %arg5[%add3A_20] : memref<128000xi32, #tpu.memory_space<hbm>> -> memref<2000xi32, #tpu.memory_space<hbm>>
        tpu.wait_dma2 semaphore(%run_scoped3A : memref<!tpu.dma_semaphore, #tpu.memory_space<semaphore_mem>>) src(%dma_wait3A_28 : memref<2000xi32, #tpu.memory_space<hbm>>) dst(%arg12 : memref<2000xi32, #tpu.memory_space<vmem>>)
        tpu.yield
      }) : () -> ()
      "tpu.region"() ({
        %run_scoped3A = tpu.sem_alloc : memref<!tpu.dma_semaphore, #tpu.memory_space<semaphore_mem>>
        %dma_start3A = tpu.memref_slice %arg6[%add3A_20] : memref<128000xf32, #tpu.memory_space<hbm>> -> memref<2000xf32, #tpu.memory_space<hbm>>
        %dma_start3A_27 = tpu.memref_slice %arg6[%add3A_20] : memref<128000xf32, #tpu.memory_space<hbm>> -> memref<2000xf32, #tpu.memory_space<hbm>>
        tpu.enqueue_dma source(%dma_start3A_27 : memref<2000xf32, #tpu.memory_space<hbm>>) target(%arg13 : memref<2000xf32, #tpu.memory_space<vmem>>) target_semaphore(%run_scoped3A : memref<!tpu.dma_semaphore, #tpu.memory_space<semaphore_mem>>)
        %dma_wait3A = tpu.memref_slice %arg6[%add3A_20] : memref<128000xf32, #tpu.memory_space<hbm>> -> memref<2000xf32, #tpu.memory_space<hbm>>
        %dma_wait3A_28 = tpu.memref_slice %arg6[%add3A_20] : memref<128000xf32, #tpu.memory_space<hbm>> -> memref<2000xf32, #tpu.memory_space<hbm>>
        tpu.wait_dma2 semaphore(%run_scoped3A : memref<!tpu.dma_semaphore, #tpu.memory_space<semaphore_mem>>) src(%dma_wait3A_28 : memref<2000xf32, #tpu.memory_space<hbm>>) dst(%arg13 : memref<2000xf32, #tpu.memory_space<vmem>>)
        tpu.yield
      }) : () -> ()
      "tpu.region"() ({
        %run_scoped3A = tpu.sem_alloc : memref<!tpu.dma_semaphore, #tpu.memory_space<semaphore_mem>>
        %dma_start3A = tpu.memref_slice %arg7[%add3A_20] : memref<128000xf32, #tpu.memory_space<hbm>> -> memref<2000xf32, #tpu.memory_space<hbm>>
        %dma_start3A_27 = tpu.memref_slice %arg7[%add3A_20] : memref<128000xf32, #tpu.memory_space<hbm>> -> memref<2000xf32, #tpu.memory_space<hbm>>
        tpu.enqueue_dma source(%dma_start3A_27 : memref<2000xf32, #tpu.memory_space<hbm>>) target(%arg14 : memref<2000xf32, #tpu.memory_space<vmem>>) target_semaphore(%run_scoped3A : memref<!tpu.dma_semaphore, #tpu.memory_space<semaphore_mem>>)
        %dma_wait3A = tpu.memref_slice %arg7[%add3A_20] : memref<128000xf32, #tpu.memory_space<hbm>> -> memref<2000xf32, #tpu.memory_space<hbm>>
        %dma_wait3A_28 = tpu.memref_slice %arg7[%add3A_20] : memref<128000xf32, #tpu.memory_space<hbm>> -> memref<2000xf32, #tpu.memory_space<hbm>>
        tpu.wait_dma2 semaphore(%run_scoped3A : memref<!tpu.dma_semaphore, #tpu.memory_space<semaphore_mem>>) src(%dma_wait3A_28 : memref<2000xf32, #tpu.memory_space<hbm>>) dst(%arg14 : memref<2000xf32, #tpu.memory_space<vmem>>)
        tpu.yield
      }) : () -> ()
      "tpu.region"() ({
        %run_scoped3A = tpu.sem_alloc : memref<!tpu.dma_semaphore, #tpu.memory_space<semaphore_mem>>
        %dma_start3A = tpu.memref_slice %arg8[%add3A_20] : memref<128000xf32, #tpu.memory_space<hbm>> -> memref<2000xf32, #tpu.memory_space<hbm>>
        %dma_start3A_27 = tpu.memref_slice %arg8[%add3A_20] : memref<128000xf32, #tpu.memory_space<hbm>> -> memref<2000xf32, #tpu.memory_space<hbm>>
        tpu.enqueue_dma source(%dma_start3A_27 : memref<2000xf32, #tpu.memory_space<hbm>>) target(%arg15 : memref<2000xf32, #tpu.memory_space<vmem>>) target_semaphore(%run_scoped3A : memref<!tpu.dma_semaphore, #tpu.memory_space<semaphore_mem>>)
        %dma_wait3A = tpu.memref_slice %arg8[%add3A_20] : memref<128000xf32, #tpu.memory_space<hbm>> -> memref<2000xf32, #tpu.memory_space<hbm>>
        %dma_wait3A_28 = tpu.memref_slice %arg8[%add3A_20] : memref<128000xf32, #tpu.memory_space<hbm>> -> memref<2000xf32, #tpu.memory_space<hbm>>
        tpu.wait_dma2 semaphore(%run_scoped3A : memref<!tpu.dma_semaphore, #tpu.memory_space<semaphore_mem>>) src(%dma_wait3A_28 : memref<2000xf32, #tpu.memory_space<hbm>>) dst(%arg15 : memref<2000xf32, #tpu.memory_space<vmem>>)
        tpu.yield
      }) : () -> ()
      "tpu.region"() ({
        %run_scoped3A = tpu.sem_alloc : memref<!tpu.dma_semaphore, #tpu.memory_space<semaphore_mem>>
        %dma_start3A = tpu.memref_slice %arg9[%add3A_20] : memref<128000xf32, #tpu.memory_space<hbm>> -> memref<2000xf32, #tpu.memory_space<hbm>>
        %dma_start3A_27 = tpu.memref_slice %arg9[%add3A_20] : memref<128000xf32, #tpu.memory_space<hbm>> -> memref<2000xf32, #tpu.memory_space<hbm>>
        tpu.enqueue_dma source(%dma_start3A_27 : memref<2000xf32, #tpu.memory_space<hbm>>) target(%arg16 : memref<2000xf32, #tpu.memory_space<vmem>>) target_semaphore(%run_scoped3A : memref<!tpu.dma_semaphore, #tpu.memory_space<semaphore_mem>>)
        %dma_wait3A = tpu.memref_slice %arg9[%add3A_20] : memref<128000xf32, #tpu.memory_space<hbm>> -> memref<2000xf32, #tpu.memory_space<hbm>>
        %dma_wait3A_28 = tpu.memref_slice %arg9[%add3A_20] : memref<128000xf32, #tpu.memory_space<hbm>> -> memref<2000xf32, #tpu.memory_space<hbm>>
        tpu.wait_dma2 semaphore(%run_scoped3A : memref<!tpu.dma_semaphore, #tpu.memory_space<semaphore_mem>>) src(%dma_wait3A_28 : memref<2000xf32, #tpu.memory_space<hbm>>) dst(%arg16 : memref<2000xf32, #tpu.memory_space<vmem>>)
        tpu.yield
      }) : () -> ()
      %scan3A_21 = arith.constant 0 : i32
      %scan3A_22 = arith.constant 0 : i32
      %scan3A_23 = arith.constant 25 : i32
      %scan3A_24 = arith.addi %scan3A_22, %scan3A_23 : i32
      %scan3A_25 = arith.constant 1 : i32
      scf.for %scan3A_27 = %scan3A_22 to %scan3A_24 step %scan3A_25  : i32 {
        %scan3A_28 = arith.constant 0 : i32
        %scan3A_29 = arith.constant 0 : i32
        %scan3A_30 = arith.constant 4 : i32
        %scan3A_31 = arith.addi %scan3A_29, %scan3A_30 : i32
        %scan3A_32 = arith.constant 1 : i32
        scf.for %scan3A_34 = %scan3A_29 to %scan3A_31 step %scan3A_32  : i32 {
          %mul3A_35 = arith.constant 10000 : i32
          %mul3A_36 = arith.muli %scan3A_34, %mul3A_35 : i32
          %scan3A_37 = arith.constant 0 : i32
          %scan3A_38 = arith.constant 0 : i32
          %scan3A_39 = arith.constant 5 : i32
          %scan3A_40 = arith.addi %scan3A_38, %scan3A_39 : i32
          %scan3A_41 = arith.constant 1 : i32
          scf.for %scan3A_61 = %scan3A_38 to %scan3A_40 step %scan3A_41  : i32 {
            %mul3A_62 = arith.constant 80 : i32
            %mul3A_63 = arith.muli %scan3A_27, %mul3A_62 : i32
            %mul3A_64 = arith.constant 16 : i32
            %mul3A_65 = arith.muli %scan3A_61, %mul3A_64 : i32
            %add3A_66 = arith.addi %mul3A_63, %mul3A_65 : i32
            %get3A = arith.index_cast %add3A_66 : i32 to index
            %get3A_67 = tpu.vector_load %arg11[%get3A] {strides = array<i32>} : memref<2000xi32, #tpu.memory_space<vmem>>, vector<16xi32>,
            %add3A_68 = vector.broadcast %mul3A_36 : i32 to vector<16xi32>
            %add3A_69 = arith.addi %get3A_67, %add3A_68 : vector<16xi32>
            %mul3A_70 = arith.constant 16 : i32
            %mul3A_71 = arith.muli %scan3A_61, %mul3A_70 : i32
            %swap3A = arith.index_cast %mul3A_71 : i32 to index
            %swap3A_72 = tpu.vector_load %arg17[%swap3A] {strides = array<i32>} : memref<80xi32, #tpu.memory_space<vmem>>, vector<16xi32>,
            tpu.vector_store %arg17[%swap3A], %add3A_69 {strides = array<i32>} : memref<80xi32, #tpu.memory_space<vmem>>, vector<16xi32>,
            %get3A_73 = arith.index_cast %add3A_66 : i32 to index
            %get3A_74 = tpu.vector_load %arg12[%get3A_73] {strides = array<i32>} : memref<2000xi32, #tpu.memory_space<vmem>>, vector<16xi32>,
            %add3A_75 = vector.broadcast %mul3A_36 : i32 to vector<16xi32>
            %add3A_76 = arith.addi %get3A_74, %add3A_75 : vector<16xi32>
            %mul3A_77 = arith.constant 16 : i32
            %mul3A_78 = arith.muli %scan3A_61, %mul3A_77 : i32
            %swap3A_79 = arith.index_cast %mul3A_78 : i32 to index
            %swap3A_80 = tpu.vector_load %arg18[%swap3A_79] {strides = array<i32>} : memref<80xi32, #tpu.memory_space<vmem>>, vector<16xi32>,
            tpu.vector_store %arg18[%swap3A_79], %add3A_76 {strides = array<i32>} : memref<80xi32, #tpu.memory_space<vmem>>, vector<16xi32>,
          }
          %scan3A_42 = arith.constant 5 : i32
          "tpu.region"() ({
            %run_scoped3A = tpu.sem_alloc : memref<!tpu.dma_semaphore, #tpu.memory_space<semaphore_mem>>
            %dma_start3A = arith.constant 0 : i32
            %dma_start3A_61 = arith.constant 0 : i32
            %dma_start3A_62 = tpu.memref_slice %arg2[%dma_start3A, %dma_start3A_61] : memref<40960x40xf32, #tpu.memory_space<hbm>> -> memref<40960x40xf32, #tpu.memory_space<hbm>>
            tpu.enqueue_indirect_dma source(%dma_start3A_62 : memref<40960x40xf32, #tpu.memory_space<hbm>>) target(%arg19 : memref<80x40xf32, #tpu.memory_space<vmem>>) offsets(%arg17 : memref<80xi32, #tpu.memory_space<vmem>>) semaphore(%run_scoped3A : memref<!tpu.dma_semaphore, #tpu.memory_space<semaphore_mem>>)
            %dma_wait3A = arith.constant 0 : i32
            %dma_wait3A_63 = arith.constant 0 : i32
            %dma_wait3A_64 = tpu.memref_slice %arg2[%dma_wait3A, %dma_wait3A_63] : memref<40960x40xf32, #tpu.memory_space<hbm>> -> memref<40960x40xf32, #tpu.memory_space<hbm>>
            tpu.wait_indirect_dma semaphore(%run_scoped3A : memref<!tpu.dma_semaphore, #tpu.memory_space<semaphore_mem>>) src(%dma_wait3A_64 : memref<40960x40xf32, #tpu.memory_space<hbm>>) dst(%arg19 : memref<80x40xf32, #tpu.memory_space<vmem>>)
            tpu.yield
          }) : () -> ()
          "tpu.region"() ({
            %run_scoped3A = tpu.sem_alloc : memref<!tpu.dma_semaphore, #tpu.memory_space<semaphore_mem>>
            %dma_start3A = arith.constant 0 : i32
            %dma_start3A_61 = arith.constant 0 : i32
            %dma_start3A_62 = tpu.memref_slice %arg3[%dma_start3A, %dma_start3A_61] : memref<40960x32xf32, #tpu.memory_space<hbm>> -> memref<40960x32xf32, #tpu.memory_space<hbm>>
            tpu.enqueue_indirect_dma source(%dma_start3A_62 : memref<40960x32xf32, #tpu.memory_space<hbm>>) target(%arg20 : memref<80x32xf32, #tpu.memory_space<vmem>>) offsets(%arg18 : memref<80xi32, #tpu.memory_space<vmem>>) semaphore(%run_scoped3A : memref<!tpu.dma_semaphore, #tpu.memory_space<semaphore_mem>>)
            %dma_wait3A = arith.constant 0 : i32
            %dma_wait3A_63 = arith.constant 0 : i32
            %dma_wait3A_64 = tpu.memref_slice %arg3[%dma_wait3A, %dma_wait3A_63] : memref<40960x32xf32, #tpu.memory_space<hbm>> -> memref<40960x32xf32, #tpu.memory_space<hbm>>
            tpu.wait_indirect_dma semaphore(%run_scoped3A : memref<!tpu.dma_semaphore, #tpu.memory_space<semaphore_mem>>) src(%dma_wait3A_64 : memref<40960x32xf32, #tpu.memory_space<hbm>>) dst(%arg20 : memref<80x32xf32, #tpu.memory_space<vmem>>)
            tpu.yield
          }) : () -> ()
          %scan3A_43 = arith.constant 0 : i32
          %scan3A_44 = arith.constant 0 : i32
          %scan3A_45 = arith.constant 80 : i32
          %scan3A_46 = arith.addi %scan3A_44, %scan3A_45 : i32
          %scan3A_47 = arith.constant 1 : i32
          scf.for %scan3A_61 = %scan3A_44 to %scan3A_46 step %scan3A_47  : i32 {
            %get3A = arith.index_cast %scan3A_61 : i32 to index
            %get3A_62 = arith.constant 0 : index
            %get3A_63 = tpu.vector_load %arg19[%get3A, %get3A_62] {strides = array<i32>} : memref<80x40xf32, #tpu.memory_space<vmem>>, vector<16xf32>,
            %get3A_64 = arith.index_cast %scan3A_61 : i32 to index
            %get3A_65 = arith.constant 0 : index
            %get3A_66 = tpu.vector_load %arg20[%get3A_64, %get3A_65] {strides = array<i32>} : memref<80x32xf32, #tpu.memory_space<vmem>>, vector<16xf32>,
            %add3A_67 = arith.addf %get3A_63, %get3A_66 : vector<16xf32>
            %swap3A = arith.index_cast %scan3A_61 : i32 to index
            %swap3A_68 = arith.constant 0 : index
            %swap3A_69 = tpu.vector_load %arg19[%swap3A, %swap3A_68] {strides = array<i32>} : memref<80x40xf32, #tpu.memory_space<vmem>>, vector<16xf32>,
            tpu.vector_store %arg19[%swap3A, %swap3A_68], %add3A_67 {strides = array<i32>} : memref<80x40xf32, #tpu.memory_space<vmem>>, vector<16xf32>,
            %get3A_70 = arith.index_cast %scan3A_61 : i32 to index
            %get3A_71 = arith.constant 16 : index
            %get3A_72 = tpu.vector_load %arg19[%get3A_70, %get3A_71] {strides = array<i32>} : memref<80x40xf32, #tpu.memory_space<vmem>>, vector<16xf32>,
            %get3A_73 = arith.index_cast %scan3A_61 : i32 to index
            %get3A_74 = arith.constant 16 : index
            %get3A_75 = tpu.vector_load %arg20[%get3A_73, %get3A_74] {strides = array<i32>} : memref<80x32xf32, #tpu.memory_space<vmem>>, vector<16xf32>,
            %add3A_76 = arith.addf %get3A_72, %get3A_75 : vector<16xf32>
            %swap3A_77 = arith.index_cast %scan3A_61 : i32 to index
            %swap3A_78 = arith.constant 16 : index
            %swap3A_79 = tpu.vector_load %arg19[%swap3A_77, %swap3A_78] {strides = array<i32>} : memref<80x40xf32, #tpu.memory_space<vmem>>, vector<16xf32>,
            tpu.vector_store %arg19[%swap3A_77, %swap3A_78], %add3A_76 {strides = array<i32>} : memref<80x40xf32, #tpu.memory_space<vmem>>, vector<16xf32>,
          }
          %scan3A_48 = arith.constant 80 : i32
          %scan3A_49 = arith.constant 0 : i32
          %scan3A_50 = arith.constant 0 : i32
          %scan3A_51 = arith.constant 5 : i32
          %scan3A_52 = arith.addi %scan3A_50, %scan3A_51 : i32
          %scan3A_53 = arith.constant 1 : i32
          scf.for %scan3A_61 = %scan3A_50 to %scan3A_52 step %scan3A_53  : i32 {
            %mul3A_62 = arith.constant 80 : i32
            %mul3A_63 = arith.muli %scan3A_27, %mul3A_62 : i32
            %mul3A_64 = arith.constant 16 : i32
            %mul3A_65 = arith.muli %scan3A_61, %mul3A_64 : i32
            %add3A_66 = arith.addi %mul3A_63, %mul3A_65 : i32
            %mul3A_67 = arith.constant 16 : i32
            %mul3A_68 = arith.muli %scan3A_61, %mul3A_67 : i32
            %add3A_69 = vector.broadcast %mul3A_68 : i32 to vector<16xi32>
            %add3A_70 = arith.addi %iota3A, %add3A_69 : vector<16xi32>
            %gather3A = tpu.vector_load_idx %arg19[%add3A_70, %broadcast_in_dim3A_1] : memref<80x40xf32, #tpu.memory_space<vmem>>[vector<16xi32>, vector<16xi32>], vector<16xf32>,
            %gather3A_71 = tpu.vector_load_idx %arg19[%add3A_70, %broadcast_in_dim3A_3] : memref<80x40xf32, #tpu.memory_space<vmem>>[vector<16xi32>, vector<16xi32>], vector<16xf32>,
            %get3A = arith.index_cast %add3A_66 : i32 to index
            %get3A_72 = tpu.vector_load %arg13[%get3A] {strides = array<i32>} : memref<2000xf32, #tpu.memory_space<vmem>>, vector<16xf32>,
            %mul3A_73 = arith.mulf %gather3A, %get3A_72 : vector<16xf32>
            %get3A_74 = arith.index_cast %add3A_66 : i32 to index
            %get3A_75 = tpu.vector_load %arg14[%get3A_74] {strides = array<i32>} : memref<2000xf32, #tpu.memory_space<vmem>>, vector<16xf32>,
            %mul3A_76 = arith.mulf %gather3A_71, %get3A_75 : vector<16xf32>
            %add3A_77 = arith.addf %mul3A_73, %mul3A_76 : vector<16xf32>
            %get3A_78 = arith.index_cast %add3A_66 : i32 to index
            %get3A_79 = tpu.vector_load %arg15[%get3A_78] {strides = array<i32>} : memref<2000xf32, #tpu.memory_space<vmem>>, vector<16xf32>,
            tpu.vector_store_idx %arg19[%add3A_70, %broadcast_in_dim3A_5], %get3A_79 : memref<80x40xf32, #tpu.memory_space<vmem>>[vector<16xi32>, vector<16xi32>], vector<16xf32>,
            %get3A_80 = arith.index_cast %add3A_66 : i32 to index
            %get3A_81 = tpu.vector_load %arg16[%get3A_80] {strides = array<i32>} : memref<2000xf32, #tpu.memory_space<vmem>>, vector<16xf32>,
            tpu.vector_store_idx %arg19[%add3A_70, %broadcast_in_dim3A_7], %get3A_81 : memref<80x40xf32, #tpu.memory_space<vmem>>[vector<16xi32>, vector<16xi32>], vector<16xf32>,
            %max3A = arith.constant 0.000000e+00 : f32
            %max3A_82 = vector.broadcast %max3A : f32 to vector<16xf32>
            %max3A_83 = arith.maximumf %add3A_77, %max3A_82 : vector<16xf32>
            tpu.vector_store_idx %arg19[%add3A_70, %broadcast_in_dim3A_9], %max3A_83 : memref<80x40xf32, #tpu.memory_space<vmem>>[vector<16xi32>, vector<16xi32>], vector<16xf32>,
          }
          %scan3A_54 = arith.constant 5 : i32
          %mul3A_55 = arith.constant 128000 : i32
          %mul3A_56 = arith.muli %scan3A_34, %mul3A_55 : i32
          %add3A_57 = arith.addi %mul3A_56, %add3A_20 : i32
          %mul3A_58 = arith.constant 80 : i32
          %mul3A_59 = arith.muli %scan3A_27, %mul3A_58 : i32
          %add3A_60 = arith.addi %add3A_57, %mul3A_59 : i32
          "tpu.region"() ({
            %run_scoped3A = tpu.sem_alloc : memref<!tpu.dma_semaphore, #tpu.memory_space<semaphore_mem>>
            %dma_start3A = arith.constant 0 : i32
            %dma_start3A_61 = tpu.memref_slice %arg10[%add3A_60, %dma_start3A] : memref<512000x40xf32, #tpu.memory_space<hbm>> -> memref<80x40xf32, #tpu.memory_space<hbm>>
            %dma_start3A_62 = arith.constant 0 : i32
            %dma_start3A_63 = tpu.memref_slice %arg10[%add3A_60, %dma_start3A_62] : memref<512000x40xf32, #tpu.memory_space<hbm>> -> memref<80x40xf32, #tpu.memory_space<hbm>>
            tpu.enqueue_dma source(%arg19 : memref<80x40xf32, #tpu.memory_space<vmem>>) target(%dma_start3A_63 : memref<80x40xf32, #tpu.memory_space<hbm>>) target_semaphore(%run_scoped3A : memref<!tpu.dma_semaphore, #tpu.memory_space<semaphore_mem>>)
            %dma_wait3A = arith.constant 0 : i32
            %dma_wait3A_64 = tpu.memref_slice %arg10[%add3A_60, %dma_wait3A] : memref<512000x40xf32, #tpu.memory_space<hbm>> -> memref<80x40xf32, #tpu.memory_space<hbm>>
            %dma_wait3A_65 = arith.constant 0 : i32
            %dma_wait3A_66 = tpu.memref_slice %arg10[%add3A_60, %dma_wait3A_65] : memref<512000x40xf32, #tpu.memory_space<hbm>> -> memref<80x40xf32, #tpu.memory_space<hbm>>
            tpu.wait_dma2 semaphore(%run_scoped3A : memref<!tpu.dma_semaphore, #tpu.memory_space<semaphore_mem>>) src(%arg19 : memref<80x40xf32, #tpu.memory_space<vmem>>) dst(%dma_wait3A_66 : memref<80x40xf32, #tpu.memory_space<hbm>>)
            tpu.yield
          }) : () -> ()
        }
        %scan3A_33 = arith.constant 4 : i32
      }
      %scan3A_26 = arith.constant 25 : i32
    }
    %scan3A_14 = arith.constant 2 : i32
    return
  }
}

#map = affine_map<(d0, d1) -> (0, 0)>
#map1 = affine_map<(d0, d1) -> (0)>
module attributes {stable_mosaic.version = 14 : i64} {
  func.func @_sc_gather(%arg0: i32, %arg1: i32, %arg2: memref<40960x40xf32, #tpu.memory_space<hbm>>, %arg3: memref<40960x32xf32, #tpu.memory_space<hbm>>, %arg4: memref<128000xi32, #tpu.memory_space<hbm>>, %arg5: memref<128000xi32, #tpu.memory_space<hbm>>, %arg6: memref<128000xf32, #tpu.memory_space<hbm>>, %arg7: memref<128000xf32, #tpu.memory_space<hbm>>, %arg8: memref<128000xf32, #tpu.memory_space<hbm>>, %arg9: memref<128000xf32, #tpu.memory_space<hbm>>, %arg10: memref<512000x40xf32, #tpu.memory_space<hbm>>, %arg11: memref<2000xi32, #tpu.memory_space<vmem>>, %arg12: memref<2000xi32, #tpu.memory_space<vmem>>, %arg13: memref<2000xf32, #tpu.memory_space<vmem>>, %arg14: memref<2000xf32, #tpu.memory_space<vmem>>, %arg15: memref<2000xf32, #tpu.memory_space<vmem>>, %arg16: memref<2000xf32, #tpu.memory_space<vmem>>, %arg17: memref<80xi32, #tpu.memory_space<vmem>>, %arg18: memref<80xi32, #tpu.memory_space<vmem>>, %arg19: memref<80x40xf32, #tpu.memory_space<vmem>>, %arg20: memref<80x32xf32, #tpu.memory_space<vmem>>) attributes {dimension_semantics = [#tpu.dimension_semantics<core_parallel>, #tpu.dimension_semantics<subcore_parallel>], iteration_bounds = array<i64: 2, 16>, scalar_prefetch = 0 : i64, scratch_operands = 10 : i64, tpu.core_type = #tpu.core_type<sc_vector_subcore>, window_params = [{transform_indices = #map}, {transform_indices = #map}, {transform_indices = #map1}, {transform_indices = #map1}, {transform_indices = #map1}, {transform_indices = #map1}, {transform_indices = #map1}, {transform_indices = #map1}, {transform_indices = #map}]} {
    %mul3A = arith.constant 2 : i32
    %mul3A_0 = arith.muli %arg1, %mul3A : i32
    %add3A = arith.addi %mul3A_0, %arg0 : i32
    %iota3A = tpu.iota {dimensions = array<i32: 0>} : vector<16xi32>
    %broadcast_in_dim3A = arith.constant 32 : i32
    %broadcast_in_dim3A_1 = vector.broadcast %broadcast_in_dim3A : i32 to vector<16xi32>
    %broadcast_in_dim3A_2 = arith.constant 33 : i32
    %broadcast_in_dim3A_3 = vector.broadcast %broadcast_in_dim3A_2 : i32 to vector<16xi32>
    %broadcast_in_dim3A_4 = arith.constant 34 : i32
    %broadcast_in_dim3A_5 = vector.broadcast %broadcast_in_dim3A_4 : i32 to vector<16xi32>
    %broadcast_in_dim3A_6 = arith.constant 35 : i32
    %broadcast_in_dim3A_7 = vector.broadcast %broadcast_in_dim3A_6 : i32 to vector<16xi32>
    %broadcast_in_dim3A_8 = arith.constant 36 : i32
    %broadcast_in_dim3A_9 = vector.broadcast %broadcast_in_dim3A_8 : i32 to vector<16xi32>
    %scan3A = arith.constant 0 : i32
    %scan3A_10 = arith.constant 0 : i32
    %scan3A_11 = arith.constant 2 : i32
    %scan3A_12 = arith.addi %scan3A_10, %scan3A_11 : i32
    %scan3A_13 = arith.constant 1 : i32
    scf.for %scan3A_15 = %scan3A_10 to %scan3A_12 step %scan3A_13  : i32 {
      %mul3A_16 = arith.constant 4000 : i32
      %mul3A_17 = arith.muli %add3A, %mul3A_16 : i32
      %mul3A_18 = arith.constant 2000 : i32
      %mul3A_19 = arith.muli %scan3A_15, %mul3A_18 : i32
      %add3A_20 = arith.addi %mul3A_17, %mul3A_19 : i32
      "tpu.region"() ({
        %run_scoped3A = tpu.sem_alloc : memref<!tpu.dma_semaphore, #tpu.memory_space<semaphore_mem>>
        %dma_start3A = tpu.memref_slice %arg4[%add3A_20] : memref<128000xi32, #tpu.memory_space<hbm>> -> memref<2000xi32, #tpu.memory_space<hbm>>
        %dma_start3A_27 = tpu.memref_slice %arg4[%add3A_20] : memref<128000xi32, #tpu.memory_space<hbm>> -> memref<2000xi32, #tpu.memory_space<hbm>>
        tpu.enqueue_dma source(%dma_start3A_27 : memref<2000xi32, #tpu.memory_space<hbm>>) target(%arg11 : memref<2000xi32, #tpu.memory_space<vmem>>) target_semaphore(%run_scoped3A : memref<!tpu.dma_semaphore, #tpu.memory_space<semaphore_mem>>)
        %dma_wait3A = tpu.memref_slice %arg4[%add3A_20] : memref<128000xi32, #tpu.memory_space<hbm>> -> memref<2000xi32, #tpu.memory_space<hbm>>
        %dma_wait3A_28 = tpu.memref_slice %arg4[%add3A_20] : memref<128000xi32, #tpu.memory_space<hbm>> -> memref<2000xi32, #tpu.memory_space<hbm>>
        tpu.wait_dma2 semaphore(%run_scoped3A : memref<!tpu.dma_semaphore, #tpu.memory_space<semaphore_mem>>) src(%dma_wait3A_28 : memref<2000xi32, #tpu.memory_space<hbm>>) dst(%arg11 : memref<2000xi32, #tpu.memory_space<vmem>>)
        tpu.yield
      }) : () -> ()
      "tpu.region"() ({
        %run_scoped3A = tpu.sem_alloc : memref<!tpu.dma_semaphore, #tpu.memory_space<semaphore_mem>>
        %dma_start3A = tpu.memref_slice %arg5[%add3A_20] : memref<128000xi32, #tpu.memory_space<hbm>> -> memref<2000xi32, #tpu.memory_space<hbm>>
        %dma_start3A_27 = tpu.memref_slice %arg5[%add3A_20] : memref<128000xi32, #tpu.memory_space<hbm>> -> memref<2000xi32, #tpu.memory_space<hbm>>
        tpu.enqueue_dma source(%dma_start3A_27 : memref<2000xi32, #tpu.memory_space<hbm>>) target(%arg12 : memref<2000xi32, #tpu.memory_space<vmem>>) target_semaphore(%run_scoped3A : memref<!tpu.dma_semaphore, #tpu.memory_space<semaphore_mem>>)
        %dma_wait3A = tpu.memref_slice %arg5[%add3A_20] : memref<128000xi32, #tpu.memory_space<hbm>> -> memref<2000xi32, #tpu.memory_space<hbm>>
        %dma_wait3A_28 = tpu.memref_slice %arg5[%add3A_20] : memref<128000xi32, #tpu.memory_space<hbm>> -> memref<2000xi32, #tpu.memory_space<hbm>>
        tpu.wait_dma2 semaphore(%run_scoped3A : memref<!tpu.dma_semaphore, #tpu.memory_space<semaphore_mem>>) src(%dma_wait3A_28 : memref<2000xi32, #tpu.memory_space<hbm>>) dst(%arg12 : memref<2000xi32, #tpu.memory_space<vmem>>)
        tpu.yield
      }) : () -> ()
      "tpu.region"() ({
        %run_scoped3A = tpu.sem_alloc : memref<!tpu.dma_semaphore, #tpu.memory_space<semaphore_mem>>
        %dma_start3A = tpu.memref_slice %arg6[%add3A_20] : memref<128000xf32, #tpu.memory_space<hbm>> -> memref<2000xf32, #tpu.memory_space<hbm>>
        %dma_start3A_27 = tpu.memref_slice %arg6[%add3A_20] : memref<128000xf32, #tpu.memory_space<hbm>> -> memref<2000xf32, #tpu.memory_space<hbm>>
        tpu.enqueue_dma source(%dma_start3A_27 : memref<2000xf32, #tpu.memory_space<hbm>>) target(%arg13 : memref<2000xf32, #tpu.memory_space<vmem>>) target_semaphore(%run_scoped3A : memref<!tpu.dma_semaphore, #tpu.memory_space<semaphore_mem>>)
        %dma_wait3A = tpu.memref_slice %arg6[%add3A_20] : memref<128000xf32, #tpu.memory_space<hbm>> -> memref<2000xf32, #tpu.memory_space<hbm>>
        %dma_wait3A_28 = tpu.memref_slice %arg6[%add3A_20] : memref<128000xf32, #tpu.memory_space<hbm>> -> memref<2000xf32, #tpu.memory_space<hbm>>
        tpu.wait_dma2 semaphore(%run_scoped3A : memref<!tpu.dma_semaphore, #tpu.memory_space<semaphore_mem>>) src(%dma_wait3A_28 : memref<2000xf32, #tpu.memory_space<hbm>>) dst(%arg13 : memref<2000xf32, #tpu.memory_space<vmem>>)
        tpu.yield
      }) : () -> ()
      "tpu.region"() ({
        %run_scoped3A = tpu.sem_alloc : memref<!tpu.dma_semaphore, #tpu.memory_space<semaphore_mem>>
        %dma_start3A = tpu.memref_slice %arg7[%add3A_20] : memref<128000xf32, #tpu.memory_space<hbm>> -> memref<2000xf32, #tpu.memory_space<hbm>>
        %dma_start3A_27 = tpu.memref_slice %arg7[%add3A_20] : memref<128000xf32, #tpu.memory_space<hbm>> -> memref<2000xf32, #tpu.memory_space<hbm>>
        tpu.enqueue_dma source(%dma_start3A_27 : memref<2000xf32, #tpu.memory_space<hbm>>) target(%arg14 : memref<2000xf32, #tpu.memory_space<vmem>>) target_semaphore(%run_scoped3A : memref<!tpu.dma_semaphore, #tpu.memory_space<semaphore_mem>>)
        %dma_wait3A = tpu.memref_slice %arg7[%add3A_20] : memref<128000xf32, #tpu.memory_space<hbm>> -> memref<2000xf32, #tpu.memory_space<hbm>>
        %dma_wait3A_28 = tpu.memref_slice %arg7[%add3A_20] : memref<128000xf32, #tpu.memory_space<hbm>> -> memref<2000xf32, #tpu.memory_space<hbm>>
        tpu.wait_dma2 semaphore(%run_scoped3A : memref<!tpu.dma_semaphore, #tpu.memory_space<semaphore_mem>>) src(%dma_wait3A_28 : memref<2000xf32, #tpu.memory_space<hbm>>) dst(%arg14 : memref<2000xf32, #tpu.memory_space<vmem>>)
        tpu.yield
      }) : () -> ()
      "tpu.region"() ({
        %run_scoped3A = tpu.sem_alloc : memref<!tpu.dma_semaphore, #tpu.memory_space<semaphore_mem>>
        %dma_start3A = tpu.memref_slice %arg8[%add3A_20] : memref<128000xf32, #tpu.memory_space<hbm>> -> memref<2000xf32, #tpu.memory_space<hbm>>
        %dma_start3A_27 = tpu.memref_slice %arg8[%add3A_20] : memref<128000xf32, #tpu.memory_space<hbm>> -> memref<2000xf32, #tpu.memory_space<hbm>>
        tpu.enqueue_dma source(%dma_start3A_27 : memref<2000xf32, #tpu.memory_space<hbm>>) target(%arg15 : memref<2000xf32, #tpu.memory_space<vmem>>) target_semaphore(%run_scoped3A : memref<!tpu.dma_semaphore, #tpu.memory_space<semaphore_mem>>)
        %dma_wait3A = tpu.memref_slice %arg8[%add3A_20] : memref<128000xf32, #tpu.memory_space<hbm>> -> memref<2000xf32, #tpu.memory_space<hbm>>
        %dma_wait3A_28 = tpu.memref_slice %arg8[%add3A_20] : memref<128000xf32, #tpu.memory_space<hbm>> -> memref<2000xf32, #tpu.memory_space<hbm>>
        tpu.wait_dma2 semaphore(%run_scoped3A : memref<!tpu.dma_semaphore, #tpu.memory_space<semaphore_mem>>) src(%dma_wait3A_28 : memref<2000xf32, #tpu.memory_space<hbm>>) dst(%arg15 : memref<2000xf32, #tpu.memory_space<vmem>>)
        tpu.yield
      }) : () -> ()
      "tpu.region"() ({
        %run_scoped3A = tpu.sem_alloc : memref<!tpu.dma_semaphore, #tpu.memory_space<semaphore_mem>>
        %dma_start3A = tpu.memref_slice %arg9[%add3A_20] : memref<128000xf32, #tpu.memory_space<hbm>> -> memref<2000xf32, #tpu.memory_space<hbm>>
        %dma_start3A_27 = tpu.memref_slice %arg9[%add3A_20] : memref<128000xf32, #tpu.memory_space<hbm>> -> memref<2000xf32, #tpu.memory_space<hbm>>
        tpu.enqueue_dma source(%dma_start3A_27 : memref<2000xf32, #tpu.memory_space<hbm>>) target(%arg16 : memref<2000xf32, #tpu.memory_space<vmem>>) target_semaphore(%run_scoped3A : memref<!tpu.dma_semaphore, #tpu.memory_space<semaphore_mem>>)
        %dma_wait3A = tpu.memref_slice %arg9[%add3A_20] : memref<128000xf32, #tpu.memory_space<hbm>> -> memref<2000xf32, #tpu.memory_space<hbm>>
        %dma_wait3A_28 = tpu.memref_slice %arg9[%add3A_20] : memref<128000xf32, #tpu.memory_space<hbm>> -> memref<2000xf32, #tpu.memory_space<hbm>>
        tpu.wait_dma2 semaphore(%run_scoped3A : memref<!tpu.dma_semaphore, #tpu.memory_space<semaphore_mem>>) src(%dma_wait3A_28 : memref<2000xf32, #tpu.memory_space<hbm>>) dst(%arg16 : memref<2000xf32, #tpu.memory_space<vmem>>)
        tpu.yield
      }) : () -> ()
      %scan3A_21 = arith.constant 0 : i32
      %scan3A_22 = arith.constant 0 : i32
      %scan3A_23 = arith.constant 25 : i32
      %scan3A_24 = arith.addi %scan3A_22, %scan3A_23 : i32
      %scan3A_25 = arith.constant 1 : i32
      scf.for %scan3A_27 = %scan3A_22 to %scan3A_24 step %scan3A_25  : i32 {
        %scan3A_28 = arith.constant 0 : i32
        %scan3A_29 = arith.constant 0 : i32
        %scan3A_30 = arith.constant 4 : i32
        %scan3A_31 = arith.addi %scan3A_29, %scan3A_30 : i32
        %scan3A_32 = arith.constant 1 : i32
        scf.for %scan3A_34 = %scan3A_29 to %scan3A_31 step %scan3A_32  : i32 {
          %mul3A_35 = arith.constant 10000 : i32
          %mul3A_36 = arith.muli %scan3A_34, %mul3A_35 : i32
          %scan3A_37 = arith.constant 0 : i32
          %scan3A_38 = arith.constant 0 : i32
          %scan3A_39 = arith.constant 5 : i32
          %scan3A_40 = arith.addi %scan3A_38, %scan3A_39 : i32
          %scan3A_41 = arith.constant 1 : i32
          scf.for %scan3A_61 = %scan3A_38 to %scan3A_40 step %scan3A_41  : i32 {
            %mul3A_62 = arith.constant 80 : i32
            %mul3A_63 = arith.muli %scan3A_27, %mul3A_62 : i32
            %mul3A_64 = arith.constant 16 : i32
            %mul3A_65 = arith.muli %scan3A_61, %mul3A_64 : i32
            %add3A_66 = arith.addi %mul3A_63, %mul3A_65 : i32
            %get3A = arith.index_cast %add3A_66 : i32 to index
            %get3A_67 = tpu.vector_load %arg11[%get3A] {strides = array<i32>} : memref<2000xi32, #tpu.memory_space<vmem>>, vector<16xi32>,
            %add3A_68 = vector.broadcast %mul3A_36 : i32 to vector<16xi32>
            %add3A_69 = arith.addi %get3A_67, %add3A_68 : vector<16xi32>
            %mul3A_70 = arith.constant 16 : i32
            %mul3A_71 = arith.muli %scan3A_61, %mul3A_70 : i32
            %swap3A = arith.index_cast %mul3A_71 : i32 to index
            %swap3A_72 = tpu.vector_load %arg17[%swap3A] {strides = array<i32>} : memref<80xi32, #tpu.memory_space<vmem>>, vector<16xi32>,
            tpu.vector_store %arg17[%swap3A], %add3A_69 {strides = array<i32>} : memref<80xi32, #tpu.memory_space<vmem>>, vector<16xi32>,
            %get3A_73 = arith.index_cast %add3A_66 : i32 to index
            %get3A_74 = tpu.vector_load %arg12[%get3A_73] {strides = array<i32>} : memref<2000xi32, #tpu.memory_space<vmem>>, vector<16xi32>,
            %add3A_75 = vector.broadcast %mul3A_36 : i32 to vector<16xi32>
            %add3A_76 = arith.addi %get3A_74, %add3A_75 : vector<16xi32>
            %mul3A_77 = arith.constant 16 : i32
            %mul3A_78 = arith.muli %scan3A_61, %mul3A_77 : i32
            %swap3A_79 = arith.index_cast %mul3A_78 : i32 to index
            %swap3A_80 = tpu.vector_load %arg18[%swap3A_79] {strides = array<i32>} : memref<80xi32, #tpu.memory_space<vmem>>, vector<16xi32>,
            tpu.vector_store %arg18[%swap3A_79], %add3A_76 {strides = array<i32>} : memref<80xi32, #tpu.memory_space<vmem>>, vector<16xi32>,
          }
          %scan3A_42 = arith.constant 5 : i32
          "tpu.region"() ({
            %run_scoped3A = tpu.sem_alloc : memref<!tpu.dma_semaphore, #tpu.memory_space<semaphore_mem>>
            %dma_start3A = arith.constant 0 : i32
            %dma_start3A_61 = arith.constant 0 : i32
            %dma_start3A_62 = tpu.memref_slice %arg2[%dma_start3A, %dma_start3A_61] : memref<40960x40xf32, #tpu.memory_space<hbm>> -> memref<40960x40xf32, #tpu.memory_space<hbm>>
            tpu.enqueue_indirect_dma source(%dma_start3A_62 : memref<40960x40xf32, #tpu.memory_space<hbm>>) target(%arg19 : memref<80x40xf32, #tpu.memory_space<vmem>>) offsets(%arg17 : memref<80xi32, #tpu.memory_space<vmem>>) semaphore(%run_scoped3A : memref<!tpu.dma_semaphore, #tpu.memory_space<semaphore_mem>>)
            %dma_wait3A = arith.constant 0 : i32
            %dma_wait3A_63 = arith.constant 0 : i32
            %dma_wait3A_64 = tpu.memref_slice %arg2[%dma_wait3A, %dma_wait3A_63] : memref<40960x40xf32, #tpu.memory_space<hbm>> -> memref<40960x40xf32, #tpu.memory_space<hbm>>
            tpu.wait_indirect_dma semaphore(%run_scoped3A : memref<!tpu.dma_semaphore, #tpu.memory_space<semaphore_mem>>) src(%dma_wait3A_64 : memref<40960x40xf32, #tpu.memory_space<hbm>>) dst(%arg19 : memref<80x40xf32, #tpu.memory_space<vmem>>)
            tpu.yield
          }) : () -> ()
          "tpu.region"() ({
            %run_scoped3A = tpu.sem_alloc : memref<!tpu.dma_semaphore, #tpu.memory_space<semaphore_mem>>
            %dma_start3A = arith.constant 0 : i32
            %dma_start3A_61 = arith.constant 0 : i32
            %dma_start3A_62 = tpu.memref_slice %arg3[%dma_start3A, %dma_start3A_61] : memref<40960x32xf32, #tpu.memory_space<hbm>> -> memref<40960x32xf32, #tpu.memory_space<hbm>>
            tpu.enqueue_indirect_dma source(%dma_start3A_62 : memref<40960x32xf32, #tpu.memory_space<hbm>>) target(%arg20 : memref<80x32xf32, #tpu.memory_space<vmem>>) offsets(%arg18 : memref<80xi32, #tpu.memory_space<vmem>>) semaphore(%run_scoped3A : memref<!tpu.dma_semaphore, #tpu.memory_space<semaphore_mem>>)
            %dma_wait3A = arith.constant 0 : i32
            %dma_wait3A_63 = arith.constant 0 : i32
            %dma_wait3A_64 = tpu.memref_slice %arg3[%dma_wait3A, %dma_wait3A_63] : memref<40960x32xf32, #tpu.memory_space<hbm>> -> memref<40960x32xf32, #tpu.memory_space<hbm>>
            tpu.wait_indirect_dma semaphore(%run_scoped3A : memref<!tpu.dma_semaphore, #tpu.memory_space<semaphore_mem>>) src(%dma_wait3A_64 : memref<40960x32xf32, #tpu.memory_space<hbm>>) dst(%arg20 : memref<80x32xf32, #tpu.memory_space<vmem>>)
            tpu.yield
          }) : () -> ()
          %scan3A_43 = arith.constant 0 : i32
          %scan3A_44 = arith.constant 0 : i32
          %scan3A_45 = arith.constant 80 : i32
          %scan3A_46 = arith.addi %scan3A_44, %scan3A_45 : i32
          %scan3A_47 = arith.constant 1 : i32
          scf.for %scan3A_61 = %scan3A_44 to %scan3A_46 step %scan3A_47  : i32 {
            %get3A = arith.index_cast %scan3A_61 : i32 to index
            %get3A_62 = arith.constant 0 : index
            %get3A_63 = tpu.vector_load %arg19[%get3A, %get3A_62] {strides = array<i32>} : memref<80x40xf32, #tpu.memory_space<vmem>>, vector<16xf32>,
            %get3A_64 = arith.index_cast %scan3A_61 : i32 to index
            %get3A_65 = arith.constant 0 : index
            %get3A_66 = tpu.vector_load %arg20[%get3A_64, %get3A_65] {strides = array<i32>} : memref<80x32xf32, #tpu.memory_space<vmem>>, vector<16xf32>,
            %add3A_67 = arith.addf %get3A_63, %get3A_66 : vector<16xf32>
            %swap3A = arith.index_cast %scan3A_61 : i32 to index
            %swap3A_68 = arith.constant 0 : index
            %swap3A_69 = tpu.vector_load %arg19[%swap3A, %swap3A_68] {strides = array<i32>} : memref<80x40xf32, #tpu.memory_space<vmem>>, vector<16xf32>,
            tpu.vector_store %arg19[%swap3A, %swap3A_68], %add3A_67 {strides = array<i32>} : memref<80x40xf32, #tpu.memory_space<vmem>>, vector<16xf32>,
            %get3A_70 = arith.index_cast %scan3A_61 : i32 to index
            %get3A_71 = arith.constant 16 : index
            %get3A_72 = tpu.vector_load %arg19[%get3A_70, %get3A_71] {strides = array<i32>} : memref<80x40xf32, #tpu.memory_space<vmem>>, vector<16xf32>,
            %get3A_73 = arith.index_cast %scan3A_61 : i32 to index
            %get3A_74 = arith.constant 16 : index
            %get3A_75 = tpu.vector_load %arg20[%get3A_73, %get3A_74] {strides = array<i32>} : memref<80x32xf32, #tpu.memory_space<vmem>>, vector<16xf32>,
            %add3A_76 = arith.addf %get3A_72, %get3A_75 : vector<16xf32>
            %swap3A_77 = arith.index_cast %scan3A_61 : i32 to index
            %swap3A_78 = arith.constant 16 : index
            %swap3A_79 = tpu.vector_load %arg19[%swap3A_77, %swap3A_78] {strides = array<i32>} : memref<80x40xf32, #tpu.memory_space<vmem>>, vector<16xf32>,
            tpu.vector_store %arg19[%swap3A_77, %swap3A_78], %add3A_76 {strides = array<i32>} : memref<80x40xf32, #tpu.memory_space<vmem>>, vector<16xf32>,
          }
          %scan3A_48 = arith.constant 80 : i32
          %scan3A_49 = arith.constant 0 : i32
          %scan3A_50 = arith.constant 0 : i32
          %scan3A_51 = arith.constant 5 : i32
          %scan3A_52 = arith.addi %scan3A_50, %scan3A_51 : i32
          %scan3A_53 = arith.constant 1 : i32
          scf.for %scan3A_61 = %scan3A_50 to %scan3A_52 step %scan3A_53  : i32 {
            %mul3A_62 = arith.constant 80 : i32
            %mul3A_63 = arith.muli %scan3A_27, %mul3A_62 : i32
            %mul3A_64 = arith.constant 16 : i32
            %mul3A_65 = arith.muli %scan3A_61, %mul3A_64 : i32
            %add3A_66 = arith.addi %mul3A_63, %mul3A_65 : i32
            %mul3A_67 = arith.constant 16 : i32
            %mul3A_68 = arith.muli %scan3A_61, %mul3A_67 : i32
            %add3A_69 = vector.broadcast %mul3A_68 : i32 to vector<16xi32>
            %add3A_70 = arith.addi %iota3A, %add3A_69 : vector<16xi32>
            %gather3A = tpu.vector_load_idx %arg19[%add3A_70, %broadcast_in_dim3A_1] : memref<80x40xf32, #tpu.memory_space<vmem>>[vector<16xi32>, vector<16xi32>], vector<16xf32>,
            %gather3A_71 = tpu.vector_load_idx %arg19[%add3A_70, %broadcast_in_dim3A_3] : memref<80x40xf32, #tpu.memory_space<vmem>>[vector<16xi32>, vector<16xi32>], vector<16xf32>,
            %get3A = arith.index_cast %add3A_66 : i32 to index
            %get3A_72 = tpu.vector_load %arg13[%get3A] {strides = array<i32>} : memref<2000xf32, #tpu.memory_space<vmem>>, vector<16xf32>,
            %mul3A_73 = arith.mulf %gather3A, %get3A_72 : vector<16xf32>
            %get3A_74 = arith.index_cast %add3A_66 : i32 to index
            %get3A_75 = tpu.vector_load %arg14[%get3A_74] {strides = array<i32>} : memref<2000xf32, #tpu.memory_space<vmem>>, vector<16xf32>,
            %mul3A_76 = arith.mulf %gather3A_71, %get3A_75 : vector<16xf32>
            %add3A_77 = arith.addf %mul3A_73, %mul3A_76 : vector<16xf32>
            %get3A_78 = arith.index_cast %add3A_66 : i32 to index
            %get3A_79 = tpu.vector_load %arg15[%get3A_78] {strides = array<i32>} : memref<2000xf32, #tpu.memory_space<vmem>>, vector<16xf32>,
            tpu.vector_store_idx %arg19[%add3A_70, %broadcast_in_dim3A_5], %get3A_79 : memref<80x40xf32, #tpu.memory_space<vmem>>[vector<16xi32>, vector<16xi32>], vector<16xf32>,
            %get3A_80 = arith.index_cast %add3A_66 : i32 to index
            %get3A_81 = tpu.vector_load %arg16[%get3A_80] {strides = array<i32>} : memref<2000xf32, #tpu.memory_space<vmem>>, vector<16xf32>,
            tpu.vector_store_idx %arg19[%add3A_70, %broadcast_in_dim3A_7], %get3A_81 : memref<80x40xf32, #tpu.memory_space<vmem>>[vector<16xi32>, vector<16xi32>], vector<16xf32>,
            %max3A = arith.constant 0.000000e+00 : f32
            %max3A_82 = vector.broadcast %max3A : f32 to vector<16xf32>
            %max3A_83 = arith.maximumf %add3A_77, %max3A_82 : vector<16xf32>
            tpu.vector_store_idx %arg19[%add3A_70, %broadcast_in_dim3A_9], %max3A_83 : memref<80x40xf32, #tpu.memory_space<vmem>>[vector<16xi32>, vector<16xi32>], vector<16xf32>,
          }
          %scan3A_54 = arith.constant 5 : i32
          %mul3A_55 = arith.constant 128000 : i32
          %mul3A_56 = arith.muli %scan3A_34, %mul3A_55 : i32
          %add3A_57 = arith.addi %mul3A_56, %add3A_20 : i32
          %mul3A_58 = arith.constant 80 : i32
          %mul3A_59 = arith.muli %scan3A_27, %mul3A_58 : i32
          %add3A_60 = arith.addi %add3A_57, %mul3A_59 : i32
          "tpu.region"() ({
            %run_scoped3A = tpu.sem_alloc : memref<!tpu.dma_semaphore, #tpu.memory_space<semaphore_mem>>
            %dma_start3A = arith.constant 0 : i32
            %dma_start3A_61 = tpu.memref_slice %arg10[%add3A_60, %dma_start3A] : memref<512000x40xf32, #tpu.memory_space<hbm>> -> memref<80x40xf32, #tpu.memory_space<hbm>>
            %dma_start3A_62 = arith.constant 0 : i32
            %dma_start3A_63 = tpu.memref_slice %arg10[%add3A_60, %dma_start3A_62] : memref<512000x40xf32, #tpu.memory_space<hbm>> -> memref<80x40xf32, #tpu.memory_space<hbm>>
            tpu.enqueue_dma source(%arg19 : memref<80x40xf32, #tpu.memory_space<vmem>>) target(%dma_start3A_63 : memref<80x40xf32, #tpu.memory_space<hbm>>) target_semaphore(%run_scoped3A : memref<!tpu.dma_semaphore, #tpu.memory_space<semaphore_mem>>)
            %dma_wait3A = arith.constant 0 : i32
            %dma_wait3A_64 = tpu.memref_slice %arg10[%add3A_60, %dma_wait3A] : memref<512000x40xf32, #tpu.memory_space<hbm>> -> memref<80x40xf32, #tpu.memory_space<hbm>>
            %dma_wait3A_65 = arith.constant 0 : i32
            %dma_wait3A_66 = tpu.memref_slice %arg10[%add3A_60, %dma_wait3A_65] : memref<512000x40xf32, #tpu.memory_space<hbm>> -> memref<80x40xf32, #tpu.memory_space<hbm>>
            tpu.wait_dma2 semaphore(%run_scoped3A : memref<!tpu.dma_semaphore, #tpu.memory_space<semaphore_mem>>) src(%arg19 : memref<80x40xf32, #tpu.memory_space<vmem>>) dst(%dma_wait3A_66 : memref<80x40xf32, #tpu.memory_space<hbm>>)
            tpu.yield
          }) : () -> ()
        }
        %scan3A_33 = arith.constant 4 : i32
      }
      %scan3A_26 = arith.constant 25 : i32
    }
    %scan3A_14 = arith.constant 2 : i32
    return
  }
}

#map = affine_map<(d0, d1) -> (0, 0)>
#map1 = affine_map<(d0, d1) -> (0)>
module attributes {stable_mosaic.version = 14 : i64} {
  func.func @_sc_gather(%arg0: i32, %arg1: i32, %arg2: memref<40960x40xf32, #tpu.memory_space<hbm>>, %arg3: memref<40960x32xf32, #tpu.memory_space<hbm>>, %arg4: memref<128000xi32, #tpu.memory_space<hbm>>, %arg5: memref<128000xi32, #tpu.memory_space<hbm>>, %arg6: memref<128000xf32, #tpu.memory_space<hbm>>, %arg7: memref<128000xf32, #tpu.memory_space<hbm>>, %arg8: memref<128000xf32, #tpu.memory_space<hbm>>, %arg9: memref<128000xf32, #tpu.memory_space<hbm>>, %arg10: memref<512000x40xf32, #tpu.memory_space<hbm>>, %arg11: memref<2000xi32, #tpu.memory_space<vmem>>, %arg12: memref<2000xi32, #tpu.memory_space<vmem>>, %arg13: memref<2000xf32, #tpu.memory_space<vmem>>, %arg14: memref<2000xf32, #tpu.memory_space<vmem>>, %arg15: memref<2000xf32, #tpu.memory_space<vmem>>, %arg16: memref<2000xf32, #tpu.memory_space<vmem>>, %arg17: memref<80xi32, #tpu.memory_space<vmem>>, %arg18: memref<80xi32, #tpu.memory_space<vmem>>, %arg19: memref<80x40xf32, #tpu.memory_space<vmem>>, %arg20: memref<80x32xf32, #tpu.memory_space<vmem>>) attributes {dimension_semantics = [#tpu.dimension_semantics<core_parallel>, #tpu.dimension_semantics<subcore_parallel>], iteration_bounds = array<i64: 2, 16>, scalar_prefetch = 0 : i64, scratch_operands = 10 : i64, tpu.core_type = #tpu.core_type<sc_vector_subcore>, window_params = [{transform_indices = #map}, {transform_indices = #map}, {transform_indices = #map1}, {transform_indices = #map1}, {transform_indices = #map1}, {transform_indices = #map1}, {transform_indices = #map1}, {transform_indices = #map1}, {transform_indices = #map}]} {
    %mul3A = arith.constant 2 : i32
    %mul3A_0 = arith.muli %arg1, %mul3A : i32
    %add3A = arith.addi %mul3A_0, %arg0 : i32
    %iota3A = tpu.iota {dimensions = array<i32: 0>} : vector<16xi32>
    %broadcast_in_dim3A = arith.constant 32 : i32
    %broadcast_in_dim3A_1 = vector.broadcast %broadcast_in_dim3A : i32 to vector<16xi32>
    %broadcast_in_dim3A_2 = arith.constant 33 : i32
    %broadcast_in_dim3A_3 = vector.broadcast %broadcast_in_dim3A_2 : i32 to vector<16xi32>
    %broadcast_in_dim3A_4 = arith.constant 34 : i32
    %broadcast_in_dim3A_5 = vector.broadcast %broadcast_in_dim3A_4 : i32 to vector<16xi32>
    %broadcast_in_dim3A_6 = arith.constant 35 : i32
    %broadcast_in_dim3A_7 = vector.broadcast %broadcast_in_dim3A_6 : i32 to vector<16xi32>
    %broadcast_in_dim3A_8 = arith.constant 36 : i32
    %broadcast_in_dim3A_9 = vector.broadcast %broadcast_in_dim3A_8 : i32 to vector<16xi32>
    %scan3A = arith.constant 0 : i32
    %scan3A_10 = arith.constant 0 : i32
    %scan3A_11 = arith.constant 2 : i32
    %scan3A_12 = arith.addi %scan3A_10, %scan3A_11 : i32
    %scan3A_13 = arith.constant 1 : i32
    scf.for %scan3A_15 = %scan3A_10 to %scan3A_12 step %scan3A_13  : i32 {
      %mul3A_16 = arith.constant 4000 : i32
      %mul3A_17 = arith.muli %add3A, %mul3A_16 : i32
      %mul3A_18 = arith.constant 2000 : i32
      %mul3A_19 = arith.muli %scan3A_15, %mul3A_18 : i32
      %add3A_20 = arith.addi %mul3A_17, %mul3A_19 : i32
      "tpu.region"() ({
        %run_scoped3A = tpu.sem_alloc : memref<!tpu.dma_semaphore, #tpu.memory_space<semaphore_mem>>
        %dma_start3A = tpu.memref_slice %arg4[%add3A_20] : memref<128000xi32, #tpu.memory_space<hbm>> -> memref<2000xi32, #tpu.memory_space<hbm>>
        %dma_start3A_27 = tpu.memref_slice %arg4[%add3A_20] : memref<128000xi32, #tpu.memory_space<hbm>> -> memref<2000xi32, #tpu.memory_space<hbm>>
        tpu.enqueue_dma source(%dma_start3A_27 : memref<2000xi32, #tpu.memory_space<hbm>>) target(%arg11 : memref<2000xi32, #tpu.memory_space<vmem>>) target_semaphore(%run_scoped3A : memref<!tpu.dma_semaphore, #tpu.memory_space<semaphore_mem>>)
        %dma_wait3A = tpu.memref_slice %arg4[%add3A_20] : memref<128000xi32, #tpu.memory_space<hbm>> -> memref<2000xi32, #tpu.memory_space<hbm>>
        %dma_wait3A_28 = tpu.memref_slice %arg4[%add3A_20] : memref<128000xi32, #tpu.memory_space<hbm>> -> memref<2000xi32, #tpu.memory_space<hbm>>
        tpu.wait_dma2 semaphore(%run_scoped3A : memref<!tpu.dma_semaphore, #tpu.memory_space<semaphore_mem>>) src(%dma_wait3A_28 : memref<2000xi32, #tpu.memory_space<hbm>>) dst(%arg11 : memref<2000xi32, #tpu.memory_space<vmem>>)
        tpu.yield
      }) : () -> ()
      "tpu.region"() ({
        %run_scoped3A = tpu.sem_alloc : memref<!tpu.dma_semaphore, #tpu.memory_space<semaphore_mem>>
        %dma_start3A = tpu.memref_slice %arg5[%add3A_20] : memref<128000xi32, #tpu.memory_space<hbm>> -> memref<2000xi32, #tpu.memory_space<hbm>>
        %dma_start3A_27 = tpu.memref_slice %arg5[%add3A_20] : memref<128000xi32, #tpu.memory_space<hbm>> -> memref<2000xi32, #tpu.memory_space<hbm>>
        tpu.enqueue_dma source(%dma_start3A_27 : memref<2000xi32, #tpu.memory_space<hbm>>) target(%arg12 : memref<2000xi32, #tpu.memory_space<vmem>>) target_semaphore(%run_scoped3A : memref<!tpu.dma_semaphore, #tpu.memory_space<semaphore_mem>>)
        %dma_wait3A = tpu.memref_slice %arg5[%add3A_20] : memref<128000xi32, #tpu.memory_space<hbm>> -> memref<2000xi32, #tpu.memory_space<hbm>>
        %dma_wait3A_28 = tpu.memref_slice %arg5[%add3A_20] : memref<128000xi32, #tpu.memory_space<hbm>> -> memref<2000xi32, #tpu.memory_space<hbm>>
        tpu.wait_dma2 semaphore(%run_scoped3A : memref<!tpu.dma_semaphore, #tpu.memory_space<semaphore_mem>>) src(%dma_wait3A_28 : memref<2000xi32, #tpu.memory_space<hbm>>) dst(%arg12 : memref<2000xi32, #tpu.memory_space<vmem>>)
        tpu.yield
      }) : () -> ()
      "tpu.region"() ({
        %run_scoped3A = tpu.sem_alloc : memref<!tpu.dma_semaphore, #tpu.memory_space<semaphore_mem>>
        %dma_start3A = tpu.memref_slice %arg6[%add3A_20] : memref<128000xf32, #tpu.memory_space<hbm>> -> memref<2000xf32, #tpu.memory_space<hbm>>
        %dma_start3A_27 = tpu.memref_slice %arg6[%add3A_20] : memref<128000xf32, #tpu.memory_space<hbm>> -> memref<2000xf32, #tpu.memory_space<hbm>>
        tpu.enqueue_dma source(%dma_start3A_27 : memref<2000xf32, #tpu.memory_space<hbm>>) target(%arg13 : memref<2000xf32, #tpu.memory_space<vmem>>) target_semaphore(%run_scoped3A : memref<!tpu.dma_semaphore, #tpu.memory_space<semaphore_mem>>)
        %dma_wait3A = tpu.memref_slice %arg6[%add3A_20] : memref<128000xf32, #tpu.memory_space<hbm>> -> memref<2000xf32, #tpu.memory_space<hbm>>
        %dma_wait3A_28 = tpu.memref_slice %arg6[%add3A_20] : memref<128000xf32, #tpu.memory_space<hbm>> -> memref<2000xf32, #tpu.memory_space<hbm>>
        tpu.wait_dma2 semaphore(%run_scoped3A : memref<!tpu.dma_semaphore, #tpu.memory_space<semaphore_mem>>) src(%dma_wait3A_28 : memref<2000xf32, #tpu.memory_space<hbm>>) dst(%arg13 : memref<2000xf32, #tpu.memory_space<vmem>>)
        tpu.yield
      }) : () -> ()
      "tpu.region"() ({
        %run_scoped3A = tpu.sem_alloc : memref<!tpu.dma_semaphore, #tpu.memory_space<semaphore_mem>>
        %dma_start3A = tpu.memref_slice %arg7[%add3A_20] : memref<128000xf32, #tpu.memory_space<hbm>> -> memref<2000xf32, #tpu.memory_space<hbm>>
        %dma_start3A_27 = tpu.memref_slice %arg7[%add3A_20] : memref<128000xf32, #tpu.memory_space<hbm>> -> memref<2000xf32, #tpu.memory_space<hbm>>
        tpu.enqueue_dma source(%dma_start3A_27 : memref<2000xf32, #tpu.memory_space<hbm>>) target(%arg14 : memref<2000xf32, #tpu.memory_space<vmem>>) target_semaphore(%run_scoped3A : memref<!tpu.dma_semaphore, #tpu.memory_space<semaphore_mem>>)
        %dma_wait3A = tpu.memref_slice %arg7[%add3A_20] : memref<128000xf32, #tpu.memory_space<hbm>> -> memref<2000xf32, #tpu.memory_space<hbm>>
        %dma_wait3A_28 = tpu.memref_slice %arg7[%add3A_20] : memref<128000xf32, #tpu.memory_space<hbm>> -> memref<2000xf32, #tpu.memory_space<hbm>>
        tpu.wait_dma2 semaphore(%run_scoped3A : memref<!tpu.dma_semaphore, #tpu.memory_space<semaphore_mem>>) src(%dma_wait3A_28 : memref<2000xf32, #tpu.memory_space<hbm>>) dst(%arg14 : memref<2000xf32, #tpu.memory_space<vmem>>)
        tpu.yield
      }) : () -> ()
      "tpu.region"() ({
        %run_scoped3A = tpu.sem_alloc : memref<!tpu.dma_semaphore, #tpu.memory_space<semaphore_mem>>
        %dma_start3A = tpu.memref_slice %arg8[%add3A_20] : memref<128000xf32, #tpu.memory_space<hbm>> -> memref<2000xf32, #tpu.memory_space<hbm>>
        %dma_start3A_27 = tpu.memref_slice %arg8[%add3A_20] : memref<128000xf32, #tpu.memory_space<hbm>> -> memref<2000xf32, #tpu.memory_space<hbm>>
        tpu.enqueue_dma source(%dma_start3A_27 : memref<2000xf32, #tpu.memory_space<hbm>>) target(%arg15 : memref<2000xf32, #tpu.memory_space<vmem>>) target_semaphore(%run_scoped3A : memref<!tpu.dma_semaphore, #tpu.memory_space<semaphore_mem>>)
        %dma_wait3A = tpu.memref_slice %arg8[%add3A_20] : memref<128000xf32, #tpu.memory_space<hbm>> -> memref<2000xf32, #tpu.memory_space<hbm>>
        %dma_wait3A_28 = tpu.memref_slice %arg8[%add3A_20] : memref<128000xf32, #tpu.memory_space<hbm>> -> memref<2000xf32, #tpu.memory_space<hbm>>
        tpu.wait_dma2 semaphore(%run_scoped3A : memref<!tpu.dma_semaphore, #tpu.memory_space<semaphore_mem>>) src(%dma_wait3A_28 : memref<2000xf32, #tpu.memory_space<hbm>>) dst(%arg15 : memref<2000xf32, #tpu.memory_space<vmem>>)
        tpu.yield
      }) : () -> ()
      "tpu.region"() ({
        %run_scoped3A = tpu.sem_alloc : memref<!tpu.dma_semaphore, #tpu.memory_space<semaphore_mem>>
        %dma_start3A = tpu.memref_slice %arg9[%add3A_20] : memref<128000xf32, #tpu.memory_space<hbm>> -> memref<2000xf32, #tpu.memory_space<hbm>>
        %dma_start3A_27 = tpu.memref_slice %arg9[%add3A_20] : memref<128000xf32, #tpu.memory_space<hbm>> -> memref<2000xf32, #tpu.memory_space<hbm>>
        tpu.enqueue_dma source(%dma_start3A_27 : memref<2000xf32, #tpu.memory_space<hbm>>) target(%arg16 : memref<2000xf32, #tpu.memory_space<vmem>>) target_semaphore(%run_scoped3A : memref<!tpu.dma_semaphore, #tpu.memory_space<semaphore_mem>>)
        %dma_wait3A = tpu.memref_slice %arg9[%add3A_20] : memref<128000xf32, #tpu.memory_space<hbm>> -> memref<2000xf32, #tpu.memory_space<hbm>>
        %dma_wait3A_28 = tpu.memref_slice %arg9[%add3A_20] : memref<128000xf32, #tpu.memory_space<hbm>> -> memref<2000xf32, #tpu.memory_space<hbm>>
        tpu.wait_dma2 semaphore(%run_scoped3A : memref<!tpu.dma_semaphore, #tpu.memory_space<semaphore_mem>>) src(%dma_wait3A_28 : memref<2000xf32, #tpu.memory_space<hbm>>) dst(%arg16 : memref<2000xf32, #tpu.memory_space<vmem>>)
        tpu.yield
      }) : () -> ()
      %scan3A_21 = arith.constant 0 : i32
      %scan3A_22 = arith.constant 0 : i32
      %scan3A_23 = arith.constant 25 : i32
      %scan3A_24 = arith.addi %scan3A_22, %scan3A_23 : i32
      %scan3A_25 = arith.constant 1 : i32
      scf.for %scan3A_27 = %scan3A_22 to %scan3A_24 step %scan3A_25  : i32 {
        %scan3A_28 = arith.constant 0 : i32
        %scan3A_29 = arith.constant 0 : i32
        %scan3A_30 = arith.constant 4 : i32
        %scan3A_31 = arith.addi %scan3A_29, %scan3A_30 : i32
        %scan3A_32 = arith.constant 1 : i32
        scf.for %scan3A_34 = %scan3A_29 to %scan3A_31 step %scan3A_32  : i32 {
          %mul3A_35 = arith.constant 10000 : i32
          %mul3A_36 = arith.muli %scan3A_34, %mul3A_35 : i32
          %scan3A_37 = arith.constant 0 : i32
          %scan3A_38 = arith.constant 0 : i32
          %scan3A_39 = arith.constant 5 : i32
          %scan3A_40 = arith.addi %scan3A_38, %scan3A_39 : i32
          %scan3A_41 = arith.constant 1 : i32
          scf.for %scan3A_61 = %scan3A_38 to %scan3A_40 step %scan3A_41  : i32 {
            %mul3A_62 = arith.constant 80 : i32
            %mul3A_63 = arith.muli %scan3A_27, %mul3A_62 : i32
            %mul3A_64 = arith.constant 16 : i32
            %mul3A_65 = arith.muli %scan3A_61, %mul3A_64 : i32
            %add3A_66 = arith.addi %mul3A_63, %mul3A_65 : i32
            %get3A = arith.index_cast %add3A_66 : i32 to index
            %get3A_67 = tpu.vector_load %arg11[%get3A] {strides = array<i32>} : memref<2000xi32, #tpu.memory_space<vmem>>, vector<16xi32>,
            %add3A_68 = vector.broadcast %mul3A_36 : i32 to vector<16xi32>
            %add3A_69 = arith.addi %get3A_67, %add3A_68 : vector<16xi32>
            %mul3A_70 = arith.constant 16 : i32
            %mul3A_71 = arith.muli %scan3A_61, %mul3A_70 : i32
            %swap3A = arith.index_cast %mul3A_71 : i32 to index
            %swap3A_72 = tpu.vector_load %arg17[%swap3A] {strides = array<i32>} : memref<80xi32, #tpu.memory_space<vmem>>, vector<16xi32>,
            tpu.vector_store %arg17[%swap3A], %add3A_69 {strides = array<i32>} : memref<80xi32, #tpu.memory_space<vmem>>, vector<16xi32>,
            %get3A_73 = arith.index_cast %add3A_66 : i32 to index
            %get3A_74 = tpu.vector_load %arg12[%get3A_73] {strides = array<i32>} : memref<2000xi32, #tpu.memory_space<vmem>>, vector<16xi32>,
            %add3A_75 = vector.broadcast %mul3A_36 : i32 to vector<16xi32>
            %add3A_76 = arith.addi %get3A_74, %add3A_75 : vector<16xi32>
            %mul3A_77 = arith.constant 16 : i32
            %mul3A_78 = arith.muli %scan3A_61, %mul3A_77 : i32
            %swap3A_79 = arith.index_cast %mul3A_78 : i32 to index
            %swap3A_80 = tpu.vector_load %arg18[%swap3A_79] {strides = array<i32>} : memref<80xi32, #tpu.memory_space<vmem>>, vector<16xi32>,
            tpu.vector_store %arg18[%swap3A_79], %add3A_76 {strides = array<i32>} : memref<80xi32, #tpu.memory_space<vmem>>, vector<16xi32>,
          }
          %scan3A_42 = arith.constant 5 : i32
          "tpu.region"() ({
            %run_scoped3A = tpu.sem_alloc : memref<!tpu.dma_semaphore, #tpu.memory_space<semaphore_mem>>
            %dma_start3A = arith.constant 0 : i32
            %dma_start3A_61 = arith.constant 0 : i32
            %dma_start3A_62 = tpu.memref_slice %arg2[%dma_start3A, %dma_start3A_61] : memref<40960x40xf32, #tpu.memory_space<hbm>> -> memref<40960x40xf32, #tpu.memory_space<hbm>>
            tpu.enqueue_indirect_dma source(%dma_start3A_62 : memref<40960x40xf32, #tpu.memory_space<hbm>>) target(%arg19 : memref<80x40xf32, #tpu.memory_space<vmem>>) offsets(%arg17 : memref<80xi32, #tpu.memory_space<vmem>>) semaphore(%run_scoped3A : memref<!tpu.dma_semaphore, #tpu.memory_space<semaphore_mem>>)
            %dma_wait3A = arith.constant 0 : i32
            %dma_wait3A_63 = arith.constant 0 : i32
            %dma_wait3A_64 = tpu.memref_slice %arg2[%dma_wait3A, %dma_wait3A_63] : memref<40960x40xf32, #tpu.memory_space<hbm>> -> memref<40960x40xf32, #tpu.memory_space<hbm>>
            tpu.wait_indirect_dma semaphore(%run_scoped3A : memref<!tpu.dma_semaphore, #tpu.memory_space<semaphore_mem>>) src(%dma_wait3A_64 : memref<40960x40xf32, #tpu.memory_space<hbm>>) dst(%arg19 : memref<80x40xf32, #tpu.memory_space<vmem>>)
            tpu.yield
          }) : () -> ()
          "tpu.region"() ({
            %run_scoped3A = tpu.sem_alloc : memref<!tpu.dma_semaphore, #tpu.memory_space<semaphore_mem>>
            %dma_start3A = arith.constant 0 : i32
            %dma_start3A_61 = arith.constant 0 : i32
            %dma_start3A_62 = tpu.memref_slice %arg3[%dma_start3A, %dma_start3A_61] : memref<40960x32xf32, #tpu.memory_space<hbm>> -> memref<40960x32xf32, #tpu.memory_space<hbm>>
            tpu.enqueue_indirect_dma source(%dma_start3A_62 : memref<40960x32xf32, #tpu.memory_space<hbm>>) target(%arg20 : memref<80x32xf32, #tpu.memory_space<vmem>>) offsets(%arg18 : memref<80xi32, #tpu.memory_space<vmem>>) semaphore(%run_scoped3A : memref<!tpu.dma_semaphore, #tpu.memory_space<semaphore_mem>>)
            %dma_wait3A = arith.constant 0 : i32
            %dma_wait3A_63 = arith.constant 0 : i32
            %dma_wait3A_64 = tpu.memref_slice %arg3[%dma_wait3A, %dma_wait3A_63] : memref<40960x32xf32, #tpu.memory_space<hbm>> -> memref<40960x32xf32, #tpu.memory_space<hbm>>
            tpu.wait_indirect_dma semaphore(%run_scoped3A : memref<!tpu.dma_semaphore, #tpu.memory_space<semaphore_mem>>) src(%dma_wait3A_64 : memref<40960x32xf32, #tpu.memory_space<hbm>>) dst(%arg20 : memref<80x32xf32, #tpu.memory_space<vmem>>)
            tpu.yield
          }) : () -> ()
          %scan3A_43 = arith.constant 0 : i32
          %scan3A_44 = arith.constant 0 : i32
          %scan3A_45 = arith.constant 80 : i32
          %scan3A_46 = arith.addi %scan3A_44, %scan3A_45 : i32
          %scan3A_47 = arith.constant 1 : i32
          scf.for %scan3A_61 = %scan3A_44 to %scan3A_46 step %scan3A_47  : i32 {
            %get3A = arith.index_cast %scan3A_61 : i32 to index
            %get3A_62 = arith.constant 0 : index
            %get3A_63 = tpu.vector_load %arg19[%get3A, %get3A_62] {strides = array<i32>} : memref<80x40xf32, #tpu.memory_space<vmem>>, vector<16xf32>,
            %get3A_64 = arith.index_cast %scan3A_61 : i32 to index
            %get3A_65 = arith.constant 0 : index
            %get3A_66 = tpu.vector_load %arg20[%get3A_64, %get3A_65] {strides = array<i32>} : memref<80x32xf32, #tpu.memory_space<vmem>>, vector<16xf32>,
            %add3A_67 = arith.addf %get3A_63, %get3A_66 : vector<16xf32>
            %swap3A = arith.index_cast %scan3A_61 : i32 to index
            %swap3A_68 = arith.constant 0 : index
            %swap3A_69 = tpu.vector_load %arg19[%swap3A, %swap3A_68] {strides = array<i32>} : memref<80x40xf32, #tpu.memory_space<vmem>>, vector<16xf32>,
            tpu.vector_store %arg19[%swap3A, %swap3A_68], %add3A_67 {strides = array<i32>} : memref<80x40xf32, #tpu.memory_space<vmem>>, vector<16xf32>,
            %get3A_70 = arith.index_cast %scan3A_61 : i32 to index
            %get3A_71 = arith.constant 16 : index
            %get3A_72 = tpu.vector_load %arg19[%get3A_70, %get3A_71] {strides = array<i32>} : memref<80x40xf32, #tpu.memory_space<vmem>>, vector<16xf32>,
            %get3A_73 = arith.index_cast %scan3A_61 : i32 to index
            %get3A_74 = arith.constant 16 : index
            %get3A_75 = tpu.vector_load %arg20[%get3A_73, %get3A_74] {strides = array<i32>} : memref<80x32xf32, #tpu.memory_space<vmem>>, vector<16xf32>,
            %add3A_76 = arith.addf %get3A_72, %get3A_75 : vector<16xf32>
            %swap3A_77 = arith.index_cast %scan3A_61 : i32 to index
            %swap3A_78 = arith.constant 16 : index
            %swap3A_79 = tpu.vector_load %arg19[%swap3A_77, %swap3A_78] {strides = array<i32>} : memref<80x40xf32, #tpu.memory_space<vmem>>, vector<16xf32>,
            tpu.vector_store %arg19[%swap3A_77, %swap3A_78], %add3A_76 {strides = array<i32>} : memref<80x40xf32, #tpu.memory_space<vmem>>, vector<16xf32>,
          }
          %scan3A_48 = arith.constant 80 : i32
          %scan3A_49 = arith.constant 0 : i32
          %scan3A_50 = arith.constant 0 : i32
          %scan3A_51 = arith.constant 5 : i32
          %scan3A_52 = arith.addi %scan3A_50, %scan3A_51 : i32
          %scan3A_53 = arith.constant 1 : i32
          scf.for %scan3A_61 = %scan3A_50 to %scan3A_52 step %scan3A_53  : i32 {
            %mul3A_62 = arith.constant 80 : i32
            %mul3A_63 = arith.muli %scan3A_27, %mul3A_62 : i32
            %mul3A_64 = arith.constant 16 : i32
            %mul3A_65 = arith.muli %scan3A_61, %mul3A_64 : i32
            %add3A_66 = arith.addi %mul3A_63, %mul3A_65 : i32
            %mul3A_67 = arith.constant 16 : i32
            %mul3A_68 = arith.muli %scan3A_61, %mul3A_67 : i32
            %add3A_69 = vector.broadcast %mul3A_68 : i32 to vector<16xi32>
            %add3A_70 = arith.addi %iota3A, %add3A_69 : vector<16xi32>
            %gather3A = tpu.vector_load_idx %arg19[%add3A_70, %broadcast_in_dim3A_1] : memref<80x40xf32, #tpu.memory_space<vmem>>[vector<16xi32>, vector<16xi32>], vector<16xf32>,
            %gather3A_71 = tpu.vector_load_idx %arg19[%add3A_70, %broadcast_in_dim3A_3] : memref<80x40xf32, #tpu.memory_space<vmem>>[vector<16xi32>, vector<16xi32>], vector<16xf32>,
            %get3A = arith.index_cast %add3A_66 : i32 to index
            %get3A_72 = tpu.vector_load %arg13[%get3A] {strides = array<i32>} : memref<2000xf32, #tpu.memory_space<vmem>>, vector<16xf32>,
            %mul3A_73 = arith.mulf %gather3A, %get3A_72 : vector<16xf32>
            %get3A_74 = arith.index_cast %add3A_66 : i32 to index
            %get3A_75 = tpu.vector_load %arg14[%get3A_74] {strides = array<i32>} : memref<2000xf32, #tpu.memory_space<vmem>>, vector<16xf32>,
            %mul3A_76 = arith.mulf %gather3A_71, %get3A_75 : vector<16xf32>
            %add3A_77 = arith.addf %mul3A_73, %mul3A_76 : vector<16xf32>
            %get3A_78 = arith.index_cast %add3A_66 : i32 to index
            %get3A_79 = tpu.vector_load %arg15[%get3A_78] {strides = array<i32>} : memref<2000xf32, #tpu.memory_space<vmem>>, vector<16xf32>,
            tpu.vector_store_idx %arg19[%add3A_70, %broadcast_in_dim3A_5], %get3A_79 : memref<80x40xf32, #tpu.memory_space<vmem>>[vector<16xi32>, vector<16xi32>], vector<16xf32>,
            %get3A_80 = arith.index_cast %add3A_66 : i32 to index
            %get3A_81 = tpu.vector_load %arg16[%get3A_80] {strides = array<i32>} : memref<2000xf32, #tpu.memory_space<vmem>>, vector<16xf32>,
            tpu.vector_store_idx %arg19[%add3A_70, %broadcast_in_dim3A_7], %get3A_81 : memref<80x40xf32, #tpu.memory_space<vmem>>[vector<16xi32>, vector<16xi32>], vector<16xf32>,
            %max3A = arith.constant 0.000000e+00 : f32
            %max3A_82 = vector.broadcast %max3A : f32 to vector<16xf32>
            %max3A_83 = arith.maximumf %add3A_77, %max3A_82 : vector<16xf32>
            tpu.vector_store_idx %arg19[%add3A_70, %broadcast_in_dim3A_9], %max3A_83 : memref<80x40xf32, #tpu.memory_space<vmem>>[vector<16xi32>, vector<16xi32>], vector<16xf32>,
          }
          %scan3A_54 = arith.constant 5 : i32
          %mul3A_55 = arith.constant 128000 : i32
          %mul3A_56 = arith.muli %scan3A_34, %mul3A_55 : i32
          %add3A_57 = arith.addi %mul3A_56, %add3A_20 : i32
          %mul3A_58 = arith.constant 80 : i32
          %mul3A_59 = arith.muli %scan3A_27, %mul3A_58 : i32
          %add3A_60 = arith.addi %add3A_57, %mul3A_59 : i32
          "tpu.region"() ({
            %run_scoped3A = tpu.sem_alloc : memref<!tpu.dma_semaphore, #tpu.memory_space<semaphore_mem>>
            %dma_start3A = arith.constant 0 : i32
            %dma_start3A_61 = tpu.memref_slice %arg10[%add3A_60, %dma_start3A] : memref<512000x40xf32, #tpu.memory_space<hbm>> -> memref<80x40xf32, #tpu.memory_space<hbm>>
            %dma_start3A_62 = arith.constant 0 : i32
            %dma_start3A_63 = tpu.memref_slice %arg10[%add3A_60, %dma_start3A_62] : memref<512000x40xf32, #tpu.memory_space<hbm>> -> memref<80x40xf32, #tpu.memory_space<hbm>>
            tpu.enqueue_dma source(%arg19 : memref<80x40xf32, #tpu.memory_space<vmem>>) target(%dma_start3A_63 : memref<80x40xf32, #tpu.memory_space<hbm>>) target_semaphore(%run_scoped3A : memref<!tpu.dma_semaphore, #tpu.memory_space<semaphore_mem>>)
            %dma_wait3A = arith.constant 0 : i32
            %dma_wait3A_64 = tpu.memref_slice %arg10[%add3A_60, %dma_wait3A] : memref<512000x40xf32, #tpu.memory_space<hbm>> -> memref<80x40xf32, #tpu.memory_space<hbm>>
            %dma_wait3A_65 = arith.constant 0 : i32
            %dma_wait3A_66 = tpu.memref_slice %arg10[%add3A_60, %dma_wait3A_65] : memref<512000x40xf32, #tpu.memory_space<hbm>> -> memref<80x40xf32, #tpu.memory_space<hbm>>
            tpu.wait_dma2 semaphore(%run_scoped3A : memref<!tpu.dma_semaphore, #tpu.memory_space<semaphore_mem>>) src(%arg19 : memref<80x40xf32, #tpu.memory_space<vmem>>) dst(%dma_wait3A_66 : memref<80x40xf32, #tpu.memory_space<hbm>>)
            tpu.yield
          }) : () -> ()
        }
        %scan3A_33 = arith.constant 4 : i32
      }
      %scan3A_26 = arith.constant 25 : i32
    }
    %scan3A_14 = arith.constant 2 : i32
    return
  }
}

#map = affine_map<(d0, d1) -> (0)>
#map1 = affine_map<(d0, d1) -> (0, 0)>
#map2 = affine_map<(d0, d1) -> (0, 0, 0)>
module attributes {stable_mosaic.version = 14 : i64} {
  func.func @_sc_scatter(%arg0: i32, %arg1: i32, %arg2: memref<128000xi32, #tpu.memory_space<hbm>>, %arg3: memref<128000xi32, #tpu.memory_space<hbm>>, %arg4: memref<512000x24xf32, #tpu.memory_space<hbm>>, %arg5: memref<2x40960x24xf32, #tpu.memory_space<hbm>>, %arg6: memref<400xi32, #tpu.memory_space<vmem>>, %arg7: memref<400xi32, #tpu.memory_space<vmem>>, %arg8: memref<400x24xf32, #tpu.memory_space<vmem>>, %arg9: memref<80xi32, #tpu.memory_space<vmem>>, %arg10: memref<80xi32, #tpu.memory_space<vmem>>, %arg11: memref<80x24xf32, #tpu.memory_space<vmem>>, %arg12: memref<128x24xf32, #tpu.memory_space<vmem>>, %arg13: memref<40960x24xf32, #tpu.memory_space<vmem_shared>>) attributes {dimension_semantics = [#tpu.dimension_semantics<core_parallel>, #tpu.dimension_semantics<subcore_parallel>], iteration_bounds = array<i64: 2, 16>, scalar_prefetch = 0 : i64, scratch_operands = 8 : i64, tpu.core_type = #tpu.core_type<sc_vector_subcore>, window_params = [{transform_indices = #map}, {transform_indices = #map}, {transform_indices = #map1}, {transform_indices = #map2}]} {
    %mul3A = arith.constant 2 : i32
    %mul3A_0 = arith.muli %arg1, %mul3A : i32
    %add3A = arith.addi %mul3A_0, %arg0 : i32
    %broadcast_in_dim3A = arith.constant 0.000000e+00 : f32
    %broadcast_in_dim3A_1 = vector.broadcast %broadcast_in_dim3A : f32 to vector<16xf32>
    %scan3A = arith.constant 0 : i32
    %scan3A_2 = arith.constant 0 : i32
    %scan3A_3 = arith.constant 128 : i32
    %scan3A_4 = arith.addi %scan3A_2, %scan3A_3 : i32
    %scan3A_5 = arith.constant 1 : i32
    scf.for %scan3A_24 = %scan3A_2 to %scan3A_4 step %scan3A_5  : i32 {
      %swap3A = arith.index_cast %scan3A_24 : i32 to index
      %swap3A_25 = arith.constant 0 : index
      %swap3A_26 = tpu.vector_load %arg12[%swap3A, %swap3A_25] {strides = array<i32>} : memref<128x24xf32, #tpu.memory_space<vmem>>, vector<16xf32>,
      tpu.vector_store %arg12[%swap3A, %swap3A_25], %broadcast_in_dim3A_1 {strides = array<i32>} : memref<128x24xf32, #tpu.memory_space<vmem>>, vector<16xf32>,
      %swap3A_27 = arith.index_cast %scan3A_24 : i32 to index
      %swap3A_28 = arith.constant 8 : index
      %swap3A_29 = tpu.vector_load %arg12[%swap3A_27, %swap3A_28] {strides = array<i32>} : memref<128x24xf32, #tpu.memory_space<vmem>>, vector<16xf32>,
      tpu.vector_store %arg12[%swap3A_27, %swap3A_28], %broadcast_in_dim3A_1 {strides = array<i32>} : memref<128x24xf32, #tpu.memory_space<vmem>>, vector<16xf32>,
    }
    %scan3A_6 = arith.constant 128 : i32
    %scan3A_7 = arith.constant 0 : i32
    %scan3A_8 = arith.constant 0 : i32
    %scan3A_9 = arith.constant 20 : i32
    %scan3A_10 = arith.addi %scan3A_8, %scan3A_9 : i32
    %scan3A_11 = arith.constant 1 : i32
    scf.for %scan3A_24 = %scan3A_8 to %scan3A_10 step %scan3A_11  : i32 {
      %mul3A_25 = arith.constant 2560 : i32
      %mul3A_26 = arith.muli %arg1, %mul3A_25 : i32
      %mul3A_27 = arith.constant 128 : i32
      %mul3A_28 = arith.muli %scan3A_24, %mul3A_27 : i32
      %add3A_29 = arith.addi %mul3A_26, %mul3A_28 : i32
      "tpu.region"() ({
        %run_scoped3A = tpu.sem_alloc : memref<!tpu.dma_semaphore, #tpu.memory_space<semaphore_mem>>
        %dma_start3A = arith.constant 0 : i32
        %dma_start3A_30 = tpu.memref_slice %arg13[%add3A_29, %dma_start3A] : memref<40960x24xf32, #tpu.memory_space<vmem_shared>> -> memref<128x24xf32, #tpu.memory_space<vmem_shared>>
        %dma_start3A_31 = arith.constant 0 : i32
        %dma_start3A_32 = tpu.memref_slice %arg13[%add3A_29, %dma_start3A_31] : memref<40960x24xf32, #tpu.memory_space<vmem_shared>> -> memref<128x24xf32, #tpu.memory_space<vmem_shared>>
        tpu.enqueue_dma source(%arg12 : memref<128x24xf32, #tpu.memory_space<vmem>>) target(%dma_start3A_32 : memref<128x24xf32, #tpu.memory_space<vmem_shared>>) target_semaphore(%run_scoped3A : memref<!tpu.dma_semaphore, #tpu.memory_space<semaphore_mem>>)
        %dma_wait3A = arith.constant 0 : i32
        %dma_wait3A_33 = tpu.memref_slice %arg13[%add3A_29, %dma_wait3A] : memref<40960x24xf32, #tpu.memory_space<vmem_shared>> -> memref<128x24xf32, #tpu.memory_space<vmem_shared>>
        %dma_wait3A_34 = arith.constant 0 : i32
        %dma_wait3A_35 = tpu.memref_slice %arg13[%add3A_29, %dma_wait3A_34] : memref<40960x24xf32, #tpu.memory_space<vmem_shared>> -> memref<128x24xf32, #tpu.memory_space<vmem_shared>>
        tpu.wait_dma2 semaphore(%run_scoped3A : memref<!tpu.dma_semaphore, #tpu.memory_space<semaphore_mem>>) src(%arg12 : memref<128x24xf32, #tpu.memory_space<vmem>>) dst(%dma_wait3A_35 : memref<128x24xf32, #tpu.memory_space<vmem_shared>>)
        tpu.yield
      }) : () -> ()
    }
    %scan3A_12 = arith.constant 20 : i32
    %barrier3A = arith.constant 0 : index
    tpu.barrier barrier_id(%barrier3A)
    %scan3A_13 = arith.constant 0 : i32
    %scan3A_14 = arith.constant 0 : i32
    %scan3A_15 = arith.constant 10 : i32
    %scan3A_16 = arith.addi %scan3A_14, %scan3A_15 : i32
    %scan3A_17 = arith.constant 1 : i32
    scf.for %scan3A_24 = %scan3A_14 to %scan3A_16 step %scan3A_17  : i32 {
      %mul3A_25 = arith.constant 4000 : i32
      %mul3A_26 = arith.muli %add3A, %mul3A_25 : i32
      %mul3A_27 = arith.constant 400 : i32
      %mul3A_28 = arith.muli %scan3A_24, %mul3A_27 : i32
      %add3A_29 = arith.addi %mul3A_26, %mul3A_28 : i32
      "tpu.region"() ({
        %run_scoped3A = tpu.sem_alloc : memref<!tpu.dma_semaphore, #tpu.memory_space<semaphore_mem>>
        %dma_start3A = tpu.memref_slice %arg2[%add3A_29] : memref<128000xi32, #tpu.memory_space<hbm>> -> memref<400xi32, #tpu.memory_space<hbm>>
        %dma_start3A_36 = tpu.memref_slice %arg2[%add3A_29] : memref<128000xi32, #tpu.memory_space<hbm>> -> memref<400xi32, #tpu.memory_space<hbm>>
        tpu.enqueue_dma source(%dma_start3A_36 : memref<400xi32, #tpu.memory_space<hbm>>) target(%arg6 : memref<400xi32, #tpu.memory_space<vmem>>) target_semaphore(%run_scoped3A : memref<!tpu.dma_semaphore, #tpu.memory_space<semaphore_mem>>)
        %dma_wait3A = tpu.memref_slice %arg2[%add3A_29] : memref<128000xi32, #tpu.memory_space<hbm>> -> memref<400xi32, #tpu.memory_space<hbm>>
        %dma_wait3A_37 = tpu.memref_slice %arg2[%add3A_29] : memref<128000xi32, #tpu.memory_space<hbm>> -> memref<400xi32, #tpu.memory_space<hbm>>
        tpu.wait_dma2 semaphore(%run_scoped3A : memref<!tpu.dma_semaphore, #tpu.memory_space<semaphore_mem>>) src(%dma_wait3A_37 : memref<400xi32, #tpu.memory_space<hbm>>) dst(%arg6 : memref<400xi32, #tpu.memory_space<vmem>>)
        tpu.yield
      }) : () -> ()
      "tpu.region"() ({
        %run_scoped3A = tpu.sem_alloc : memref<!tpu.dma_semaphore, #tpu.memory_space<semaphore_mem>>
        %dma_start3A = tpu.memref_slice %arg3[%add3A_29] : memref<128000xi32, #tpu.memory_space<hbm>> -> memref<400xi32, #tpu.memory_space<hbm>>
        %dma_start3A_36 = tpu.memref_slice %arg3[%add3A_29] : memref<128000xi32, #tpu.memory_space<hbm>> -> memref<400xi32, #tpu.memory_space<hbm>>
        tpu.enqueue_dma source(%dma_start3A_36 : memref<400xi32, #tpu.memory_space<hbm>>) target(%arg7 : memref<400xi32, #tpu.memory_space<vmem>>) target_semaphore(%run_scoped3A : memref<!tpu.dma_semaphore, #tpu.memory_space<semaphore_mem>>)
        %dma_wait3A = tpu.memref_slice %arg3[%add3A_29] : memref<128000xi32, #tpu.memory_space<hbm>> -> memref<400xi32, #tpu.memory_space<hbm>>
        %dma_wait3A_37 = tpu.memref_slice %arg3[%add3A_29] : memref<128000xi32, #tpu.memory_space<hbm>> -> memref<400xi32, #tpu.memory_space<hbm>>
        tpu.wait_dma2 semaphore(%run_scoped3A : memref<!tpu.dma_semaphore, #tpu.memory_space<semaphore_mem>>) src(%dma_wait3A_37 : memref<400xi32, #tpu.memory_space<hbm>>) dst(%arg7 : memref<400xi32, #tpu.memory_space<vmem>>)
        tpu.yield
      }) : () -> ()
      %scan3A_30 = arith.constant 0 : i32
      %scan3A_31 = arith.constant 0 : i32
      %scan3A_32 = arith.constant 4 : i32
      %scan3A_33 = arith.addi %scan3A_31, %scan3A_32 : i32
      %scan3A_34 = arith.constant 1 : i32
      scf.for %scan3A_36 = %scan3A_31 to %scan3A_33 step %scan3A_34  : i32 {
        %mul3A_37 = arith.constant 10000 : i32
        %mul3A_38 = arith.muli %scan3A_36, %mul3A_37 : i32
        %mul3A_39 = arith.constant 128000 : i32
        %mul3A_40 = arith.muli %scan3A_36, %mul3A_39 : i32
        %add3A_41 = arith.addi %mul3A_40, %add3A_29 : i32
        "tpu.region"() ({
          %run_scoped3A = tpu.sem_alloc : memref<!tpu.dma_semaphore, #tpu.memory_space<semaphore_mem>>
          %dma_start3A = arith.constant 0 : i32
          %dma_start3A_48 = tpu.memref_slice %arg4[%add3A_41, %dma_start3A] : memref<512000x24xf32, #tpu.memory_space<hbm>> -> memref<400x24xf32, #tpu.memory_space<hbm>>
          %dma_start3A_49 = arith.constant 0 : i32
          %dma_start3A_50 = tpu.memref_slice %arg4[%add3A_41, %dma_start3A_49] : memref<512000x24xf32, #tpu.memory_space<hbm>> -> memref<400x24xf32, #tpu.memory_space<hbm>>
          tpu.enqueue_dma source(%dma_start3A_50 : memref<400x24xf32, #tpu.memory_space<hbm>>) target(%arg8 : memref<400x24xf32, #tpu.memory_space<vmem>>) target_semaphore(%run_scoped3A : memref<!tpu.dma_semaphore, #tpu.memory_space<semaphore_mem>>)
          %dma_wait3A = arith.constant 0 : i32
          %dma_wait3A_51 = tpu.memref_slice %arg4[%add3A_41, %dma_wait3A] : memref<512000x24xf32, #tpu.memory_space<hbm>> -> memref<400x24xf32, #tpu.memory_space<hbm>>
          %dma_wait3A_52 = arith.constant 0 : i32
          %dma_wait3A_53 = tpu.memref_slice %arg4[%add3A_41, %dma_wait3A_52] : memref<512000x24xf32, #tpu.memory_space<hbm>> -> memref<400x24xf32, #tpu.memory_space<hbm>>
          tpu.wait_dma2 semaphore(%run_scoped3A : memref<!tpu.dma_semaphore, #tpu.memory_space<semaphore_mem>>) src(%dma_wait3A_53 : memref<400x24xf32, #tpu.memory_space<hbm>>) dst(%arg8 : memref<400x24xf32, #tpu.memory_space<vmem>>)
          tpu.yield
        }) : () -> ()
        %scan3A_42 = arith.constant 0 : i32
        %scan3A_43 = arith.constant 0 : i32
        %scan3A_44 = arith.constant 5 : i32
        %scan3A_45 = arith.addi %scan3A_43, %scan3A_44 : i32
        %scan3A_46 = arith.constant 1 : i32
        scf.for %scan3A_48 = %scan3A_43 to %scan3A_45 step %scan3A_46  : i32 {
          %scan3A_49 = arith.constant 0 : i32
          %scan3A_50 = arith.constant 0 : i32
          %scan3A_51 = arith.constant 5 : i32
          %scan3A_52 = arith.addi %scan3A_50, %scan3A_51 : i32
          %scan3A_53 = arith.constant 1 : i32
          scf.for %scan3A_63 = %scan3A_50 to %scan3A_52 step %scan3A_53  : i32 {
            %mul3A_64 = arith.constant 80 : i32
            %mul3A_65 = arith.muli %scan3A_48, %mul3A_64 : i32
            %mul3A_66 = arith.constant 16 : i32
            %mul3A_67 = arith.muli %scan3A_63, %mul3A_66 : i32
            %add3A_68 = arith.addi %mul3A_65, %mul3A_67 : i32
            %get3A = arith.index_cast %add3A_68 : i32 to index
            %get3A_69 = tpu.vector_load %arg6[%get3A] {strides = array<i32>} : memref<400xi32, #tpu.memory_space<vmem>>, vector<16xi32>,
            %add3A_70 = vector.broadcast %mul3A_38 : i32 to vector<16xi32>
            %add3A_71 = arith.addi %get3A_69, %add3A_70 : vector<16xi32>
            %mul3A_72 = arith.constant 16 : i32
            %mul3A_73 = arith.muli %scan3A_63, %mul3A_72 : i32
            %swap3A = arith.index_cast %mul3A_73 : i32 to index
            %swap3A_74 = tpu.vector_load %arg9[%swap3A] {strides = array<i32>} : memref<80xi32, #tpu.memory_space<vmem>>, vector<16xi32>,
            tpu.vector_store %arg9[%swap3A], %add3A_71 {strides = array<i32>} : memref<80xi32, #tpu.memory_space<vmem>>, vector<16xi32>,
            %get3A_75 = arith.index_cast %add3A_68 : i32 to index
            %get3A_76 = tpu.vector_load %arg7[%get3A_75] {strides = array<i32>} : memref<400xi32, #tpu.memory_space<vmem>>, vector<16xi32>,
            %add3A_77 = vector.broadcast %mul3A_38 : i32 to vector<16xi32>
            %add3A_78 = arith.addi %get3A_76, %add3A_77 : vector<16xi32>
            %mul3A_79 = arith.constant 16 : i32
            %mul3A_80 = arith.muli %scan3A_63, %mul3A_79 : i32
            %swap3A_81 = arith.index_cast %mul3A_80 : i32 to index
            %swap3A_82 = tpu.vector_load %arg10[%swap3A_81] {strides = array<i32>} : memref<80xi32, #tpu.memory_space<vmem>>, vector<16xi32>,
            tpu.vector_store %arg10[%swap3A_81], %add3A_78 {strides = array<i32>} : memref<80xi32, #tpu.memory_space<vmem>>, vector<16xi32>,
          }
          %scan3A_54 = arith.constant 5 : i32
          %scan3A_55 = arith.constant 0 : i32
          %scan3A_56 = arith.constant 0 : i32
          %scan3A_57 = arith.constant 80 : i32
          %scan3A_58 = arith.addi %scan3A_56, %scan3A_57 : i32
          %scan3A_59 = arith.constant 1 : i32
          scf.for %scan3A_63 = %scan3A_56 to %scan3A_58 step %scan3A_59  : i32 {
            %mul3A_64 = arith.constant 80 : i32
            %mul3A_65 = arith.muli %scan3A_48, %mul3A_64 : i32
            %add3A_66 = arith.addi %mul3A_65, %scan3A_63 : i32
            %get3A = arith.index_cast %add3A_66 : i32 to index
            %get3A_67 = arith.constant 0 : index
            %get3A_68 = tpu.vector_load %arg8[%get3A, %get3A_67] {strides = array<i32>} : memref<400x24xf32, #tpu.memory_space<vmem>>, vector<16xf32>,
            %sub3A = arith.subf %broadcast_in_dim3A_1, %get3A_68 : vector<16xf32>
            %swap3A = arith.index_cast %scan3A_63 : i32 to index
            %swap3A_69 = arith.constant 0 : index
            %swap3A_70 = tpu.vector_load %arg11[%swap3A, %swap3A_69] {strides = array<i32>} : memref<80x24xf32, #tpu.memory_space<vmem>>, vector<16xf32>,
            tpu.vector_store %arg11[%swap3A, %swap3A_69], %sub3A {strides = array<i32>} : memref<80x24xf32, #tpu.memory_space<vmem>>, vector<16xf32>,
            %mul3A_71 = arith.constant 80 : i32
            %mul3A_72 = arith.muli %scan3A_48, %mul3A_71 : i32
            %add3A_73 = arith.addi %mul3A_72, %scan3A_63 : i32
            %get3A_74 = arith.index_cast %add3A_73 : i32 to index
            %get3A_75 = arith.constant 8 : index
            %get3A_76 = tpu.vector_load %arg8[%get3A_74, %get3A_75] {strides = array<i32>} : memref<400x24xf32, #tpu.memory_space<vmem>>, vector<16xf32>,
            %sub3A_77 = arith.subf %broadcast_in_dim3A_1, %get3A_76 : vector<16xf32>
            %swap3A_78 = arith.index_cast %scan3A_63 : i32 to index
            %swap3A_79 = arith.constant 8 : index
            %swap3A_80 = tpu.vector_load %arg11[%swap3A_78, %swap3A_79] {strides = array<i32>} : memref<80x24xf32, #tpu.memory_space<vmem>>, vector<16xf32>,
            tpu.vector_store %arg11[%swap3A_78, %swap3A_79], %sub3A_77 {strides = array<i32>} : memref<80x24xf32, #tpu.memory_space<vmem>>, vector<16xf32>,
          }
          %scan3A_60 = arith.constant 80 : i32
          %mul3A_61 = arith.constant 80 : i32
          %mul3A_62 = arith.muli %scan3A_48, %mul3A_61 : i32
          "tpu.region"() ({
            %run_scoped3A = tpu.sem_alloc : memref<!tpu.dma_semaphore, #tpu.memory_space<semaphore_mem>>
            %dma_start3A = arith.constant 0 : i32
            %dma_start3A_63 = tpu.memref_slice %arg8[%mul3A_62, %dma_start3A] : memref<400x24xf32, #tpu.memory_space<vmem>> -> memref<80x24xf32, #tpu.memory_space<vmem>>
            %dma_start3A_64 = arith.constant 0 : i32
            %dma_start3A_65 = arith.constant 0 : i32
            %dma_start3A_66 = tpu.memref_slice %arg13[%dma_start3A_64, %dma_start3A_65] : memref<40960x24xf32, #tpu.memory_space<vmem_shared>> -> memref<40960x24xf32, #tpu.memory_space<vmem_shared>>
            tpu.enqueue_indirect_dma source(%dma_start3A_63 : memref<80x24xf32, #tpu.memory_space<vmem>>) target(%dma_start3A_66 : memref<40960x24xf32, #tpu.memory_space<vmem_shared>>) offsets(%arg10 : memref<80xi32, #tpu.memory_space<vmem>>) semaphore(%run_scoped3A : memref<!tpu.dma_semaphore, #tpu.memory_space<semaphore_mem>>) {add = true}
            %dma_wait3A = arith.constant 0 : i32
            %dma_wait3A_67 = tpu.memref_slice %arg8[%mul3A_62, %dma_wait3A] : memref<400x24xf32, #tpu.memory_space<vmem>> -> memref<80x24xf32, #tpu.memory_space<vmem>>
            %dma_wait3A_68 = arith.constant 0 : i32
            %dma_wait3A_69 = arith.constant 0 : i32
            %dma_wait3A_70 = tpu.memref_slice %arg13[%dma_wait3A_68, %dma_wait3A_69] : memref<40960x24xf32, #tpu.memory_space<vmem_shared>> -> memref<40960x24xf32, #tpu.memory_space<vmem_shared>>
            tpu.wait_indirect_dma semaphore(%run_scoped3A : memref<!tpu.dma_semaphore, #tpu.memory_space<semaphore_mem>>) src(%dma_wait3A_67 : memref<80x24xf32, #tpu.memory_space<vmem>>) dst(%dma_wait3A_70 : memref<40960x24xf32, #tpu.memory_space<vmem_shared>>)
            tpu.yield
          }) : () -> ()
          "tpu.region"() ({
            %run_scoped3A = tpu.sem_alloc : memref<!tpu.dma_semaphore, #tpu.memory_space<semaphore_mem>>
            %dma_start3A = arith.constant 0 : i32
            %dma_start3A_63 = arith.constant 0 : i32
            %dma_start3A_64 = tpu.memref_slice %arg13[%dma_start3A, %dma_start3A_63] : memref<40960x24xf32, #tpu.memory_space<vmem_shared>> -> memref<40960x24xf32, #tpu.memory_space<vmem_shared>>
            tpu.enqueue_indirect_dma source(%arg11 : memref<80x24xf32, #tpu.memory_space<vmem>>) target(%dma_start3A_64 : memref<40960x24xf32, #tpu.memory_space<vmem_shared>>) offsets(%arg9 : memref<80xi32, #tpu.memory_space<vmem>>) semaphore(%run_scoped3A : memref<!tpu.dma_semaphore, #tpu.memory_space<semaphore_mem>>) {add = true}
            %dma_wait3A = arith.constant 0 : i32
            %dma_wait3A_65 = arith.constant 0 : i32
            %dma_wait3A_66 = tpu.memref_slice %arg13[%dma_wait3A, %dma_wait3A_65] : memref<40960x24xf32, #tpu.memory_space<vmem_shared>> -> memref<40960x24xf32, #tpu.memory_space<vmem_shared>>
            tpu.wait_indirect_dma semaphore(%run_scoped3A : memref<!tpu.dma_semaphore, #tpu.memory_space<semaphore_mem>>) src(%arg11 : memref<80x24xf32, #tpu.memory_space<vmem>>) dst(%dma_wait3A_66 : memref<40960x24xf32, #tpu.memory_space<vmem_shared>>)
            tpu.yield
          }) : () -> ()
        }
        %scan3A_47 = arith.constant 5 : i32
      }
      %scan3A_35 = arith.constant 4 : i32
    }
    %scan3A_18 = arith.constant 10 : i32
    %barrier3A_19 = arith.constant 0 : index
    tpu.barrier barrier_id(%barrier3A_19)
    %mul3A_20 = arith.constant 2560 : i32
    %mul3A_21 = arith.muli %arg1, %mul3A_20 : i32
    %mul3A_22 = arith.constant 2560 : i32
    %mul3A_23 = arith.muli %arg1, %mul3A_22 : i32
    "tpu.region"() ({
      %run_scoped3A = tpu.sem_alloc : memref<!tpu.dma_semaphore, #tpu.memory_space<semaphore_mem>>
      %dma_start3A = arith.constant 0 : i32
      %dma_start3A_24 = tpu.memref_slice %arg5[%arg0, %mul3A_23, %dma_start3A] : memref<2x40960x24xf32, #tpu.memory_space<hbm>> -> memref<1x2560x24xf32, #tpu.memory_space<hbm>>
      %dma_start3A_25 = tpu.memref_squeeze %dma_start3A_24 : memref<1x2560x24xf32, #tpu.memory_space<hbm>> -> memref<2560x24xf32, #tpu.memory_space<hbm>>
      %dma_start3A_26 = arith.constant 0 : i32
      %dma_start3A_27 = tpu.memref_slice %arg13[%mul3A_21, %dma_start3A_26] : memref<40960x24xf32, #tpu.memory_space<vmem_shared>> -> memref<2560x24xf32, #tpu.memory_space<vmem_shared>>
      tpu.enqueue_dma source(%dma_start3A_27 : memref<2560x24xf32, #tpu.memory_space<vmem_shared>>) target(%dma_start3A_25 : memref<2560x24xf32, #tpu.memory_space<hbm>>) target_semaphore(%run_scoped3A : memref<!tpu.dma_semaphore, #tpu.memory_space<semaphore_mem>>)
      %dma_wait3A = arith.constant 0 : i32
      %dma_wait3A_28 = tpu.memref_slice %arg5[%arg0, %mul3A_23, %dma_wait3A] : memref<2x40960x24xf32, #tpu.memory_space<hbm>> -> memref<1x2560x24xf32, #tpu.memory_space<hbm>>
      %dma_wait3A_29 = tpu.memref_squeeze %dma_wait3A_28 : memref<1x2560x24xf32, #tpu.memory_space<hbm>> -> memref<2560x24xf32, #tpu.memory_space<hbm>>
      %dma_wait3A_30 = arith.constant 0 : i32
      %dma_wait3A_31 = tpu.memref_slice %arg13[%mul3A_21, %dma_wait3A_30] : memref<40960x24xf32, #tpu.memory_space<vmem_shared>> -> memref<2560x24xf32, #tpu.memory_space<vmem_shared>>
      tpu.wait_dma2 semaphore(%run_scoped3A : memref<!tpu.dma_semaphore, #tpu.memory_space<semaphore_mem>>) src(%dma_wait3A_31 : memref<2560x24xf32, #tpu.memory_space<vmem_shared>>) dst(%dma_wait3A_29 : memref<2560x24xf32, #tpu.memory_space<hbm>>)
      tpu.yield
    }) : () -> ()
    return
  }
}

#map = affine_map<(d0, d1) -> (0)>
#map1 = affine_map<(d0, d1) -> (0, 0)>
#map2 = affine_map<(d0, d1) -> (0, 0, 0)>
module attributes {stable_mosaic.version = 14 : i64} {
  func.func @_sc_scatter(%arg0: i32, %arg1: i32, %arg2: memref<128000xi32, #tpu.memory_space<hbm>>, %arg3: memref<128000xi32, #tpu.memory_space<hbm>>, %arg4: memref<512000x24xf32, #tpu.memory_space<hbm>>, %arg5: memref<2x40960x24xf32, #tpu.memory_space<hbm>>, %arg6: memref<400xi32, #tpu.memory_space<vmem>>, %arg7: memref<400xi32, #tpu.memory_space<vmem>>, %arg8: memref<400x24xf32, #tpu.memory_space<vmem>>, %arg9: memref<80xi32, #tpu.memory_space<vmem>>, %arg10: memref<80xi32, #tpu.memory_space<vmem>>, %arg11: memref<80x24xf32, #tpu.memory_space<vmem>>, %arg12: memref<128x24xf32, #tpu.memory_space<vmem>>, %arg13: memref<40960x24xf32, #tpu.memory_space<vmem_shared>>) attributes {dimension_semantics = [#tpu.dimension_semantics<core_parallel>, #tpu.dimension_semantics<subcore_parallel>], iteration_bounds = array<i64: 2, 16>, scalar_prefetch = 0 : i64, scratch_operands = 8 : i64, tpu.core_type = #tpu.core_type<sc_vector_subcore>, window_params = [{transform_indices = #map}, {transform_indices = #map}, {transform_indices = #map1}, {transform_indices = #map2}]} {
    %mul3A = arith.constant 2 : i32
    %mul3A_0 = arith.muli %arg1, %mul3A : i32
    %add3A = arith.addi %mul3A_0, %arg0 : i32
    %broadcast_in_dim3A = arith.constant 0.000000e+00 : f32
    %broadcast_in_dim3A_1 = vector.broadcast %broadcast_in_dim3A : f32 to vector<16xf32>
    %scan3A = arith.constant 0 : i32
    %scan3A_2 = arith.constant 0 : i32
    %scan3A_3 = arith.constant 128 : i32
    %scan3A_4 = arith.addi %scan3A_2, %scan3A_3 : i32
    %scan3A_5 = arith.constant 1 : i32
    scf.for %scan3A_24 = %scan3A_2 to %scan3A_4 step %scan3A_5  : i32 {
      %swap3A = arith.index_cast %scan3A_24 : i32 to index
      %swap3A_25 = arith.constant 0 : index
      %swap3A_26 = tpu.vector_load %arg12[%swap3A, %swap3A_25] {strides = array<i32>} : memref<128x24xf32, #tpu.memory_space<vmem>>, vector<16xf32>,
      tpu.vector_store %arg12[%swap3A, %swap3A_25], %broadcast_in_dim3A_1 {strides = array<i32>} : memref<128x24xf32, #tpu.memory_space<vmem>>, vector<16xf32>,
      %swap3A_27 = arith.index_cast %scan3A_24 : i32 to index
      %swap3A_28 = arith.constant 8 : index
      %swap3A_29 = tpu.vector_load %arg12[%swap3A_27, %swap3A_28] {strides = array<i32>} : memref<128x24xf32, #tpu.memory_space<vmem>>, vector<16xf32>,
      tpu.vector_store %arg12[%swap3A_27, %swap3A_28], %broadcast_in_dim3A_1 {strides = array<i32>} : memref<128x24xf32, #tpu.memory_space<vmem>>, vector<16xf32>,
    }
    %scan3A_6 = arith.constant 128 : i32
    %scan3A_7 = arith.constant 0 : i32
    %scan3A_8 = arith.constant 0 : i32
    %scan3A_9 = arith.constant 20 : i32
    %scan3A_10 = arith.addi %scan3A_8, %scan3A_9 : i32
    %scan3A_11 = arith.constant 1 : i32
    scf.for %scan3A_24 = %scan3A_8 to %scan3A_10 step %scan3A_11  : i32 {
      %mul3A_25 = arith.constant 2560 : i32
      %mul3A_26 = arith.muli %arg1, %mul3A_25 : i32
      %mul3A_27 = arith.constant 128 : i32
      %mul3A_28 = arith.muli %scan3A_24, %mul3A_27 : i32
      %add3A_29 = arith.addi %mul3A_26, %mul3A_28 : i32
      "tpu.region"() ({
        %run_scoped3A = tpu.sem_alloc : memref<!tpu.dma_semaphore, #tpu.memory_space<semaphore_mem>>
        %dma_start3A = arith.constant 0 : i32
        %dma_start3A_30 = tpu.memref_slice %arg13[%add3A_29, %dma_start3A] : memref<40960x24xf32, #tpu.memory_space<vmem_shared>> -> memref<128x24xf32, #tpu.memory_space<vmem_shared>>
        %dma_start3A_31 = arith.constant 0 : i32
        %dma_start3A_32 = tpu.memref_slice %arg13[%add3A_29, %dma_start3A_31] : memref<40960x24xf32, #tpu.memory_space<vmem_shared>> -> memref<128x24xf32, #tpu.memory_space<vmem_shared>>
        tpu.enqueue_dma source(%arg12 : memref<128x24xf32, #tpu.memory_space<vmem>>) target(%dma_start3A_32 : memref<128x24xf32, #tpu.memory_space<vmem_shared>>) target_semaphore(%run_scoped3A : memref<!tpu.dma_semaphore, #tpu.memory_space<semaphore_mem>>)
        %dma_wait3A = arith.constant 0 : i32
        %dma_wait3A_33 = tpu.memref_slice %arg13[%add3A_29, %dma_wait3A] : memref<40960x24xf32, #tpu.memory_space<vmem_shared>> -> memref<128x24xf32, #tpu.memory_space<vmem_shared>>
        %dma_wait3A_34 = arith.constant 0 : i32
        %dma_wait3A_35 = tpu.memref_slice %arg13[%add3A_29, %dma_wait3A_34] : memref<40960x24xf32, #tpu.memory_space<vmem_shared>> -> memref<128x24xf32, #tpu.memory_space<vmem_shared>>
        tpu.wait_dma2 semaphore(%run_scoped3A : memref<!tpu.dma_semaphore, #tpu.memory_space<semaphore_mem>>) src(%arg12 : memref<128x24xf32, #tpu.memory_space<vmem>>) dst(%dma_wait3A_35 : memref<128x24xf32, #tpu.memory_space<vmem_shared>>)
        tpu.yield
      }) : () -> ()
    }
    %scan3A_12 = arith.constant 20 : i32
    %barrier3A = arith.constant 0 : index
    tpu.barrier barrier_id(%barrier3A)
    %scan3A_13 = arith.constant 0 : i32
    %scan3A_14 = arith.constant 0 : i32
    %scan3A_15 = arith.constant 10 : i32
    %scan3A_16 = arith.addi %scan3A_14, %scan3A_15 : i32
    %scan3A_17 = arith.constant 1 : i32
    scf.for %scan3A_24 = %scan3A_14 to %scan3A_16 step %scan3A_17  : i32 {
      %mul3A_25 = arith.constant 4000 : i32
      %mul3A_26 = arith.muli %add3A, %mul3A_25 : i32
      %mul3A_27 = arith.constant 400 : i32
      %mul3A_28 = arith.muli %scan3A_24, %mul3A_27 : i32
      %add3A_29 = arith.addi %mul3A_26, %mul3A_28 : i32
      "tpu.region"() ({
        %run_scoped3A = tpu.sem_alloc : memref<!tpu.dma_semaphore, #tpu.memory_space<semaphore_mem>>
        %dma_start3A = tpu.memref_slice %arg2[%add3A_29] : memref<128000xi32, #tpu.memory_space<hbm>> -> memref<400xi32, #tpu.memory_space<hbm>>
        %dma_start3A_36 = tpu.memref_slice %arg2[%add3A_29] : memref<128000xi32, #tpu.memory_space<hbm>> -> memref<400xi32, #tpu.memory_space<hbm>>
        tpu.enqueue_dma source(%dma_start3A_36 : memref<400xi32, #tpu.memory_space<hbm>>) target(%arg6 : memref<400xi32, #tpu.memory_space<vmem>>) target_semaphore(%run_scoped3A : memref<!tpu.dma_semaphore, #tpu.memory_space<semaphore_mem>>)
        %dma_wait3A = tpu.memref_slice %arg2[%add3A_29] : memref<128000xi32, #tpu.memory_space<hbm>> -> memref<400xi32, #tpu.memory_space<hbm>>
        %dma_wait3A_37 = tpu.memref_slice %arg2[%add3A_29] : memref<128000xi32, #tpu.memory_space<hbm>> -> memref<400xi32, #tpu.memory_space<hbm>>
        tpu.wait_dma2 semaphore(%run_scoped3A : memref<!tpu.dma_semaphore, #tpu.memory_space<semaphore_mem>>) src(%dma_wait3A_37 : memref<400xi32, #tpu.memory_space<hbm>>) dst(%arg6 : memref<400xi32, #tpu.memory_space<vmem>>)
        tpu.yield
      }) : () -> ()
      "tpu.region"() ({
        %run_scoped3A = tpu.sem_alloc : memref<!tpu.dma_semaphore, #tpu.memory_space<semaphore_mem>>
        %dma_start3A = tpu.memref_slice %arg3[%add3A_29] : memref<128000xi32, #tpu.memory_space<hbm>> -> memref<400xi32, #tpu.memory_space<hbm>>
        %dma_start3A_36 = tpu.memref_slice %arg3[%add3A_29] : memref<128000xi32, #tpu.memory_space<hbm>> -> memref<400xi32, #tpu.memory_space<hbm>>
        tpu.enqueue_dma source(%dma_start3A_36 : memref<400xi32, #tpu.memory_space<hbm>>) target(%arg7 : memref<400xi32, #tpu.memory_space<vmem>>) target_semaphore(%run_scoped3A : memref<!tpu.dma_semaphore, #tpu.memory_space<semaphore_mem>>)
        %dma_wait3A = tpu.memref_slice %arg3[%add3A_29] : memref<128000xi32, #tpu.memory_space<hbm>> -> memref<400xi32, #tpu.memory_space<hbm>>
        %dma_wait3A_37 = tpu.memref_slice %arg3[%add3A_29] : memref<128000xi32, #tpu.memory_space<hbm>> -> memref<400xi32, #tpu.memory_space<hbm>>
        tpu.wait_dma2 semaphore(%run_scoped3A : memref<!tpu.dma_semaphore, #tpu.memory_space<semaphore_mem>>) src(%dma_wait3A_37 : memref<400xi32, #tpu.memory_space<hbm>>) dst(%arg7 : memref<400xi32, #tpu.memory_space<vmem>>)
        tpu.yield
      }) : () -> ()
      %scan3A_30 = arith.constant 0 : i32
      %scan3A_31 = arith.constant 0 : i32
      %scan3A_32 = arith.constant 4 : i32
      %scan3A_33 = arith.addi %scan3A_31, %scan3A_32 : i32
      %scan3A_34 = arith.constant 1 : i32
      scf.for %scan3A_36 = %scan3A_31 to %scan3A_33 step %scan3A_34  : i32 {
        %mul3A_37 = arith.constant 10000 : i32
        %mul3A_38 = arith.muli %scan3A_36, %mul3A_37 : i32
        %mul3A_39 = arith.constant 128000 : i32
        %mul3A_40 = arith.muli %scan3A_36, %mul3A_39 : i32
        %add3A_41 = arith.addi %mul3A_40, %add3A_29 : i32
        "tpu.region"() ({
          %run_scoped3A = tpu.sem_alloc : memref<!tpu.dma_semaphore, #tpu.memory_space<semaphore_mem>>
          %dma_start3A = arith.constant 0 : i32
          %dma_start3A_48 = tpu.memref_slice %arg4[%add3A_41, %dma_start3A] : memref<512000x24xf32, #tpu.memory_space<hbm>> -> memref<400x24xf32, #tpu.memory_space<hbm>>
          %dma_start3A_49 = arith.constant 0 : i32
          %dma_start3A_50 = tpu.memref_slice %arg4[%add3A_41, %dma_start3A_49] : memref<512000x24xf32, #tpu.memory_space<hbm>> -> memref<400x24xf32, #tpu.memory_space<hbm>>
          tpu.enqueue_dma source(%dma_start3A_50 : memref<400x24xf32, #tpu.memory_space<hbm>>) target(%arg8 : memref<400x24xf32, #tpu.memory_space<vmem>>) target_semaphore(%run_scoped3A : memref<!tpu.dma_semaphore, #tpu.memory_space<semaphore_mem>>)
          %dma_wait3A = arith.constant 0 : i32
          %dma_wait3A_51 = tpu.memref_slice %arg4[%add3A_41, %dma_wait3A] : memref<512000x24xf32, #tpu.memory_space<hbm>> -> memref<400x24xf32, #tpu.memory_space<hbm>>
          %dma_wait3A_52 = arith.constant 0 : i32
          %dma_wait3A_53 = tpu.memref_slice %arg4[%add3A_41, %dma_wait3A_52] : memref<512000x24xf32, #tpu.memory_space<hbm>> -> memref<400x24xf32, #tpu.memory_space<hbm>>
          tpu.wait_dma2 semaphore(%run_scoped3A : memref<!tpu.dma_semaphore, #tpu.memory_space<semaphore_mem>>) src(%dma_wait3A_53 : memref<400x24xf32, #tpu.memory_space<hbm>>) dst(%arg8 : memref<400x24xf32, #tpu.memory_space<vmem>>)
          tpu.yield
        }) : () -> ()
        %scan3A_42 = arith.constant 0 : i32
        %scan3A_43 = arith.constant 0 : i32
        %scan3A_44 = arith.constant 5 : i32
        %scan3A_45 = arith.addi %scan3A_43, %scan3A_44 : i32
        %scan3A_46 = arith.constant 1 : i32
        scf.for %scan3A_48 = %scan3A_43 to %scan3A_45 step %scan3A_46  : i32 {
          %scan3A_49 = arith.constant 0 : i32
          %scan3A_50 = arith.constant 0 : i32
          %scan3A_51 = arith.constant 5 : i32
          %scan3A_52 = arith.addi %scan3A_50, %scan3A_51 : i32
          %scan3A_53 = arith.constant 1 : i32
          scf.for %scan3A_63 = %scan3A_50 to %scan3A_52 step %scan3A_53  : i32 {
            %mul3A_64 = arith.constant 80 : i32
            %mul3A_65 = arith.muli %scan3A_48, %mul3A_64 : i32
            %mul3A_66 = arith.constant 16 : i32
            %mul3A_67 = arith.muli %scan3A_63, %mul3A_66 : i32
            %add3A_68 = arith.addi %mul3A_65, %mul3A_67 : i32
            %get3A = arith.index_cast %add3A_68 : i32 to index
            %get3A_69 = tpu.vector_load %arg6[%get3A] {strides = array<i32>} : memref<400xi32, #tpu.memory_space<vmem>>, vector<16xi32>,
            %add3A_70 = vector.broadcast %mul3A_38 : i32 to vector<16xi32>
            %add3A_71 = arith.addi %get3A_69, %add3A_70 : vector<16xi32>
            %mul3A_72 = arith.constant 16 : i32
            %mul3A_73 = arith.muli %scan3A_63, %mul3A_72 : i32
            %swap3A = arith.index_cast %mul3A_73 : i32 to index
            %swap3A_74 = tpu.vector_load %arg9[%swap3A] {strides = array<i32>} : memref<80xi32, #tpu.memory_space<vmem>>, vector<16xi32>,
            tpu.vector_store %arg9[%swap3A], %add3A_71 {strides = array<i32>} : memref<80xi32, #tpu.memory_space<vmem>>, vector<16xi32>,
            %get3A_75 = arith.index_cast %add3A_68 : i32 to index
            %get3A_76 = tpu.vector_load %arg7[%get3A_75] {strides = array<i32>} : memref<400xi32, #tpu.memory_space<vmem>>, vector<16xi32>,
            %add3A_77 = vector.broadcast %mul3A_38 : i32 to vector<16xi32>
            %add3A_78 = arith.addi %get3A_76, %add3A_77 : vector<16xi32>
            %mul3A_79 = arith.constant 16 : i32
            %mul3A_80 = arith.muli %scan3A_63, %mul3A_79 : i32
            %swap3A_81 = arith.index_cast %mul3A_80 : i32 to index
            %swap3A_82 = tpu.vector_load %arg10[%swap3A_81] {strides = array<i32>} : memref<80xi32, #tpu.memory_space<vmem>>, vector<16xi32>,
            tpu.vector_store %arg10[%swap3A_81], %add3A_78 {strides = array<i32>} : memref<80xi32, #tpu.memory_space<vmem>>, vector<16xi32>,
          }
          %scan3A_54 = arith.constant 5 : i32
          %scan3A_55 = arith.constant 0 : i32
          %scan3A_56 = arith.constant 0 : i32
          %scan3A_57 = arith.constant 80 : i32
          %scan3A_58 = arith.addi %scan3A_56, %scan3A_57 : i32
          %scan3A_59 = arith.constant 1 : i32
          scf.for %scan3A_63 = %scan3A_56 to %scan3A_58 step %scan3A_59  : i32 {
            %mul3A_64 = arith.constant 80 : i32
            %mul3A_65 = arith.muli %scan3A_48, %mul3A_64 : i32
            %add3A_66 = arith.addi %mul3A_65, %scan3A_63 : i32
            %get3A = arith.index_cast %add3A_66 : i32 to index
            %get3A_67 = arith.constant 0 : index
            %get3A_68 = tpu.vector_load %arg8[%get3A, %get3A_67] {strides = array<i32>} : memref<400x24xf32, #tpu.memory_space<vmem>>, vector<16xf32>,
            %sub3A = arith.subf %broadcast_in_dim3A_1, %get3A_68 : vector<16xf32>
            %swap3A = arith.index_cast %scan3A_63 : i32 to index
            %swap3A_69 = arith.constant 0 : index
            %swap3A_70 = tpu.vector_load %arg11[%swap3A, %swap3A_69] {strides = array<i32>} : memref<80x24xf32, #tpu.memory_space<vmem>>, vector<16xf32>,
            tpu.vector_store %arg11[%swap3A, %swap3A_69], %sub3A {strides = array<i32>} : memref<80x24xf32, #tpu.memory_space<vmem>>, vector<16xf32>,
            %mul3A_71 = arith.constant 80 : i32
            %mul3A_72 = arith.muli %scan3A_48, %mul3A_71 : i32
            %add3A_73 = arith.addi %mul3A_72, %scan3A_63 : i32
            %get3A_74 = arith.index_cast %add3A_73 : i32 to index
            %get3A_75 = arith.constant 8 : index
            %get3A_76 = tpu.vector_load %arg8[%get3A_74, %get3A_75] {strides = array<i32>} : memref<400x24xf32, #tpu.memory_space<vmem>>, vector<16xf32>,
            %sub3A_77 = arith.subf %broadcast_in_dim3A_1, %get3A_76 : vector<16xf32>
            %swap3A_78 = arith.index_cast %scan3A_63 : i32 to index
            %swap3A_79 = arith.constant 8 : index
            %swap3A_80 = tpu.vector_load %arg11[%swap3A_78, %swap3A_79] {strides = array<i32>} : memref<80x24xf32, #tpu.memory_space<vmem>>, vector<16xf32>,
            tpu.vector_store %arg11[%swap3A_78, %swap3A_79], %sub3A_77 {strides = array<i32>} : memref<80x24xf32, #tpu.memory_space<vmem>>, vector<16xf32>,
          }
          %scan3A_60 = arith.constant 80 : i32
          %mul3A_61 = arith.constant 80 : i32
          %mul3A_62 = arith.muli %scan3A_48, %mul3A_61 : i32
          "tpu.region"() ({
            %run_scoped3A = tpu.sem_alloc : memref<!tpu.dma_semaphore, #tpu.memory_space<semaphore_mem>>
            %dma_start3A = arith.constant 0 : i32
            %dma_start3A_63 = tpu.memref_slice %arg8[%mul3A_62, %dma_start3A] : memref<400x24xf32, #tpu.memory_space<vmem>> -> memref<80x24xf32, #tpu.memory_space<vmem>>
            %dma_start3A_64 = arith.constant 0 : i32
            %dma_start3A_65 = arith.constant 0 : i32
            %dma_start3A_66 = tpu.memref_slice %arg13[%dma_start3A_64, %dma_start3A_65] : memref<40960x24xf32, #tpu.memory_space<vmem_shared>> -> memref<40960x24xf32, #tpu.memory_space<vmem_shared>>
            tpu.enqueue_indirect_dma source(%dma_start3A_63 : memref<80x24xf32, #tpu.memory_space<vmem>>) target(%dma_start3A_66 : memref<40960x24xf32, #tpu.memory_space<vmem_shared>>) offsets(%arg10 : memref<80xi32, #tpu.memory_space<vmem>>) semaphore(%run_scoped3A : memref<!tpu.dma_semaphore, #tpu.memory_space<semaphore_mem>>) {add = true}
            %dma_wait3A = arith.constant 0 : i32
            %dma_wait3A_67 = tpu.memref_slice %arg8[%mul3A_62, %dma_wait3A] : memref<400x24xf32, #tpu.memory_space<vmem>> -> memref<80x24xf32, #tpu.memory_space<vmem>>
            %dma_wait3A_68 = arith.constant 0 : i32
            %dma_wait3A_69 = arith.constant 0 : i32
            %dma_wait3A_70 = tpu.memref_slice %arg13[%dma_wait3A_68, %dma_wait3A_69] : memref<40960x24xf32, #tpu.memory_space<vmem_shared>> -> memref<40960x24xf32, #tpu.memory_space<vmem_shared>>
            tpu.wait_indirect_dma semaphore(%run_scoped3A : memref<!tpu.dma_semaphore, #tpu.memory_space<semaphore_mem>>) src(%dma_wait3A_67 : memref<80x24xf32, #tpu.memory_space<vmem>>) dst(%dma_wait3A_70 : memref<40960x24xf32, #tpu.memory_space<vmem_shared>>)
            tpu.yield
          }) : () -> ()
          "tpu.region"() ({
            %run_scoped3A = tpu.sem_alloc : memref<!tpu.dma_semaphore, #tpu.memory_space<semaphore_mem>>
            %dma_start3A = arith.constant 0 : i32
            %dma_start3A_63 = arith.constant 0 : i32
            %dma_start3A_64 = tpu.memref_slice %arg13[%dma_start3A, %dma_start3A_63] : memref<40960x24xf32, #tpu.memory_space<vmem_shared>> -> memref<40960x24xf32, #tpu.memory_space<vmem_shared>>
            tpu.enqueue_indirect_dma source(%arg11 : memref<80x24xf32, #tpu.memory_space<vmem>>) target(%dma_start3A_64 : memref<40960x24xf32, #tpu.memory_space<vmem_shared>>) offsets(%arg9 : memref<80xi32, #tpu.memory_space<vmem>>) semaphore(%run_scoped3A : memref<!tpu.dma_semaphore, #tpu.memory_space<semaphore_mem>>) {add = true}
            %dma_wait3A = arith.constant 0 : i32
            %dma_wait3A_65 = arith.constant 0 : i32
            %dma_wait3A_66 = tpu.memref_slice %arg13[%dma_wait3A, %dma_wait3A_65] : memref<40960x24xf32, #tpu.memory_space<vmem_shared>> -> memref<40960x24xf32, #tpu.memory_space<vmem_shared>>
            tpu.wait_indirect_dma semaphore(%run_scoped3A : memref<!tpu.dma_semaphore, #tpu.memory_space<semaphore_mem>>) src(%arg11 : memref<80x24xf32, #tpu.memory_space<vmem>>) dst(%dma_wait3A_66 : memref<40960x24xf32, #tpu.memory_space<vmem_shared>>)
            tpu.yield
          }) : () -> ()
        }
        %scan3A_47 = arith.constant 5 : i32
      }
      %scan3A_35 = arith.constant 4 : i32
    }
    %scan3A_18 = arith.constant 10 : i32
    %barrier3A_19 = arith.constant 0 : index
    tpu.barrier barrier_id(%barrier3A_19)
    %mul3A_20 = arith.constant 2560 : i32
    %mul3A_21 = arith.muli %arg1, %mul3A_20 : i32
    %mul3A_22 = arith.constant 2560 : i32
    %mul3A_23 = arith.muli %arg1, %mul3A_22 : i32
    "tpu.region"() ({
      %run_scoped3A = tpu.sem_alloc : memref<!tpu.dma_semaphore, #tpu.memory_space<semaphore_mem>>
      %dma_start3A = arith.constant 0 : i32
      %dma_start3A_24 = tpu.memref_slice %arg5[%arg0, %mul3A_23, %dma_start3A] : memref<2x40960x24xf32, #tpu.memory_space<hbm>> -> memref<1x2560x24xf32, #tpu.memory_space<hbm>>
      %dma_start3A_25 = tpu.memref_squeeze %dma_start3A_24 : memref<1x2560x24xf32, #tpu.memory_space<hbm>> -> memref<2560x24xf32, #tpu.memory_space<hbm>>
      %dma_start3A_26 = arith.constant 0 : i32
      %dma_start3A_27 = tpu.memref_slice %arg13[%mul3A_21, %dma_start3A_26] : memref<40960x24xf32, #tpu.memory_space<vmem_shared>> -> memref<2560x24xf32, #tpu.memory_space<vmem_shared>>
      tpu.enqueue_dma source(%dma_start3A_27 : memref<2560x24xf32, #tpu.memory_space<vmem_shared>>) target(%dma_start3A_25 : memref<2560x24xf32, #tpu.memory_space<hbm>>) target_semaphore(%run_scoped3A : memref<!tpu.dma_semaphore, #tpu.memory_space<semaphore_mem>>)
      %dma_wait3A = arith.constant 0 : i32
      %dma_wait3A_28 = tpu.memref_slice %arg5[%arg0, %mul3A_23, %dma_wait3A] : memref<2x40960x24xf32, #tpu.memory_space<hbm>> -> memref<1x2560x24xf32, #tpu.memory_space<hbm>>
      %dma_wait3A_29 = tpu.memref_squeeze %dma_wait3A_28 : memref<1x2560x24xf32, #tpu.memory_space<hbm>> -> memref<2560x24xf32, #tpu.memory_space<hbm>>
      %dma_wait3A_30 = arith.constant 0 : i32
      %dma_wait3A_31 = tpu.memref_slice %arg13[%mul3A_21, %dma_wait3A_30] : memref<40960x24xf32, #tpu.memory_space<vmem_shared>> -> memref<2560x24xf32, #tpu.memory_space<vmem_shared>>
      tpu.wait_dma2 semaphore(%run_scoped3A : memref<!tpu.dma_semaphore, #tpu.memory_space<semaphore_mem>>) src(%dma_wait3A_31 : memref<2560x24xf32, #tpu.memory_space<vmem_shared>>) dst(%dma_wait3A_29 : memref<2560x24xf32, #tpu.memory_space<hbm>>)
      tpu.yield
    }) : () -> ()
    return
  }
}

#map = affine_map<(d0, d1) -> (0)>
#map1 = affine_map<(d0, d1) -> (0, 0)>
#map2 = affine_map<(d0, d1) -> (0, 0, 0)>
module attributes {stable_mosaic.version = 14 : i64} {
  func.func @_sc_scatter(%arg0: i32, %arg1: i32, %arg2: memref<128000xi32, #tpu.memory_space<hbm>>, %arg3: memref<128000xi32, #tpu.memory_space<hbm>>, %arg4: memref<512000x24xf32, #tpu.memory_space<hbm>>, %arg5: memref<2x40960x24xf32, #tpu.memory_space<hbm>>, %arg6: memref<400xi32, #tpu.memory_space<vmem>>, %arg7: memref<400xi32, #tpu.memory_space<vmem>>, %arg8: memref<400x24xf32, #tpu.memory_space<vmem>>, %arg9: memref<80xi32, #tpu.memory_space<vmem>>, %arg10: memref<80xi32, #tpu.memory_space<vmem>>, %arg11: memref<80x24xf32, #tpu.memory_space<vmem>>, %arg12: memref<128x24xf32, #tpu.memory_space<vmem>>, %arg13: memref<40960x24xf32, #tpu.memory_space<vmem_shared>>) attributes {dimension_semantics = [#tpu.dimension_semantics<core_parallel>, #tpu.dimension_semantics<subcore_parallel>], iteration_bounds = array<i64: 2, 16>, scalar_prefetch = 0 : i64, scratch_operands = 8 : i64, tpu.core_type = #tpu.core_type<sc_vector_subcore>, window_params = [{transform_indices = #map}, {transform_indices = #map}, {transform_indices = #map1}, {transform_indices = #map2}]} {
    %mul3A = arith.constant 2 : i32
    %mul3A_0 = arith.muli %arg1, %mul3A : i32
    %add3A = arith.addi %mul3A_0, %arg0 : i32
    %broadcast_in_dim3A = arith.constant 0.000000e+00 : f32
    %broadcast_in_dim3A_1 = vector.broadcast %broadcast_in_dim3A : f32 to vector<16xf32>
    %scan3A = arith.constant 0 : i32
    %scan3A_2 = arith.constant 0 : i32
    %scan3A_3 = arith.constant 128 : i32
    %scan3A_4 = arith.addi %scan3A_2, %scan3A_3 : i32
    %scan3A_5 = arith.constant 1 : i32
    scf.for %scan3A_24 = %scan3A_2 to %scan3A_4 step %scan3A_5  : i32 {
      %swap3A = arith.index_cast %scan3A_24 : i32 to index
      %swap3A_25 = arith.constant 0 : index
      %swap3A_26 = tpu.vector_load %arg12[%swap3A, %swap3A_25] {strides = array<i32>} : memref<128x24xf32, #tpu.memory_space<vmem>>, vector<16xf32>,
      tpu.vector_store %arg12[%swap3A, %swap3A_25], %broadcast_in_dim3A_1 {strides = array<i32>} : memref<128x24xf32, #tpu.memory_space<vmem>>, vector<16xf32>,
      %swap3A_27 = arith.index_cast %scan3A_24 : i32 to index
      %swap3A_28 = arith.constant 8 : index
      %swap3A_29 = tpu.vector_load %arg12[%swap3A_27, %swap3A_28] {strides = array<i32>} : memref<128x24xf32, #tpu.memory_space<vmem>>, vector<16xf32>,
      tpu.vector_store %arg12[%swap3A_27, %swap3A_28], %broadcast_in_dim3A_1 {strides = array<i32>} : memref<128x24xf32, #tpu.memory_space<vmem>>, vector<16xf32>,
    }
    %scan3A_6 = arith.constant 128 : i32
    %scan3A_7 = arith.constant 0 : i32
    %scan3A_8 = arith.constant 0 : i32
    %scan3A_9 = arith.constant 20 : i32
    %scan3A_10 = arith.addi %scan3A_8, %scan3A_9 : i32
    %scan3A_11 = arith.constant 1 : i32
    scf.for %scan3A_24 = %scan3A_8 to %scan3A_10 step %scan3A_11  : i32 {
      %mul3A_25 = arith.constant 2560 : i32
      %mul3A_26 = arith.muli %arg1, %mul3A_25 : i32
      %mul3A_27 = arith.constant 128 : i32
      %mul3A_28 = arith.muli %scan3A_24, %mul3A_27 : i32
      %add3A_29 = arith.addi %mul3A_26, %mul3A_28 : i32
      "tpu.region"() ({
        %run_scoped3A = tpu.sem_alloc : memref<!tpu.dma_semaphore, #tpu.memory_space<semaphore_mem>>
        %dma_start3A = arith.constant 0 : i32
        %dma_start3A_30 = tpu.memref_slice %arg13[%add3A_29, %dma_start3A] : memref<40960x24xf32, #tpu.memory_space<vmem_shared>> -> memref<128x24xf32, #tpu.memory_space<vmem_shared>>
        %dma_start3A_31 = arith.constant 0 : i32
        %dma_start3A_32 = tpu.memref_slice %arg13[%add3A_29, %dma_start3A_31] : memref<40960x24xf32, #tpu.memory_space<vmem_shared>> -> memref<128x24xf32, #tpu.memory_space<vmem_shared>>
        tpu.enqueue_dma source(%arg12 : memref<128x24xf32, #tpu.memory_space<vmem>>) target(%dma_start3A_32 : memref<128x24xf32, #tpu.memory_space<vmem_shared>>) target_semaphore(%run_scoped3A : memref<!tpu.dma_semaphore, #tpu.memory_space<semaphore_mem>>)
        %dma_wait3A = arith.constant 0 : i32
        %dma_wait3A_33 = tpu.memref_slice %arg13[%add3A_29, %dma_wait3A] : memref<40960x24xf32, #tpu.memory_space<vmem_shared>> -> memref<128x24xf32, #tpu.memory_space<vmem_shared>>
        %dma_wait3A_34 = arith.constant 0 : i32
        %dma_wait3A_35 = tpu.memref_slice %arg13[%add3A_29, %dma_wait3A_34] : memref<40960x24xf32, #tpu.memory_space<vmem_shared>> -> memref<128x24xf32, #tpu.memory_space<vmem_shared>>
        tpu.wait_dma2 semaphore(%run_scoped3A : memref<!tpu.dma_semaphore, #tpu.memory_space<semaphore_mem>>) src(%arg12 : memref<128x24xf32, #tpu.memory_space<vmem>>) dst(%dma_wait3A_35 : memref<128x24xf32, #tpu.memory_space<vmem_shared>>)
        tpu.yield
      }) : () -> ()
    }
    %scan3A_12 = arith.constant 20 : i32
    %barrier3A = arith.constant 0 : index
    tpu.barrier barrier_id(%barrier3A)
    %scan3A_13 = arith.constant 0 : i32
    %scan3A_14 = arith.constant 0 : i32
    %scan3A_15 = arith.constant 10 : i32
    %scan3A_16 = arith.addi %scan3A_14, %scan3A_15 : i32
    %scan3A_17 = arith.constant 1 : i32
    scf.for %scan3A_24 = %scan3A_14 to %scan3A_16 step %scan3A_17  : i32 {
      %mul3A_25 = arith.constant 4000 : i32
      %mul3A_26 = arith.muli %add3A, %mul3A_25 : i32
      %mul3A_27 = arith.constant 400 : i32
      %mul3A_28 = arith.muli %scan3A_24, %mul3A_27 : i32
      %add3A_29 = arith.addi %mul3A_26, %mul3A_28 : i32
      "tpu.region"() ({
        %run_scoped3A = tpu.sem_alloc : memref<!tpu.dma_semaphore, #tpu.memory_space<semaphore_mem>>
        %dma_start3A = tpu.memref_slice %arg2[%add3A_29] : memref<128000xi32, #tpu.memory_space<hbm>> -> memref<400xi32, #tpu.memory_space<hbm>>
        %dma_start3A_36 = tpu.memref_slice %arg2[%add3A_29] : memref<128000xi32, #tpu.memory_space<hbm>> -> memref<400xi32, #tpu.memory_space<hbm>>
        tpu.enqueue_dma source(%dma_start3A_36 : memref<400xi32, #tpu.memory_space<hbm>>) target(%arg6 : memref<400xi32, #tpu.memory_space<vmem>>) target_semaphore(%run_scoped3A : memref<!tpu.dma_semaphore, #tpu.memory_space<semaphore_mem>>)
        %dma_wait3A = tpu.memref_slice %arg2[%add3A_29] : memref<128000xi32, #tpu.memory_space<hbm>> -> memref<400xi32, #tpu.memory_space<hbm>>
        %dma_wait3A_37 = tpu.memref_slice %arg2[%add3A_29] : memref<128000xi32, #tpu.memory_space<hbm>> -> memref<400xi32, #tpu.memory_space<hbm>>
        tpu.wait_dma2 semaphore(%run_scoped3A : memref<!tpu.dma_semaphore, #tpu.memory_space<semaphore_mem>>) src(%dma_wait3A_37 : memref<400xi32, #tpu.memory_space<hbm>>) dst(%arg6 : memref<400xi32, #tpu.memory_space<vmem>>)
        tpu.yield
      }) : () -> ()
      "tpu.region"() ({
        %run_scoped3A = tpu.sem_alloc : memref<!tpu.dma_semaphore, #tpu.memory_space<semaphore_mem>>
        %dma_start3A = tpu.memref_slice %arg3[%add3A_29] : memref<128000xi32, #tpu.memory_space<hbm>> -> memref<400xi32, #tpu.memory_space<hbm>>
        %dma_start3A_36 = tpu.memref_slice %arg3[%add3A_29] : memref<128000xi32, #tpu.memory_space<hbm>> -> memref<400xi32, #tpu.memory_space<hbm>>
        tpu.enqueue_dma source(%dma_start3A_36 : memref<400xi32, #tpu.memory_space<hbm>>) target(%arg7 : memref<400xi32, #tpu.memory_space<vmem>>) target_semaphore(%run_scoped3A : memref<!tpu.dma_semaphore, #tpu.memory_space<semaphore_mem>>)
        %dma_wait3A = tpu.memref_slice %arg3[%add3A_29] : memref<128000xi32, #tpu.memory_space<hbm>> -> memref<400xi32, #tpu.memory_space<hbm>>
        %dma_wait3A_37 = tpu.memref_slice %arg3[%add3A_29] : memref<128000xi32, #tpu.memory_space<hbm>> -> memref<400xi32, #tpu.memory_space<hbm>>
        tpu.wait_dma2 semaphore(%run_scoped3A : memref<!tpu.dma_semaphore, #tpu.memory_space<semaphore_mem>>) src(%dma_wait3A_37 : memref<400xi32, #tpu.memory_space<hbm>>) dst(%arg7 : memref<400xi32, #tpu.memory_space<vmem>>)
        tpu.yield
      }) : () -> ()
      %scan3A_30 = arith.constant 0 : i32
      %scan3A_31 = arith.constant 0 : i32
      %scan3A_32 = arith.constant 4 : i32
      %scan3A_33 = arith.addi %scan3A_31, %scan3A_32 : i32
      %scan3A_34 = arith.constant 1 : i32
      scf.for %scan3A_36 = %scan3A_31 to %scan3A_33 step %scan3A_34  : i32 {
        %mul3A_37 = arith.constant 10000 : i32
        %mul3A_38 = arith.muli %scan3A_36, %mul3A_37 : i32
        %mul3A_39 = arith.constant 128000 : i32
        %mul3A_40 = arith.muli %scan3A_36, %mul3A_39 : i32
        %add3A_41 = arith.addi %mul3A_40, %add3A_29 : i32
        "tpu.region"() ({
          %run_scoped3A = tpu.sem_alloc : memref<!tpu.dma_semaphore, #tpu.memory_space<semaphore_mem>>
          %dma_start3A = arith.constant 0 : i32
          %dma_start3A_48 = tpu.memref_slice %arg4[%add3A_41, %dma_start3A] : memref<512000x24xf32, #tpu.memory_space<hbm>> -> memref<400x24xf32, #tpu.memory_space<hbm>>
          %dma_start3A_49 = arith.constant 0 : i32
          %dma_start3A_50 = tpu.memref_slice %arg4[%add3A_41, %dma_start3A_49] : memref<512000x24xf32, #tpu.memory_space<hbm>> -> memref<400x24xf32, #tpu.memory_space<hbm>>
          tpu.enqueue_dma source(%dma_start3A_50 : memref<400x24xf32, #tpu.memory_space<hbm>>) target(%arg8 : memref<400x24xf32, #tpu.memory_space<vmem>>) target_semaphore(%run_scoped3A : memref<!tpu.dma_semaphore, #tpu.memory_space<semaphore_mem>>)
          %dma_wait3A = arith.constant 0 : i32
          %dma_wait3A_51 = tpu.memref_slice %arg4[%add3A_41, %dma_wait3A] : memref<512000x24xf32, #tpu.memory_space<hbm>> -> memref<400x24xf32, #tpu.memory_space<hbm>>
          %dma_wait3A_52 = arith.constant 0 : i32
          %dma_wait3A_53 = tpu.memref_slice %arg4[%add3A_41, %dma_wait3A_52] : memref<512000x24xf32, #tpu.memory_space<hbm>> -> memref<400x24xf32, #tpu.memory_space<hbm>>
          tpu.wait_dma2 semaphore(%run_scoped3A : memref<!tpu.dma_semaphore, #tpu.memory_space<semaphore_mem>>) src(%dma_wait3A_53 : memref<400x24xf32, #tpu.memory_space<hbm>>) dst(%arg8 : memref<400x24xf32, #tpu.memory_space<vmem>>)
          tpu.yield
        }) : () -> ()
        %scan3A_42 = arith.constant 0 : i32
        %scan3A_43 = arith.constant 0 : i32
        %scan3A_44 = arith.constant 5 : i32
        %scan3A_45 = arith.addi %scan3A_43, %scan3A_44 : i32
        %scan3A_46 = arith.constant 1 : i32
        scf.for %scan3A_48 = %scan3A_43 to %scan3A_45 step %scan3A_46  : i32 {
          %scan3A_49 = arith.constant 0 : i32
          %scan3A_50 = arith.constant 0 : i32
          %scan3A_51 = arith.constant 5 : i32
          %scan3A_52 = arith.addi %scan3A_50, %scan3A_51 : i32
          %scan3A_53 = arith.constant 1 : i32
          scf.for %scan3A_63 = %scan3A_50 to %scan3A_52 step %scan3A_53  : i32 {
            %mul3A_64 = arith.constant 80 : i32
            %mul3A_65 = arith.muli %scan3A_48, %mul3A_64 : i32
            %mul3A_66 = arith.constant 16 : i32
            %mul3A_67 = arith.muli %scan3A_63, %mul3A_66 : i32
            %add3A_68 = arith.addi %mul3A_65, %mul3A_67 : i32
            %get3A = arith.index_cast %add3A_68 : i32 to index
            %get3A_69 = tpu.vector_load %arg6[%get3A] {strides = array<i32>} : memref<400xi32, #tpu.memory_space<vmem>>, vector<16xi32>,
            %add3A_70 = vector.broadcast %mul3A_38 : i32 to vector<16xi32>
            %add3A_71 = arith.addi %get3A_69, %add3A_70 : vector<16xi32>
            %mul3A_72 = arith.constant 16 : i32
            %mul3A_73 = arith.muli %scan3A_63, %mul3A_72 : i32
            %swap3A = arith.index_cast %mul3A_73 : i32 to index
            %swap3A_74 = tpu.vector_load %arg9[%swap3A] {strides = array<i32>} : memref<80xi32, #tpu.memory_space<vmem>>, vector<16xi32>,
            tpu.vector_store %arg9[%swap3A], %add3A_71 {strides = array<i32>} : memref<80xi32, #tpu.memory_space<vmem>>, vector<16xi32>,
            %get3A_75 = arith.index_cast %add3A_68 : i32 to index
            %get3A_76 = tpu.vector_load %arg7[%get3A_75] {strides = array<i32>} : memref<400xi32, #tpu.memory_space<vmem>>, vector<16xi32>,
            %add3A_77 = vector.broadcast %mul3A_38 : i32 to vector<16xi32>
            %add3A_78 = arith.addi %get3A_76, %add3A_77 : vector<16xi32>
            %mul3A_79 = arith.constant 16 : i32
            %mul3A_80 = arith.muli %scan3A_63, %mul3A_79 : i32
            %swap3A_81 = arith.index_cast %mul3A_80 : i32 to index
            %swap3A_82 = tpu.vector_load %arg10[%swap3A_81] {strides = array<i32>} : memref<80xi32, #tpu.memory_space<vmem>>, vector<16xi32>,
            tpu.vector_store %arg10[%swap3A_81], %add3A_78 {strides = array<i32>} : memref<80xi32, #tpu.memory_space<vmem>>, vector<16xi32>,
          }
          %scan3A_54 = arith.constant 5 : i32
          %scan3A_55 = arith.constant 0 : i32
          %scan3A_56 = arith.constant 0 : i32
          %scan3A_57 = arith.constant 80 : i32
          %scan3A_58 = arith.addi %scan3A_56, %scan3A_57 : i32
          %scan3A_59 = arith.constant 1 : i32
          scf.for %scan3A_63 = %scan3A_56 to %scan3A_58 step %scan3A_59  : i32 {
            %mul3A_64 = arith.constant 80 : i32
            %mul3A_65 = arith.muli %scan3A_48, %mul3A_64 : i32
            %add3A_66 = arith.addi %mul3A_65, %scan3A_63 : i32
            %get3A = arith.index_cast %add3A_66 : i32 to index
            %get3A_67 = arith.constant 0 : index
            %get3A_68 = tpu.vector_load %arg8[%get3A, %get3A_67] {strides = array<i32>} : memref<400x24xf32, #tpu.memory_space<vmem>>, vector<16xf32>,
            %sub3A = arith.subf %broadcast_in_dim3A_1, %get3A_68 : vector<16xf32>
            %swap3A = arith.index_cast %scan3A_63 : i32 to index
            %swap3A_69 = arith.constant 0 : index
            %swap3A_70 = tpu.vector_load %arg11[%swap3A, %swap3A_69] {strides = array<i32>} : memref<80x24xf32, #tpu.memory_space<vmem>>, vector<16xf32>,
            tpu.vector_store %arg11[%swap3A, %swap3A_69], %sub3A {strides = array<i32>} : memref<80x24xf32, #tpu.memory_space<vmem>>, vector<16xf32>,
            %mul3A_71 = arith.constant 80 : i32
            %mul3A_72 = arith.muli %scan3A_48, %mul3A_71 : i32
            %add3A_73 = arith.addi %mul3A_72, %scan3A_63 : i32
            %get3A_74 = arith.index_cast %add3A_73 : i32 to index
            %get3A_75 = arith.constant 8 : index
            %get3A_76 = tpu.vector_load %arg8[%get3A_74, %get3A_75] {strides = array<i32>} : memref<400x24xf32, #tpu.memory_space<vmem>>, vector<16xf32>,
            %sub3A_77 = arith.subf %broadcast_in_dim3A_1, %get3A_76 : vector<16xf32>
            %swap3A_78 = arith.index_cast %scan3A_63 : i32 to index
            %swap3A_79 = arith.constant 8 : index
            %swap3A_80 = tpu.vector_load %arg11[%swap3A_78, %swap3A_79] {strides = array<i32>} : memref<80x24xf32, #tpu.memory_space<vmem>>, vector<16xf32>,
            tpu.vector_store %arg11[%swap3A_78, %swap3A_79], %sub3A_77 {strides = array<i32>} : memref<80x24xf32, #tpu.memory_space<vmem>>, vector<16xf32>,
          }
          %scan3A_60 = arith.constant 80 : i32
          %mul3A_61 = arith.constant 80 : i32
          %mul3A_62 = arith.muli %scan3A_48, %mul3A_61 : i32
          "tpu.region"() ({
            %run_scoped3A = tpu.sem_alloc : memref<!tpu.dma_semaphore, #tpu.memory_space<semaphore_mem>>
            %dma_start3A = arith.constant 0 : i32
            %dma_start3A_63 = tpu.memref_slice %arg8[%mul3A_62, %dma_start3A] : memref<400x24xf32, #tpu.memory_space<vmem>> -> memref<80x24xf32, #tpu.memory_space<vmem>>
            %dma_start3A_64 = arith.constant 0 : i32
            %dma_start3A_65 = arith.constant 0 : i32
            %dma_start3A_66 = tpu.memref_slice %arg13[%dma_start3A_64, %dma_start3A_65] : memref<40960x24xf32, #tpu.memory_space<vmem_shared>> -> memref<40960x24xf32, #tpu.memory_space<vmem_shared>>
            tpu.enqueue_indirect_dma source(%dma_start3A_63 : memref<80x24xf32, #tpu.memory_space<vmem>>) target(%dma_start3A_66 : memref<40960x24xf32, #tpu.memory_space<vmem_shared>>) offsets(%arg10 : memref<80xi32, #tpu.memory_space<vmem>>) semaphore(%run_scoped3A : memref<!tpu.dma_semaphore, #tpu.memory_space<semaphore_mem>>) {add = true}
            %dma_wait3A = arith.constant 0 : i32
            %dma_wait3A_67 = tpu.memref_slice %arg8[%mul3A_62, %dma_wait3A] : memref<400x24xf32, #tpu.memory_space<vmem>> -> memref<80x24xf32, #tpu.memory_space<vmem>>
            %dma_wait3A_68 = arith.constant 0 : i32
            %dma_wait3A_69 = arith.constant 0 : i32
            %dma_wait3A_70 = tpu.memref_slice %arg13[%dma_wait3A_68, %dma_wait3A_69] : memref<40960x24xf32, #tpu.memory_space<vmem_shared>> -> memref<40960x24xf32, #tpu.memory_space<vmem_shared>>
            tpu.wait_indirect_dma semaphore(%run_scoped3A : memref<!tpu.dma_semaphore, #tpu.memory_space<semaphore_mem>>) src(%dma_wait3A_67 : memref<80x24xf32, #tpu.memory_space<vmem>>) dst(%dma_wait3A_70 : memref<40960x24xf32, #tpu.memory_space<vmem_shared>>)
            tpu.yield
          }) : () -> ()
          "tpu.region"() ({
            %run_scoped3A = tpu.sem_alloc : memref<!tpu.dma_semaphore, #tpu.memory_space<semaphore_mem>>
            %dma_start3A = arith.constant 0 : i32
            %dma_start3A_63 = arith.constant 0 : i32
            %dma_start3A_64 = tpu.memref_slice %arg13[%dma_start3A, %dma_start3A_63] : memref<40960x24xf32, #tpu.memory_space<vmem_shared>> -> memref<40960x24xf32, #tpu.memory_space<vmem_shared>>
            tpu.enqueue_indirect_dma source(%arg11 : memref<80x24xf32, #tpu.memory_space<vmem>>) target(%dma_start3A_64 : memref<40960x24xf32, #tpu.memory_space<vmem_shared>>) offsets(%arg9 : memref<80xi32, #tpu.memory_space<vmem>>) semaphore(%run_scoped3A : memref<!tpu.dma_semaphore, #tpu.memory_space<semaphore_mem>>) {add = true}
            %dma_wait3A = arith.constant 0 : i32
            %dma_wait3A_65 = arith.constant 0 : i32
            %dma_wait3A_66 = tpu.memref_slice %arg13[%dma_wait3A, %dma_wait3A_65] : memref<40960x24xf32, #tpu.memory_space<vmem_shared>> -> memref<40960x24xf32, #tpu.memory_space<vmem_shared>>
            tpu.wait_indirect_dma semaphore(%run_scoped3A : memref<!tpu.dma_semaphore, #tpu.memory_space<semaphore_mem>>) src(%arg11 : memref<80x24xf32, #tpu.memory_space<vmem>>) dst(%dma_wait3A_66 : memref<40960x24xf32, #tpu.memory_space<vmem_shared>>)
            tpu.yield
          }) : () -> ()
        }
        %scan3A_47 = arith.constant 5 : i32
      }
      %scan3A_35 = arith.constant 4 : i32
    }
    %scan3A_18 = arith.constant 10 : i32
    %barrier3A_19 = arith.constant 0 : index
    tpu.barrier barrier_id(%barrier3A_19)
    %mul3A_20 = arith.constant 2560 : i32
    %mul3A_21 = arith.muli %arg1, %mul3A_20 : i32
    %mul3A_22 = arith.constant 2560 : i32
    %mul3A_23 = arith.muli %arg1, %mul3A_22 : i32
    "tpu.region"() ({
      %run_scoped3A = tpu.sem_alloc : memref<!tpu.dma_semaphore, #tpu.memory_space<semaphore_mem>>
      %dma_start3A = arith.constant 0 : i32
      %dma_start3A_24 = tpu.memref_slice %arg5[%arg0, %mul3A_23, %dma_start3A] : memref<2x40960x24xf32, #tpu.memory_space<hbm>> -> memref<1x2560x24xf32, #tpu.memory_space<hbm>>
      %dma_start3A_25 = tpu.memref_squeeze %dma_start3A_24 : memref<1x2560x24xf32, #tpu.memory_space<hbm>> -> memref<2560x24xf32, #tpu.memory_space<hbm>>
      %dma_start3A_26 = arith.constant 0 : i32
      %dma_start3A_27 = tpu.memref_slice %arg13[%mul3A_21, %dma_start3A_26] : memref<40960x24xf32, #tpu.memory_space<vmem_shared>> -> memref<2560x24xf32, #tpu.memory_space<vmem_shared>>
      tpu.enqueue_dma source(%dma_start3A_27 : memref<2560x24xf32, #tpu.memory_space<vmem_shared>>) target(%dma_start3A_25 : memref<2560x24xf32, #tpu.memory_space<hbm>>) target_semaphore(%run_scoped3A : memref<!tpu.dma_semaphore, #tpu.memory_space<semaphore_mem>>)
      %dma_wait3A = arith.constant 0 : i32
      %dma_wait3A_28 = tpu.memref_slice %arg5[%arg0, %mul3A_23, %dma_wait3A] : memref<2x40960x24xf32, #tpu.memory_space<hbm>> -> memref<1x2560x24xf32, #tpu.memory_space<hbm>>
      %dma_wait3A_29 = tpu.memref_squeeze %dma_wait3A_28 : memref<1x2560x24xf32, #tpu.memory_space<hbm>> -> memref<2560x24xf32, #tpu.memory_space<hbm>>
      %dma_wait3A_30 = arith.constant 0 : i32
      %dma_wait3A_31 = tpu.memref_slice %arg13[%mul3A_21, %dma_wait3A_30] : memref<40960x24xf32, #tpu.memory_space<vmem_shared>> -> memref<2560x24xf32, #tpu.memory_space<vmem_shared>>
      tpu.wait_dma2 semaphore(%run_scoped3A : memref<!tpu.dma_semaphore, #tpu.memory_space<semaphore_mem>>) src(%dma_wait3A_31 : memref<2560x24xf32, #tpu.memory_space<vmem_shared>>) dst(%dma_wait3A_29 : memref<2560x24xf32, #tpu.memory_space<hbm>>)
      tpu.yield
    }) : () -> ()
    return
  }
}

#map = affine_map<(d0, d1) -> (0)>
#map1 = affine_map<(d0, d1) -> (0, 0)>
#map2 = affine_map<(d0, d1) -> (0, 0, 0)>
module attributes {stable_mosaic.version = 14 : i64} {
  func.func @_sc_scatter(%arg0: i32, %arg1: i32, %arg2: memref<128000xi32, #tpu.memory_space<hbm>>, %arg3: memref<128000xi32, #tpu.memory_space<hbm>>, %arg4: memref<512000x24xf32, #tpu.memory_space<hbm>>, %arg5: memref<2x40960x24xf32, #tpu.memory_space<hbm>>, %arg6: memref<400xi32, #tpu.memory_space<vmem>>, %arg7: memref<400xi32, #tpu.memory_space<vmem>>, %arg8: memref<400x24xf32, #tpu.memory_space<vmem>>, %arg9: memref<80xi32, #tpu.memory_space<vmem>>, %arg10: memref<80xi32, #tpu.memory_space<vmem>>, %arg11: memref<80x24xf32, #tpu.memory_space<vmem>>, %arg12: memref<128x24xf32, #tpu.memory_space<vmem>>, %arg13: memref<40960x24xf32, #tpu.memory_space<vmem_shared>>) attributes {dimension_semantics = [#tpu.dimension_semantics<core_parallel>, #tpu.dimension_semantics<subcore_parallel>], iteration_bounds = array<i64: 2, 16>, scalar_prefetch = 0 : i64, scratch_operands = 8 : i64, tpu.core_type = #tpu.core_type<sc_vector_subcore>, window_params = [{transform_indices = #map}, {transform_indices = #map}, {transform_indices = #map1}, {transform_indices = #map2}]} {
    %mul3A = arith.constant 2 : i32
    %mul3A_0 = arith.muli %arg1, %mul3A : i32
    %add3A = arith.addi %mul3A_0, %arg0 : i32
    %broadcast_in_dim3A = arith.constant 0.000000e+00 : f32
    %broadcast_in_dim3A_1 = vector.broadcast %broadcast_in_dim3A : f32 to vector<16xf32>
    %scan3A = arith.constant 0 : i32
    %scan3A_2 = arith.constant 0 : i32
    %scan3A_3 = arith.constant 128 : i32
    %scan3A_4 = arith.addi %scan3A_2, %scan3A_3 : i32
    %scan3A_5 = arith.constant 1 : i32
    scf.for %scan3A_24 = %scan3A_2 to %scan3A_4 step %scan3A_5  : i32 {
      %swap3A = arith.index_cast %scan3A_24 : i32 to index
      %swap3A_25 = arith.constant 0 : index
      %swap3A_26 = tpu.vector_load %arg12[%swap3A, %swap3A_25] {strides = array<i32>} : memref<128x24xf32, #tpu.memory_space<vmem>>, vector<16xf32>,
      tpu.vector_store %arg12[%swap3A, %swap3A_25], %broadcast_in_dim3A_1 {strides = array<i32>} : memref<128x24xf32, #tpu.memory_space<vmem>>, vector<16xf32>,
      %swap3A_27 = arith.index_cast %scan3A_24 : i32 to index
      %swap3A_28 = arith.constant 8 : index
      %swap3A_29 = tpu.vector_load %arg12[%swap3A_27, %swap3A_28] {strides = array<i32>} : memref<128x24xf32, #tpu.memory_space<vmem>>, vector<16xf32>,
      tpu.vector_store %arg12[%swap3A_27, %swap3A_28], %broadcast_in_dim3A_1 {strides = array<i32>} : memref<128x24xf32, #tpu.memory_space<vmem>>, vector<16xf32>,
    }
    %scan3A_6 = arith.constant 128 : i32
    %scan3A_7 = arith.constant 0 : i32
    %scan3A_8 = arith.constant 0 : i32
    %scan3A_9 = arith.constant 20 : i32
    %scan3A_10 = arith.addi %scan3A_8, %scan3A_9 : i32
    %scan3A_11 = arith.constant 1 : i32
    scf.for %scan3A_24 = %scan3A_8 to %scan3A_10 step %scan3A_11  : i32 {
      %mul3A_25 = arith.constant 2560 : i32
      %mul3A_26 = arith.muli %arg1, %mul3A_25 : i32
      %mul3A_27 = arith.constant 128 : i32
      %mul3A_28 = arith.muli %scan3A_24, %mul3A_27 : i32
      %add3A_29 = arith.addi %mul3A_26, %mul3A_28 : i32
      "tpu.region"() ({
        %run_scoped3A = tpu.sem_alloc : memref<!tpu.dma_semaphore, #tpu.memory_space<semaphore_mem>>
        %dma_start3A = arith.constant 0 : i32
        %dma_start3A_30 = tpu.memref_slice %arg13[%add3A_29, %dma_start3A] : memref<40960x24xf32, #tpu.memory_space<vmem_shared>> -> memref<128x24xf32, #tpu.memory_space<vmem_shared>>
        %dma_start3A_31 = arith.constant 0 : i32
        %dma_start3A_32 = tpu.memref_slice %arg13[%add3A_29, %dma_start3A_31] : memref<40960x24xf32, #tpu.memory_space<vmem_shared>> -> memref<128x24xf32, #tpu.memory_space<vmem_shared>>
        tpu.enqueue_dma source(%arg12 : memref<128x24xf32, #tpu.memory_space<vmem>>) target(%dma_start3A_32 : memref<128x24xf32, #tpu.memory_space<vmem_shared>>) target_semaphore(%run_scoped3A : memref<!tpu.dma_semaphore, #tpu.memory_space<semaphore_mem>>)
        %dma_wait3A = arith.constant 0 : i32
        %dma_wait3A_33 = tpu.memref_slice %arg13[%add3A_29, %dma_wait3A] : memref<40960x24xf32, #tpu.memory_space<vmem_shared>> -> memref<128x24xf32, #tpu.memory_space<vmem_shared>>
        %dma_wait3A_34 = arith.constant 0 : i32
        %dma_wait3A_35 = tpu.memref_slice %arg13[%add3A_29, %dma_wait3A_34] : memref<40960x24xf32, #tpu.memory_space<vmem_shared>> -> memref<128x24xf32, #tpu.memory_space<vmem_shared>>
        tpu.wait_dma2 semaphore(%run_scoped3A : memref<!tpu.dma_semaphore, #tpu.memory_space<semaphore_mem>>) src(%arg12 : memref<128x24xf32, #tpu.memory_space<vmem>>) dst(%dma_wait3A_35 : memref<128x24xf32, #tpu.memory_space<vmem_shared>>)
        tpu.yield
      }) : () -> ()
    }
    %scan3A_12 = arith.constant 20 : i32
    %barrier3A = arith.constant 0 : index
    tpu.barrier barrier_id(%barrier3A)
    %scan3A_13 = arith.constant 0 : i32
    %scan3A_14 = arith.constant 0 : i32
    %scan3A_15 = arith.constant 10 : i32
    %scan3A_16 = arith.addi %scan3A_14, %scan3A_15 : i32
    %scan3A_17 = arith.constant 1 : i32
    scf.for %scan3A_24 = %scan3A_14 to %scan3A_16 step %scan3A_17  : i32 {
      %mul3A_25 = arith.constant 4000 : i32
      %mul3A_26 = arith.muli %add3A, %mul3A_25 : i32
      %mul3A_27 = arith.constant 400 : i32
      %mul3A_28 = arith.muli %scan3A_24, %mul3A_27 : i32
      %add3A_29 = arith.addi %mul3A_26, %mul3A_28 : i32
      "tpu.region"() ({
        %run_scoped3A = tpu.sem_alloc : memref<!tpu.dma_semaphore, #tpu.memory_space<semaphore_mem>>
        %dma_start3A = tpu.memref_slice %arg2[%add3A_29] : memref<128000xi32, #tpu.memory_space<hbm>> -> memref<400xi32, #tpu.memory_space<hbm>>
        %dma_start3A_36 = tpu.memref_slice %arg2[%add3A_29] : memref<128000xi32, #tpu.memory_space<hbm>> -> memref<400xi32, #tpu.memory_space<hbm>>
        tpu.enqueue_dma source(%dma_start3A_36 : memref<400xi32, #tpu.memory_space<hbm>>) target(%arg6 : memref<400xi32, #tpu.memory_space<vmem>>) target_semaphore(%run_scoped3A : memref<!tpu.dma_semaphore, #tpu.memory_space<semaphore_mem>>)
        %dma_wait3A = tpu.memref_slice %arg2[%add3A_29] : memref<128000xi32, #tpu.memory_space<hbm>> -> memref<400xi32, #tpu.memory_space<hbm>>
        %dma_wait3A_37 = tpu.memref_slice %arg2[%add3A_29] : memref<128000xi32, #tpu.memory_space<hbm>> -> memref<400xi32, #tpu.memory_space<hbm>>
        tpu.wait_dma2 semaphore(%run_scoped3A : memref<!tpu.dma_semaphore, #tpu.memory_space<semaphore_mem>>) src(%dma_wait3A_37 : memref<400xi32, #tpu.memory_space<hbm>>) dst(%arg6 : memref<400xi32, #tpu.memory_space<vmem>>)
        tpu.yield
      }) : () -> ()
      "tpu.region"() ({
        %run_scoped3A = tpu.sem_alloc : memref<!tpu.dma_semaphore, #tpu.memory_space<semaphore_mem>>
        %dma_start3A = tpu.memref_slice %arg3[%add3A_29] : memref<128000xi32, #tpu.memory_space<hbm>> -> memref<400xi32, #tpu.memory_space<hbm>>
        %dma_start3A_36 = tpu.memref_slice %arg3[%add3A_29] : memref<128000xi32, #tpu.memory_space<hbm>> -> memref<400xi32, #tpu.memory_space<hbm>>
        tpu.enqueue_dma source(%dma_start3A_36 : memref<400xi32, #tpu.memory_space<hbm>>) target(%arg7 : memref<400xi32, #tpu.memory_space<vmem>>) target_semaphore(%run_scoped3A : memref<!tpu.dma_semaphore, #tpu.memory_space<semaphore_mem>>)
        %dma_wait3A = tpu.memref_slice %arg3[%add3A_29] : memref<128000xi32, #tpu.memory_space<hbm>> -> memref<400xi32, #tpu.memory_space<hbm>>
        %dma_wait3A_37 = tpu.memref_slice %arg3[%add3A_29] : memref<128000xi32, #tpu.memory_space<hbm>> -> memref<400xi32, #tpu.memory_space<hbm>>
        tpu.wait_dma2 semaphore(%run_scoped3A : memref<!tpu.dma_semaphore, #tpu.memory_space<semaphore_mem>>) src(%dma_wait3A_37 : memref<400xi32, #tpu.memory_space<hbm>>) dst(%arg7 : memref<400xi32, #tpu.memory_space<vmem>>)
        tpu.yield
      }) : () -> ()
      %scan3A_30 = arith.constant 0 : i32
      %scan3A_31 = arith.constant 0 : i32
      %scan3A_32 = arith.constant 4 : i32
      %scan3A_33 = arith.addi %scan3A_31, %scan3A_32 : i32
      %scan3A_34 = arith.constant 1 : i32
      scf.for %scan3A_36 = %scan3A_31 to %scan3A_33 step %scan3A_34  : i32 {
        %mul3A_37 = arith.constant 10000 : i32
        %mul3A_38 = arith.muli %scan3A_36, %mul3A_37 : i32
        %mul3A_39 = arith.constant 128000 : i32
        %mul3A_40 = arith.muli %scan3A_36, %mul3A_39 : i32
        %add3A_41 = arith.addi %mul3A_40, %add3A_29 : i32
        "tpu.region"() ({
          %run_scoped3A = tpu.sem_alloc : memref<!tpu.dma_semaphore, #tpu.memory_space<semaphore_mem>>
          %dma_start3A = arith.constant 0 : i32
          %dma_start3A_48 = tpu.memref_slice %arg4[%add3A_41, %dma_start3A] : memref<512000x24xf32, #tpu.memory_space<hbm>> -> memref<400x24xf32, #tpu.memory_space<hbm>>
          %dma_start3A_49 = arith.constant 0 : i32
          %dma_start3A_50 = tpu.memref_slice %arg4[%add3A_41, %dma_start3A_49] : memref<512000x24xf32, #tpu.memory_space<hbm>> -> memref<400x24xf32, #tpu.memory_space<hbm>>
          tpu.enqueue_dma source(%dma_start3A_50 : memref<400x24xf32, #tpu.memory_space<hbm>>) target(%arg8 : memref<400x24xf32, #tpu.memory_space<vmem>>) target_semaphore(%run_scoped3A : memref<!tpu.dma_semaphore, #tpu.memory_space<semaphore_mem>>)
          %dma_wait3A = arith.constant 0 : i32
          %dma_wait3A_51 = tpu.memref_slice %arg4[%add3A_41, %dma_wait3A] : memref<512000x24xf32, #tpu.memory_space<hbm>> -> memref<400x24xf32, #tpu.memory_space<hbm>>
          %dma_wait3A_52 = arith.constant 0 : i32
          %dma_wait3A_53 = tpu.memref_slice %arg4[%add3A_41, %dma_wait3A_52] : memref<512000x24xf32, #tpu.memory_space<hbm>> -> memref<400x24xf32, #tpu.memory_space<hbm>>
          tpu.wait_dma2 semaphore(%run_scoped3A : memref<!tpu.dma_semaphore, #tpu.memory_space<semaphore_mem>>) src(%dma_wait3A_53 : memref<400x24xf32, #tpu.memory_space<hbm>>) dst(%arg8 : memref<400x24xf32, #tpu.memory_space<vmem>>)
          tpu.yield
        }) : () -> ()
        %scan3A_42 = arith.constant 0 : i32
        %scan3A_43 = arith.constant 0 : i32
        %scan3A_44 = arith.constant 5 : i32
        %scan3A_45 = arith.addi %scan3A_43, %scan3A_44 : i32
        %scan3A_46 = arith.constant 1 : i32
        scf.for %scan3A_48 = %scan3A_43 to %scan3A_45 step %scan3A_46  : i32 {
          %scan3A_49 = arith.constant 0 : i32
          %scan3A_50 = arith.constant 0 : i32
          %scan3A_51 = arith.constant 5 : i32
          %scan3A_52 = arith.addi %scan3A_50, %scan3A_51 : i32
          %scan3A_53 = arith.constant 1 : i32
          scf.for %scan3A_63 = %scan3A_50 to %scan3A_52 step %scan3A_53  : i32 {
            %mul3A_64 = arith.constant 80 : i32
            %mul3A_65 = arith.muli %scan3A_48, %mul3A_64 : i32
            %mul3A_66 = arith.constant 16 : i32
            %mul3A_67 = arith.muli %scan3A_63, %mul3A_66 : i32
            %add3A_68 = arith.addi %mul3A_65, %mul3A_67 : i32
            %get3A = arith.index_cast %add3A_68 : i32 to index
            %get3A_69 = tpu.vector_load %arg6[%get3A] {strides = array<i32>} : memref<400xi32, #tpu.memory_space<vmem>>, vector<16xi32>,
            %add3A_70 = vector.broadcast %mul3A_38 : i32 to vector<16xi32>
            %add3A_71 = arith.addi %get3A_69, %add3A_70 : vector<16xi32>
            %mul3A_72 = arith.constant 16 : i32
            %mul3A_73 = arith.muli %scan3A_63, %mul3A_72 : i32
            %swap3A = arith.index_cast %mul3A_73 : i32 to index
            %swap3A_74 = tpu.vector_load %arg9[%swap3A] {strides = array<i32>} : memref<80xi32, #tpu.memory_space<vmem>>, vector<16xi32>,
            tpu.vector_store %arg9[%swap3A], %add3A_71 {strides = array<i32>} : memref<80xi32, #tpu.memory_space<vmem>>, vector<16xi32>,
            %get3A_75 = arith.index_cast %add3A_68 : i32 to index
            %get3A_76 = tpu.vector_load %arg7[%get3A_75] {strides = array<i32>} : memref<400xi32, #tpu.memory_space<vmem>>, vector<16xi32>,
            %add3A_77 = vector.broadcast %mul3A_38 : i32 to vector<16xi32>
            %add3A_78 = arith.addi %get3A_76, %add3A_77 : vector<16xi32>
            %mul3A_79 = arith.constant 16 : i32
            %mul3A_80 = arith.muli %scan3A_63, %mul3A_79 : i32
            %swap3A_81 = arith.index_cast %mul3A_80 : i32 to index
            %swap3A_82 = tpu.vector_load %arg10[%swap3A_81] {strides = array<i32>} : memref<80xi32, #tpu.memory_space<vmem>>, vector<16xi32>,
            tpu.vector_store %arg10[%swap3A_81], %add3A_78 {strides = array<i32>} : memref<80xi32, #tpu.memory_space<vmem>>, vector<16xi32>,
          }
          %scan3A_54 = arith.constant 5 : i32
          %scan3A_55 = arith.constant 0 : i32
          %scan3A_56 = arith.constant 0 : i32
          %scan3A_57 = arith.constant 80 : i32
          %scan3A_58 = arith.addi %scan3A_56, %scan3A_57 : i32
          %scan3A_59 = arith.constant 1 : i32
          scf.for %scan3A_63 = %scan3A_56 to %scan3A_58 step %scan3A_59  : i32 {
            %mul3A_64 = arith.constant 80 : i32
            %mul3A_65 = arith.muli %scan3A_48, %mul3A_64 : i32
            %add3A_66 = arith.addi %mul3A_65, %scan3A_63 : i32
            %get3A = arith.index_cast %add3A_66 : i32 to index
            %get3A_67 = arith.constant 0 : index
            %get3A_68 = tpu.vector_load %arg8[%get3A, %get3A_67] {strides = array<i32>} : memref<400x24xf32, #tpu.memory_space<vmem>>, vector<16xf32>,
            %sub3A = arith.subf %broadcast_in_dim3A_1, %get3A_68 : vector<16xf32>
            %swap3A = arith.index_cast %scan3A_63 : i32 to index
            %swap3A_69 = arith.constant 0 : index
            %swap3A_70 = tpu.vector_load %arg11[%swap3A, %swap3A_69] {strides = array<i32>} : memref<80x24xf32, #tpu.memory_space<vmem>>, vector<16xf32>,
            tpu.vector_store %arg11[%swap3A, %swap3A_69], %sub3A {strides = array<i32>} : memref<80x24xf32, #tpu.memory_space<vmem>>, vector<16xf32>,
            %mul3A_71 = arith.constant 80 : i32
            %mul3A_72 = arith.muli %scan3A_48, %mul3A_71 : i32
            %add3A_73 = arith.addi %mul3A_72, %scan3A_63 : i32
            %get3A_74 = arith.index_cast %add3A_73 : i32 to index
            %get3A_75 = arith.constant 8 : index
            %get3A_76 = tpu.vector_load %arg8[%get3A_74, %get3A_75] {strides = array<i32>} : memref<400x24xf32, #tpu.memory_space<vmem>>, vector<16xf32>,
            %sub3A_77 = arith.subf %broadcast_in_dim3A_1, %get3A_76 : vector<16xf32>
            %swap3A_78 = arith.index_cast %scan3A_63 : i32 to index
            %swap3A_79 = arith.constant 8 : index
            %swap3A_80 = tpu.vector_load %arg11[%swap3A_78, %swap3A_79] {strides = array<i32>} : memref<80x24xf32, #tpu.memory_space<vmem>>, vector<16xf32>,
            tpu.vector_store %arg11[%swap3A_78, %swap3A_79], %sub3A_77 {strides = array<i32>} : memref<80x24xf32, #tpu.memory_space<vmem>>, vector<16xf32>,
          }
          %scan3A_60 = arith.constant 80 : i32
          %mul3A_61 = arith.constant 80 : i32
          %mul3A_62 = arith.muli %scan3A_48, %mul3A_61 : i32
          "tpu.region"() ({
            %run_scoped3A = tpu.sem_alloc : memref<!tpu.dma_semaphore, #tpu.memory_space<semaphore_mem>>
            %dma_start3A = arith.constant 0 : i32
            %dma_start3A_63 = tpu.memref_slice %arg8[%mul3A_62, %dma_start3A] : memref<400x24xf32, #tpu.memory_space<vmem>> -> memref<80x24xf32, #tpu.memory_space<vmem>>
            %dma_start3A_64 = arith.constant 0 : i32
            %dma_start3A_65 = arith.constant 0 : i32
            %dma_start3A_66 = tpu.memref_slice %arg13[%dma_start3A_64, %dma_start3A_65] : memref<40960x24xf32, #tpu.memory_space<vmem_shared>> -> memref<40960x24xf32, #tpu.memory_space<vmem_shared>>
            tpu.enqueue_indirect_dma source(%dma_start3A_63 : memref<80x24xf32, #tpu.memory_space<vmem>>) target(%dma_start3A_66 : memref<40960x24xf32, #tpu.memory_space<vmem_shared>>) offsets(%arg10 : memref<80xi32, #tpu.memory_space<vmem>>) semaphore(%run_scoped3A : memref<!tpu.dma_semaphore, #tpu.memory_space<semaphore_mem>>) {add = true}
            %dma_wait3A = arith.constant 0 : i32
            %dma_wait3A_67 = tpu.memref_slice %arg8[%mul3A_62, %dma_wait3A] : memref<400x24xf32, #tpu.memory_space<vmem>> -> memref<80x24xf32, #tpu.memory_space<vmem>>
            %dma_wait3A_68 = arith.constant 0 : i32
            %dma_wait3A_69 = arith.constant 0 : i32
            %dma_wait3A_70 = tpu.memref_slice %arg13[%dma_wait3A_68, %dma_wait3A_69] : memref<40960x24xf32, #tpu.memory_space<vmem_shared>> -> memref<40960x24xf32, #tpu.memory_space<vmem_shared>>
            tpu.wait_indirect_dma semaphore(%run_scoped3A : memref<!tpu.dma_semaphore, #tpu.memory_space<semaphore_mem>>) src(%dma_wait3A_67 : memref<80x24xf32, #tpu.memory_space<vmem>>) dst(%dma_wait3A_70 : memref<40960x24xf32, #tpu.memory_space<vmem_shared>>)
            tpu.yield
          }) : () -> ()
          "tpu.region"() ({
            %run_scoped3A = tpu.sem_alloc : memref<!tpu.dma_semaphore, #tpu.memory_space<semaphore_mem>>
            %dma_start3A = arith.constant 0 : i32
            %dma_start3A_63 = arith.constant 0 : i32
            %dma_start3A_64 = tpu.memref_slice %arg13[%dma_start3A, %dma_start3A_63] : memref<40960x24xf32, #tpu.memory_space<vmem_shared>> -> memref<40960x24xf32, #tpu.memory_space<vmem_shared>>
            tpu.enqueue_indirect_dma source(%arg11 : memref<80x24xf32, #tpu.memory_space<vmem>>) target(%dma_start3A_64 : memref<40960x24xf32, #tpu.memory_space<vmem_shared>>) offsets(%arg9 : memref<80xi32, #tpu.memory_space<vmem>>) semaphore(%run_scoped3A : memref<!tpu.dma_semaphore, #tpu.memory_space<semaphore_mem>>) {add = true}
            %dma_wait3A = arith.constant 0 : i32
            %dma_wait3A_65 = arith.constant 0 : i32
            %dma_wait3A_66 = tpu.memref_slice %arg13[%dma_wait3A, %dma_wait3A_65] : memref<40960x24xf32, #tpu.memory_space<vmem_shared>> -> memref<40960x24xf32, #tpu.memory_space<vmem_shared>>
            tpu.wait_indirect_dma semaphore(%run_scoped3A : memref<!tpu.dma_semaphore, #tpu.memory_space<semaphore_mem>>) src(%arg11 : memref<80x24xf32, #tpu.memory_space<vmem>>) dst(%dma_wait3A_66 : memref<40960x24xf32, #tpu.memory_space<vmem_shared>>)
            tpu.yield
          }) : () -> ()
        }
        %scan3A_47 = arith.constant 5 : i32
      }
      %scan3A_35 = arith.constant 4 : i32
    }
    %scan3A_18 = arith.constant 10 : i32
    %barrier3A_19 = arith.constant 0 : index
    tpu.barrier barrier_id(%barrier3A_19)
    %mul3A_20 = arith.constant 2560 : i32
    %mul3A_21 = arith.muli %arg1, %mul3A_20 : i32
    %mul3A_22 = arith.constant 2560 : i32
    %mul3A_23 = arith.muli %arg1, %mul3A_22 : i32
    "tpu.region"() ({
      %run_scoped3A = tpu.sem_alloc : memref<!tpu.dma_semaphore, #tpu.memory_space<semaphore_mem>>
      %dma_start3A = arith.constant 0 : i32
      %dma_start3A_24 = tpu.memref_slice %arg5[%arg0, %mul3A_23, %dma_start3A] : memref<2x40960x24xf32, #tpu.memory_space<hbm>> -> memref<1x2560x24xf32, #tpu.memory_space<hbm>>
      %dma_start3A_25 = tpu.memref_squeeze %dma_start3A_24 : memref<1x2560x24xf32, #tpu.memory_space<hbm>> -> memref<2560x24xf32, #tpu.memory_space<hbm>>
      %dma_start3A_26 = arith.constant 0 : i32
      %dma_start3A_27 = tpu.memref_slice %arg13[%mul3A_21, %dma_start3A_26] : memref<40960x24xf32, #tpu.memory_space<vmem_shared>> -> memref<2560x24xf32, #tpu.memory_space<vmem_shared>>
      tpu.enqueue_dma source(%dma_start3A_27 : memref<2560x24xf32, #tpu.memory_space<vmem_shared>>) target(%dma_start3A_25 : memref<2560x24xf32, #tpu.memory_space<hbm>>) target_semaphore(%run_scoped3A : memref<!tpu.dma_semaphore, #tpu.memory_space<semaphore_mem>>)
      %dma_wait3A = arith.constant 0 : i32
      %dma_wait3A_28 = tpu.memref_slice %arg5[%arg0, %mul3A_23, %dma_wait3A] : memref<2x40960x24xf32, #tpu.memory_space<hbm>> -> memref<1x2560x24xf32, #tpu.memory_space<hbm>>
      %dma_wait3A_29 = tpu.memref_squeeze %dma_wait3A_28 : memref<1x2560x24xf32, #tpu.memory_space<hbm>> -> memref<2560x24xf32, #tpu.memory_space<hbm>>
      %dma_wait3A_30 = arith.constant 0 : i32
      %dma_wait3A_31 = tpu.memref_slice %arg13[%mul3A_21, %dma_wait3A_30] : memref<40960x24xf32, #tpu.memory_space<vmem_shared>> -> memref<2560x24xf32, #tpu.memory_space<vmem_shared>>
      tpu.wait_dma2 semaphore(%run_scoped3A : memref<!tpu.dma_semaphore, #tpu.memory_space<semaphore_mem>>) src(%dma_wait3A_31 : memref<2560x24xf32, #tpu.memory_space<vmem_shared>>) dst(%dma_wait3A_29 : memref<2560x24xf32, #tpu.memory_space<hbm>>)
      tpu.yield
    }) : () -> ()
    return
  }
}

#map = affine_map<(d0, d1) -> (0)>
#map1 = affine_map<(d0, d1) -> (0, 0)>
#map2 = affine_map<(d0, d1) -> (0, 0, 0)>
module attributes {stable_mosaic.version = 14 : i64} {
  func.func @_sc_scatter(%arg0: i32, %arg1: i32, %arg2: memref<128000xi32, #tpu.memory_space<hbm>>, %arg3: memref<128000xi32, #tpu.memory_space<hbm>>, %arg4: memref<512000x24xf32, #tpu.memory_space<hbm>>, %arg5: memref<2x40960x24xf32, #tpu.memory_space<hbm>>, %arg6: memref<400xi32, #tpu.memory_space<vmem>>, %arg7: memref<400xi32, #tpu.memory_space<vmem>>, %arg8: memref<400x24xf32, #tpu.memory_space<vmem>>, %arg9: memref<80xi32, #tpu.memory_space<vmem>>, %arg10: memref<80xi32, #tpu.memory_space<vmem>>, %arg11: memref<80x24xf32, #tpu.memory_space<vmem>>, %arg12: memref<128x24xf32, #tpu.memory_space<vmem>>, %arg13: memref<40960x24xf32, #tpu.memory_space<vmem_shared>>) attributes {dimension_semantics = [#tpu.dimension_semantics<core_parallel>, #tpu.dimension_semantics<subcore_parallel>], iteration_bounds = array<i64: 2, 16>, scalar_prefetch = 0 : i64, scratch_operands = 8 : i64, tpu.core_type = #tpu.core_type<sc_vector_subcore>, window_params = [{transform_indices = #map}, {transform_indices = #map}, {transform_indices = #map1}, {transform_indices = #map2}]} {
    %mul3A = arith.constant 2 : i32
    %mul3A_0 = arith.muli %arg1, %mul3A : i32
    %add3A = arith.addi %mul3A_0, %arg0 : i32
    %broadcast_in_dim3A = arith.constant 0.000000e+00 : f32
    %broadcast_in_dim3A_1 = vector.broadcast %broadcast_in_dim3A : f32 to vector<16xf32>
    %scan3A = arith.constant 0 : i32
    %scan3A_2 = arith.constant 0 : i32
    %scan3A_3 = arith.constant 128 : i32
    %scan3A_4 = arith.addi %scan3A_2, %scan3A_3 : i32
    %scan3A_5 = arith.constant 1 : i32
    scf.for %scan3A_24 = %scan3A_2 to %scan3A_4 step %scan3A_5  : i32 {
      %swap3A = arith.index_cast %scan3A_24 : i32 to index
      %swap3A_25 = arith.constant 0 : index
      %swap3A_26 = tpu.vector_load %arg12[%swap3A, %swap3A_25] {strides = array<i32>} : memref<128x24xf32, #tpu.memory_space<vmem>>, vector<16xf32>,
      tpu.vector_store %arg12[%swap3A, %swap3A_25], %broadcast_in_dim3A_1 {strides = array<i32>} : memref<128x24xf32, #tpu.memory_space<vmem>>, vector<16xf32>,
      %swap3A_27 = arith.index_cast %scan3A_24 : i32 to index
      %swap3A_28 = arith.constant 8 : index
      %swap3A_29 = tpu.vector_load %arg12[%swap3A_27, %swap3A_28] {strides = array<i32>} : memref<128x24xf32, #tpu.memory_space<vmem>>, vector<16xf32>,
      tpu.vector_store %arg12[%swap3A_27, %swap3A_28], %broadcast_in_dim3A_1 {strides = array<i32>} : memref<128x24xf32, #tpu.memory_space<vmem>>, vector<16xf32>,
    }
    %scan3A_6 = arith.constant 128 : i32
    %scan3A_7 = arith.constant 0 : i32
    %scan3A_8 = arith.constant 0 : i32
    %scan3A_9 = arith.constant 20 : i32
    %scan3A_10 = arith.addi %scan3A_8, %scan3A_9 : i32
    %scan3A_11 = arith.constant 1 : i32
    scf.for %scan3A_24 = %scan3A_8 to %scan3A_10 step %scan3A_11  : i32 {
      %mul3A_25 = arith.constant 2560 : i32
      %mul3A_26 = arith.muli %arg1, %mul3A_25 : i32
      %mul3A_27 = arith.constant 128 : i32
      %mul3A_28 = arith.muli %scan3A_24, %mul3A_27 : i32
      %add3A_29 = arith.addi %mul3A_26, %mul3A_28 : i32
      "tpu.region"() ({
        %run_scoped3A = tpu.sem_alloc : memref<!tpu.dma_semaphore, #tpu.memory_space<semaphore_mem>>
        %dma_start3A = arith.constant 0 : i32
        %dma_start3A_30 = tpu.memref_slice %arg13[%add3A_29, %dma_start3A] : memref<40960x24xf32, #tpu.memory_space<vmem_shared>> -> memref<128x24xf32, #tpu.memory_space<vmem_shared>>
        %dma_start3A_31 = arith.constant 0 : i32
        %dma_start3A_32 = tpu.memref_slice %arg13[%add3A_29, %dma_start3A_31] : memref<40960x24xf32, #tpu.memory_space<vmem_shared>> -> memref<128x24xf32, #tpu.memory_space<vmem_shared>>
        tpu.enqueue_dma source(%arg12 : memref<128x24xf32, #tpu.memory_space<vmem>>) target(%dma_start3A_32 : memref<128x24xf32, #tpu.memory_space<vmem_shared>>) target_semaphore(%run_scoped3A : memref<!tpu.dma_semaphore, #tpu.memory_space<semaphore_mem>>)
        %dma_wait3A = arith.constant 0 : i32
        %dma_wait3A_33 = tpu.memref_slice %arg13[%add3A_29, %dma_wait3A] : memref<40960x24xf32, #tpu.memory_space<vmem_shared>> -> memref<128x24xf32, #tpu.memory_space<vmem_shared>>
        %dma_wait3A_34 = arith.constant 0 : i32
        %dma_wait3A_35 = tpu.memref_slice %arg13[%add3A_29, %dma_wait3A_34] : memref<40960x24xf32, #tpu.memory_space<vmem_shared>> -> memref<128x24xf32, #tpu.memory_space<vmem_shared>>
        tpu.wait_dma2 semaphore(%run_scoped3A : memref<!tpu.dma_semaphore, #tpu.memory_space<semaphore_mem>>) src(%arg12 : memref<128x24xf32, #tpu.memory_space<vmem>>) dst(%dma_wait3A_35 : memref<128x24xf32, #tpu.memory_space<vmem_shared>>)
        tpu.yield
      }) : () -> ()
    }
    %scan3A_12 = arith.constant 20 : i32
    %barrier3A = arith.constant 0 : index
    tpu.barrier barrier_id(%barrier3A)
    %scan3A_13 = arith.constant 0 : i32
    %scan3A_14 = arith.constant 0 : i32
    %scan3A_15 = arith.constant 10 : i32
    %scan3A_16 = arith.addi %scan3A_14, %scan3A_15 : i32
    %scan3A_17 = arith.constant 1 : i32
    scf.for %scan3A_24 = %scan3A_14 to %scan3A_16 step %scan3A_17  : i32 {
      %mul3A_25 = arith.constant 4000 : i32
      %mul3A_26 = arith.muli %add3A, %mul3A_25 : i32
      %mul3A_27 = arith.constant 400 : i32
      %mul3A_28 = arith.muli %scan3A_24, %mul3A_27 : i32
      %add3A_29 = arith.addi %mul3A_26, %mul3A_28 : i32
      "tpu.region"() ({
        %run_scoped3A = tpu.sem_alloc : memref<!tpu.dma_semaphore, #tpu.memory_space<semaphore_mem>>
        %dma_start3A = tpu.memref_slice %arg2[%add3A_29] : memref<128000xi32, #tpu.memory_space<hbm>> -> memref<400xi32, #tpu.memory_space<hbm>>
        %dma_start3A_36 = tpu.memref_slice %arg2[%add3A_29] : memref<128000xi32, #tpu.memory_space<hbm>> -> memref<400xi32, #tpu.memory_space<hbm>>
        tpu.enqueue_dma source(%dma_start3A_36 : memref<400xi32, #tpu.memory_space<hbm>>) target(%arg6 : memref<400xi32, #tpu.memory_space<vmem>>) target_semaphore(%run_scoped3A : memref<!tpu.dma_semaphore, #tpu.memory_space<semaphore_mem>>)
        %dma_wait3A = tpu.memref_slice %arg2[%add3A_29] : memref<128000xi32, #tpu.memory_space<hbm>> -> memref<400xi32, #tpu.memory_space<hbm>>
        %dma_wait3A_37 = tpu.memref_slice %arg2[%add3A_29] : memref<128000xi32, #tpu.memory_space<hbm>> -> memref<400xi32, #tpu.memory_space<hbm>>
        tpu.wait_dma2 semaphore(%run_scoped3A : memref<!tpu.dma_semaphore, #tpu.memory_space<semaphore_mem>>) src(%dma_wait3A_37 : memref<400xi32, #tpu.memory_space<hbm>>) dst(%arg6 : memref<400xi32, #tpu.memory_space<vmem>>)
        tpu.yield
      }) : () -> ()
      "tpu.region"() ({
        %run_scoped3A = tpu.sem_alloc : memref<!tpu.dma_semaphore, #tpu.memory_space<semaphore_mem>>
        %dma_start3A = tpu.memref_slice %arg3[%add3A_29] : memref<128000xi32, #tpu.memory_space<hbm>> -> memref<400xi32, #tpu.memory_space<hbm>>
        %dma_start3A_36 = tpu.memref_slice %arg3[%add3A_29] : memref<128000xi32, #tpu.memory_space<hbm>> -> memref<400xi32, #tpu.memory_space<hbm>>
        tpu.enqueue_dma source(%dma_start3A_36 : memref<400xi32, #tpu.memory_space<hbm>>) target(%arg7 : memref<400xi32, #tpu.memory_space<vmem>>) target_semaphore(%run_scoped3A : memref<!tpu.dma_semaphore, #tpu.memory_space<semaphore_mem>>)
        %dma_wait3A = tpu.memref_slice %arg3[%add3A_29] : memref<128000xi32, #tpu.memory_space<hbm>> -> memref<400xi32, #tpu.memory_space<hbm>>
        %dma_wait3A_37 = tpu.memref_slice %arg3[%add3A_29] : memref<128000xi32, #tpu.memory_space<hbm>> -> memref<400xi32, #tpu.memory_space<hbm>>
        tpu.wait_dma2 semaphore(%run_scoped3A : memref<!tpu.dma_semaphore, #tpu.memory_space<semaphore_mem>>) src(%dma_wait3A_37 : memref<400xi32, #tpu.memory_space<hbm>>) dst(%arg7 : memref<400xi32, #tpu.memory_space<vmem>>)
        tpu.yield
      }) : () -> ()
      %scan3A_30 = arith.constant 0 : i32
      %scan3A_31 = arith.constant 0 : i32
      %scan3A_32 = arith.constant 4 : i32
      %scan3A_33 = arith.addi %scan3A_31, %scan3A_32 : i32
      %scan3A_34 = arith.constant 1 : i32
      scf.for %scan3A_36 = %scan3A_31 to %scan3A_33 step %scan3A_34  : i32 {
        %mul3A_37 = arith.constant 10000 : i32
        %mul3A_38 = arith.muli %scan3A_36, %mul3A_37 : i32
        %mul3A_39 = arith.constant 128000 : i32
        %mul3A_40 = arith.muli %scan3A_36, %mul3A_39 : i32
        %add3A_41 = arith.addi %mul3A_40, %add3A_29 : i32
        "tpu.region"() ({
          %run_scoped3A = tpu.sem_alloc : memref<!tpu.dma_semaphore, #tpu.memory_space<semaphore_mem>>
          %dma_start3A = arith.constant 0 : i32
          %dma_start3A_48 = tpu.memref_slice %arg4[%add3A_41, %dma_start3A] : memref<512000x24xf32, #tpu.memory_space<hbm>> -> memref<400x24xf32, #tpu.memory_space<hbm>>
          %dma_start3A_49 = arith.constant 0 : i32
          %dma_start3A_50 = tpu.memref_slice %arg4[%add3A_41, %dma_start3A_49] : memref<512000x24xf32, #tpu.memory_space<hbm>> -> memref<400x24xf32, #tpu.memory_space<hbm>>
          tpu.enqueue_dma source(%dma_start3A_50 : memref<400x24xf32, #tpu.memory_space<hbm>>) target(%arg8 : memref<400x24xf32, #tpu.memory_space<vmem>>) target_semaphore(%run_scoped3A : memref<!tpu.dma_semaphore, #tpu.memory_space<semaphore_mem>>)
          %dma_wait3A = arith.constant 0 : i32
          %dma_wait3A_51 = tpu.memref_slice %arg4[%add3A_41, %dma_wait3A] : memref<512000x24xf32, #tpu.memory_space<hbm>> -> memref<400x24xf32, #tpu.memory_space<hbm>>
          %dma_wait3A_52 = arith.constant 0 : i32
          %dma_wait3A_53 = tpu.memref_slice %arg4[%add3A_41, %dma_wait3A_52] : memref<512000x24xf32, #tpu.memory_space<hbm>> -> memref<400x24xf32, #tpu.memory_space<hbm>>
          tpu.wait_dma2 semaphore(%run_scoped3A : memref<!tpu.dma_semaphore, #tpu.memory_space<semaphore_mem>>) src(%dma_wait3A_53 : memref<400x24xf32, #tpu.memory_space<hbm>>) dst(%arg8 : memref<400x24xf32, #tpu.memory_space<vmem>>)
          tpu.yield
        }) : () -> ()
        %scan3A_42 = arith.constant 0 : i32
        %scan3A_43 = arith.constant 0 : i32
        %scan3A_44 = arith.constant 5 : i32
        %scan3A_45 = arith.addi %scan3A_43, %scan3A_44 : i32
        %scan3A_46 = arith.constant 1 : i32
        scf.for %scan3A_48 = %scan3A_43 to %scan3A_45 step %scan3A_46  : i32 {
          %scan3A_49 = arith.constant 0 : i32
          %scan3A_50 = arith.constant 0 : i32
          %scan3A_51 = arith.constant 5 : i32
          %scan3A_52 = arith.addi %scan3A_50, %scan3A_51 : i32
          %scan3A_53 = arith.constant 1 : i32
          scf.for %scan3A_63 = %scan3A_50 to %scan3A_52 step %scan3A_53  : i32 {
            %mul3A_64 = arith.constant 80 : i32
            %mul3A_65 = arith.muli %scan3A_48, %mul3A_64 : i32
            %mul3A_66 = arith.constant 16 : i32
            %mul3A_67 = arith.muli %scan3A_63, %mul3A_66 : i32
            %add3A_68 = arith.addi %mul3A_65, %mul3A_67 : i32
            %get3A = arith.index_cast %add3A_68 : i32 to index
            %get3A_69 = tpu.vector_load %arg6[%get3A] {strides = array<i32>} : memref<400xi32, #tpu.memory_space<vmem>>, vector<16xi32>,
            %add3A_70 = vector.broadcast %mul3A_38 : i32 to vector<16xi32>
            %add3A_71 = arith.addi %get3A_69, %add3A_70 : vector<16xi32>
            %mul3A_72 = arith.constant 16 : i32
            %mul3A_73 = arith.muli %scan3A_63, %mul3A_72 : i32
            %swap3A = arith.index_cast %mul3A_73 : i32 to index
            %swap3A_74 = tpu.vector_load %arg9[%swap3A] {strides = array<i32>} : memref<80xi32, #tpu.memory_space<vmem>>, vector<16xi32>,
            tpu.vector_store %arg9[%swap3A], %add3A_71 {strides = array<i32>} : memref<80xi32, #tpu.memory_space<vmem>>, vector<16xi32>,
            %get3A_75 = arith.index_cast %add3A_68 : i32 to index
            %get3A_76 = tpu.vector_load %arg7[%get3A_75] {strides = array<i32>} : memref<400xi32, #tpu.memory_space<vmem>>, vector<16xi32>,
            %add3A_77 = vector.broadcast %mul3A_38 : i32 to vector<16xi32>
            %add3A_78 = arith.addi %get3A_76, %add3A_77 : vector<16xi32>
            %mul3A_79 = arith.constant 16 : i32
            %mul3A_80 = arith.muli %scan3A_63, %mul3A_79 : i32
            %swap3A_81 = arith.index_cast %mul3A_80 : i32 to index
            %swap3A_82 = tpu.vector_load %arg10[%swap3A_81] {strides = array<i32>} : memref<80xi32, #tpu.memory_space<vmem>>, vector<16xi32>,
            tpu.vector_store %arg10[%swap3A_81], %add3A_78 {strides = array<i32>} : memref<80xi32, #tpu.memory_space<vmem>>, vector<16xi32>,
          }
          %scan3A_54 = arith.constant 5 : i32
          %scan3A_55 = arith.constant 0 : i32
          %scan3A_56 = arith.constant 0 : i32
          %scan3A_57 = arith.constant 80 : i32
          %scan3A_58 = arith.addi %scan3A_56, %scan3A_57 : i32
          %scan3A_59 = arith.constant 1 : i32
          scf.for %scan3A_63 = %scan3A_56 to %scan3A_58 step %scan3A_59  : i32 {
            %mul3A_64 = arith.constant 80 : i32
            %mul3A_65 = arith.muli %scan3A_48, %mul3A_64 : i32
            %add3A_66 = arith.addi %mul3A_65, %scan3A_63 : i32
            %get3A = arith.index_cast %add3A_66 : i32 to index
            %get3A_67 = arith.constant 0 : index
            %get3A_68 = tpu.vector_load %arg8[%get3A, %get3A_67] {strides = array<i32>} : memref<400x24xf32, #tpu.memory_space<vmem>>, vector<16xf32>,
            %sub3A = arith.subf %broadcast_in_dim3A_1, %get3A_68 : vector<16xf32>
            %swap3A = arith.index_cast %scan3A_63 : i32 to index
            %swap3A_69 = arith.constant 0 : index
            %swap3A_70 = tpu.vector_load %arg11[%swap3A, %swap3A_69] {strides = array<i32>} : memref<80x24xf32, #tpu.memory_space<vmem>>, vector<16xf32>,
            tpu.vector_store %arg11[%swap3A, %swap3A_69], %sub3A {strides = array<i32>} : memref<80x24xf32, #tpu.memory_space<vmem>>, vector<16xf32>,
            %mul3A_71 = arith.constant 80 : i32
            %mul3A_72 = arith.muli %scan3A_48, %mul3A_71 : i32
            %add3A_73 = arith.addi %mul3A_72, %scan3A_63 : i32
            %get3A_74 = arith.index_cast %add3A_73 : i32 to index
            %get3A_75 = arith.constant 8 : index
            %get3A_76 = tpu.vector_load %arg8[%get3A_74, %get3A_75] {strides = array<i32>} : memref<400x24xf32, #tpu.memory_space<vmem>>, vector<16xf32>,
            %sub3A_77 = arith.subf %broadcast_in_dim3A_1, %get3A_76 : vector<16xf32>
            %swap3A_78 = arith.index_cast %scan3A_63 : i32 to index
            %swap3A_79 = arith.constant 8 : index
            %swap3A_80 = tpu.vector_load %arg11[%swap3A_78, %swap3A_79] {strides = array<i32>} : memref<80x24xf32, #tpu.memory_space<vmem>>, vector<16xf32>,
            tpu.vector_store %arg11[%swap3A_78, %swap3A_79], %sub3A_77 {strides = array<i32>} : memref<80x24xf32, #tpu.memory_space<vmem>>, vector<16xf32>,
          }
          %scan3A_60 = arith.constant 80 : i32
          %mul3A_61 = arith.constant 80 : i32
          %mul3A_62 = arith.muli %scan3A_48, %mul3A_61 : i32
          "tpu.region"() ({
            %run_scoped3A = tpu.sem_alloc : memref<!tpu.dma_semaphore, #tpu.memory_space<semaphore_mem>>
            %dma_start3A = arith.constant 0 : i32
            %dma_start3A_63 = tpu.memref_slice %arg8[%mul3A_62, %dma_start3A] : memref<400x24xf32, #tpu.memory_space<vmem>> -> memref<80x24xf32, #tpu.memory_space<vmem>>
            %dma_start3A_64 = arith.constant 0 : i32
            %dma_start3A_65 = arith.constant 0 : i32
            %dma_start3A_66 = tpu.memref_slice %arg13[%dma_start3A_64, %dma_start3A_65] : memref<40960x24xf32, #tpu.memory_space<vmem_shared>> -> memref<40960x24xf32, #tpu.memory_space<vmem_shared>>
            tpu.enqueue_indirect_dma source(%dma_start3A_63 : memref<80x24xf32, #tpu.memory_space<vmem>>) target(%dma_start3A_66 : memref<40960x24xf32, #tpu.memory_space<vmem_shared>>) offsets(%arg10 : memref<80xi32, #tpu.memory_space<vmem>>) semaphore(%run_scoped3A : memref<!tpu.dma_semaphore, #tpu.memory_space<semaphore_mem>>) {add = true}
            %dma_wait3A = arith.constant 0 : i32
            %dma_wait3A_67 = tpu.memref_slice %arg8[%mul3A_62, %dma_wait3A] : memref<400x24xf32, #tpu.memory_space<vmem>> -> memref<80x24xf32, #tpu.memory_space<vmem>>
            %dma_wait3A_68 = arith.constant 0 : i32
            %dma_wait3A_69 = arith.constant 0 : i32
            %dma_wait3A_70 = tpu.memref_slice %arg13[%dma_wait3A_68, %dma_wait3A_69] : memref<40960x24xf32, #tpu.memory_space<vmem_shared>> -> memref<40960x24xf32, #tpu.memory_space<vmem_shared>>
            tpu.wait_indirect_dma semaphore(%run_scoped3A : memref<!tpu.dma_semaphore, #tpu.memory_space<semaphore_mem>>) src(%dma_wait3A_67 : memref<80x24xf32, #tpu.memory_space<vmem>>) dst(%dma_wait3A_70 : memref<40960x24xf32, #tpu.memory_space<vmem_shared>>)
            tpu.yield
          }) : () -> ()
          "tpu.region"() ({
            %run_scoped3A = tpu.sem_alloc : memref<!tpu.dma_semaphore, #tpu.memory_space<semaphore_mem>>
            %dma_start3A = arith.constant 0 : i32
            %dma_start3A_63 = arith.constant 0 : i32
            %dma_start3A_64 = tpu.memref_slice %arg13[%dma_start3A, %dma_start3A_63] : memref<40960x24xf32, #tpu.memory_space<vmem_shared>> -> memref<40960x24xf32, #tpu.memory_space<vmem_shared>>
            tpu.enqueue_indirect_dma source(%arg11 : memref<80x24xf32, #tpu.memory_space<vmem>>) target(%dma_start3A_64 : memref<40960x24xf32, #tpu.memory_space<vmem_shared>>) offsets(%arg9 : memref<80xi32, #tpu.memory_space<vmem>>) semaphore(%run_scoped3A : memref<!tpu.dma_semaphore, #tpu.memory_space<semaphore_mem>>) {add = true}
            %dma_wait3A = arith.constant 0 : i32
            %dma_wait3A_65 = arith.constant 0 : i32
            %dma_wait3A_66 = tpu.memref_slice %arg13[%dma_wait3A, %dma_wait3A_65] : memref<40960x24xf32, #tpu.memory_space<vmem_shared>> -> memref<40960x24xf32, #tpu.memory_space<vmem_shared>>
            tpu.wait_indirect_dma semaphore(%run_scoped3A : memref<!tpu.dma_semaphore, #tpu.memory_space<semaphore_mem>>) src(%arg11 : memref<80x24xf32, #tpu.memory_space<vmem>>) dst(%dma_wait3A_66 : memref<40960x24xf32, #tpu.memory_space<vmem_shared>>)
            tpu.yield
          }) : () -> ()
        }
        %scan3A_47 = arith.constant 5 : i32
      }
      %scan3A_35 = arith.constant 4 : i32
    }
    %scan3A_18 = arith.constant 10 : i32
    %barrier3A_19 = arith.constant 0 : index
    tpu.barrier barrier_id(%barrier3A_19)
    %mul3A_20 = arith.constant 2560 : i32
    %mul3A_21 = arith.muli %arg1, %mul3A_20 : i32
    %mul3A_22 = arith.constant 2560 : i32
    %mul3A_23 = arith.muli %arg1, %mul3A_22 : i32
    "tpu.region"() ({
      %run_scoped3A = tpu.sem_alloc : memref<!tpu.dma_semaphore, #tpu.memory_space<semaphore_mem>>
      %dma_start3A = arith.constant 0 : i32
      %dma_start3A_24 = tpu.memref_slice %arg5[%arg0, %mul3A_23, %dma_start3A] : memref<2x40960x24xf32, #tpu.memory_space<hbm>> -> memref<1x2560x24xf32, #tpu.memory_space<hbm>>
      %dma_start3A_25 = tpu.memref_squeeze %dma_start3A_24 : memref<1x2560x24xf32, #tpu.memory_space<hbm>> -> memref<2560x24xf32, #tpu.memory_space<hbm>>
      %dma_start3A_26 = arith.constant 0 : i32
      %dma_start3A_27 = tpu.memref_slice %arg13[%mul3A_21, %dma_start3A_26] : memref<40960x24xf32, #tpu.memory_space<vmem_shared>> -> memref<2560x24xf32, #tpu.memory_space<vmem_shared>>
      tpu.enqueue_dma source(%dma_start3A_27 : memref<2560x24xf32, #tpu.memory_space<vmem_shared>>) target(%dma_start3A_25 : memref<2560x24xf32, #tpu.memory_space<hbm>>) target_semaphore(%run_scoped3A : memref<!tpu.dma_semaphore, #tpu.memory_space<semaphore_mem>>)
      %dma_wait3A = arith.constant 0 : i32
      %dma_wait3A_28 = tpu.memref_slice %arg5[%arg0, %mul3A_23, %dma_wait3A] : memref<2x40960x24xf32, #tpu.memory_space<hbm>> -> memref<1x2560x24xf32, #tpu.memory_space<hbm>>
      %dma_wait3A_29 = tpu.memref_squeeze %dma_wait3A_28 : memref<1x2560x24xf32, #tpu.memory_space<hbm>> -> memref<2560x24xf32, #tpu.memory_space<hbm>>
      %dma_wait3A_30 = arith.constant 0 : i32
      %dma_wait3A_31 = tpu.memref_slice %arg13[%mul3A_21, %dma_wait3A_30] : memref<40960x24xf32, #tpu.memory_space<vmem_shared>> -> memref<2560x24xf32, #tpu.memory_space<vmem_shared>>
      tpu.wait_dma2 semaphore(%run_scoped3A : memref<!tpu.dma_semaphore, #tpu.memory_space<semaphore_mem>>) src(%dma_wait3A_31 : memref<2560x24xf32, #tpu.memory_space<vmem_shared>>) dst(%dma_wait3A_29 : memref<2560x24xf32, #tpu.memory_space<hbm>>)
      tpu.yield
    }) : () -> ()
    return
  }
}

module attributes {stable_mosaic.version = 14 : i64} {
  func.func @_edge_scalars_body(%arg0: memref<2500x256xf32, #tpu.memory_space<vmem>>, %arg1: memref<2500x256xf32, #tpu.memory_space<vmem>>, %arg2: memref<2500x256xf32, #tpu.memory_space<vmem>>, %arg3: memref<2500x256xf32, #tpu.memory_space<vmem>>, %arg4: memref<2500x256xf32, #tpu.memory_space<vmem>>, %arg5: memref<2500x256xf32, #tpu.memory_space<vmem>>) attributes {dimension_semantics = [], scalar_prefetch = 0 : i64, scratch_operands = 0 : i64, tpu.core_type = #tpu.core_type<tc>} {
    %get3A = arith.constant 0 : index
    %get3A_0 = arith.constant 0 : index
    %get3A_1 = vector.load %arg0[%get3A, %get3A_0] : memref<2500x256xf32, #tpu.memory_space<vmem>>, vector<2500x256xf32>
    %get3A_2 = arith.constant 0 : index
    %get3A_3 = arith.constant 0 : index
    %get3A_4 = vector.load %arg1[%get3A_2, %get3A_3] : memref<2500x256xf32, #tpu.memory_space<vmem>>, vector<2500x256xf32>
    %reduce_min3A = vector.shape_cast %get3A_1 : vector<2500x256xf32> to vector<1x2500x256xf32>
    %reduce_min3A_5 = arith.constant dense<0x7F800000> : vector<1xf32>
    %reduce_min3A_6 = vector.multi_reduction <minimumf>, %reduce_min3A, %reduce_min3A_5 [1, 2] : vector<1x2500x256xf32> to vector<1xf32>
    %reduce_min3A_7 = vector.shape_cast %reduce_min3A_6 : vector<1xf32> to vector<1x1x1xf32>
    %reduce_min3A_8 = vector.extract %reduce_min3A_7[0, 0, 0] : f32 from vector<1x1x1xf32>
    %reduce_max3A = vector.shape_cast %get3A_1 : vector<2500x256xf32> to vector<1x2500x256xf32>
    %reduce_max3A_9 = arith.constant dense<0xFF800000> : vector<1xf32>
    %reduce_max3A_10 = vector.multi_reduction <maximumf>, %reduce_max3A, %reduce_max3A_9 [1, 2] : vector<1x2500x256xf32> to vector<1xf32>
    %reduce_max3A_11 = vector.shape_cast %reduce_max3A_10 : vector<1xf32> to vector<1x1x1xf32>
    %reduce_max3A_12 = vector.extract %reduce_max3A_11[0, 0, 0] : f32 from vector<1x1x1xf32>
    %reduce_min3A_13 = vector.shape_cast %get3A_4 : vector<2500x256xf32> to vector<1x2500x256xf32>
    %reduce_min3A_14 = arith.constant dense<0x7F800000> : vector<1xf32>
    %reduce_min3A_15 = vector.multi_reduction <minimumf>, %reduce_min3A_13, %reduce_min3A_14 [1, 2] : vector<1x2500x256xf32> to vector<1xf32>
    %reduce_min3A_16 = vector.shape_cast %reduce_min3A_15 : vector<1xf32> to vector<1x1x1xf32>
    %reduce_min3A_17 = vector.extract %reduce_min3A_16[0, 0, 0] : f32 from vector<1x1x1xf32>
    %reduce_max3A_18 = vector.shape_cast %get3A_4 : vector<2500x256xf32> to vector<1x2500x256xf32>
    %reduce_max3A_19 = arith.constant dense<0xFF800000> : vector<1xf32>
    %reduce_max3A_20 = vector.multi_reduction <maximumf>, %reduce_max3A_18, %reduce_max3A_19 [1, 2] : vector<1x2500x256xf32> to vector<1xf32>
    %reduce_max3A_21 = vector.shape_cast %reduce_max3A_20 : vector<1xf32> to vector<1x1x1xf32>
    %reduce_max3A_22 = vector.extract %reduce_max3A_21[0, 0, 0] : f32 from vector<1x1x1xf32>
    %div3A = arith.constant 1.000000e+00 : f32
    %div3A_23 = vector.broadcast %div3A : f32 to vector<2500x256xf32>
    %div3A_24 = arith.divf %div3A_23, %get3A_1 : vector<2500x256xf32>
    %cos3A = math.cos %get3A_4 : vector<2500x256xf32>
    %mul3A = arith.mulf %cos3A, %div3A_24 : vector<2500x256xf32>
    %swap3A = arith.constant 0 : index
    %swap3A_25 = arith.constant 0 : index
    %swap3A_26 = vector.load %arg2[%swap3A, %swap3A_25] : memref<2500x256xf32, #tpu.memory_space<vmem>>, vector<2500x256xf32>
    tpu.vector_store %arg2[%swap3A, %swap3A_25], %mul3A {strides = array<i32>} : memref<2500x256xf32, #tpu.memory_space<vmem>>, vector<2500x256xf32>,
    %sin3A = math.sin %get3A_4 : vector<2500x256xf32>
    %mul3A_27 = arith.mulf %sin3A, %div3A_24 : vector<2500x256xf32>
    %swap3A_28 = arith.constant 0 : index
    %swap3A_29 = arith.constant 0 : index
    %swap3A_30 = vector.load %arg3[%swap3A_28, %swap3A_29] : memref<2500x256xf32, #tpu.memory_space<vmem>>, vector<2500x256xf32>
    tpu.vector_store %arg3[%swap3A_28, %swap3A_29], %mul3A_27 {strides = array<i32>} : memref<2500x256xf32, #tpu.memory_space<vmem>>, vector<2500x256xf32>,
    %sub3A = vector.broadcast %reduce_min3A_8 : f32 to vector<2500x256xf32>
    %sub3A_31 = arith.subf %get3A_1, %sub3A : vector<2500x256xf32>
    %sub3A_32 = arith.subf %reduce_max3A_12, %reduce_min3A_8 : f32
    %div3A_33 = vector.broadcast %sub3A_32 : f32 to vector<2500x256xf32>
    %div3A_34 = arith.divf %sub3A_31, %div3A_33 : vector<2500x256xf32>
    %swap3A_35 = arith.constant 0 : index
    %swap3A_36 = arith.constant 0 : index
    %swap3A_37 = vector.load %arg4[%swap3A_35, %swap3A_36] : memref<2500x256xf32, #tpu.memory_space<vmem>>, vector<2500x256xf32>
    tpu.vector_store %arg4[%swap3A_35, %swap3A_36], %div3A_34 {strides = array<i32>} : memref<2500x256xf32, #tpu.memory_space<vmem>>, vector<2500x256xf32>,
    %sub3A_38 = vector.broadcast %reduce_min3A_17 : f32 to vector<2500x256xf32>
    %sub3A_39 = arith.subf %get3A_4, %sub3A_38 : vector<2500x256xf32>
    %sub3A_40 = arith.subf %reduce_max3A_22, %reduce_min3A_17 : f32
    %div3A_41 = vector.broadcast %sub3A_40 : f32 to vector<2500x256xf32>
    %div3A_42 = arith.divf %sub3A_39, %div3A_41 : vector<2500x256xf32>
    %swap3A_43 = arith.constant 0 : index
    %swap3A_44 = arith.constant 0 : index
    %swap3A_45 = vector.load %arg5[%swap3A_43, %swap3A_44] : memref<2500x256xf32, #tpu.memory_space<vmem>>, vector<2500x256xf32>
    tpu.vector_store %arg5[%swap3A_43, %swap3A_44], %div3A_42 {strides = array<i32>} : memref<2500x256xf32, #tpu.memory_space<vmem>>, vector<2500x256xf32>,
    return
  }
}

module attributes {stable_mosaic.version = 14 : i64} {
  func.func @_node_tables_body(%arg0: i32, %arg1: memref<2048x16xf32, #tpu.memory_space<vmem>>, %arg2: memref<16x32xf32, #tpu.memory_space<vmem>>, %arg3: memref<16x32xf32, #tpu.memory_space<vmem>>, %arg4: memref<32xf32, #tpu.memory_space<vmem>>, %arg5: memref<2xf32, #tpu.memory_space<vmem>>, %arg6: memref<2xf32, #tpu.memory_space<vmem>>, %arg7: memref<2048x40xf32, #tpu.memory_space<vmem>>, %arg8: memref<2048x32xf32, #tpu.memory_space<vmem>>) attributes {dimension_semantics = [#tpu.dimension_semantics<arbitrary>], iteration_bounds = array<i64: 20>, scalar_prefetch = 0 : i64, scratch_operands = 0 : i64, tpu.core_type = #tpu.core_type<tc>, window_params = [{transform_indices = @transform_0, window_bounds = array<i64: 2048, 16>}, {pipeline_mode = #tpu.pipeline_mode<synchronous>, transform_indices = @transform_1, window_bounds = array<i64: 16, 32>}, {pipeline_mode = #tpu.pipeline_mode<synchronous>, transform_indices = @transform_2, window_bounds = array<i64: 16, 32>}, {pipeline_mode = #tpu.pipeline_mode<synchronous>, transform_indices = @transform_3, window_bounds = array<i64: 32>}, {pipeline_mode = #tpu.pipeline_mode<synchronous>, transform_indices = @transform_4, window_bounds = array<i64: 2>}, {pipeline_mode = #tpu.pipeline_mode<synchronous>, transform_indices = @transform_5, window_bounds = array<i64: 2>}, {transform_indices = @transform_6, window_bounds = array<i64: 2048, 40>}, {transform_indices = @transform_7, window_bounds = array<i64: 2048, 32>}]} {
    %get3A = arith.constant 0 : index
    %get3A_0 = arith.constant 0 : index
    %get3A_1 = vector.load %arg1[%get3A, %get3A_0] : memref<2048x16xf32, #tpu.memory_space<vmem>>, vector<2048x16xf32>
    %get3A_2 = arith.constant 0 : index
    %get3A_3 = arith.constant 0 : index
    %get3A_4 = vector.load %arg2[%get3A_2, %get3A_3] : memref<16x32xf32, #tpu.memory_space<vmem>>, vector<16x32xf32>
    %dot_general3A = arith.constant dense<0.000000e+00> : vector<2048x32xf32>
    %dot_general3A_5 = tpu.matmul %get3A_1, %get3A_4, %dot_general3A {dimension_numbers = #tpu.dot_dimension_numbers<[1], [0], [0], [1], [0, 0, 1, 1], [], []>, transpose_lhs_hint = false} : vector<2048x16xf32>, vector<16x32xf32>, vector<2048x32xf32> -> vector<2048x32xf32>
    %get3A_6 = arith.constant 0 : index
    %get3A_7 = vector.load %arg4[%get3A_6] : memref<32xf32, #tpu.memory_space<vmem>>, vector<32xf32>
    %broadcast_in_dim3A = vector.shape_cast %get3A_7 : vector<32xf32> to vector<1x32xf32>
    %add3A = vector.broadcast %broadcast_in_dim3A : vector<1x32xf32> to vector<2048x32xf32>
    %add3A_8 = arith.addf %dot_general3A_5, %add3A : vector<2048x32xf32>
    %get3A_9 = arith.constant 0 : index
    %get3A_10 = arith.constant 0 : index
    %get3A_11 = vector.load %arg3[%get3A_9, %get3A_10] : memref<16x32xf32, #tpu.memory_space<vmem>>, vector<16x32xf32>
    %dot_general3A_12 = arith.constant dense<0.000000e+00> : vector<2048x32xf32>
    %dot_general3A_13 = tpu.matmul %get3A_1, %get3A_11, %dot_general3A_12 {dimension_numbers = #tpu.dot_dimension_numbers<[1], [0], [0], [1], [0, 0, 1, 1], [], []>, transpose_lhs_hint = false} : vector<2048x16xf32>, vector<16x32xf32>, vector<2048x32xf32> -> vector<2048x32xf32>
    %swap3A = arith.constant 0 : index
    %swap3A_14 = arith.constant 0 : index
    %swap3A_15 = vector.load %arg8[%swap3A, %swap3A_14] : memref<2048x32xf32, #tpu.memory_space<vmem>>, vector<2048x32xf32>
    tpu.vector_store %arg8[%swap3A, %swap3A_14], %dot_general3A_13 {strides = array<i32>} : memref<2048x32xf32, #tpu.memory_space<vmem>>, vector<2048x32xf32>,
    %get3A_16 = arith.constant 0 : index
    %get3A_17 = vector.load %arg5[%get3A_16] : memref<2xf32, #tpu.memory_space<vmem>>, vector<2xf32>
    %get3A_18 = arith.constant 0 : index
    %get3A_19 = vector.load %arg6[%get3A_18] : memref<2xf32, #tpu.memory_space<vmem>>, vector<2xf32>
    %slice3A = vector.extract_strided_slice %get3A_1 {offsets = [0, 14], sizes = [2048, 1], strides = [1, 1]} : vector<2048x16xf32> to vector<2048x1xf32>
    %squeeze3A = vector.shape_cast %slice3A : vector<2048x1xf32> to vector<2048xf32>
    %slice3A_20 = vector.extract_strided_slice %get3A_17 {offsets = [0], sizes = [1], strides = [1]} : vector<2xf32> to vector<1xf32>
    %squeeze3A_21 = vector.extract %slice3A_20[0] : f32 from vector<1xf32>
    %slice3A_22 = vector.extract_strided_slice %get3A_19 {offsets = [0], sizes = [1], strides = [1]} : vector<2xf32> to vector<1xf32>
    %squeeze3A_23 = vector.extract %slice3A_22[0] : f32 from vector<1xf32>
    %sub3A = arith.subf %squeeze3A_21, %squeeze3A_23 : f32
    %mul3A = vector.broadcast %sub3A : f32 to vector<2048xf32>
    %mul3A_24 = arith.mulf %squeeze3A, %mul3A : vector<2048xf32>
    %slice3A_25 = vector.extract_strided_slice %get3A_19 {offsets = [0], sizes = [1], strides = [1]} : vector<2xf32> to vector<1xf32>
    %squeeze3A_26 = vector.extract %slice3A_25[0] : f32 from vector<1xf32>
    %add3A_27 = vector.broadcast %squeeze3A_26 : f32 to vector<2048xf32>
    %add3A_28 = arith.addf %mul3A_24, %add3A_27 : vector<2048xf32>
    %slice3A_29 = vector.extract_strided_slice %get3A_1 {offsets = [0, 15], sizes = [2048, 1], strides = [1, 1]} : vector<2048x16xf32> to vector<2048x1xf32>
    %squeeze3A_30 = vector.shape_cast %slice3A_29 : vector<2048x1xf32> to vector<2048xf32>
    %slice3A_31 = vector.extract_strided_slice %get3A_17 {offsets = [1], sizes = [1], strides = [1]} : vector<2xf32> to vector<1xf32>
    %squeeze3A_32 = vector.extract %slice3A_31[0] : f32 from vector<1xf32>
    %slice3A_33 = vector.extract_strided_slice %get3A_19 {offsets = [1], sizes = [1], strides = [1]} : vector<2xf32> to vector<1xf32>
    %squeeze3A_34 = vector.extract %slice3A_33[0] : f32 from vector<1xf32>
    %sub3A_35 = arith.subf %squeeze3A_32, %squeeze3A_34 : f32
    %mul3A_36 = vector.broadcast %sub3A_35 : f32 to vector<2048xf32>
    %mul3A_37 = arith.mulf %squeeze3A_30, %mul3A_36 : vector<2048xf32>
    %slice3A_38 = vector.extract_strided_slice %get3A_19 {offsets = [1], sizes = [1], strides = [1]} : vector<2xf32> to vector<1xf32>
    %squeeze3A_39 = vector.extract %slice3A_38[0] : f32 from vector<1xf32>
    %add3A_40 = vector.broadcast %squeeze3A_39 : f32 to vector<2048xf32>
    %add3A_41 = arith.addf %mul3A_37, %add3A_40 : vector<2048xf32>
    %cos3A = math.cos %add3A_41 : vector<2048xf32>
    %mul3A_42 = arith.mulf %add3A_28, %cos3A : vector<2048xf32>
    %sin3A = math.sin %add3A_41 : vector<2048xf32>
    %mul3A_43 = arith.mulf %add3A_28, %sin3A : vector<2048xf32>
    %broadcast_in_dim3A_44 = arith.constant 0.000000e+00 : f32
    %broadcast_in_dim3A_45 = vector.broadcast %broadcast_in_dim3A_44 : f32 to vector<2048x6xf32>
    %broadcast_in_dim3A_46 = vector.shape_cast %mul3A_42 : vector<2048xf32> to vector<2048x1xf32>
    %broadcast_in_dim3A_47 = vector.shape_cast %mul3A_43 : vector<2048xf32> to vector<2048x1xf32>
    %concatenate3A = tpu.concatenate %add3A_8, %broadcast_in_dim3A_46, %broadcast_in_dim3A_47, %broadcast_in_dim3A_45 in 1 : vector<2048x32xf32>, vector<2048x1xf32>, vector<2048x1xf32>, vector<2048x6xf32> -> vector<2048x40xf32>
    %swap3A_48 = arith.constant 0 : index
    %swap3A_49 = arith.constant 0 : index
    %swap3A_50 = vector.load %arg7[%swap3A_48, %swap3A_49] : memref<2048x40xf32, #tpu.memory_space<vmem>>, vector<2048x40xf32>
    tpu.vector_store %arg7[%swap3A_48, %swap3A_49], %concatenate3A {strides = array<i32>} : memref<2048x40xf32, #tpu.memory_space<vmem>>, vector<2048x40xf32>,
    return
  }
  func.func @transform_0(%arg0: i32) -> (i32, i32) {
    %c0_i32 = arith.constant 0 : i32
    %c0_i32_0 = arith.constant 0 : i32
    return %arg0, %c0_i32 : i32, i32
  }
  func.func @transform_1(%arg0: i32) -> (i32, i32) {
    %c0_i32 = arith.constant 0 : i32
    %c0_i32_0 = arith.constant 0 : i32
    %c0_i32_1 = arith.constant 0 : i32
    return %c0_i32, %c0_i32_0 : i32, i32
  }
  func.func @transform_2(%arg0: i32) -> (i32, i32) {
    %c0_i32 = arith.constant 0 : i32
    %c0_i32_0 = arith.constant 0 : i32
    %c0_i32_1 = arith.constant 0 : i32
    return %c0_i32, %c0_i32_0 : i32, i32
  }
  func.func @transform_3(%arg0: i32) -> i32 {
    %c0_i32 = arith.constant 0 : i32
    %c0_i32_0 = arith.constant 0 : i32
    return %c0_i32 : i32
  }
  func.func @transform_4(%arg0: i32) -> i32 {
    %c0_i32 = arith.constant 0 : i32
    %c0_i32_0 = arith.constant 0 : i32
    return %c0_i32 : i32
  }
  func.func @transform_5(%arg0: i32) -> i32 {
    %c0_i32 = arith.constant 0 : i32
    %c0_i32_0 = arith.constant 0 : i32
    return %c0_i32 : i32
  }
  func.func @transform_6(%arg0: i32) -> (i32, i32) {
    %c0_i32 = arith.constant 0 : i32
    %c0_i32_0 = arith.constant 0 : i32
    return %arg0, %c0_i32 : i32, i32
  }
  func.func @transform_7(%arg0: i32) -> (i32, i32) {
    %c0_i32 = arith.constant 0 : i32
    %c0_i32_0 = arith.constant 0 : i32
    return %arg0, %c0_i32 : i32, i32
  }
}

module attributes {stable_mosaic.version = 14 : i64} {
  func.func @_edge_mlp_body(%arg0: i32, %arg1: memref<2560x40xf32, #tpu.memory_space<vmem>>, %arg2: memref<40x32xf32, #tpu.memory_space<vmem>>, %arg3: memref<32x22xf32, #tpu.memory_space<vmem>>, %arg4: memref<22xf32, #tpu.memory_space<vmem>>, %arg5: memref<2560x24xf32, #tpu.memory_space<vmem>>) attributes {dimension_semantics = [#tpu.dimension_semantics<arbitrary>], iteration_bounds = array<i64: 200>, scalar_prefetch = 0 : i64, scratch_operands = 0 : i64, tpu.core_type = #tpu.core_type<tc>, window_params = [{transform_indices = @transform_0, window_bounds = array<i64: 2560, 40>}, {pipeline_mode = #tpu.pipeline_mode<synchronous>, transform_indices = @transform_1, window_bounds = array<i64: 40, 32>}, {pipeline_mode = #tpu.pipeline_mode<synchronous>, transform_indices = @transform_2, window_bounds = array<i64: 32, 22>}, {pipeline_mode = #tpu.pipeline_mode<synchronous>, transform_indices = @transform_3, window_bounds = array<i64: 22>}, {transform_indices = @transform_4, window_bounds = array<i64: 2560, 24>}]} {
    %get3A = arith.constant 0 : index
    %get3A_0 = arith.constant 0 : index
    %get3A_1 = vector.load %arg1[%get3A, %get3A_0] : memref<2560x40xf32, #tpu.memory_space<vmem>>, vector<2560x40xf32>
    %get3A_2 = arith.constant 0 : index
    %get3A_3 = arith.constant 0 : index
    %get3A_4 = vector.load %arg2[%get3A_2, %get3A_3] : memref<40x32xf32, #tpu.memory_space<vmem>>, vector<40x32xf32>
    %dot_general3A = arith.constant dense<0.000000e+00> : vector<2560x32xf32>
    %dot_general3A_5 = tpu.matmul %get3A_1, %get3A_4, %dot_general3A {dimension_numbers = #tpu.dot_dimension_numbers<[1], [0], [0], [1], [0, 0, 1, 1], [], []>, transpose_lhs_hint = false} : vector<2560x40xf32>, vector<40x32xf32>, vector<2560x32xf32> -> vector<2560x32xf32>
    %logistic3A = arith.negf %dot_general3A_5 : vector<2560x32xf32>
    %logistic3A_6 = math.exp %logistic3A : vector<2560x32xf32>
    %logistic3A_7 = arith.constant 1.000000e+00 : f32
    %logistic3A_8 = vector.broadcast %logistic3A_7 : f32 to vector<2560x32xf32>
    %logistic3A_9 = arith.addf %logistic3A_8, %logistic3A_6 : vector<2560x32xf32>
    %logistic3A_10 = arith.divf %logistic3A_8, %logistic3A_9 : vector<2560x32xf32>
    %get3A_11 = arith.constant 0 : index
    %get3A_12 = arith.constant 0 : index
    %get3A_13 = vector.load %arg3[%get3A_11, %get3A_12] : memref<32x22xf32, #tpu.memory_space<vmem>>, vector<32x22xf32>
    %dot_general3A_14 = arith.constant dense<0.000000e+00> : vector<2560x22xf32>
    %dot_general3A_15 = tpu.matmul %logistic3A_10, %get3A_13, %dot_general3A_14 {dimension_numbers = #tpu.dot_dimension_numbers<[1], [0], [0], [1], [0, 0, 1, 1], [], []>, transpose_lhs_hint = false} : vector<2560x32xf32>, vector<32x22xf32>, vector<2560x22xf32> -> vector<2560x22xf32>
    %get3A_16 = arith.constant 0 : index
    %get3A_17 = vector.load %arg4[%get3A_16] : memref<22xf32, #tpu.memory_space<vmem>>, vector<22xf32>
    %broadcast_in_dim3A = vector.shape_cast %get3A_17 : vector<22xf32> to vector<1x22xf32>
    %add3A = vector.broadcast %broadcast_in_dim3A : vector<1x22xf32> to vector<2560x22xf32>
    %add3A_18 = arith.addf %dot_general3A_15, %add3A : vector<2560x22xf32>
    %logistic3A_19 = arith.negf %add3A_18 : vector<2560x22xf32>
    %logistic3A_20 = math.exp %logistic3A_19 : vector<2560x22xf32>
    %logistic3A_21 = arith.constant 1.000000e+00 : f32
    %logistic3A_22 = vector.broadcast %logistic3A_21 : f32 to vector<2560x22xf32>
    %logistic3A_23 = arith.addf %logistic3A_22, %logistic3A_20 : vector<2560x22xf32>
    %logistic3A_24 = arith.divf %logistic3A_22, %logistic3A_23 : vector<2560x22xf32>
    %broadcast_in_dim3A_25 = arith.constant 0.000000e+00 : f32
    %broadcast_in_dim3A_26 = vector.broadcast %broadcast_in_dim3A_25 : f32 to vector<2560x2xf32>
    %concatenate3A = tpu.concatenate %logistic3A_24, %broadcast_in_dim3A_26 in 1 : vector<2560x22xf32>, vector<2560x2xf32> -> vector<2560x24xf32>
    %swap3A = arith.constant 0 : index
    %swap3A_27 = arith.constant 0 : index
    %swap3A_28 = vector.load %arg5[%swap3A, %swap3A_27] : memref<2560x24xf32, #tpu.memory_space<vmem>>, vector<2560x24xf32>
    tpu.vector_store %arg5[%swap3A, %swap3A_27], %concatenate3A {strides = array<i32>} : memref<2560x24xf32, #tpu.memory_space<vmem>>, vector<2560x24xf32>,
    return
  }
  func.func @transform_0(%arg0: i32) -> (i32, i32) {
    %c0_i32 = arith.constant 0 : i32
    %c0_i32_0 = arith.constant 0 : i32
    return %arg0, %c0_i32 : i32, i32
  }
  func.func @transform_1(%arg0: i32) -> (i32, i32) {
    %c0_i32 = arith.constant 0 : i32
    %c0_i32_0 = arith.constant 0 : i32
    %c0_i32_1 = arith.constant 0 : i32
    return %c0_i32, %c0_i32_0 : i32, i32
  }
  func.func @transform_2(%arg0: i32) -> (i32, i32) {
    %c0_i32 = arith.constant 0 : i32
    %c0_i32_0 = arith.constant 0 : i32
    %c0_i32_1 = arith.constant 0 : i32
    return %c0_i32, %c0_i32_0 : i32, i32
  }
  func.func @transform_3(%arg0: i32) -> i32 {
    %c0_i32 = arith.constant 0 : i32
    %c0_i32_0 = arith.constant 0 : i32
    return %c0_i32 : i32
  }
  func.func @transform_4(%arg0: i32) -> (i32, i32) {
    %c0_i32 = arith.constant 0 : i32
    %c0_i32_0 = arith.constant 0 : i32
    return %arg0, %c0_i32 : i32, i32
  }
}

module attributes {stable_mosaic.version = 14 : i64} {
  func.func @_finish_body(%arg0: i32, %arg1: memref<2x2048x24xf32, #tpu.memory_space<vmem>>, %arg2: memref<2x2048x24xf32, #tpu.memory_space<vmem>>, %arg3: memref<2x2048x24xf32, #tpu.memory_space<vmem>>, %arg4: memref<2x2048x24xf32, #tpu.memory_space<vmem>>, %arg5: memref<2x2048x24xf32, #tpu.memory_space<vmem>>, %arg6: memref<22x16xf32, #tpu.memory_space<vmem>>, %arg7: memref<16xf32, #tpu.memory_space<vmem>>, %arg8: memref<2048x16xf32, #tpu.memory_space<vmem>>) attributes {dimension_semantics = [#tpu.dimension_semantics<arbitrary>], iteration_bounds = array<i64: 20>, scalar_prefetch = 0 : i64, scratch_operands = 0 : i64, tpu.core_type = #tpu.core_type<tc>, window_params = [{transform_indices = @transform_0, window_bounds = array<i64: 2, 2048, 24>}, {transform_indices = @transform_1, window_bounds = array<i64: 2, 2048, 24>}, {transform_indices = @transform_2, window_bounds = array<i64: 2, 2048, 24>}, {transform_indices = @transform_3, window_bounds = array<i64: 2, 2048, 24>}, {transform_indices = @transform_4, window_bounds = array<i64: 2, 2048, 24>}, {pipeline_mode = #tpu.pipeline_mode<synchronous>, transform_indices = @transform_5, window_bounds = array<i64: 22, 16>}, {pipeline_mode = #tpu.pipeline_mode<synchronous>, transform_indices = @transform_6, window_bounds = array<i64: 16>}, {transform_indices = @transform_7, window_bounds = array<i64: 2048, 16>}]} {
    %get3A = arith.constant 0 : index
    %get3A_0 = arith.constant 0 : index
    %get3A_1 = arith.constant 0 : index
    %get3A_2 = vector.load %arg1[%get3A, %get3A_0, %get3A_1] : memref<2x2048x24xf32, #tpu.memory_space<vmem>>, vector<1x2048x22xf32>
    %get3A_3 = vector.shape_cast %get3A_2 : vector<1x2048x22xf32> to vector<2048x22xf32>
    %get3A_4 = arith.constant 1 : index
    %get3A_5 = arith.constant 0 : index
    %get3A_6 = arith.constant 0 : index
    %get3A_7 = vector.load %arg1[%get3A_4, %get3A_5, %get3A_6] : memref<2x2048x24xf32, #tpu.memory_space<vmem>>, vector<1x2048x22xf32>
    %get3A_8 = vector.shape_cast %get3A_7 : vector<1x2048x22xf32> to vector<2048x22xf32>
    %add3A = arith.addf %get3A_3, %get3A_8 : vector<2048x22xf32>
    %get3A_9 = arith.constant 0 : index
    %get3A_10 = arith.constant 0 : index
    %get3A_11 = arith.constant 0 : index
    %get3A_12 = vector.load %arg2[%get3A_9, %get3A_10, %get3A_11] : memref<2x2048x24xf32, #tpu.memory_space<vmem>>, vector<1x2048x22xf32>
    %get3A_13 = vector.shape_cast %get3A_12 : vector<1x2048x22xf32> to vector<2048x22xf32>
    %add3A_14 = arith.addf %add3A, %get3A_13 : vector<2048x22xf32>
    %get3A_15 = arith.constant 1 : index
    %get3A_16 = arith.constant 0 : index
    %get3A_17 = arith.constant 0 : index
    %get3A_18 = vector.load %arg2[%get3A_15, %get3A_16, %get3A_17] : memref<2x2048x24xf32, #tpu.memory_space<vmem>>, vector<1x2048x22xf32>
    %get3A_19 = vector.shape_cast %get3A_18 : vector<1x2048x22xf32> to vector<2048x22xf32>
    %add3A_20 = arith.addf %add3A_14, %get3A_19 : vector<2048x22xf32>
    %get3A_21 = arith.constant 0 : index
    %get3A_22 = arith.constant 0 : index
    %get3A_23 = arith.constant 0 : index
    %get3A_24 = vector.load %arg3[%get3A_21, %get3A_22, %get3A_23] : memref<2x2048x24xf32, #tpu.memory_space<vmem>>, vector<1x2048x22xf32>
    %get3A_25 = vector.shape_cast %get3A_24 : vector<1x2048x22xf32> to vector<2048x22xf32>
    %add3A_26 = arith.addf %add3A_20, %get3A_25 : vector<2048x22xf32>
    %get3A_27 = arith.constant 1 : index
    %get3A_28 = arith.constant 0 : index
    %get3A_29 = arith.constant 0 : index
    %get3A_30 = vector.load %arg3[%get3A_27, %get3A_28, %get3A_29] : memref<2x2048x24xf32, #tpu.memory_space<vmem>>, vector<1x2048x22xf32>
    %get3A_31 = vector.shape_cast %get3A_30 : vector<1x2048x22xf32> to vector<2048x22xf32>
    %add3A_32 = arith.addf %add3A_26, %get3A_31 : vector<2048x22xf32>
    %get3A_33 = arith.constant 0 : index
    %get3A_34 = arith.constant 0 : index
    %get3A_35 = arith.constant 0 : index
    %get3A_36 = vector.load %arg4[%get3A_33, %get3A_34, %get3A_35] : memref<2x2048x24xf32, #tpu.memory_space<vmem>>, vector<1x2048x22xf32>
    %get3A_37 = vector.shape_cast %get3A_36 : vector<1x2048x22xf32> to vector<2048x22xf32>
    %add3A_38 = arith.addf %add3A_32, %get3A_37 : vector<2048x22xf32>
    %get3A_39 = arith.constant 1 : index
    %get3A_40 = arith.constant 0 : index
    %get3A_41 = arith.constant 0 : index
    %get3A_42 = vector.load %arg4[%get3A_39, %get3A_40, %get3A_41] : memref<2x2048x24xf32, #tpu.memory_space<vmem>>, vector<1x2048x22xf32>
    %get3A_43 = vector.shape_cast %get3A_42 : vector<1x2048x22xf32> to vector<2048x22xf32>
    %add3A_44 = arith.addf %add3A_38, %get3A_43 : vector<2048x22xf32>
    %get3A_45 = arith.constant 0 : index
    %get3A_46 = arith.constant 0 : index
    %get3A_47 = arith.constant 0 : index
    %get3A_48 = vector.load %arg5[%get3A_45, %get3A_46, %get3A_47] : memref<2x2048x24xf32, #tpu.memory_space<vmem>>, vector<1x2048x22xf32>
    %get3A_49 = vector.shape_cast %get3A_48 : vector<1x2048x22xf32> to vector<2048x22xf32>
    %add3A_50 = arith.addf %add3A_44, %get3A_49 : vector<2048x22xf32>
    %get3A_51 = arith.constant 1 : index
    %get3A_52 = arith.constant 0 : index
    %get3A_53 = arith.constant 0 : index
    %get3A_54 = vector.load %arg5[%get3A_51, %get3A_52, %get3A_53] : memref<2x2048x24xf32, #tpu.memory_space<vmem>>, vector<1x2048x22xf32>
    %get3A_55 = vector.shape_cast %get3A_54 : vector<1x2048x22xf32> to vector<2048x22xf32>
    %add3A_56 = arith.addf %add3A_50, %get3A_55 : vector<2048x22xf32>
    %get3A_57 = arith.constant 0 : index
    %get3A_58 = arith.constant 0 : index
    %get3A_59 = vector.load %arg6[%get3A_57, %get3A_58] : memref<22x16xf32, #tpu.memory_space<vmem>>, vector<22x16xf32>
    %dot_general3A = arith.constant dense<0.000000e+00> : vector<2048x16xf32>
    %dot_general3A_60 = tpu.matmul %add3A_56, %get3A_59, %dot_general3A {dimension_numbers = #tpu.dot_dimension_numbers<[1], [0], [0], [1], [0, 0, 1, 1], [], []>, transpose_lhs_hint = false} : vector<2048x22xf32>, vector<22x16xf32>, vector<2048x16xf32> -> vector<2048x16xf32>
    %get3A_61 = arith.constant 0 : index
    %get3A_62 = vector.load %arg7[%get3A_61] : memref<16xf32, #tpu.memory_space<vmem>>, vector<16xf32>
    %broadcast_in_dim3A = vector.shape_cast %get3A_62 : vector<16xf32> to vector<1x16xf32>
    %add3A_63 = vector.broadcast %broadcast_in_dim3A : vector<1x16xf32> to vector<2048x16xf32>
    %add3A_64 = arith.addf %dot_general3A_60, %add3A_63 : vector<2048x16xf32>
    %logistic3A = arith.negf %add3A_64 : vector<2048x16xf32>
    %logistic3A_65 = math.exp %logistic3A : vector<2048x16xf32>
    %logistic3A_66 = arith.constant 1.000000e+00 : f32
    %logistic3A_67 = vector.broadcast %logistic3A_66 : f32 to vector<2048x16xf32>
    %logistic3A_68 = arith.addf %logistic3A_67, %logistic3A_65 : vector<2048x16xf32>
    %logistic3A_69 = arith.divf %logistic3A_67, %logistic3A_68 : vector<2048x16xf32>
    %swap3A = arith.constant 0 : index
    %swap3A_70 = arith.constant 0 : index
    %swap3A_71 = vector.load %arg8[%swap3A, %swap3A_70] : memref<2048x16xf32, #tpu.memory_space<vmem>>, vector<2048x16xf32>
    tpu.vector_store %arg8[%swap3A, %swap3A_70], %logistic3A_69 {strides = array<i32>} : memref<2048x16xf32, #tpu.memory_space<vmem>>, vector<2048x16xf32>,
    return
  }
  func.func @transform_0(%arg0: i32) -> (i32, i32, i32) {
    %c0_i32 = arith.constant 0 : i32
    %c0_i32_0 = arith.constant 0 : i32
    %c0_i32_1 = arith.constant 0 : i32
    return %c0_i32, %arg0, %c0_i32_0 : i32, i32, i32
  }
  func.func @transform_1(%arg0: i32) -> (i32, i32, i32) {
    %c0_i32 = arith.constant 0 : i32
    %c0_i32_0 = arith.constant 0 : i32
    %c0_i32_1 = arith.constant 0 : i32
    return %c0_i32, %arg0, %c0_i32_0 : i32, i32, i32
  }
  func.func @transform_2(%arg0: i32) -> (i32, i32, i32) {
    %c0_i32 = arith.constant 0 : i32
    %c0_i32_0 = arith.constant 0 : i32
    %c0_i32_1 = arith.constant 0 : i32
    return %c0_i32, %arg0, %c0_i32_0 : i32, i32, i32
  }
  func.func @transform_3(%arg0: i32) -> (i32, i32, i32) {
    %c0_i32 = arith.constant 0 : i32
    %c0_i32_0 = arith.constant 0 : i32
    %c0_i32_1 = arith.constant 0 : i32
    return %c0_i32, %arg0, %c0_i32_0 : i32, i32, i32
  }
  func.func @transform_4(%arg0: i32) -> (i32, i32, i32) {
    %c0_i32 = arith.constant 0 : i32
    %c0_i32_0 = arith.constant 0 : i32
    %c0_i32_1 = arith.constant 0 : i32
    return %c0_i32, %arg0, %c0_i32_0 : i32, i32, i32
  }
  func.func @transform_5(%arg0: i32) -> (i32, i32) {
    %c0_i32 = arith.constant 0 : i32
    %c0_i32_0 = arith.constant 0 : i32
    %c0_i32_1 = arith.constant 0 : i32
    return %c0_i32, %c0_i32_0 : i32, i32
  }
  func.func @transform_6(%arg0: i32) -> i32 {
    %c0_i32 = arith.constant 0 : i32
    %c0_i32_0 = arith.constant 0 : i32
    return %c0_i32 : i32
  }
  func.func @transform_7(%arg0: i32) -> (i32, i32) {
    %c0_i32 = arith.constant 0 : i32
    %c0_i32_0 = arith.constant 0 : i32
    return %arg0, %c0_i32 : i32, i32
  }
}

</mosaic_0001>

<sc_bundles>
// kernel: kernel.20.cloned.1.call-start
scs
__scs_entry_jumppad:
0x0: {  	(pc) =	sbr.rel $0x88, $3  }
0x1: {  	(tag) =	ssettag $0x0;
	lr =	simm.s32 $0x1  }
0x2: {  	[smem:$0x3F96] =	sst lr;
	_ =	strace $0xD0000000  }
0x3: {  	_ = 	snop  }
0x4: {  	_ = 	snop  }
0x5: {  	_ = 	snop  }
0x6: {  	_ = 	snop  }
0x7: {  	_ = 	snop  }
__scs_overlays_trampoline_lowered:
0x8: {  	[smem:$0x3FA5] =	sst s0  }
0x9: {  	[smem:$0x3FA6] =	sst s1  }
0xa: {  	[smem:$0x3FA7] =	sst s2  }
0xb: {  	[smem:$0x3FA8] =	sst s3  }
0xc: {  	[smem:$0x3FA9] =	sst s4  }
0xd: {  	[smem:$0x3FAA] =	sst s5  }
0xe: {  	[smem:$0x3FAB] =	sst s6  }
0xf: {  	[smem:$0x3FAC] =	sst s7  }
0x10: {  	[smem:$0x3FAD] =	sst s8  }
0x11: {  	[smem:$0x3FAE] =	sst s9;
	s0 =	simm.s32 @!p0 $0x0  }
0x12: {  	s1 =	sld [smem:$0x3F94];
	s0 =	simm.s32 @p0 $0x1  }
0x13: {  	[smem:$0x3FAF] =	sst s0;
	s0 =	simm.s32 @!p1 $0x0  }
0x14: {  	s2 =	sld [smem:$0x3F93];
	s0 =	simm.s32 @p1 $0x1  }
0x15: {  	[smem:$0x3FB0] =	sst s0;
	s0 =	simm.s32 @!p2 $0x0  }
0x16: {  	s3 =	sld [smem:$0x3FDB];
	s0 =	simm.s32 @p2 $0x1  }
0x17: {  	s4 =	simm.s32 $0x1BF5;
	[smem:$0x3FB2] =	sst s0  }
0x18: {  	s0 =	sld [smem:$0x3F95];
	_ =	swait.ge [sflag:s4], $0x0  }
0x19: {  	s7 =	sld [smem:$0x3F96]  }
0x1a: {  	s8 =	sadd.s32 $0xFFFFE003, lr  }
0x1b: {  	s9 =	sadd.s32 $0xFFFFFEF7, lr;
	s5 =	simm.s32 $0xFFFFFFFF;
	p2 =	slt.u32 s8, $0xFFFFF086  }
0x1c: {  	p1 =	slt.u32 s9, $0xF7A;
	s5 =	simm.s32 @!p2 $0x0  }
0x1d: {  	s5 =	simm.s32 @p1 $0x1;
	p0 =	seq.s32 s7, s2  }
0x1e: {  	s7 =	smul.u32 @!p0 $0xF7A, s2;
	p2 =	seq.s32 @!p0 s5, $0x0  }
0x1f: {  	s9 =	smul.u32 $0xF7A, s1;
	s8 =	simm.s32 @!p0 $0x1BF5;
	p2 =	por !p2, p0  }
0x20: {  	[sflag:s8] =	ssyncset.s32 @!p0 $0xFFFFF086;
	s6 =	sadd.s32 @!p0 s3, s7;
	s7 =	simm.s32 @!p0 $0x108  }
0x21: {  	s3 =	sadd.s32 s3, s9;
	s6 =	sadd.s32 @!p0 $0x88, s6;
	s7 =	simm.s32 @p2 $0x1082  }
0x22: {  	[simem:s7], [sflag:s8] =	dma.local @!p0 [hbm:s6], $0xF7A  }
0x23: {  	s9 =	sor.u32 $0xD0000000, s2;
	s6 =	simm.s32 $0x108;
	_ =	swait.ge @!p0 [sflag:s8], $0x0  }
0x24: {  	s3 =	sadd.s32 $0x88, s3;
	s6 =	simm.s32 @!p1 $0x1082;
	[sflag:s4] =	ssyncset.s32 $0xFFFFF086  }
0x25: {  	[simem:s6], [sflag:s4] =	dma.local [hbm:s3], $0xF7A  }
0x26: {  	[smem:$0x3F96] =	sst s1;
	(tag) =	ssettag s2;
	_ =	strace s9  }
0x27: {  	s1 =	sld [smem:$0x3FA6]  }
0x28: {  	s2 =	sld [smem:$0x3FA7]  }
0x29: {  	s4 =	sld [smem:$0x3FA9]  }
0x2a: {  	p0 =	seq.s32 s5, $0x0;
	s5 =	sld [smem:$0x3FAA]  }
0x2b: {  	s6 =	sld [smem:$0x3FAB]  }
0x2c: {  	s7 =	sld [smem:$0x3FAC]  }
0x2d: {  	s3 =	simm.s32 $0x108;
	s8 =	sld [smem:$0x3FAD]  }
0x2e: {  	s3 =	simm.s32 @!p0 $0x1082;
	s9 =	sld [smem:$0x3FAE]  }
0x2f: {  	lr =	sadd.s32 s0, s3;
	s0 =	sld [smem:$0x3FA5]  }
0x30: {  	s3 =	sld [smem:$0x3FA8]  }
0x31: {  	[smem:$0x3FB1] =	sst s10  }
0x32: {  	s10 =	sld [smem:$0x3FAF];
	_ =	sdelay $0x3  }
0x33: {  	p0 =	seq.s32 s10, $0x1;
	s10 =	sld [smem:$0x3FB1];
	_ =	sdelay $0x3  }
0x34: {  	[smem:$0x3FB1] =	sst s10  }
0x35: {  	s10 =	sld [smem:$0x3FB0];
	_ =	sdelay $0x3  }
0x36: {  	p1 =	seq.s32 s10, $0x1;
	s10 =	sld [smem:$0x3FB1];
	_ =	sdelay $0x3  }
0x37: {  	[smem:$0x3FB1] =	sst s10  }
0x38: {  	s10 =	sld [smem:$0x3FB2]  }
0x39: {  	_ = 	snop;
	(pc) =	sbr.ind lr, $3  }
0x3a: {  	_ = 	snop  }
0x3b: {  	_ = 	snop  }
0x3c: {  	p2 =	seq.s32 s10, $0x1;
	s10 =	sld [smem:$0x3FB1]  }
0x3d: {  	_ =	shalt  }
0x3e: {  	_ =	shalt  }
0x3f: {  	_ =	shalt  }
0x40: {  	_ =	shalt  }
0x41: {  	_ =	shalt  }
0x42: {  	_ =	shalt  }
0x43: {  	_ =	shalt  }
0x44: {  	_ =	shalt  }
0x45: {  	_ =	shalt  }
0x46: {  	_ =	shalt  }
0x47: {  	_ =	shalt  }
0x48: {  	_ =	shalt  }
0x49: {  	_ =	shalt  }
0x4a: {  	_ =	shalt  }
0x4b: {  	_ =	shalt  }
0x4c: {  	_ =	shalt  }
0x4d: {  	_ =	shalt  }
0x4e: {  	_ =	shalt  }
0x4f: {  	_ =	shalt  }
0x50: {  	_ =	shalt  }
0x51: {  	_ =	shalt  }
0x52: {  	_ =	shalt  }
0x53: {  	_ =	shalt  }
0x54: {  	_ =	shalt  }
0x55: {  	_ =	shalt  }
0x56: {  	_ =	shalt  }
0x57: {  	_ =	shalt  }
0x58: {  	_ =	shalt  }
0x59: {  	_ =	shalt  }
0x5a: {  	_ =	shalt  }
0x5b: {  	_ =	shalt  }
0x5c: {  	_ =	shalt  }
0x5d: {  	_ =	shalt  }
0x5e: {  	_ =	shalt  }
0x5f: {  	_ =	shalt  }
0x60: {  	_ =	shalt  }
0x61: {  	_ =	shalt  }
0x62: {  	_ =	shalt  }
0x63: {  	_ =	shalt  }
0x64: {  	_ =	shalt  }
0x65: {  	_ =	shalt  }
0x66: {  	_ =	shalt  }
0x67: {  	_ =	shalt  }
0x68: {  	_ =	shalt  }
0x69: {  	_ =	shalt  }
0x6a: {  	_ =	shalt  }
0x6b: {  	_ =	shalt  }
0x6c: {  	_ =	shalt  }
0x6d: {  	_ =	shalt  }
0x6e: {  	_ =	shalt  }
0x6f: {  	_ =	shalt  }
0x70: {  	_ =	shalt  }
0x71: {  	_ =	shalt  }
0x72: {  	_ =	shalt  }
0x73: {  	_ =	shalt  }
0x74: {  	_ =	shalt  }
0x75: {  	_ =	shalt  }
0x76: {  	_ =	shalt  }
0x77: {  	_ =	shalt  }
0x78: {  	_ =	shalt  }
0x79: {  	_ =	shalt  }
0x7a: {  	_ =	shalt  }
0x7b: {  	_ =	shalt  }
0x7c: {  	_ =	shalt  }
0x7d: {  	_ =	shalt  }
0x7e: {  	_ =	shalt  }
0x7f: {  	_ =	shalt  }
0x80: {  	_ =	shalt  }
0x81: {  	_ =	shalt  }
0x82: {  	_ =	shalt  }
0x83: {  	_ =	shalt  }
0x84: {  	_ =	shalt  }
0x85: {  	_ =	shalt  }
0x86: {  	_ =	shalt  }
0x87: {  	_ =	shalt  }
.Lfunc_end0:
.L_simem_size_0:
called_computation_lowered:
.L_overlay_start_0:
0x88: {  	s2 =	sld [smem:$0x3FD9]  }
0x89: {  	s3 =	sld [smem:$0x3FFE];
	_ =	sdelay $0x1  }
0x8a: {  	s1 =	srdreg.scid  }
0x8b: {  	s0 =	sand.u32 $0x1, s1  }
0x8c: {  	s17 =	sshll.u32 s0, $0xA;
	s2 =	sadd.s32 s3, s2  }
0x8d: {  	s2 =	sadd.s32 s2, s17  }
0x8e: {  	[smem:$0x3FBD] =	sst s2  }
0x8f: {  	_ = 	snop  }
0x90: {  	s18 =	sld [smem:$0x3FD0];
	(tm) =	ssettm $0x1  }
0x91: {  	s19 =	sld [smem:$0x3FFB];
	_ =	sdelay $0x3  }
0x92: {  	_ =	strace s19  }
0x93: {  	s2 =	sld [smem:$0x3FFC];
	_ =	sdelay $0x3  }
0x94: {  	_ =	strace s2  }
0x95: {  	s2 =	sld [smem:$0x3FFD];
	_ =	sdelay $0x3  }
0x96: {  	_ =	strace s2  }
0x97: {  	_ =	strace $0x8FFFFFFF  }
0x98: {  	s20 =	sld [smem:$0x3FDB];
	_ =	sdelay $0x1  }
0x99: {  	s4 =	simm.s32 $_scs_section_size  }
0x9a: {  	s5 =	simm.s32 $_size__tile_overlayer_lowered;
	s6 =	simm.s32 $_tile_overlayer_lowered  }
0x9b: {  	s7 =	simm.s32 $0x1BFF;
	s21 =	sshll.u32 s6, $0x1;
	s4 =	sadd.s32 s4, s20  }
0x9c: {  	s22 =	simm.s32 $0x0;
	s5 =	sshll.u32 s5, $0x1;
	s6 =	sadd.s32 s21, s4  }
0x9d: {  	[timem:s22], [sflag:s7] =	dma.local [hbm:s6], s5  }
0x9e: {  	_ =	swait.ge [sflag:s7], s5  }
0x9f: {  	s5 =	ssub.s32 $0x0, s5;
	[sflag:s7] =	ssyncset.done $0x0  }
0xa0: {  	[sflag:s7] =	ssyncadd.s32 s5;
	_ =	sdelay $0x1  }
0xa1: {  	s23 =	simm.s32 $0x1B8B  }
0xa2: {  	_ =	swait.ge [sflag:s23], $0x1  }
0xa3: {  	[sflag:s23] =	ssyncset.done $0x0  }
0xa4: {  	[sflag:s23] =	ssyncadd.s32 $0xFFFFFFFF  }
0xa5: {  	s5 =	sld [smem:$0x0]  }
0xa6: {  	s6 =	sand.u32 $0xFFFFFFFE, s1  }
0xa7: {  	p0 =	sne.s32 s1, s6  }
0xa8: {  	s6 =	sshll.u32 @p0 s6, $0xE  }
0xa9: {  	s6 =	sadd.s32 @p0 $0x11B8D, s6;
	s7 =	sshll.u32 @p0 s5, $0x11  }
0xaa: {  	s6 =	sor.u32 @p0 s7, s6  }
0xab: {  	[sflag:s6] =	ssyncadd.remote.s32 @p0 $0x1;
	_ =	sdelay $0x1  }
0xac: {  	s6 =	simm.s32 @p0 $0x1B8D  }
0xad: {  	_ =	swait.eq @p0 [sflag:s6], $0x1  }
0xae: {  	[sflag:s6] =	ssyncadd.s32 @p0 $0xFFFFFFFF  }
0xaf: {  	s7 =	sshll.u32 @!p0 s1, $0xE  }
0xb0: {  	s7 =	sor.u32 @!p0 $0x4000, s7;
	s6 =	simm.s32 @!p0 $0x1B8D  }
0xb1: {  	s5 =	sshll.u32 @!p0 s5, $0x11;
	s7 =	sadd.s32 @!p0 $0x11B8D, s7;
	_ =	swait.eq @!p0 [sflag:s6], $0x1  }
0xb2: {  	s5 =	sor.u32 @!p0 s5, s7;
	[sflag:s6] =	ssyncadd.s32 @!p0 $0xFFFFFFFF  }
0xb3: {  	s25 =	simm.s32 $0x1B8E;
	s24 =	sld [smem:$0x3FFE];
	[sflag:s5] =	ssyncadd.remote.s32 @!p0 $0x1  }
0xb4: {  	s26 =	simm.s32 $execute0_lowered;
	[smem:$0x3FD2] =	sst s25  }
0xb5: {  	s6 =	sshll.u32 s26, $0x1;
	_ =	strace $0x80000052;
	[dreg:$0x1] =	wrdreg $0xFFFFFFFF  }
0xb6: {  	s28 =	simm.s32 $_size_execute0_lowered;
	s4 =	sadd.s32 s4, s6;
	[dreg:$0x0] =	wrdreg $0x0  }
0xb7: {  	s6 =	sshll.u32 s28, $0x1;
	[dreg:$0x2] =	wrdreg s4  }
0xb8: {  	[dreg:$0x3] =	wrdreg s6  }
0xb9: {  	[dreg:$0x4] =	wrdreg $0xC0  }
0xba: {  	_ =	task [dreg:s22], $0x5FFFF  }
0xbb: {  	[dreg:$0x1] =	wrdreg $0xFFFFFFFF  }
0xbc: {  	[dreg:$0x0] =	wrdreg $0x60  }
0xbd: {  	[dreg:$0x2] =	wrdreg s24  }
0xbe: {  	[dreg:$0x3] =	wrdreg s18  }
0xbf: {  	[dreg:$0x4] =	wrdreg $0x9  }
0xc0: {  	_ =	task.clear_ibuf [dreg:s22], $0x5FFFF;
	_ =	strace $0x90000052  }
0xc1: {  	s29 =	simm.s32 $0x9;
	_ =	strace $0x80000054  }
0xc2: {  	_ =	swait.ge [sflag:s29], $0x1  }
0xc3: {  	[sflag:s29] =	ssyncadd.s32 $0xFFFFFFFF  }
0xc4: {  	_ =	strace $0x90000054  }
0xc5: {  	_ =	sfence  }
0xc6: {  	s30 =	sld [smem:$0x0];
	_ =	sdelay $0x2  }
0xc7: {  	s31 =	sshll.u32 s1, $0xD;
	s1 =	sshrl.u32 s1, $0x2  }
0xc8: {  	s4 =	sand.u32 $0x4000, s31;
	s1 =	sadd.s32 s1, s30  }
0xc9: {  	s0 =	sor.u32 s4, s0;
	s1 =	sshll.u32 s1, $0x11  }
0xca: {  	s0 =	sor.u32 s1, s0  }
0xcb: {  	s0 =	sadd.s32 $0x8F2B, s0  }
0xcc: {  	[sflag:s0] =	ssyncadd.remote.s32 $0x1  }
0xcd: {  	_ =	sfence.sel $0xFFFF  }
0xce: {  	[dreg:$0x0] =	wrdreg $0xFFFFFFFF;
	(pc) =	sbr.abs _section_cstart, $3  }
0xcf: {  	[dreg:$0x1] =	wrdreg $0xFFFFFFFF  }
0xd0: {  	_ =	task.clear_ibuf [dreg:s22], $0x2FFFF;
	_ =	strace $0x9FFFFFFF  }
0xd1: {  	(tm) =	ssettm $0x7FFFFFFF  }
tec
execute0_lowered:
.L_overlay_start_1:
0x0: {  	(tag) =	ssettag $0x1  }
0x1: {  	s0 =	rddreg [dreg:$0x0]  }
0x2: {  	s2 =	simm.s32 $0x0;
	s30 =	srdreg.scid;
	s6 =	stileid.u32  }
0x3: {  	s14 =	simm.s32 $0x1;
	s16 =	simm.s32 $0x50;
	s17 =	simm.s32 $0x2EE0  }
0x4: {  	s18 =	simm.s32 $0x2F80;
	s19 =	simm.s32 $0x2F30;
	s20 =	simm.s32 $0x3C00  }
0x5: {  	[smem:$0x7FF] =	sst s2;
	s3 =	sadd.s32 $0x82400, s0;
	s1 =	sadd.s32 $0x17600, s0  }
0x6: {  	_ =	strace $0x80000053;
	[dreg:$0x3] =	wrdreg s1;
	s1 =	sand.u32 $0x1, s30  }
0x7: {  	v0 =	vlaneseq.u32;
	s4 =	sadd.s32 $0xB4400, s0;
	s7 =	sadd.s32 $0x13600, s0;
	s5 =	ssub.s32 $0x2, s1  }
0x8: {  	s8 =	sadd.s32 $0xF600, s0;
	s9 =	sadd.s32 $0xB600, s0;
	v4 =	vmul.u32 $0x28, v0;
	s12 =	sshrl.u32 s5, $0x1  }
0x9: {  	s11 =	sshll.u32 s6, $0x1;
	s10 =	sadd.s32 $0x7600, s0;
	s31 =	ssub.s32 s5, s12  }
0xa: {  	s1 =	sor.u32 s1, s11;
	s11 =	sadd.s32 $0xAC0400, s0;
	v0 =	vadd.s32 $0x20, v4;
	v1 =	vadd.s32 $0x21, v4;
	s0 =	smax.u32 s31, $0x1  }
0xb: {  	v2 =	vadd.s32 $0x22, v4;
	v3 =	vadd.s32 $0x23, v4;
	v4 =	vadd.s32 $0x24, v4;
	s12 =	smul.u32 $0xFA0, s1;
	s1 =	simm.s32 $0x0;
	[dreg:$0x4] =	wrdreg s0  }
.LBB2_1:
0xc: {  	[dreg:$0x5] =	wrdreg s1;
	p1 =	por $0x1, $0x1;
	s0 =	simm.s32 $0x0  }
.LBB2_2:
0xd: {  	s22 =	sadd.s32 s12, s0  }
0xe: {  	s1 =	rddreg [dreg:$0x3];
	s0 =	sshrl.u32 s22, $0x3  }
0xf: {  	s23 =	simm.s32 $0x0;
	s1 =	sadd.s32 s1, s0  }
0x10: {  	[tilespmem:s23], [sflag:$0x1] =	stream.linear.gather [hbm4b:s1+s23], $0x7D0, $0x38;
	[tilespmem:$0x4600] =	vst v63  }
0x11: {  	_ =	swait.ge [sflag:s14], $0x7D0  }
0x12: {  	[sflag:s14] =	ssyncset.done $0x0  }
0x13: {  	[sflag:s14] =	ssyncadd.s32 $0xFFFFF830  }
0x14: {  	s26 =	rddreg [dreg:$0x1]  }
0x15: {  	s5 =	simm.s32 $0x7D0;
	s1 =	sadd.s32 s26, s0  }
0x16: {  	[tilespmem:s5], [sflag:$0x1] =	stream.linear.gather [hbm4b:s1+s23], $0x7D0, $0x38;
	[tilespmem:$0x4600] =	vst v63  }
0x17: {  	_ =	swait.ge [sflag:s14], $0x7D0  }
0x18: {  	[sflag:s14] =	ssyncset.done $0x0  }
0x19: {  	s21 =	simm.s32 $0xFA0;
	s29 =	sadd.s32 s7, s0;
	[sflag:s14] =	ssyncadd.s32 $0xFFFFF830  }
0x1a: {  	[tilespmem:s21], [sflag:$0x1] =	stream.linear.gather [hbm4b:s29+s23], $0x7D0, $0x38;
	[tilespmem:$0x4600] =	vst v63  }
0x1b: {  	_ =	swait.ge [sflag:s14], $0x7D0  }
0x1c: {  	[sflag:s14] =	ssyncset.done $0x0  }
0x1d: {  	s30 =	sadd.s32 s8, s0;
	s5 =	simm.s32 $0x1770;
	[sflag:s14] =	ssyncadd.s32 $0xFFFFF830  }
0x1e: {  	[tilespmem:s5], [sflag:$0x1] =	stream.linear.gather [hbm4b:s30+s23], $0x7D0, $0x38;
	[tilespmem:$0x4600] =	vst v63  }
0x1f: {  	_ =	swait.ge [sflag:s14], $0x7D0  }
0x20: {  	[sflag:s14] =	ssyncset.done $0x0  }
0x21: {  	s31 =	sadd.s32 s9, s0;
	s26 =	simm.s32 $0x1F40;
	[sflag:s14] =	ssyncadd.s32 $0xFFFFF830  }
0x22: {  	[tilespmem:s26], [sflag:$0x1] =	stream.linear.gather [hbm4b:s31+s23], $0x7D0, $0x38;
	[tilespmem:$0x4600] =	vst v63  }
0x23: {  	_ =	swait.ge [sflag:s14], $0x7D0  }
0x24: {  	[sflag:s14] =	ssyncset.done $0x0  }
0x25: {  	s28 =	simm.s32 $0x2710;
	s0 =	sadd.s32 s10, s0;
	[sflag:s14] =	ssyncadd.s32 $0xFFFFF830  }
0x26: {  	[tilespmem:s28], [sflag:$0x1] =	stream.linear.gather [hbm4b:s0+s23], $0x7D0, $0x38;
	[tilespmem:$0x4600] =	vst v63  }
0x27: {  	_ =	swait.ge [sflag:s14], $0x7D0  }
0x28: {  	[sflag:s14] =	ssyncset.done $0x0  }
0x29: {  	p0 =	por p1, p1;
	[sflag:s14] =	ssyncadd.s32 $0xFFFFF830  }
.LBB2_3:
0x2a: {  	s29 =	smul.u32 $0x50, s23;
	_ =	sdelay $0x1  }
0x2b: {  	s31 =	simm.s32 $0x0;
	s30 =	sadd.s32 s22, s29  }
.LBB2_4:
0x2c: {  	v5 =	vld [tilespmem:s29+$0x0];
	_ =	sdelay $0x2  }
0x2d: {  	s0 =	smul.u32 $0x2710, s31;
	_ =	sdelay $0x1  }
0x2e: {  	v5 =	vadd.s32 s0, v5  }
0x2f: {  	[tilespmem:$0x2EE0] =	vst v5  }
0x30: {  	v5 =	vld [tilespmem:s29+$0x7D0];
	_ =	sdelay $0x4  }
0x31: {  	v5 =	vadd.s32 s0, v5  }
0x32: {  	[tilespmem:$0x2F30] =	vst v5  }
0x33: {  	v5 =	vld [tilespmem:s29+$0x10];
	_ =	sdelay $0x4  }
0x34: {  	v5 =	vadd.s32 s0, v5  }
0x35: {  	[tilespmem:$0x2EF0] =	vst v5  }
0x36: {  	v5 =	vld [tilespmem:s29+$0x7E0];
	_ =	sdelay $0x4  }
0x37: {  	v5 =	vadd.s32 s0, v5  }
0x38: {  	[tilespmem:$0x2F40] =	vst v5  }
0x39: {  	v5 =	vld [tilespmem:s29+$0x20];
	_ =	sdelay $0x4  }
0x3a: {  	v5 =	vadd.s32 s0, v5  }
0x3b: {  	[tilespmem:$0x2F00] =	vst v5  }
0x3c: {  	v5 =	vld [tilespmem:s29+$0x7F0];
	_ =	sdelay $0x4  }
0x3d: {  	v5 =	vadd.s32 s0, v5  }
0x3e: {  	[tilespmem:$0x2F50] =	vst v5  }
0x3f: {  	v5 =	vld [tilespmem:s29+$0x30];
	_ =	sdelay $0x4  }
0x40: {  	v5 =	vadd.s32 s0, v5  }
0x41: {  	[tilespmem:$0x2F10] =	vst v5  }
0x42: {  	v5 =	vld [tilespmem:s29+$0x800];
	_ =	sdelay $0x4  }
0x43: {  	v5 =	vadd.s32 s0, v5  }
0x44: {  	[tilespmem:$0x2F60] =	vst v5  }
0x45: {  	v5 =	vld [tilespmem:s29+$0x40];
	_ =	sdelay $0x4  }
0x46: {  	v5 =	vadd.s32 s0, v5  }
0x47: {  	[tilespmem:$0x2F20] =	vst v5  }
0x48: {  	v5 =	vld [tilespmem:s29+$0x810];
	_ =	sdelay $0x4  }
0x49: {  	v5 =	vadd.s32 s0, v5  }
0x4a: {  	[tilespmem:$0x2F70] =	vst v5  }
0x4b: {  	[tilespmem:s18], [sflag:$0x1] =	stream.indirect.gather [hbm4b:s3+s16], $0x28, s17, s16, $0xb8;
	[tilespmem:$0x4600] =	vst v63  }
0x4c: {  	_ =	swait.ge [sflag:s14], $0xC80  }
0x4d: {  	[sflag:s14] =	ssyncset.done $0x0  }
0x4e: {  	[sflag:s14] =	ssyncadd.s32 $0xFFFFF380  }
0x4f: {  	[tilespmem:s20], [sflag:$0x1] =	stream.indirect.gather [hbm4b:s4+s16], $0x20, s19, s16, $0xb8;
	[tilespmem:$0x4600] =	vst v63  }
0x50: {  	_ =	swait.ge [sflag:s14], $0xA00  }
0x51: {  	[sflag:s14] =	ssyncset.done $0x0  }
0x52: {  	s0 =	simm.s32 $0x0;
	[sflag:s14] =	ssyncadd.s32 $0xFFFFF600  }
0x53: {  	s13 =	simm.s32 $0x0;
	s24 =	simm.s32 $0x3C10;
	s25 =	simm.s32 $0xA0;
	v5 =	vld [tilespmem:s0+$0x2F80]  }
.LBB2_5:
0x54: {  	p1 =	sne.s32 s25, $0x3160;
	v6 =	vld [tilespmem:s24+$0xFFFFFFF0];
	_ =	sdelay $0x4  }
0x55: {  	v5 =	vadd.f32 v6, v5;
	_ =	sdelay $0x1  }
0x56: {  	[tilespmem:s0+$0x2F80] =	vst v5;
	v5 =	vld [tilespmem:s0+$0x2F90]  }
0x57: {  	v6 =	vld [tilespmem:s24+$0x0];
	_ =	sdelay $0x2  }
.Ltmp0:
0x58: {  	(pc) =	sbr.rel @p1 .LBB2_5-.Ltmp0, $4  }
0x59: {  	_ = 	snop  }
0x5a: {  	v6 =	vadd.f32 v6, v5  }
0x5b: {  	s1 =	sshra.s32 s25, $0x2  }
0x5c: {  	s25 =	sadd.s32 $0xA0, s25;
	s24 =	sadd.s32 $0x20, s24;
	v5 =	vld [tilespmem:s1+$0x2F80];
	[tilespmem:s0+$0x2F90] =	vst v6;
	s0 =	smov.u32 s1  }
0x5d: {  	v6 =	vld [tilespmem:s24+$0xFFFFFFF0];
	_ =	sdelay $0x4  }
0x5e: {  	v5 =	vadd.f32 v6, v5;
	_ =	sdelay $0x1  }
0x5f: {  	[tilespmem:s0+$0x2F80] =	vst v5;
	v5 =	vld [tilespmem:s0+$0x2F90]  }
0x60: {  	v7 =	vmov s13;
	v6 =	vld [tilespmem:s24+$0x0]  }
0x61: {  	v7 =	vmul.u32 $0x28, v7;
	_ =	sdelay $0x1  }
0x62: {  	v7 =	vbroadcast v7, $0x0;
	_ =	sdelay $0x1  }
0x63: {  	v8 =	vadd.s32 v1, v7;
	v5 =	vadd.f32 v6, v5;
	_ =	sdelay $0x1  }
0x64: {  	v6 =	vadd.s32 v0, v7;
	[tilespmem:s0+$0x2F90] =	vst v5  }
0x65: {  	v5 =	vld [tilespmem:s21+$0x0]  }
0x66: {  	v10 =	vadd.s32 v2, v7;
	v9 =	vld [tilespmem:s26+$0x0]  }
0x67: {  	v8 =	vld.idx.msk [tilespmem:v8+s18+$0x0], $0xffff  }
0x68: {  	v11 =	vld [tilespmem:s5+$0x0]  }
0x69: {  	v6 =	vld.idx.msk [tilespmem:v6+s18+$0x0], $0xffff;
	_ =	sdelay $0x1  }
0x6a: {  	s25 =	simm.s32 $0x10;
	[tilespmem:v10+s18+$0x0] =	vst.idx.msk $0xffff, v9  }
0x6b: {  	v12 =	vadd.s32 v3, v7;
	v9 =	vmov s25;
	v10 =	vld [tilespmem:s28+$0x0]  }
0x6c: {  	v9 =	vmul.u32 $0x28, v9  }
0x6d: {  	v8 =	vmul.f32 v11, v8;
	v6 =	vmul.f32 v5, v6  }
0x6e: {  	v7 =	vadd.s32 v4, v7;
	v5 =	vbroadcast v9, $0x0  }
0x6f: {  	s1 =	simm.s32 $0x20;
	s13 =	sadd.s32 $0x10, s26;
	v9 =	vadd.f32 v8, v6  }
0x70: {  	s24 =	smov.u32 s21;
	s0 =	sadd.s32 $0x10, s28;
	s25 =	smov.u32 s5;
	v8 =	vadd.s32 v0, v5;
	v6 =	vadd.s32 v1, v5;
	[tilespmem:v12+s18+$0x0] =	vst.idx.msk $0xffff, v10  }
.LBB2_7:
0x71: {  	s24 =	sadd.s32 $0x10, s24  }
0x72: {  	v9 =	vmax.f32 v9, $0.0e+00;
	s25 =	sadd.s32 $0x10, s25;
	s15 =	smov.u32 s1;
	s6 =	sadd.s32 $0x10, s1  }
0x73: {  	p1 =	sne.s32 s1, $0x40;
	[tilespmem:v7+s18+$0x0] =	vst.idx.msk $0xffff, v9  }
0x74: {  	v7 =	vld [tilespmem:s24+$0x0]  }
0x75: {  	v10 =	vadd.s32 v2, v5;
	v9 =	vld [tilespmem:s13+$0x0]  }
0x76: {  	v8 =	vld.idx.msk [tilespmem:v8+s18+$0x0], $0xffff  }
0x77: {  	v6 =	vld.idx.msk [tilespmem:v6+s18+$0x0], $0xffff  }
0x78: {  	v11 =	vld [tilespmem:s25+$0x0];
	_ =	sdelay $0x1  }
0x79: {  	[tilespmem:v10+s18+$0x0] =	vst.idx.msk $0xffff, v9  }
0x7a: {  	v12 =	vadd.s32 v3, v5;
	v9 =	vmov s15;
	v10 =	vld [tilespmem:s0+$0x0]  }
.Ltmp1:
0x7b: {  	v9 =	vmul.u32 $0x28, v9;
	v8 =	vmul.f32 v7, v8;
	v7 =	vadd.s32 v4, v5;
	(pc) =	sbr.rel @p1 .LBB2_7-.Ltmp1, $4  }
0x7c: {  	v6 =	vmul.f32 v11, v6  }
0x7d: {  	v5 =	vbroadcast v9, $0x0  }
0x7e: {  	v9 =	vadd.f32 v6, v8  }
0x7f: {  	s1 =	smov.u32 s6;
	s13 =	sadd.s32 $0x10, s13;
	s0 =	sadd.s32 $0x10, s0;
	v8 =	vadd.s32 v0, v5;
	v6 =	vadd.s32 v1, v5;
	[tilespmem:v12+s18+$0x0] =	vst.idx.msk $0xffff, v10  }
0x80: {  	_ =	sdelay $0x2  }
0x81: {  	v9 =	vmax.f32 v9, $0.0e+00  }
0x82: {  	s1 =	sadd.s32 $0x10, s24;
	[tilespmem:v7+s18+$0x0] =	vst.idx.msk $0xffff, v9  }
0x83: {  	v7 =	vld [tilespmem:s1+$0x0]  }
0x84: {  	v9 =	vld [tilespmem:s13+$0x0]  }
0x85: {  	v10 =	vadd.s32 v2, v5;
	v8 =	vld.idx.msk [tilespmem:v8+s18+$0x0], $0xffff  }
0x86: {  	s24 =	sadd.s32 $0x10, s25;
	v6 =	vld.idx.msk [tilespmem:v6+s18+$0x0], $0xffff  }
0x87: {  	v11 =	vld [tilespmem:s24+$0x0];
	_ =	sdelay $0x2  }
0x88: {  	[tilespmem:v10+s18+$0x0] =	vst.idx.msk $0xffff, v9  }
0x89: {  	v63 =	vadd.s32 v3, v5;
	v9 =	vld [tilespmem:s0+$0x0]  }
0x8a: {  	v5 =	vadd.s32 v4, v5;
	s25 =	smul.u32 $0x1F400, s31;
	v7 =	vmul.f32 v7, v8;
	v6 =	vmul.f32 v11, v6;
	_ =	sdelay $0x1  }
0x8b: {  	s0 =	sadd.s32 s25, s30;
	v6 =	vadd.f32 v6, v7  }
0x8c: {  	s31 =	sadd.s32 $0x1, s31;
	s0 =	smul.u32 $0x5, s0  }
0x8d: {  	p1 =	sne.s32 s31, $0x4;
	v6 =	vmax.f32 v6, $0.0e+00;
	[tilespmem:v63+s18+$0x0] =	vst.idx.msk $0xffff, v9  }
.Ltmp2:
0x8e: {  	s0 =	sadd.s32 s11, s0;
	[tilespmem:v5+s18+$0x0] =	vst.idx.msk $0xffff, v6;
	(pc) =	sbr.rel @p1 .LBB2_4-.Ltmp2, $4  }
0x8f: {  	[hbm4b:s0+s2] =	stream.linear.scatter [tilespmem:s18], [sflag:$0x1], $0xC80, $0x38;
	[tilespmem:$0x4600] =	vst v63  }
0x90: {  	_ =	swait.ge [sflag:s14], $0xC80  }
0x91: {  	[sflag:s14] =	ssyncset.done $0x0  }
0x92: {  	[sflag:s14] =	ssyncadd.s32 $0xFFFFF380  }
0x93: {  	s23 =	sadd.s32 $0x1, s23  }
0x94: {  	p1 =	sne.s32 s23, $0x19  }
.Ltmp3:
0x95: {  	_ = 	snop;
	(pc) =	sbr.rel @p1 .LBB2_3-.Ltmp3, $3  }
0x96: {  	_ =	sdelay $0x1  }
0x97: {  	s21 =	sadd.s32 $0x50, s21  }
0x98: {  	s5 =	sadd.s32 $0x50, s5;
	s26 =	sadd.s32 $0x50, s26;
	s28 =	sadd.s32 $0x50, s28  }
.Ltmp4:
0x99: {  	(pc) =	sbr.rel @p0 .LBB2_2-.Ltmp4, $2  }
0x9a: {  	_ =	sdelay $0x2  }
0x9b: {  	s0 =	simm.s32 $0x7D0;
	p1 =	por $0x0, $0x0  }
0x9c: {  	s1 =	rddreg [dreg:$0x5]  }
0x9d: {  	s0 =	rddreg [dreg:$0x4];
	s1 =	sadd.s32 $0x1, s1  }
0x9e: {  	p0 =	sne.s32 s1, s0  }
.Ltmp5:
0x9f: {  	_ = 	snop;
	(pc) =	sbr.rel @p0 .LBB2_1-.Ltmp5, $1  }
0xa0: {  	_ =	sdelay $0x3  }
0xa1: {  	_ =	sfence.sel $0x180000  }
0xa2: {  	[bflag:$0x0] =	sbarrier.arrive $0xFFFF  }
0xa3: {  	_ =	strace $0x90000053  }
0xa4: {  	s0 =	stileid.u32;
	[bflag:$0x2] =	sbarrier.arrive $0xFFFF  }
0xa5: {  	p0 =	sne.s32 s0, $0x0;
	s0 =	rddreg [dreg:$0x2]  }
0xa6: {  	s0 =	sadd.s32 @!p0 $0x100000, s0  }
0xa7: {  	[sflag:s0] =	ssyncadd.tile.s32 @!p0 $0x1;
	_ =	shalt  }
.Lfunc_end2:
_tile_overlayer_lowered:
.L_overlay_start_2:
0xa8: {  	(tag) =	ssettag $0x2  }
0xa9: {  	s0 =	rddreg [dreg:$0x0];
	s2 =	stileid.u32  }
0xaa: {  	s1 =	rddreg [dreg:$0x1];
	p0 =	sne.s32 s2, $0x0  }
0xab: {  	s3 =	rddreg [dreg:$0x2];
	[bflag:$0x3] =	sbarrier.arrive $0xFFFF;
	s2 =	simm.s32 @!p0 $0x1C01  }
0xac: {  	[timem:s3], [sflag:s2] =	dma.local @!p0 [hbm:s0], s1  }
0xad: {  	s0 =	simm.s32 @!p0 $0x1  }
0xae: {  	_ =	swait.ge @!p0 [sflag:s0], s1  }
0xaf: {  	s1 =	ssub.s32 @!p0 $0x0, s1;
	[sflag:s0] =	ssyncset.done @!p0 $0x0  }
0xb0: {  	[sflag:s0] =	ssyncadd.s32 @!p0 s1  }
0xb1: {  	[bflag:$0x3] =	sbarrier.arrive $0xFFFF  }
0xb2: {  	_ =	shalt  }

// kernel: kernel.23.cloned.1.call-start
scs
__scs_entry_jumppad:
0x0: {  	(pc) =	sbr.rel $0x88, $3  }
0x1: {  	(tag) =	ssettag $0x0;
	lr =	simm.s32 $0x1  }
0x2: {  	[smem:$0x3F96] =	sst lr;
	_ =	strace $0xD0000000  }
0x3: {  	_ = 	snop  }
0x4: {  	_ = 	snop  }
0x5: {  	_ = 	snop  }
0x6: {  	_ = 	snop  }
0x7: {  	_ = 	snop  }
__scs_overlays_trampoline_lowered:
0x8: {  	[smem:$0x3FA5] =	sst s0  }
0x9: {  	[smem:$0x3FA6] =	sst s1  }
0xa: {  	[smem:$0x3FA7] =	sst s2  }
0xb: {  	[smem:$0x3FA8] =	sst s3  }
0xc: {  	[smem:$0x3FA9] =	sst s4  }
0xd: {  	[smem:$0x3FAA] =	sst s5  }
0xe: {  	[smem:$0x3FAB] =	sst s6  }
0xf: {  	[smem:$0x3FAC] =	sst s7  }
0x10: {  	[smem:$0x3FAD] =	sst s8  }
0x11: {  	[smem:$0x3FAE] =	sst s9;
	s0 =	simm.s32 @!p0 $0x0  }
0x12: {  	s1 =	sld [smem:$0x3F94];
	s0 =	simm.s32 @p0 $0x1  }
0x13: {  	[smem:$0x3FAF] =	sst s0;
	s0 =	simm.s32 @!p1 $0x0  }
0x14: {  	s2 =	sld [smem:$0x3F93];
	s0 =	simm.s32 @p1 $0x1  }
0x15: {  	[smem:$0x3FB0] =	sst s0;
	s0 =	simm.s32 @!p2 $0x0  }
0x16: {  	s3 =	sld [smem:$0x3FDB];
	s0 =	simm.s32 @p2 $0x1  }
0x17: {  	s4 =	simm.s32 $0x1BF5;
	[smem:$0x3FB2] =	sst s0  }
0x18: {  	s0 =	sld [smem:$0x3F95];
	_ =	swait.ge [sflag:s4], $0x0  }
0x19: {  	s7 =	sld [smem:$0x3F96]  }
0x1a: {  	s8 =	sadd.s32 $0xFFFFE003, lr  }
0x1b: {  	s9 =	sadd.s32 $0xFFFFFEF7, lr;
	s5 =	simm.s32 $0xFFFFFFFF;
	p2 =	slt.u32 s8, $0xFFFFF086  }
0x1c: {  	p1 =	slt.u32 s9, $0xF7A;
	s5 =	simm.s32 @!p2 $0x0  }
0x1d: {  	s5 =	simm.s32 @p1 $0x1;
	p0 =	seq.s32 s7, s2  }
0x1e: {  	s7 =	smul.u32 @!p0 $0xF7A, s2;
	p2 =	seq.s32 @!p0 s5, $0x0  }
0x1f: {  	s9 =	smul.u32 $0xF7A, s1;
	s8 =	simm.s32 @!p0 $0x1BF5;
	p2 =	por !p2, p0  }
0x20: {  	[sflag:s8] =	ssyncset.s32 @!p0 $0xFFFFF086;
	s6 =	sadd.s32 @!p0 s3, s7;
	s7 =	simm.s32 @!p0 $0x108  }
0x21: {  	s3 =	sadd.s32 s3, s9;
	s6 =	sadd.s32 @!p0 $0x88, s6;
	s7 =	simm.s32 @p2 $0x1082  }
0x22: {  	[simem:s7], [sflag:s8] =	dma.local @!p0 [hbm:s6], $0xF7A  }
0x23: {  	s9 =	sor.u32 $0xD0000000, s2;
	s6 =	simm.s32 $0x108;
	_ =	swait.ge @!p0 [sflag:s8], $0x0  }
0x24: {  	s3 =	sadd.s32 $0x88, s3;
	s6 =	simm.s32 @!p1 $0x1082;
	[sflag:s4] =	ssyncset.s32 $0xFFFFF086  }
0x25: {  	[simem:s6], [sflag:s4] =	dma.local [hbm:s3], $0xF7A  }
0x26: {  	[smem:$0x3F96] =	sst s1;
	(tag) =	ssettag s2;
	_ =	strace s9  }
0x27: {  	s1 =	sld [smem:$0x3FA6]  }
0x28: {  	s2 =	sld [smem:$0x3FA7]  }
0x29: {  	s4 =	sld [smem:$0x3FA9]  }
0x2a: {  	p0 =	seq.s32 s5, $0x0;
	s5 =	sld [smem:$0x3FAA]  }
0x2b: {  	s6 =	sld [smem:$0x3FAB]  }
0x2c: {  	s7 =	sld [smem:$0x3FAC]  }
0x2d: {  	s3 =	simm.s32 $0x108;
	s8 =	sld [smem:$0x3FAD]  }
0x2e: {  	s3 =	simm.s32 @!p0 $0x1082;
	s9 =	sld [smem:$0x3FAE]  }
0x2f: {  	lr =	sadd.s32 s0, s3;
	s0 =	sld [smem:$0x3FA5]  }
0x30: {  	s3 =	sld [smem:$0x3FA8]  }
0x31: {  	[smem:$0x3FB1] =	sst s10  }
0x32: {  	s10 =	sld [smem:$0x3FAF];
	_ =	sdelay $0x3  }
0x33: {  	p0 =	seq.s32 s10, $0x1;
	s10 =	sld [smem:$0x3FB1];
	_ =	sdelay $0x3  }
0x34: {  	[smem:$0x3FB1] =	sst s10  }
0x35: {  	s10 =	sld [smem:$0x3FB0];
	_ =	sdelay $0x3  }
0x36: {  	p1 =	seq.s32 s10, $0x1;
	s10 =	sld [smem:$0x3FB1];
	_ =	sdelay $0x3  }
0x37: {  	[smem:$0x3FB1] =	sst s10  }
0x38: {  	s10 =	sld [smem:$0x3FB2]  }
0x39: {  	_ = 	snop;
	(pc) =	sbr.ind lr, $3  }
0x3a: {  	_ = 	snop  }
0x3b: {  	_ = 	snop  }
0x3c: {  	p2 =	seq.s32 s10, $0x1;
	s10 =	sld [smem:$0x3FB1]  }
0x3d: {  	_ =	shalt  }
0x3e: {  	_ =	shalt  }
0x3f: {  	_ =	shalt  }
0x40: {  	_ =	shalt  }
0x41: {  	_ =	shalt  }
0x42: {  	_ =	shalt  }
0x43: {  	_ =	shalt  }
0x44: {  	_ =	shalt  }
0x45: {  	_ =	shalt  }
0x46: {  	_ =	shalt  }
0x47: {  	_ =	shalt  }
0x48: {  	_ =	shalt  }
0x49: {  	_ =	shalt  }
0x4a: {  	_ =	shalt  }
0x4b: {  	_ =	shalt  }
0x4c: {  	_ =	shalt  }
0x4d: {  	_ =	shalt  }
0x4e: {  	_ =	shalt  }
0x4f: {  	_ =	shalt  }
0x50: {  	_ =	shalt  }
0x51: {  	_ =	shalt  }
0x52: {  	_ =	shalt  }
0x53: {  	_ =	shalt  }
0x54: {  	_ =	shalt  }
0x55: {  	_ =	shalt  }
0x56: {  	_ =	shalt  }
0x57: {  	_ =	shalt  }
0x58: {  	_ =	shalt  }
0x59: {  	_ =	shalt  }
0x5a: {  	_ =	shalt  }
0x5b: {  	_ =	shalt  }
0x5c: {  	_ =	shalt  }
0x5d: {  	_ =	shalt  }
0x5e: {  	_ =	shalt  }
0x5f: {  	_ =	shalt  }
0x60: {  	_ =	shalt  }
0x61: {  	_ =	shalt  }
0x62: {  	_ =	shalt  }
0x63: {  	_ =	shalt  }
0x64: {  	_ =	shalt  }
0x65: {  	_ =	shalt  }
0x66: {  	_ =	shalt  }
0x67: {  	_ =	shalt  }
0x68: {  	_ =	shalt  }
0x69: {  	_ =	shalt  }
0x6a: {  	_ =	shalt  }
0x6b: {  	_ =	shalt  }
0x6c: {  	_ =	shalt  }
0x6d: {  	_ =	shalt  }
0x6e: {  	_ =	shalt  }
0x6f: {  	_ =	shalt  }
0x70: {  	_ =	shalt  }
0x71: {  	_ =	shalt  }
0x72: {  	_ =	shalt  }
0x73: {  	_ =	shalt  }
0x74: {  	_ =	shalt  }
0x75: {  	_ =	shalt  }
0x76: {  	_ =	shalt  }
0x77: {  	_ =	shalt  }
0x78: {  	_ =	shalt  }
0x79: {  	_ =	shalt  }
0x7a: {  	_ =	shalt  }
0x7b: {  	_ =	shalt  }
0x7c: {  	_ =	shalt  }
0x7d: {  	_ =	shalt  }
0x7e: {  	_ =	shalt  }
0x7f: {  	_ =	shalt  }
0x80: {  	_ =	shalt  }
0x81: {  	_ =	shalt  }
0x82: {  	_ =	shalt  }
0x83: {  	_ =	shalt  }
0x84: {  	_ =	shalt  }
0x85: {  	_ =	shalt  }
0x86: {  	_ =	shalt  }
0x87: {  	_ =	shalt  }
.Lfunc_end0:
.L_simem_size_0:
called_computation.1_lowered:
.L_overlay_start_0:
0x88: {  	s2 =	sld [smem:$0x3FD9]  }
0x89: {  	s3 =	sld [smem:$0x3FFE];
	_ =	sdelay $0x1  }
0x8a: {  	s1 =	srdreg.scid  }
0x8b: {  	s0 =	sand.u32 $0x1, s1  }
0x8c: {  	s17 =	sshll.u32 s0, $0xA;
	s2 =	sadd.s32 s3, s2  }
0x8d: {  	s2 =	sadd.s32 s2, s17  }
0x8e: {  	[smem:$0x3FBD] =	sst s2  }
0x8f: {  	_ = 	snop  }
0x90: {  	(tm) =	ssettm $0x1  }
0x91: {  	s18 =	sld [smem:$0x3FFB];
	_ =	sdelay $0x3  }
0x92: {  	_ =	strace s18  }
0x93: {  	s2 =	sld [smem:$0x3FFC];
	_ =	sdelay $0x3  }
0x94: {  	_ =	strace s2  }
0x95: {  	s2 =	sld [smem:$0x3FFD];
	_ =	sdelay $0x3  }
0x96: {  	_ =	strace s2  }
0x97: {  	_ =	strace $0x8FFFFFFF  }
0x98: {  	s19 =	sld [smem:$0x3FDB];
	_ =	sdelay $0x1  }
0x99: {  	s20 =	simm.s32 $_scs_section_size  }
0x9a: {  	s4 =	simm.s32 $_size__tile_overlayer_lowered;
	s5 =	simm.s32 $_tile_overlayer_lowered  }
0x9b: {  	s6 =	simm.s32 $0x1BFF;
	s21 =	sshll.u32 s5, $0x1;
	s3 =	sadd.s32 s20, s19  }
0x9c: {  	s22 =	simm.s32 $0x0;
	s4 =	sshll.u32 s4, $0x1;
	s5 =	sadd.s32 s21, s3  }
0x9d: {  	[timem:s22], [sflag:s6] =	dma.local [hbm:s5], s4  }
0x9e: {  	_ =	swait.ge [sflag:s6], s4  }
0x9f: {  	s4 =	ssub.s32 $0x0, s4;
	[sflag:s6] =	ssyncset.done $0x0  }
0xa0: {  	[sflag:s6] =	ssyncadd.s32 s4;
	_ =	sdelay $0x1  }
0xa1: {  	s23 =	simm.s32 $0x1B8B  }
0xa2: {  	_ =	swait.ge [sflag:s23], $0x1  }
0xa3: {  	[sflag:s23] =	ssyncset.done $0x0  }
0xa4: {  	[sflag:s23] =	ssyncadd.s32 $0xFFFFFFFF  }
0xa5: {  	s4 =	sld [smem:$0x0]  }
0xa6: {  	s5 =	sand.u32 $0xFFFFFFFE, s1  }
0xa7: {  	p0 =	sne.s32 s1, s5  }
0xa8: {  	s5 =	sshll.u32 @p0 s5, $0xE  }
0xa9: {  	s5 =	sadd.s32 @p0 $0x11B8D, s5;
	s6 =	sshll.u32 @p0 s4, $0x11  }
0xaa: {  	s5 =	sor.u32 @p0 s6, s5  }
0xab: {  	[sflag:s5] =	ssyncadd.remote.s32 @p0 $0x1;
	_ =	sdelay $0x1  }
0xac: {  	s5 =	simm.s32 @p0 $0x1B8D  }
0xad: {  	_ =	swait.eq @p0 [sflag:s5], $0x1  }
0xae: {  	[sflag:s5] =	ssyncadd.s32 @p0 $0xFFFFFFFF  }
0xaf: {  	s6 =	sshll.u32 @!p0 s1, $0xE  }
0xb0: {  	s6 =	sor.u32 @!p0 $0x4000, s6;
	s5 =	simm.s32 @!p0 $0x1B8D  }
0xb1: {  	s4 =	sshll.u32 @!p0 s4, $0x11;
	s6 =	sadd.s32 @!p0 $0x11B8D, s6;
	_ =	swait.eq @!p0 [sflag:s5], $0x1  }
0xb2: {  	s4 =	sor.u32 @!p0 s4, s6;
	[sflag:s5] =	ssyncadd.s32 @!p0 $0xFFFFFFFF  }
0xb3: {  	s25 =	simm.s32 $0x1B8E;
	s24 =	sld [smem:$0x3FFE];
	[sflag:s4] =	ssyncadd.remote.s32 @!p0 $0x1  }
0xb4: {  	s26 =	simm.s32 $execute0_lowered;
	[smem:$0x3FD2] =	sst s25  }
0xb5: {  	s5 =	sshll.u32 s26, $0x1;
	_ =	strace $0x8000004F;
	[dreg:$0x1] =	wrdreg $0xFFFFFFFF  }
0xb6: {  	s28 =	simm.s32 $_size_execute0_lowered;
	s3 =	sadd.s32 s3, s5;
	[dreg:$0x0] =	wrdreg $0x0  }
0xb7: {  	s5 =	sshll.u32 s28, $0x1;
	[dreg:$0x2] =	wrdreg s3  }
0xb8: {  	[dreg:$0x3] =	wrdreg s5  }
0xb9: {  	[dreg:$0x4] =	wrdreg $0xC0  }
0xba: {  	_ =	task [dreg:s22], $0x5FFFF  }
0xbb: {  	[dreg:$0x1] =	wrdreg $0xFFFFFFFF  }
0xbc: {  	[dreg:$0x0] =	wrdreg $0x60  }
0xbd: {  	[dreg:$0x2] =	wrdreg s24  }
0xbe: {  	[dreg:$0x3] =	wrdreg $0xB  }
0xbf: {  	_ =	task.clear_ibuf [dreg:s22], $0x4FFFF;
	_ =	strace $0x9000004F  }
0xc0: {  	s29 =	simm.s32 $0xB;
	_ =	strace $0x80000051  }
0xc1: {  	_ =	swait.ge [sflag:s29], $0x1  }
0xc2: {  	[sflag:s29] =	ssyncadd.s32 $0xFFFFFFFF  }
0xc3: {  	_ =	strace $0x90000051  }
0xc4: {  	_ =	sfence  }
0xc5: {  	s30 =	sld [smem:$0x0];
	_ =	sdelay $0x2  }
0xc6: {  	s31 =	sshll.u32 s1, $0xD;
	s1 =	sshrl.u32 s1, $0x2  }
0xc7: {  	s4 =	sand.u32 $0x4000, s31;
	s1 =	sadd.s32 s1, s30  }
0xc8: {  	s0 =	sor.u32 s4, s0;
	s1 =	sshll.u32 s1, $0x11  }
0xc9: {  	s0 =	sor.u32 s1, s0  }
0xca: {  	s0 =	sadd.s32 $0x8F2B, s0  }
0xcb: {  	[sflag:s0] =	ssyncadd.remote.s32 $0x1  }
0xcc: {  	_ =	sfence.sel $0xFFFF  }
0xcd: {  	[dreg:$0x0] =	wrdreg $0xFFFFFFFF;
	(pc) =	sbr.abs _section_cstart, $3  }
0xce: {  	[dreg:$0x1] =	wrdreg $0xFFFFFFFF  }
0xcf: {  	_ =	task.clear_ibuf [dreg:s22], $0x2FFFF;
	_ =	strace $0x9FFFFFFF  }
0xd0: {  	(tm) =	ssettm $0x7FFFFFFF  }
0xd1: {  	_ =	shalt  }
tec
execute0_lowered:
.L_overlay_start_1:
0x0: {  	(tag) =	ssettag $0x1  }
0x1: {  	s0 =	rddreg [dreg:$0x0];
	s1 =	simm.s32 $0x0;
	s5 =	srdreg.scid  }
0x2: {  	s30 =	stileid.u32;
	s14 =	simm.s32 $0x1;
	s16 =	simm.s32 $0x50  }
0x3: {  	s17 =	simm.s32 $0x2EE0;
	s18 =	simm.s32 $0x2F80;
	s19 =	simm.s32 $0x2F30  }
0x4: {  	s20 =	simm.s32 $0x3C00;
	[smem:$0x7FF] =	sst s1;
	s2 =	sadd.s32 $0x82400, s0  }
0x5: {  	s3 =	sadd.s32 $0xB4400, s0;
	s4 =	sadd.s32 $0xF8400, s0;
	s29 =	sadd.s32 $0xE8400, s0  }
0x6: {  	s7 =	sadd.s32 $0x7E400, s0;
	s8 =	sadd.s32 $0x6E400, s0;
	s5 =	sand.u32 $0x1, s5  }
0x7: {  	v0 =	vlaneseq.u32;
	s9 =	sadd.s32 $0x5E400, s0;
	s11 =	sshll.u32 s30, $0x1;
	s12 =	ssub.s32 $0x2, s5  }
0x8: {  	v4 =	vmul.u32 $0x28, v0;
	_ =	strace $0x80000050;
	[dreg:$0x2] =	wrdreg s4;
	s13 =	sshrl.u32 s12, $0x1  }
0x9: {  	s10 =	sadd.s32 $0x4E400, s0;
	[dreg:$0x3] =	wrdreg s29;
	s31 =	ssub.s32 s12, s13  }
0xa: {  	s5 =	sor.u32 s5, s11;
	s11 =	sadd.s32 $0x84F400, s0;
	v0 =	vadd.s32 $0x20, v4;
	v1 =	vadd.s32 $0x21, v4;
	s0 =	smax.u32 s31, $0x1  }
0xb: {  	s4 =	simm.s32 $0x0;
	v2 =	vadd.s32 $0x22, v4;
	v3 =	vadd.s32 $0x23, v4;
	v4 =	vadd.s32 $0x24, v4;
	s12 =	smul.u32 $0xFA0, s5;
	[dreg:$0x4] =	wrdreg s0  }
.LBB2_1:
0xc: {  	[dreg:$0x5] =	wrdreg s4;
	p1 =	por $0x1, $0x1;
	s0 =	simm.s32 $0x0  }
.LBB2_2:
0xd: {  	s22 =	sadd.s32 s12, s0  }
0xe: {  	s4 =	rddreg [dreg:$0x2];
	s0 =	sshrl.u32 s22, $0x3  }
0xf: {  	s23 =	simm.s32 $0x0;
	s5 =	sadd.s32 s4, s0  }
0x10: {  	[tilespmem:s23], [sflag:$0x1] =	stream.linear.gather [hbm4b:s5+s23], $0x7D0, $0x38;
	[tilespmem:$0x4600] =	vst v63  }
0x11: {  	_ =	swait.ge [sflag:s14], $0x7D0  }
0x12: {  	[sflag:s14] =	ssyncset.done $0x0;
	s25 =	rddreg [dreg:$0x3]  }
0x13: {  	s29 =	simm.s32 $0x7D0;
	[sflag:s14] =	ssyncadd.s32 $0xFFFFF830;
	s26 =	sadd.s32 s25, s0  }
0x14: {  	[tilespmem:s29], [sflag:$0x1] =	stream.linear.gather [hbm4b:s26+s23], $0x7D0, $0x38;
	[tilespmem:$0x4600] =	vst v63  }
0x15: {  	_ =	swait.ge [sflag:s14], $0x7D0  }
0x16: {  	[sflag:s14] =	ssyncset.done $0x0  }
0x17: {  	s21 =	simm.s32 $0xFA0;
	s30 =	sadd.s32 s7, s0;
	[sflag:s14] =	ssyncadd.s32 $0xFFFFF830  }
0x18: {  	[tilespmem:s21], [sflag:$0x1] =	stream.linear.gather [hbm4b:s30+s23], $0x7D0, $0x38;
	[tilespmem:$0x4600] =	vst v63  }
0x19: {  	_ =	swait.ge [sflag:s14], $0x7D0  }
0x1a: {  	[sflag:s14] =	ssyncset.done $0x0  }
0x1b: {  	s13 =	sadd.s32 s8, s0;
	s5 =	simm.s32 $0x1770;
	[sflag:s14] =	ssyncadd.s32 $0xFFFFF830  }
0x1c: {  	[tilespmem:s5], [sflag:$0x1] =	stream.linear.gather [hbm4b:s13+s23], $0x7D0, $0x38;
	[tilespmem:$0x4600] =	vst v63  }
0x1d: {  	_ =	swait.ge [sflag:s14], $0x7D0  }
0x1e: {  	[sflag:s14] =	ssyncset.done $0x0  }
0x1f: {  	s31 =	sadd.s32 s9, s0;
	s26 =	simm.s32 $0x1F40;
	[sflag:s14] =	ssyncadd.s32 $0xFFFFF830  }
0x20: {  	[tilespmem:s26], [sflag:$0x1] =	stream.linear.gather [hbm4b:s31+s23], $0x7D0, $0x38;
	[tilespmem:$0x4600] =	vst v63  }
0x21: {  	_ =	swait.ge [sflag:s14], $0x7D0  }
0x22: {  	[sflag:s14] =	ssyncset.done $0x0  }
0x23: {  	s28 =	simm.s32 $0x2710;
	s0 =	sadd.s32 s10, s0;
	[sflag:s14] =	ssyncadd.s32 $0xFFFFF830  }
0x24: {  	[tilespmem:s28], [sflag:$0x1] =	stream.linear.gather [hbm4b:s0+s23], $0x7D0, $0x38;
	[tilespmem:$0x4600] =	vst v63  }
0x25: {  	_ =	swait.ge [sflag:s14], $0x7D0  }
0x26: {  	[sflag:s14] =	ssyncset.done $0x0  }
0x27: {  	p0 =	por p1, p1;
	[sflag:s14] =	ssyncadd.s32 $0xFFFFF830  }
.LBB2_3:
0x28: {  	s29 =	smul.u32 $0x50, s23;
	_ =	sdelay $0x1  }
0x29: {  	s31 =	simm.s32 $0x0;
	s30 =	sadd.s32 s22, s29  }
.LBB2_4:
0x2a: {  	v5 =	vld [tilespmem:s29+$0x0];
	_ =	sdelay $0x2  }
0x2b: {  	s0 =	smul.u32 $0x2710, s31;
	_ =	sdelay $0x1  }
0x2c: {  	v5 =	vadd.s32 s0, v5  }
0x2d: {  	[tilespmem:$0x2EE0] =	vst v5  }
0x2e: {  	v5 =	vld [tilespmem:s29+$0x7D0];
	_ =	sdelay $0x4  }
0x2f: {  	v5 =	vadd.s32 s0, v5  }
0x30: {  	[tilespmem:$0x2F30] =	vst v5  }
0x31: {  	v5 =	vld [tilespmem:s29+$0x10];
	_ =	sdelay $0x4  }
0x32: {  	v5 =	vadd.s32 s0, v5  }
0x33: {  	[tilespmem:$0x2EF0] =	vst v5  }
0x34: {  	v5 =	vld [tilespmem:s29+$0x7E0];
	_ =	sdelay $0x4  }
0x35: {  	v5 =	vadd.s32 s0, v5  }
0x36: {  	[tilespmem:$0x2F40] =	vst v5  }
0x37: {  	v5 =	vld [tilespmem:s29+$0x20];
	_ =	sdelay $0x4  }
0x38: {  	v5 =	vadd.s32 s0, v5  }
0x39: {  	[tilespmem:$0x2F00] =	vst v5  }
0x3a: {  	v5 =	vld [tilespmem:s29+$0x7F0];
	_ =	sdelay $0x4  }
0x3b: {  	v5 =	vadd.s32 s0, v5  }
0x3c: {  	[tilespmem:$0x2F50] =	vst v5  }
0x3d: {  	v5 =	vld [tilespmem:s29+$0x30];
	_ =	sdelay $0x4  }
0x3e: {  	v5 =	vadd.s32 s0, v5  }
0x3f: {  	[tilespmem:$0x2F10] =	vst v5  }
0x40: {  	v5 =	vld [tilespmem:s29+$0x800];
	_ =	sdelay $0x4  }
0x41: {  	v5 =	vadd.s32 s0, v5  }
0x42: {  	[tilespmem:$0x2F60] =	vst v5  }
0x43: {  	v5 =	vld [tilespmem:s29+$0x40];
	_ =	sdelay $0x4  }
0x44: {  	v5 =	vadd.s32 s0, v5  }
0x45: {  	[tilespmem:$0x2F20] =	vst v5  }
0x46: {  	v5 =	vld [tilespmem:s29+$0x810];
	_ =	sdelay $0x4  }
0x47: {  	v5 =	vadd.s32 s0, v5  }
0x48: {  	[tilespmem:$0x2F70] =	vst v5  }
0x49: {  	[tilespmem:s18], [sflag:$0x1] =	stream.indirect.gather [hbm4b:s2+s16], $0x28, s17, s16, $0xb8;
	[tilespmem:$0x4600] =	vst v63  }
0x4a: {  	_ =	swait.ge [sflag:s14], $0xC80  }
0x4b: {  	[sflag:s14] =	ssyncset.done $0x0  }
0x4c: {  	[sflag:s14] =	ssyncadd.s32 $0xFFFFF380  }
0x4d: {  	[tilespmem:s20], [sflag:$0x1] =	stream.indirect.gather [hbm4b:s3+s16], $0x20, s19, s16, $0xb8;
	[tilespmem:$0x4600] =	vst v63  }
0x4e: {  	_ =	swait.ge [sflag:s14], $0xA00  }
0x4f: {  	[sflag:s14] =	ssyncset.done $0x0  }
0x50: {  	s0 =	simm.s32 $0x0;
	[sflag:s14] =	ssyncadd.s32 $0xFFFFF600  }
0x51: {  	s13 =	simm.s32 $0x0;
	s24 =	simm.s32 $0x3C10;
	s25 =	simm.s32 $0xA0;
	v5 =	vld [tilespmem:s0+$0x2F80]  }
.LBB2_5:
0x52: {  	p1 =	sne.s32 s25, $0x3160;
	v6 =	vld [tilespmem:s24+$0xFFFFFFF0];
	_ =	sdelay $0x4  }
0x53: {  	v5 =	vadd.f32 v6, v5;
	_ =	sdelay $0x1  }
0x54: {  	[tilespmem:s0+$0x2F80] =	vst v5;
	v5 =	vld [tilespmem:s0+$0x2F90]  }
0x55: {  	v6 =	vld [tilespmem:s24+$0x0];
	_ =	sdelay $0x2  }
.Ltmp0:
0x56: {  	(pc) =	sbr.rel @p1 .LBB2_5-.Ltmp0, $4  }
0x57: {  	_ = 	snop  }
0x58: {  	v6 =	vadd.f32 v6, v5  }
0x59: {  	s15 =	sshra.s32 s25, $0x2  }
0x5a: {  	s25 =	sadd.s32 $0xA0, s25;
	s24 =	sadd.s32 $0x20, s24;
	v5 =	vld [tilespmem:s15+$0x2F80];
	[tilespmem:s0+$0x2F90] =	vst v6;
	s0 =	smov.u32 s15  }
0x5b: {  	v6 =	vld [tilespmem:s24+$0xFFFFFFF0];
	_ =	sdelay $0x4  }
0x5c: {  	v5 =	vadd.f32 v6, v5;
	_ =	sdelay $0x1  }
0x5d: {  	[tilespmem:s0+$0x2F80] =	vst v5;
	v5 =	vld [tilespmem:s0+$0x2F90]  }
0x5e: {  	v7 =	vmov s13;
	v6 =	vld [tilespmem:s24+$0x0]  }
0x5f: {  	v7 =	vmul.u32 $0x28, v7;
	_ =	sdelay $0x1  }
0x60: {  	v7 =	vbroadcast v7, $0x0;
	_ =	sdelay $0x1  }
0x61: {  	v8 =	vadd.s32 v1, v7;
	v5 =	vadd.f32 v6, v5;
	_ =	sdelay $0x1  }
0x62: {  	v6 =	vadd.s32 v0, v7;
	[tilespmem:s0+$0x2F90] =	vst v5  }
0x63: {  	v5 =	vld [tilespmem:s21+$0x0]  }
0x64: {  	v10 =	vadd.s32 v2, v7;
	v9 =	vld [tilespmem:s26+$0x0]  }
0x65: {  	v8 =	vld.idx.msk [tilespmem:v8+s18+$0x0], $0xffff  }
0x66: {  	v11 =	vld [tilespmem:s5+$0x0]  }
0x67: {  	v6 =	vld.idx.msk [tilespmem:v6+s18+$0x0], $0xffff;
	_ =	sdelay $0x1  }
0x68: {  	s25 =	simm.s32 $0x10;
	[tilespmem:v10+s18+$0x0] =	vst.idx.msk $0xffff, v9  }
0x69: {  	v12 =	vadd.s32 v3, v7;
	v9 =	vmov s25;
	v10 =	vld [tilespmem:s28+$0x0]  }
0x6a: {  	v9 =	vmul.u32 $0x28, v9  }
0x6b: {  	v8 =	vmul.f32 v11, v8;
	v6 =	vmul.f32 v5, v6  }
0x6c: {  	v7 =	vadd.s32 v4, v7;
	v5 =	vbroadcast v9, $0x0  }
0x6d: {  	s15 =	simm.s32 $0x20;
	s13 =	sadd.s32 $0x10, s26;
	v9 =	vadd.f32 v8, v6  }
0x6e: {  	s24 =	smov.u32 s21;
	s0 =	sadd.s32 $0x10, s28;
	s25 =	smov.u32 s5;
	v8 =	vadd.s32 v0, v5;
	v6 =	vadd.s32 v1, v5;
	[tilespmem:v12+s18+$0x0] =	vst.idx.msk $0xffff, v10  }
.LBB2_7:
0x6f: {  	s24 =	sadd.s32 $0x10, s24  }
0x70: {  	v9 =	vmax.f32 v9, $0.0e+00;
	s25 =	sadd.s32 $0x10, s25;
	s4 =	smov.u32 s15;
	s6 =	sadd.s32 $0x10, s15  }
0x71: {  	p1 =	sne.s32 s15, $0x40;
	[tilespmem:v7+s18+$0x0] =	vst.idx.msk $0xffff, v9  }
0x72: {  	v7 =	vld [tilespmem:s24+$0x0]  }
0x73: {  	v10 =	vadd.s32 v2, v5;
	v9 =	vld [tilespmem:s13+$0x0]  }
0x74: {  	v8 =	vld.idx.msk [tilespmem:v8+s18+$0x0], $0xffff  }
0x75: {  	v6 =	vld.idx.msk [tilespmem:v6+s18+$0x0], $0xffff  }
0x76: {  	v11 =	vld [tilespmem:s25+$0x0];
	_ =	sdelay $0x1  }
0x77: {  	[tilespmem:v10+s18+$0x0] =	vst.idx.msk $0xffff, v9  }
0x78: {  	v12 =	vadd.s32 v3, v5;
	v9 =	vmov s4;
	v10 =	vld [tilespmem:s0+$0x0]  }
.Ltmp1:
0x79: {  	v9 =	vmul.u32 $0x28, v9;
	v8 =	vmul.f32 v7, v8;
	v7 =	vadd.s32 v4, v5;
	(pc) =	sbr.rel @p1 .LBB2_7-.Ltmp1, $4  }
0x7a: {  	v6 =	vmul.f32 v11, v6  }
0x7b: {  	v5 =	vbroadcast v9, $0x0  }
0x7c: {  	v9 =	vadd.f32 v6, v8  }
0x7d: {  	s15 =	smov.u32 s6;
	s13 =	sadd.s32 $0x10, s13;
	s0 =	sadd.s32 $0x10, s0;
	v8 =	vadd.s32 v0, v5;
	v6 =	vadd.s32 v1, v5;
	[tilespmem:v12+s18+$0x0] =	vst.idx.msk $0xffff, v10  }
0x7e: {  	_ =	sdelay $0x2  }
0x7f: {  	v9 =	vmax.f32 v9, $0.0e+00  }
0x80: {  	s4 =	sadd.s32 $0x10, s24;
	[tilespmem:v7+s18+$0x0] =	vst.idx.msk $0xffff, v9  }
0x81: {  	v7 =	vld [tilespmem:s4+$0x0]  }
0x82: {  	v9 =	vld [tilespmem:s13+$0x0]  }
0x83: {  	v10 =	vadd.s32 v2, v5;
	v8 =	vld.idx.msk [tilespmem:v8+s18+$0x0], $0xffff  }
0x84: {  	s24 =	sadd.s32 $0x10, s25;
	v6 =	vld.idx.msk [tilespmem:v6+s18+$0x0], $0xffff  }
0x85: {  	v11 =	vld [tilespmem:s24+$0x0];
	_ =	sdelay $0x2  }
0x86: {  	[tilespmem:v10+s18+$0x0] =	vst.idx.msk $0xffff, v9  }
0x87: {  	v63 =	vadd.s32 v3, v5;
	v9 =	vld [tilespmem:s0+$0x0]  }
0x88: {  	v5 =	vadd.s32 v4, v5;
	s25 =	smul.u32 $0x1F400, s31;
	v7 =	vmul.f32 v7, v8;
	v6 =	vmul.f32 v11, v6;
	_ =	sdelay $0x1  }
0x89: {  	s0 =	sadd.s32 s25, s30;
	v6 =	vadd.f32 v6, v7  }
0x8a: {  	s31 =	sadd.s32 $0x1, s31;
	s0 =	smul.u32 $0x5, s0  }
0x8b: {  	p1 =	sne.s32 s31, $0x4;
	v6 =	vmax.f32 v6, $0.0e+00;
	[tilespmem:v63+s18+$0x0] =	vst.idx.msk $0xffff, v9  }
.Ltmp2:
0x8c: {  	s0 =	sadd.s32 s11, s0;
	[tilespmem:v5+s18+$0x0] =	vst.idx.msk $0xffff, v6;
	(pc) =	sbr.rel @p1 .LBB2_4-.Ltmp2, $4  }
0x8d: {  	[hbm4b:s0+s1] =	stream.linear.scatter [tilespmem:s18], [sflag:$0x1], $0xC80, $0x38;
	[tilespmem:$0x4600] =	vst v63  }
0x8e: {  	_ =	swait.ge [sflag:s14], $0xC80  }
0x8f: {  	[sflag:s14] =	ssyncset.done $0x0  }
0x90: {  	[sflag:s14] =	ssyncadd.s32 $0xFFFFF380  }
0x91: {  	s23 =	sadd.s32 $0x1, s23  }
0x92: {  	p1 =	sne.s32 s23, $0x19  }
.Ltmp3:
0x93: {  	_ = 	snop;
	(pc) =	sbr.rel @p1 .LBB2_3-.Ltmp3, $3  }
0x94: {  	_ =	sdelay $0x1  }
0x95: {  	s21 =	sadd.s32 $0x50, s21  }
0x96: {  	s5 =	sadd.s32 $0x50, s5;
	s26 =	sadd.s32 $0x50, s26;
	s28 =	sadd.s32 $0x50, s28  }
.Ltmp4:
0x97: {  	(pc) =	sbr.rel @p0 .LBB2_2-.Ltmp4, $2  }
0x98: {  	_ =	sdelay $0x2  }
0x99: {  	s0 =	simm.s32 $0x7D0;
	p1 =	por $0x0, $0x0  }
0x9a: {  	s4 =	rddreg [dreg:$0x5]  }
0x9b: {  	s0 =	rddreg [dreg:$0x4];
	s4 =	sadd.s32 $0x1, s4  }
0x9c: {  	p0 =	sne.s32 s4, s0  }
.Ltmp5:
0x9d: {  	_ = 	snop;
	(pc) =	sbr.rel @p0 .LBB2_1-.Ltmp5, $1  }
0x9e: {  	_ =	sdelay $0x3  }
0x9f: {  	_ =	sfence.sel $0x180000  }
0xa0: {  	[bflag:$0x0] =	sbarrier.arrive $0xFFFF  }
0xa1: {  	_ =	strace $0x90000050  }
0xa2: {  	s0 =	stileid.u32;
	[bflag:$0x2] =	sbarrier.arrive $0xFFFF  }
0xa3: {  	p0 =	sne.s32 s0, $0x0;
	s0 =	rddreg [dreg:$0x1]  }
0xa4: {  	s0 =	sadd.s32 @!p0 $0x100000, s0  }
0xa5: {  	[sflag:s0] =	ssyncadd.tile.s32 @!p0 $0x1;
	_ =	shalt  }
.Lfunc_end2:
_tile_overlayer_lowered:
.L_overlay_start_2:
0xa6: {  	(tag) =	ssettag $0x2  }
0xa7: {  	s0 =	rddreg [dreg:$0x0];
	s2 =	stileid.u32  }
0xa8: {  	s1 =	rddreg [dreg:$0x1];
	p0 =	sne.s32 s2, $0x0  }
0xa9: {  	s3 =	rddreg [dreg:$0x2];
	[bflag:$0x3] =	sbarrier.arrive $0xFFFF;
	s2 =	simm.s32 @!p0 $0x1C01  }
0xaa: {  	[timem:s3], [sflag:s2] =	dma.local @!p0 [hbm:s0], s1  }
0xab: {  	s0 =	simm.s32 @!p0 $0x1  }
0xac: {  	_ =	swait.ge @!p0 [sflag:s0], s1  }
0xad: {  	s1 =	ssub.s32 @!p0 $0x0, s1;
	[sflag:s0] =	ssyncset.done @!p0 $0x0  }
0xae: {  	[sflag:s0] =	ssyncadd.s32 @!p0 s1  }
0xaf: {  	[bflag:$0x3] =	sbarrier.arrive $0xFFFF  }
0xb0: {  	_ =	shalt  }

// kernel: kernel.26.cloned.1.call-start
scs
__scs_entry_jumppad:
0x0: {  	(pc) =	sbr.rel $0x88, $3  }
0x1: {  	(tag) =	ssettag $0x0;
	lr =	simm.s32 $0x1  }
0x2: {  	[smem:$0x3F96] =	sst lr;
	_ =	strace $0xD0000000  }
0x3: {  	_ = 	snop  }
0x4: {  	_ = 	snop  }
0x5: {  	_ = 	snop  }
0x6: {  	_ = 	snop  }
0x7: {  	_ = 	snop  }
__scs_overlays_trampoline_lowered:
0x8: {  	[smem:$0x3FA5] =	sst s0  }
0x9: {  	[smem:$0x3FA6] =	sst s1  }
0xa: {  	[smem:$0x3FA7] =	sst s2  }
0xb: {  	[smem:$0x3FA8] =	sst s3  }
0xc: {  	[smem:$0x3FA9] =	sst s4  }
0xd: {  	[smem:$0x3FAA] =	sst s5  }
0xe: {  	[smem:$0x3FAB] =	sst s6  }
0xf: {  	[smem:$0x3FAC] =	sst s7  }
0x10: {  	[smem:$0x3FAD] =	sst s8  }
0x11: {  	[smem:$0x3FAE] =	sst s9;
	s0 =	simm.s32 @!p0 $0x0  }
0x12: {  	s1 =	sld [smem:$0x3F94];
	s0 =	simm.s32 @p0 $0x1  }
0x13: {  	[smem:$0x3FAF] =	sst s0;
	s0 =	simm.s32 @!p1 $0x0  }
0x14: {  	s2 =	sld [smem:$0x3F93];
	s0 =	simm.s32 @p1 $0x1  }
0x15: {  	[smem:$0x3FB0] =	sst s0;
	s0 =	simm.s32 @!p2 $0x0  }
0x16: {  	s3 =	sld [smem:$0x3FDB];
	s0 =	simm.s32 @p2 $0x1  }
0x17: {  	s4 =	simm.s32 $0x1BF5;
	[smem:$0x3FB2] =	sst s0  }
0x18: {  	s0 =	sld [smem:$0x3F95];
	_ =	swait.ge [sflag:s4], $0x0  }
0x19: {  	s7 =	sld [smem:$0x3F96]  }
0x1a: {  	s8 =	sadd.s32 $0xFFFFE003, lr  }
0x1b: {  	s9 =	sadd.s32 $0xFFFFFEF7, lr;
	s5 =	simm.s32 $0xFFFFFFFF;
	p2 =	slt.u32 s8, $0xFFFFF086  }
0x1c: {  	p1 =	slt.u32 s9, $0xF7A;
	s5 =	simm.s32 @!p2 $0x0  }
0x1d: {  	s5 =	simm.s32 @p1 $0x1;
	p0 =	seq.s32 s7, s2  }
0x1e: {  	s7 =	smul.u32 @!p0 $0xF7A, s2;
	p2 =	seq.s32 @!p0 s5, $0x0  }
0x1f: {  	s9 =	smul.u32 $0xF7A, s1;
	s8 =	simm.s32 @!p0 $0x1BF5;
	p2 =	por !p2, p0  }
0x20: {  	[sflag:s8] =	ssyncset.s32 @!p0 $0xFFFFF086;
	s6 =	sadd.s32 @!p0 s3, s7;
	s7 =	simm.s32 @!p0 $0x108  }
0x21: {  	s3 =	sadd.s32 s3, s9;
	s6 =	sadd.s32 @!p0 $0x88, s6;
	s7 =	simm.s32 @p2 $0x1082  }
0x22: {  	[simem:s7], [sflag:s8] =	dma.local @!p0 [hbm:s6], $0xF7A  }
0x23: {  	s9 =	sor.u32 $0xD0000000, s2;
	s6 =	simm.s32 $0x108;
	_ =	swait.ge @!p0 [sflag:s8], $0x0  }
0x24: {  	s3 =	sadd.s32 $0x88, s3;
	s6 =	simm.s32 @!p1 $0x1082;
	[sflag:s4] =	ssyncset.s32 $0xFFFFF086  }
0x25: {  	[simem:s6], [sflag:s4] =	dma.local [hbm:s3], $0xF7A  }
0x26: {  	[smem:$0x3F96] =	sst s1;
	(tag) =	ssettag s2;
	_ =	strace s9  }
0x27: {  	s1 =	sld [smem:$0x3FA6]  }
0x28: {  	s2 =	sld [smem:$0x3FA7]  }
0x29: {  	s4 =	sld [smem:$0x3FA9]  }
0x2a: {  	p0 =	seq.s32 s5, $0x0;
	s5 =	sld [smem:$0x3FAA]  }
0x2b: {  	s6 =	sld [smem:$0x3FAB]  }
0x2c: {  	s7 =	sld [smem:$0x3FAC]  }
0x2d: {  	s3 =	simm.s32 $0x108;
	s8 =	sld [smem:$0x3FAD]  }
0x2e: {  	s3 =	simm.s32 @!p0 $0x1082;
	s9 =	sld [smem:$0x3FAE]  }
0x2f: {  	lr =	sadd.s32 s0, s3;
	s0 =	sld [smem:$0x3FA5]  }
0x30: {  	s3 =	sld [smem:$0x3FA8]  }
0x31: {  	[smem:$0x3FB1] =	sst s10  }
0x32: {  	s10 =	sld [smem:$0x3FAF];
	_ =	sdelay $0x3  }
0x33: {  	p0 =	seq.s32 s10, $0x1;
	s10 =	sld [smem:$0x3FB1];
	_ =	sdelay $0x3  }
0x34: {  	[smem:$0x3FB1] =	sst s10  }
0x35: {  	s10 =	sld [smem:$0x3FB0];
	_ =	sdelay $0x3  }
0x36: {  	p1 =	seq.s32 s10, $0x1;
	s10 =	sld [smem:$0x3FB1];
	_ =	sdelay $0x3  }
0x37: {  	[smem:$0x3FB1] =	sst s10  }
0x38: {  	s10 =	sld [smem:$0x3FB2]  }
0x39: {  	_ = 	snop;
	(pc) =	sbr.ind lr, $3  }
0x3a: {  	_ = 	snop  }
0x3b: {  	_ = 	snop  }
0x3c: {  	p2 =	seq.s32 s10, $0x1;
	s10 =	sld [smem:$0x3FB1]  }
0x3d: {  	_ =	shalt  }
0x3e: {  	_ =	shalt  }
0x3f: {  	_ =	shalt  }
0x40: {  	_ =	shalt  }
0x41: {  	_ =	shalt  }
0x42: {  	_ =	shalt  }
0x43: {  	_ =	shalt  }
0x44: {  	_ =	shalt  }
0x45: {  	_ =	shalt  }
0x46: {  	_ =	shalt  }
0x47: {  	_ =	shalt  }
0x48: {  	_ =	shalt  }
0x49: {  	_ =	shalt  }
0x4a: {  	_ =	shalt  }
0x4b: {  	_ =	shalt  }
0x4c: {  	_ =	shalt  }
0x4d: {  	_ =	shalt  }
0x4e: {  	_ =	shalt  }
0x4f: {  	_ =	shalt  }
0x50: {  	_ =	shalt  }
0x51: {  	_ =	shalt  }
0x52: {  	_ =	shalt  }
0x53: {  	_ =	shalt  }
0x54: {  	_ =	shalt  }
0x55: {  	_ =	shalt  }
0x56: {  	_ =	shalt  }
0x57: {  	_ =	shalt  }
0x58: {  	_ =	shalt  }
0x59: {  	_ =	shalt  }
0x5a: {  	_ =	shalt  }
0x5b: {  	_ =	shalt  }
0x5c: {  	_ =	shalt  }
0x5d: {  	_ =	shalt  }
0x5e: {  	_ =	shalt  }
0x5f: {  	_ =	shalt  }
0x60: {  	_ =	shalt  }
0x61: {  	_ =	shalt  }
0x62: {  	_ =	shalt  }
0x63: {  	_ =	shalt  }
0x64: {  	_ =	shalt  }
0x65: {  	_ =	shalt  }
0x66: {  	_ =	shalt  }
0x67: {  	_ =	shalt  }
0x68: {  	_ =	shalt  }
0x69: {  	_ =	shalt  }
0x6a: {  	_ =	shalt  }
0x6b: {  	_ =	shalt  }
0x6c: {  	_ =	shalt  }
0x6d: {  	_ =	shalt  }
0x6e: {  	_ =	shalt  }
0x6f: {  	_ =	shalt  }
0x70: {  	_ =	shalt  }
0x71: {  	_ =	shalt  }
0x72: {  	_ =	shalt  }
0x73: {  	_ =	shalt  }
0x74: {  	_ =	shalt  }
0x75: {  	_ =	shalt  }
0x76: {  	_ =	shalt  }
0x77: {  	_ =	shalt  }
0x78: {  	_ =	shalt  }
0x79: {  	_ =	shalt  }
0x7a: {  	_ =	shalt  }
0x7b: {  	_ =	shalt  }
0x7c: {  	_ =	shalt  }
0x7d: {  	_ =	shalt  }
0x7e: {  	_ =	shalt  }
0x7f: {  	_ =	shalt  }
0x80: {  	_ =	shalt  }
0x81: {  	_ =	shalt  }
0x82: {  	_ =	shalt  }
0x83: {  	_ =	shalt  }
0x84: {  	_ =	shalt  }
0x85: {  	_ =	shalt  }
0x86: {  	_ =	shalt  }
0x87: {  	_ =	shalt  }
.Lfunc_end0:
.L_simem_size_0:
called_computation.2_lowered:
.L_overlay_start_0:
0x88: {  	s2 =	sld [smem:$0x3FD9]  }
0x89: {  	s3 =	sld [smem:$0x3FFE];
	_ =	sdelay $0x1  }
0x8a: {  	s1 =	srdreg.scid  }
0x8b: {  	s0 =	sand.u32 $0x1, s1  }
0x8c: {  	s17 =	sshll.u32 s0, $0xA;
	s2 =	sadd.s32 s3, s2  }
0x8d: {  	s2 =	sadd.s32 s2, s17  }
0x8e: {  	[smem:$0x3FBD] =	sst s2  }
0x8f: {  	_ = 	snop  }
0x90: {  	(tm) =	ssettm $0x1  }
0x91: {  	s18 =	sld [smem:$0x3FFB];
	_ =	sdelay $0x3  }
0x92: {  	_ =	strace s18  }
0x93: {  	s2 =	sld [smem:$0x3FFC];
	_ =	sdelay $0x3  }
0x94: {  	_ =	strace s2  }
0x95: {  	s2 =	sld [smem:$0x3FFD];
	_ =	sdelay $0x3  }
0x96: {  	_ =	strace s2  }
0x97: {  	_ =	strace $0x8FFFFFFF  }
0x98: {  	s19 =	sld [smem:$0x3FDB];
	_ =	sdelay $0x1  }
0x99: {  	s20 =	simm.s32 $_scs_section_size  }
0x9a: {  	s4 =	simm.s32 $_size__tile_overlayer_lowered;
	s5 =	simm.s32 $_tile_overlayer_lowered  }
0x9b: {  	s6 =	simm.s32 $0x1BFF;
	s21 =	sshll.u32 s5, $0x1;
	s3 =	sadd.s32 s20, s19  }
0x9c: {  	s22 =	simm.s32 $0x0;
	s4 =	sshll.u32 s4, $0x1;
	s5 =	sadd.s32 s21, s3  }
0x9d: {  	[timem:s22], [sflag:s6] =	dma.local [hbm:s5], s4  }
0x9e: {  	_ =	swait.ge [sflag:s6], s4  }
0x9f: {  	s4 =	ssub.s32 $0x0, s4;
	[sflag:s6] =	ssyncset.done $0x0  }
0xa0: {  	[sflag:s6] =	ssyncadd.s32 s4;
	_ =	sdelay $0x1  }
0xa1: {  	s23 =	simm.s32 $0x1B8B  }
0xa2: {  	_ =	swait.ge [sflag:s23], $0x1  }
0xa3: {  	[sflag:s23] =	ssyncset.done $0x0  }
0xa4: {  	[sflag:s23] =	ssyncadd.s32 $0xFFFFFFFF  }
0xa5: {  	s4 =	sld [smem:$0x0]  }
0xa6: {  	s5 =	sand.u32 $0xFFFFFFFE, s1  }
0xa7: {  	p0 =	sne.s32 s1, s5  }
0xa8: {  	s5 =	sshll.u32 @p0 s5, $0xE  }
0xa9: {  	s5 =	sadd.s32 @p0 $0x11B8D, s5;
	s6 =	sshll.u32 @p0 s4, $0x11  }
0xaa: {  	s5 =	sor.u32 @p0 s6, s5  }
0xab: {  	[sflag:s5] =	ssyncadd.remote.s32 @p0 $0x1;
	_ =	sdelay $0x1  }
0xac: {  	s5 =	simm.s32 @p0 $0x1B8D  }
0xad: {  	_ =	swait.eq @p0 [sflag:s5], $0x1  }
0xae: {  	[sflag:s5] =	ssyncadd.s32 @p0 $0xFFFFFFFF  }
0xaf: {  	s6 =	sshll.u32 @!p0 s1, $0xE  }
0xb0: {  	s6 =	sor.u32 @!p0 $0x4000, s6;
	s5 =	simm.s32 @!p0 $0x1B8D  }
0xb1: {  	s4 =	sshll.u32 @!p0 s4, $0x11;
	s6 =	sadd.s32 @!p0 $0x11B8D, s6;
	_ =	swait.eq @!p0 [sflag:s5], $0x1  }
0xb2: {  	s4 =	sor.u32 @!p0 s4, s6;
	[sflag:s5] =	ssyncadd.s32 @!p0 $0xFFFFFFFF  }
0xb3: {  	s25 =	simm.s32 $0x1B8E;
	s24 =	sld [smem:$0x3FFE];
	[sflag:s4] =	ssyncadd.remote.s32 @!p0 $0x1  }
0xb4: {  	s26 =	simm.s32 $execute0_lowered;
	[smem:$0x3FD2] =	sst s25  }
0xb5: {  	s5 =	sshll.u32 s26, $0x1;
	_ =	strace $0x8000004C;
	[dreg:$0x1] =	wrdreg $0xFFFFFFFF  }
0xb6: {  	s28 =	simm.s32 $_size_execute0_lowered;
	s3 =	sadd.s32 s3, s5;
	[dreg:$0x0] =	wrdreg $0x0  }
0xb7: {  	s5 =	sshll.u32 s28, $0x1;
	[dreg:$0x2] =	wrdreg s3  }
0xb8: {  	[dreg:$0x3] =	wrdreg s5  }
0xb9: {  	[dreg:$0x4] =	wrdreg $0xC0  }
0xba: {  	_ =	task [dreg:s22], $0x5FFFF  }
0xbb: {  	[dreg:$0x1] =	wrdreg $0xFFFFFFFF  }
0xbc: {  	[dreg:$0x0] =	wrdreg $0x60  }
0xbd: {  	[dreg:$0x2] =	wrdreg s24  }
0xbe: {  	[dreg:$0x3] =	wrdreg $0xD  }
0xbf: {  	_ =	task.clear_ibuf [dreg:s22], $0x4FFFF;
	_ =	strace $0x9000004C  }
0xc0: {  	s29 =	simm.s32 $0xD;
	_ =	strace $0x8000004E  }
0xc1: {  	_ =	swait.ge [sflag:s29], $0x1  }
0xc2: {  	[sflag:s29] =	ssyncadd.s32 $0xFFFFFFFF  }
0xc3: {  	_ =	strace $0x9000004E  }
0xc4: {  	_ =	sfence  }
0xc5: {  	s30 =	sld [smem:$0x0];
	_ =	sdelay $0x2  }
0xc6: {  	s31 =	sshll.u32 s1, $0xD;
	s1 =	sshrl.u32 s1, $0x2  }
0xc7: {  	s4 =	sand.u32 $0x4000, s31;
	s1 =	sadd.s32 s1, s30  }
0xc8: {  	s0 =	sor.u32 s4, s0;
	s1 =	sshll.u32 s1, $0x11  }
0xc9: {  	s0 =	sor.u32 s1, s0  }
0xca: {  	s0 =	sadd.s32 $0x8F2B, s0  }
0xcb: {  	[sflag:s0] =	ssyncadd.remote.s32 $0x1  }
0xcc: {  	_ =	sfence.sel $0xFFFF  }
0xcd: {  	[dreg:$0x0] =	wrdreg $0xFFFFFFFF;
	(pc) =	sbr.abs _section_cstart, $3  }
0xce: {  	[dreg:$0x1] =	wrdreg $0xFFFFFFFF  }
0xcf: {  	_ =	task.clear_ibuf [dreg:s22], $0x2FFFF;
	_ =	strace $0x9FFFFFFF  }
0xd0: {  	(tm) =	ssettm $0x7FFFFFFF  }
0xd1: {  	_ =	shalt  }
tec
execute0_lowered:
.L_overlay_start_1:
0x0: {  	(tag) =	ssettag $0x1  }
0x1: {  	s0 =	rddreg [dreg:$0x0];
	s1 =	simm.s32 $0x0;
	s5 =	srdreg.scid  }
0x2: {  	s30 =	stileid.u32;
	s14 =	simm.s32 $0x1;
	s16 =	simm.s32 $0x50  }
0x3: {  	s17 =	simm.s32 $0x2EE0;
	s18 =	simm.s32 $0x2F80;
	s19 =	simm.s32 $0x2F30  }
0x4: {  	s20 =	simm.s32 $0x3C00;
	[smem:$0x7FF] =	sst s1;
	s2 =	sadd.s32 $0x82400, s0  }
0x5: {  	s3 =	sadd.s32 $0xB4400, s0;
	s4 =	sadd.s32 $0xF4400, s0;
	s29 =	sadd.s32 $0xE4400, s0  }
0x6: {  	s7 =	sadd.s32 $0x7A400, s0;
	s8 =	sadd.s32 $0x6A400, s0;
	s5 =	sand.u32 $0x1, s5  }
0x7: {  	v0 =	vlaneseq.u32;
	s9 =	sadd.s32 $0x5A400, s0;
	s11 =	sshll.u32 s30, $0x1;
	s12 =	ssub.s32 $0x2, s5  }
0x8: {  	v4 =	vmul.u32 $0x28, v0;
	_ =	strace $0x8000004D;
	[dreg:$0x2] =	wrdreg s4;
	s13 =	sshrl.u32 s12, $0x1  }
0x9: {  	s10 =	sadd.s32 $0x4A400, s0;
	[dreg:$0x3] =	wrdreg s29;
	s31 =	ssub.s32 s12, s13  }
0xa: {  	s5 =	sor.u32 s5, s11;
	s11 =	sadd.s32 $0x5DE400, s0;
	v0 =	vadd.s32 $0x20, v4;
	v1 =	vadd.s32 $0x21, v4;
	s0 =	smax.u32 s31, $0x1  }
0xb: {  	s4 =	simm.s32 $0x0;
	v2 =	vadd.s32 $0x22, v4;
	v3 =	vadd.s32 $0x23, v4;
	v4 =	vadd.s32 $0x24, v4;
	s12 =	smul.u32 $0xFA0, s5;
	[dreg:$0x4] =	wrdreg s0  }
.LBB2_1:
0xc: {  	[dreg:$0x5] =	wrdreg s4;
	p1 =	por $0x1, $0x1;
	s0 =	simm.s32 $0x0  }
.LBB2_2:
0xd: {  	s22 =	sadd.s32 s12, s0  }
0xe: {  	s4 =	rddreg [dreg:$0x2];
	s0 =	sshrl.u32 s22, $0x3  }
0xf: {  	s23 =	simm.s32 $0x0;
	s5 =	sadd.s32 s4, s0  }
0x10: {  	[tilespmem:s23], [sflag:$0x1] =	stream.linear.gather [hbm4b:s5+s23], $0x7D0, $0x38;
	[tilespmem:$0x4600] =	vst v63  }
0x11: {  	_ =	swait.ge [sflag:s14], $0x7D0  }
0x12: {  	[sflag:s14] =	ssyncset.done $0x0;
	s25 =	rddreg [dreg:$0x3]  }
0x13: {  	s29 =	simm.s32 $0x7D0;
	[sflag:s14] =	ssyncadd.s32 $0xFFFFF830;
	s26 =	sadd.s32 s25, s0  }
0x14: {  	[tilespmem:s29], [sflag:$0x1] =	stream.linear.gather [hbm4b:s26+s23], $0x7D0, $0x38;
	[tilespmem:$0x4600] =	vst v63  }
0x15: {  	_ =	swait.ge [sflag:s14], $0x7D0  }
0x16: {  	[sflag:s14] =	ssyncset.done $0x0  }
0x17: {  	s21 =	simm.s32 $0xFA0;
	s30 =	sadd.s32 s7, s0;
	[sflag:s14] =	ssyncadd.s32 $0xFFFFF830  }
0x18: {  	[tilespmem:s21], [sflag:$0x1] =	stream.linear.gather [hbm4b:s30+s23], $0x7D0, $0x38;
	[tilespmem:$0x4600] =	vst v63  }
0x19: {  	_ =	swait.ge [sflag:s14], $0x7D0  }
0x1a: {  	[sflag:s14] =	ssyncset.done $0x0  }
0x1b: {  	s13 =	sadd.s32 s8, s0;
	s5 =	simm.s32 $0x1770;
	[sflag:s14] =	ssyncadd.s32 $0xFFFFF830  }
0x1c: {  	[tilespmem:s5], [sflag:$0x1] =	stream.linear.gather [hbm4b:s13+s23], $0x7D0, $0x38;
	[tilespmem:$0x4600] =	vst v63  }
0x1d: {  	_ =	swait.ge [sflag:s14], $0x7D0  }
0x1e: {  	[sflag:s14] =	ssyncset.done $0x0  }
0x1f: {  	s31 =	sadd.s32 s9, s0;
	s26 =	simm.s32 $0x1F40;
	[sflag:s14] =	ssyncadd.s32 $0xFFFFF830  }
0x20: {  	[tilespmem:s26], [sflag:$0x1] =	stream.linear.gather [hbm4b:s31+s23], $0x7D0, $0x38;
	[tilespmem:$0x4600] =	vst v63  }
0x21: {  	_ =	swait.ge [sflag:s14], $0x7D0  }
0x22: {  	[sflag:s14] =	ssyncset.done $0x0  }
0x23: {  	s28 =	simm.s32 $0x2710;
	s0 =	sadd.s32 s10, s0;
	[sflag:s14] =	ssyncadd.s32 $0xFFFFF830  }
0x24: {  	[tilespmem:s28], [sflag:$0x1] =	stream.linear.gather [hbm4b:s0+s23], $0x7D0, $0x38;
	[tilespmem:$0x4600] =	vst v63  }
0x25: {  	_ =	swait.ge [sflag:s14], $0x7D0  }
0x26: {  	[sflag:s14] =	ssyncset.done $0x0  }
0x27: {  	p0 =	por p1, p1;
	[sflag:s14] =	ssyncadd.s32 $0xFFFFF830  }
.LBB2_3:
0x28: {  	s29 =	smul.u32 $0x50, s23;
	_ =	sdelay $0x1  }
0x29: {  	s31 =	simm.s32 $0x0;
	s30 =	sadd.s32 s22, s29  }
.LBB2_4:
0x2a: {  	v5 =	vld [tilespmem:s29+$0x0];
	_ =	sdelay $0x2  }
0x2b: {  	s0 =	smul.u32 $0x2710, s31;
	_ =	sdelay $0x1  }
0x2c: {  	v5 =	vadd.s32 s0, v5  }
0x2d: {  	[tilespmem:$0x2EE0] =	vst v5  }
0x2e: {  	v5 =	vld [tilespmem:s29+$0x7D0];
	_ =	sdelay $0x4  }
0x2f: {  	v5 =	vadd.s32 s0, v5  }
0x30: {  	[tilespmem:$0x2F30] =	vst v5  }
0x31: {  	v5 =	vld [tilespmem:s29+$0x10];
	_ =	sdelay $0x4  }
0x32: {  	v5 =	vadd.s32 s0, v5  }
0x33: {  	[tilespmem:$0x2EF0] =	vst v5  }
0x34: {  	v5 =	vld [tilespmem:s29+$0x7E0];
	_ =	sdelay $0x4  }
0x35: {  	v5 =	vadd.s32 s0, v5  }
0x36: {  	[tilespmem:$0x2F40] =	vst v5  }
0x37: {  	v5 =	vld [tilespmem:s29+$0x20];
	_ =	sdelay $0x4  }
0x38: {  	v5 =	vadd.s32 s0, v5  }
0x39: {  	[tilespmem:$0x2F00] =	vst v5  }
0x3a: {  	v5 =	vld [tilespmem:s29+$0x7F0];
	_ =	sdelay $0x4  }
0x3b: {  	v5 =	vadd.s32 s0, v5  }
0x3c: {  	[tilespmem:$0x2F50] =	vst v5  }
0x3d: {  	v5 =	vld [tilespmem:s29+$0x30];
	_ =	sdelay $0x4  }
0x3e: {  	v5 =	vadd.s32 s0, v5  }
0x3f: {  	[tilespmem:$0x2F10] =	vst v5  }
0x40: {  	v5 =	vld [tilespmem:s29+$0x800];
	_ =	sdelay $0x4  }
0x41: {  	v5 =	vadd.s32 s0, v5  }
0x42: {  	[tilespmem:$0x2F60] =	vst v5  }
0x43: {  	v5 =	vld [tilespmem:s29+$0x40];
	_ =	sdelay $0x4  }
0x44: {  	v5 =	vadd.s32 s0, v5  }
0x45: {  	[tilespmem:$0x2F20] =	vst v5  }
0x46: {  	v5 =	vld [tilespmem:s29+$0x810];
	_ =	sdelay $0x4  }
0x47: {  	v5 =	vadd.s32 s0, v5  }
0x48: {  	[tilespmem:$0x2F70] =	vst v5  }
0x49: {  	[tilespmem:s18], [sflag:$0x1] =	stream.indirect.gather [hbm4b:s2+s16], $0x28, s17, s16, $0xb8;
	[tilespmem:$0x4600] =	vst v63  }
0x4a: {  	_ =	swait.ge [sflag:s14], $0xC80  }
0x4b: {  	[sflag:s14] =	ssyncset.done $0x0  }
0x4c: {  	[sflag:s14] =	ssyncadd.s32 $0xFFFFF380  }
0x4d: {  	[tilespmem:s20], [sflag:$0x1] =	stream.indirect.gather [hbm4b:s3+s16], $0x20, s19, s16, $0xb8;
	[tilespmem:$0x4600] =	vst v63  }
0x4e: {  	_ =	swait.ge [sflag:s14], $0xA00  }
0x4f: {  	[sflag:s14] =	ssyncset.done $0x0  }
0x50: {  	s0 =	simm.s32 $0x0;
	[sflag:s14] =	ssyncadd.s32 $0xFFFFF600  }
0x51: {  	s13 =	simm.s32 $0x0;
	s24 =	simm.s32 $0x3C10;
	s25 =	simm.s32 $0xA0;
	v5 =	vld [tilespmem:s0+$0x2F80]  }
.LBB2_5:
0x52: {  	p1 =	sne.s32 s25, $0x3160;
	v6 =	vld [tilespmem:s24+$0xFFFFFFF0];
	_ =	sdelay $0x4  }
0x53: {  	v5 =	vadd.f32 v6, v5;
	_ =	sdelay $0x1  }
0x54: {  	[tilespmem:s0+$0x2F80] =	vst v5;
	v5 =	vld [tilespmem:s0+$0x2F90]  }
0x55: {  	v6 =	vld [tilespmem:s24+$0x0];
	_ =	sdelay $0x2  }
.Ltmp0:
0x56: {  	(pc) =	sbr.rel @p1 .LBB2_5-.Ltmp0, $4  }
0x57: {  	_ = 	snop  }
0x58: {  	v6 =	vadd.f32 v6, v5  }
0x59: {  	s15 =	sshra.s32 s25, $0x2  }
0x5a: {  	s25 =	sadd.s32 $0xA0, s25;
	s24 =	sadd.s32 $0x20, s24;
	v5 =	vld [tilespmem:s15+$0x2F80];
	[tilespmem:s0+$0x2F90] =	vst v6;
	s0 =	smov.u32 s15  }
0x5b: {  	v6 =	vld [tilespmem:s24+$0xFFFFFFF0];
	_ =	sdelay $0x4  }
0x5c: {  	v5 =	vadd.f32 v6, v5;
	_ =	sdelay $0x1  }
0x5d: {  	[tilespmem:s0+$0x2F80] =	vst v5;
	v5 =	vld [tilespmem:s0+$0x2F90]  }
0x5e: {  	v7 =	vmov s13;
	v6 =	vld [tilespmem:s24+$0x0]  }
0x5f: {  	v7 =	vmul.u32 $0x28, v7;
	_ =	sdelay $0x1  }
0x60: {  	v7 =	vbroadcast v7, $0x0;
	_ =	sdelay $0x1  }
0x61: {  	v8 =	vadd.s32 v1, v7;
	v5 =	vadd.f32 v6, v5;
	_ =	sdelay $0x1  }
0x62: {  	v6 =	vadd.s32 v0, v7;
	[tilespmem:s0+$0x2F90] =	vst v5  }
0x63: {  	v5 =	vld [tilespmem:s21+$0x0]  }
0x64: {  	v10 =	vadd.s32 v2, v7;
	v9 =	vld [tilespmem:s26+$0x0]  }
0x65: {  	v8 =	vld.idx.msk [tilespmem:v8+s18+$0x0], $0xffff  }
0x66: {  	v11 =	vld [tilespmem:s5+$0x0]  }
0x67: {  	v6 =	vld.idx.msk [tilespmem:v6+s18+$0x0], $0xffff;
	_ =	sdelay $0x1  }
0x68: {  	s25 =	simm.s32 $0x10;
	[tilespmem:v10+s18+$0x0] =	vst.idx.msk $0xffff, v9  }
0x69: {  	v12 =	vadd.s32 v3, v7;
	v9 =	vmov s25;
	v10 =	vld [tilespmem:s28+$0x0]  }
0x6a: {  	v9 =	vmul.u32 $0x28, v9  }
0x6b: {  	v8 =	vmul.f32 v11, v8;
	v6 =	vmul.f32 v5, v6  }
0x6c: {  	v7 =	vadd.s32 v4, v7;
	v5 =	vbroadcast v9, $0x0  }
0x6d: {  	s15 =	simm.s32 $0x20;
	s13 =	sadd.s32 $0x10, s26;
	v9 =	vadd.f32 v8, v6  }
0x6e: {  	s24 =	smov.u32 s21;
	s0 =	sadd.s32 $0x10, s28;
	s25 =	smov.u32 s5;
	v8 =	vadd.s32 v0, v5;
	v6 =	vadd.s32 v1, v5;
	[tilespmem:v12+s18+$0x0] =	vst.idx.msk $0xffff, v10  }
.LBB2_7:
0x6f: {  	s24 =	sadd.s32 $0x10, s24  }
0x70: {  	v9 =	vmax.f32 v9, $0.0e+00;
	s25 =	sadd.s32 $0x10, s25;
	s4 =	smov.u32 s15;
	s6 =	sadd.s32 $0x10, s15  }
0x71: {  	p1 =	sne.s32 s15, $0x40;
	[tilespmem:v7+s18+$0x0] =	vst.idx.msk $0xffff, v9  }
0x72: {  	v7 =	vld [tilespmem:s24+$0x0]  }
0x73: {  	v10 =	vadd.s32 v2, v5;
	v9 =	vld [tilespmem:s13+$0x0]  }
0x74: {  	v8 =	vld.idx.msk [tilespmem:v8+s18+$0x0], $0xffff  }
0x75: {  	v6 =	vld.idx.msk [tilespmem:v6+s18+$0x0], $0xffff  }
0x76: {  	v11 =	vld [tilespmem:s25+$0x0];
	_ =	sdelay $0x1  }
0x77: {  	[tilespmem:v10+s18+$0x0] =	vst.idx.msk $0xffff, v9  }
0x78: {  	v12 =	vadd.s32 v3, v5;
	v9 =	vmov s4;
	v10 =	vld [tilespmem:s0+$0x0]  }
.Ltmp1:
0x79: {  	v9 =	vmul.u32 $0x28, v9;
	v8 =	vmul.f32 v7, v8;
	v7 =	vadd.s32 v4, v5;
	(pc) =	sbr.rel @p1 .LBB2_7-.Ltmp1, $4  }
0x7a: {  	v6 =	vmul.f32 v11, v6  }
0x7b: {  	v5 =	vbroadcast v9, $0x0  }
0x7c: {  	v9 =	vadd.f32 v6, v8  }
0x7d: {  	s15 =	smov.u32 s6;
	s13 =	sadd.s32 $0x10, s13;
	s0 =	sadd.s32 $0x10, s0;
	v8 =	vadd.s32 v0, v5;
	v6 =	vadd.s32 v1, v5;
	[tilespmem:v12+s18+$0x0] =	vst.idx.msk $0xffff, v10  }
0x7e: {  	_ =	sdelay $0x2  }
0x7f: {  	v9 =	vmax.f32 v9, $0.0e+00  }
0x80: {  	s4 =	sadd.s32 $0x10, s24;
	[tilespmem:v7+s18+$0x0] =	vst.idx.msk $0xffff, v9  }
0x81: {  	v7 =	vld [tilespmem:s4+$0x0]  }
0x82: {  	v9 =	vld [tilespmem:s13+$0x0]  }
0x83: {  	v10 =	vadd.s32 v2, v5;
	v8 =	vld.idx.msk [tilespmem:v8+s18+$0x0], $0xffff  }
0x84: {  	s24 =	sadd.s32 $0x10, s25;
	v6 =	vld.idx.msk [tilespmem:v6+s18+$0x0], $0xffff  }
0x85: {  	v11 =	vld [tilespmem:s24+$0x0];
	_ =	sdelay $0x2  }
0x86: {  	[tilespmem:v10+s18+$0x0] =	vst.idx.msk $0xffff, v9  }
0x87: {  	v63 =	vadd.s32 v3, v5;
	v9 =	vld [tilespmem:s0+$0x0]  }
0x88: {  	v5 =	vadd.s32 v4, v5;
	s25 =	smul.u32 $0x1F400, s31;
	v7 =	vmul.f32 v7, v8;
	v6 =	vmul.f32 v11, v6;
	_ =	sdelay $0x1  }
0x89: {  	s0 =	sadd.s32 s25, s30;
	v6 =	vadd.f32 v6, v7  }
0x8a: {  	s31 =	sadd.s32 $0x1, s31;
	s0 =	smul.u32 $0x5, s0  }
0x8b: {  	p1 =	sne.s32 s31, $0x4;
	v6 =	vmax.f32 v6, $0.0e+00;
	[tilespmem:v63+s18+$0x0] =	vst.idx.msk $0xffff, v9  }
.Ltmp2:
0x8c: {  	s0 =	sadd.s32 s11, s0;
	[tilespmem:v5+s18+$0x0] =	vst.idx.msk $0xffff, v6;
	(pc) =	sbr.rel @p1 .LBB2_4-.Ltmp2, $4  }
0x8d: {  	[hbm4b:s0+s1] =	stream.linear.scatter [tilespmem:s18], [sflag:$0x1], $0xC80, $0x38;
	[tilespmem:$0x4600] =	vst v63  }
0x8e: {  	_ =	swait.ge [sflag:s14], $0xC80  }
0x8f: {  	[sflag:s14] =	ssyncset.done $0x0  }
0x90: {  	[sflag:s14] =	ssyncadd.s32 $0xFFFFF380  }
0x91: {  	s23 =	sadd.s32 $0x1, s23  }
0x92: {  	p1 =	sne.s32 s23, $0x19  }
.Ltmp3:
0x93: {  	_ = 	snop;
	(pc) =	sbr.rel @p1 .LBB2_3-.Ltmp3, $3  }
0x94: {  	_ =	sdelay $0x1  }
0x95: {  	s21 =	sadd.s32 $0x50, s21  }
0x96: {  	s5 =	sadd.s32 $0x50, s5;
	s26 =	sadd.s32 $0x50, s26;
	s28 =	sadd.s32 $0x50, s28  }
.Ltmp4:
0x97: {  	(pc) =	sbr.rel @p0 .LBB2_2-.Ltmp4, $2  }
0x98: {  	_ =	sdelay $0x2  }
0x99: {  	s0 =	simm.s32 $0x7D0;
	p1 =	por $0x0, $0x0  }
0x9a: {  	s4 =	rddreg [dreg:$0x5]  }
0x9b: {  	s0 =	rddreg [dreg:$0x4];
	s4 =	sadd.s32 $0x1, s4  }
0x9c: {  	p0 =	sne.s32 s4, s0  }
.Ltmp5:
0x9d: {  	_ = 	snop;
	(pc) =	sbr.rel @p0 .LBB2_1-.Ltmp5, $1  }
0x9e: {  	_ =	sdelay $0x3  }
0x9f: {  	_ =	sfence.sel $0x180000  }
0xa0: {  	[bflag:$0x0] =	sbarrier.arrive $0xFFFF  }
0xa1: {  	_ =	strace $0x9000004D  }
0xa2: {  	s0 =	stileid.u32;
	[bflag:$0x2] =	sbarrier.arrive $0xFFFF  }
0xa3: {  	p0 =	sne.s32 s0, $0x0;
	s0 =	rddreg [dreg:$0x1]  }
0xa4: {  	s0 =	sadd.s32 @!p0 $0x100000, s0  }
0xa5: {  	[sflag:s0] =	ssyncadd.tile.s32 @!p0 $0x1;
	_ =	shalt  }
.Lfunc_end2:
_tile_overlayer_lowered:
.L_overlay_start_2:
0xa6: {  	(tag) =	ssettag $0x2  }
0xa7: {  	s0 =	rddreg [dreg:$0x0];
	s2 =	stileid.u32  }
0xa8: {  	s1 =	rddreg [dreg:$0x1];
	p0 =	sne.s32 s2, $0x0  }
0xa9: {  	s3 =	rddreg [dreg:$0x2];
	[bflag:$0x3] =	sbarrier.arrive $0xFFFF;
	s2 =	simm.s32 @!p0 $0x1C01  }
0xaa: {  	[timem:s3], [sflag:s2] =	dma.local @!p0 [hbm:s0], s1  }
0xab: {  	s0 =	simm.s32 @!p0 $0x1  }
0xac: {  	_ =	swait.ge @!p0 [sflag:s0], s1  }
0xad: {  	s1 =	ssub.s32 @!p0 $0x0, s1;
	[sflag:s0] =	ssyncset.done @!p0 $0x0  }
0xae: {  	[sflag:s0] =	ssyncadd.s32 @!p0 s1  }
0xaf: {  	[bflag:$0x3] =	sbarrier.arrive $0xFFFF  }
0xb0: {  	_ =	shalt  }

// kernel: kernel.29.cloned.1.call-start
scs
__scs_entry_jumppad:
0x0: {  	(pc) =	sbr.rel $0x88, $3  }
0x1: {  	(tag) =	ssettag $0x0;
	lr =	simm.s32 $0x1  }
0x2: {  	[smem:$0x3F96] =	sst lr;
	_ =	strace $0xD0000000  }
0x3: {  	_ = 	snop  }
0x4: {  	_ = 	snop  }
0x5: {  	_ = 	snop  }
0x6: {  	_ = 	snop  }
0x7: {  	_ = 	snop  }
__scs_overlays_trampoline_lowered:
0x8: {  	[smem:$0x3FA5] =	sst s0  }
0x9: {  	[smem:$0x3FA6] =	sst s1  }
0xa: {  	[smem:$0x3FA7] =	sst s2  }
0xb: {  	[smem:$0x3FA8] =	sst s3  }
0xc: {  	[smem:$0x3FA9] =	sst s4  }
0xd: {  	[smem:$0x3FAA] =	sst s5  }
0xe: {  	[smem:$0x3FAB] =	sst s6  }
0xf: {  	[smem:$0x3FAC] =	sst s7  }
0x10: {  	[smem:$0x3FAD] =	sst s8  }
0x11: {  	[smem:$0x3FAE] =	sst s9;
	s0 =	simm.s32 @!p0 $0x0  }
0x12: {  	s1 =	sld [smem:$0x3F94];
	s0 =	simm.s32 @p0 $0x1  }
0x13: {  	[smem:$0x3FAF] =	sst s0;
	s0 =	simm.s32 @!p1 $0x0  }
0x14: {  	s2 =	sld [smem:$0x3F93];
	s0 =	simm.s32 @p1 $0x1  }
0x15: {  	[smem:$0x3FB0] =	sst s0;
	s0 =	simm.s32 @!p2 $0x0  }
0x16: {  	s3 =	sld [smem:$0x3FDB];
	s0 =	simm.s32 @p2 $0x1  }
0x17: {  	s4 =	simm.s32 $0x1BF5;
	[smem:$0x3FB2] =	sst s0  }
0x18: {  	s0 =	sld [smem:$0x3F95];
	_ =	swait.ge [sflag:s4], $0x0  }
0x19: {  	s7 =	sld [smem:$0x3F96]  }
0x1a: {  	s8 =	sadd.s32 $0xFFFFE003, lr  }
0x1b: {  	s9 =	sadd.s32 $0xFFFFFEF7, lr;
	s5 =	simm.s32 $0xFFFFFFFF;
	p2 =	slt.u32 s8, $0xFFFFF086  }
0x1c: {  	p1 =	slt.u32 s9, $0xF7A;
	s5 =	simm.s32 @!p2 $0x0  }
0x1d: {  	s5 =	simm.s32 @p1 $0x1;
	p0 =	seq.s32 s7, s2  }
0x1e: {  	s7 =	smul.u32 @!p0 $0xF7A, s2;
	p2 =	seq.s32 @!p0 s5, $0x0  }
0x1f: {  	s9 =	smul.u32 $0xF7A, s1;
	s8 =	simm.s32 @!p0 $0x1BF5;
	p2 =	por !p2, p0  }
0x20: {  	[sflag:s8] =	ssyncset.s32 @!p0 $0xFFFFF086;
	s6 =	sadd.s32 @!p0 s3, s7;
	s7 =	simm.s32 @!p0 $0x108  }
0x21: {  	s3 =	sadd.s32 s3, s9;
	s6 =	sadd.s32 @!p0 $0x88, s6;
	s7 =	simm.s32 @p2 $0x1082  }
0x22: {  	[simem:s7], [sflag:s8] =	dma.local @!p0 [hbm:s6], $0xF7A  }
0x23: {  	s9 =	sor.u32 $0xD0000000, s2;
	s6 =	simm.s32 $0x108;
	_ =	swait.ge @!p0 [sflag:s8], $0x0  }
0x24: {  	s3 =	sadd.s32 $0x88, s3;
	s6 =	simm.s32 @!p1 $0x1082;
	[sflag:s4] =	ssyncset.s32 $0xFFFFF086  }
0x25: {  	[simem:s6], [sflag:s4] =	dma.local [hbm:s3], $0xF7A  }
0x26: {  	[smem:$0x3F96] =	sst s1;
	(tag) =	ssettag s2;
	_ =	strace s9  }
0x27: {  	s1 =	sld [smem:$0x3FA6]  }
0x28: {  	s2 =	sld [smem:$0x3FA7]  }
0x29: {  	s4 =	sld [smem:$0x3FA9]  }
0x2a: {  	p0 =	seq.s32 s5, $0x0;
	s5 =	sld [smem:$0x3FAA]  }
0x2b: {  	s6 =	sld [smem:$0x3FAB]  }
0x2c: {  	s7 =	sld [smem:$0x3FAC]  }
0x2d: {  	s3 =	simm.s32 $0x108;
	s8 =	sld [smem:$0x3FAD]  }
0x2e: {  	s3 =	simm.s32 @!p0 $0x1082;
	s9 =	sld [smem:$0x3FAE]  }
0x2f: {  	lr =	sadd.s32 s0, s3;
	s0 =	sld [smem:$0x3FA5]  }
0x30: {  	s3 =	sld [smem:$0x3FA8]  }
0x31: {  	[smem:$0x3FB1] =	sst s10  }
0x32: {  	s10 =	sld [smem:$0x3FAF];
	_ =	sdelay $0x3  }
0x33: {  	p0 =	seq.s32 s10, $0x1;
	s10 =	sld [smem:$0x3FB1];
	_ =	sdelay $0x3  }
0x34: {  	[smem:$0x3FB1] =	sst s10  }
0x35: {  	s10 =	sld [smem:$0x3FB0];
	_ =	sdelay $0x3  }
0x36: {  	p1 =	seq.s32 s10, $0x1;
	s10 =	sld [smem:$0x3FB1];
	_ =	sdelay $0x3  }
0x37: {  	[smem:$0x3FB1] =	sst s10  }
0x38: {  	s10 =	sld [smem:$0x3FB2]  }
0x39: {  	_ = 	snop;
	(pc) =	sbr.ind lr, $3  }
0x3a: {  	_ = 	snop  }
0x3b: {  	_ = 	snop  }
0x3c: {  	p2 =	seq.s32 s10, $0x1;
	s10 =	sld [smem:$0x3FB1]  }
0x3d: {  	_ =	shalt  }
0x3e: {  	_ =	shalt  }
0x3f: {  	_ =	shalt  }
0x40: {  	_ =	shalt  }
0x41: {  	_ =	shalt  }
0x42: {  	_ =	shalt  }
0x43: {  	_ =	shalt  }
0x44: {  	_ =	shalt  }
0x45: {  	_ =	shalt  }
0x46: {  	_ =	shalt  }
0x47: {  	_ =	shalt  }
0x48: {  	_ =	shalt  }
0x49: {  	_ =	shalt  }
0x4a: {  	_ =	shalt  }
0x4b: {  	_ =	shalt  }
0x4c: {  	_ =	shalt  }
0x4d: {  	_ =	shalt  }
0x4e: {  	_ =	shalt  }
0x4f: {  	_ =	shalt  }
0x50: {  	_ =	shalt  }
0x51: {  	_ =	shalt  }
0x52: {  	_ =	shalt  }
0x53: {  	_ =	shalt  }
0x54: {  	_ =	shalt  }
0x55: {  	_ =	shalt  }
0x56: {  	_ =	shalt  }
0x57: {  	_ =	shalt  }
0x58: {  	_ =	shalt  }
0x59: {  	_ =	shalt  }
0x5a: {  	_ =	shalt  }
0x5b: {  	_ =	shalt  }
0x5c: {  	_ =	shalt  }
0x5d: {  	_ =	shalt  }
0x5e: {  	_ =	shalt  }
0x5f: {  	_ =	shalt  }
0x60: {  	_ =	shalt  }
0x61: {  	_ =	shalt  }
0x62: {  	_ =	shalt  }
0x63: {  	_ =	shalt  }
0x64: {  	_ =	shalt  }
0x65: {  	_ =	shalt  }
0x66: {  	_ =	shalt  }
0x67: {  	_ =	shalt  }
0x68: {  	_ =	shalt  }
0x69: {  	_ =	shalt  }
0x6a: {  	_ =	shalt  }
0x6b: {  	_ =	shalt  }
0x6c: {  	_ =	shalt  }
0x6d: {  	_ =	shalt  }
0x6e: {  	_ =	shalt  }
0x6f: {  	_ =	shalt  }
0x70: {  	_ =	shalt  }
0x71: {  	_ =	shalt  }
0x72: {  	_ =	shalt  }
0x73: {  	_ =	shalt  }
0x74: {  	_ =	shalt  }
0x75: {  	_ =	shalt  }
0x76: {  	_ =	shalt  }
0x77: {  	_ =	shalt  }
0x78: {  	_ =	shalt  }
0x79: {  	_ =	shalt  }
0x7a: {  	_ =	shalt  }
0x7b: {  	_ =	shalt  }
0x7c: {  	_ =	shalt  }
0x7d: {  	_ =	shalt  }
0x7e: {  	_ =	shalt  }
0x7f: {  	_ =	shalt  }
0x80: {  	_ =	shalt  }
0x81: {  	_ =	shalt  }
0x82: {  	_ =	shalt  }
0x83: {  	_ =	shalt  }
0x84: {  	_ =	shalt  }
0x85: {  	_ =	shalt  }
0x86: {  	_ =	shalt  }
0x87: {  	_ =	shalt  }
.Lfunc_end0:
.L_simem_size_0:
called_computation.3_lowered:
.L_overlay_start_0:
0x88: {  	s2 =	sld [smem:$0x3FD9]  }
0x89: {  	s3 =	sld [smem:$0x3FFE];
	_ =	sdelay $0x1  }
0x8a: {  	s1 =	srdreg.scid  }
0x8b: {  	s0 =	sand.u32 $0x1, s1  }
0x8c: {  	s17 =	sshll.u32 s0, $0xA;
	s2 =	sadd.s32 s3, s2  }
0x8d: {  	s2 =	sadd.s32 s2, s17  }
0x8e: {  	[smem:$0x3FBD] =	sst s2  }
0x8f: {  	_ = 	snop  }
0x90: {  	(tm) =	ssettm $0x1  }
0x91: {  	s18 =	sld [smem:$0x3FFB];
	_ =	sdelay $0x3  }
0x92: {  	_ =	strace s18  }
0x93: {  	s2 =	sld [smem:$0x3FFC];
	_ =	sdelay $0x3  }
0x94: {  	_ =	strace s2  }
0x95: {  	s2 =	sld [smem:$0x3FFD];
	_ =	sdelay $0x3  }
0x96: {  	_ =	strace s2  }
0x97: {  	_ =	strace $0x8FFFFFFF  }
0x98: {  	s19 =	sld [smem:$0x3FDB];
	_ =	sdelay $0x1  }
0x99: {  	s20 =	simm.s32 $_scs_section_size  }
0x9a: {  	s4 =	simm.s32 $_size__tile_overlayer_lowered;
	s5 =	simm.s32 $_tile_overlayer_lowered  }
0x9b: {  	s6 =	simm.s32 $0x1BFF;
	s21 =	sshll.u32 s5, $0x1;
	s3 =	sadd.s32 s20, s19  }
0x9c: {  	s22 =	simm.s32 $0x0;
	s4 =	sshll.u32 s4, $0x1;
	s5 =	sadd.s32 s21, s3  }
0x9d: {  	[timem:s22], [sflag:s6] =	dma.local [hbm:s5], s4  }
0x9e: {  	_ =	swait.ge [sflag:s6], s4  }
0x9f: {  	s4 =	ssub.s32 $0x0, s4;
	[sflag:s6] =	ssyncset.done $0x0  }
0xa0: {  	[sflag:s6] =	ssyncadd.s32 s4;
	_ =	sdelay $0x1  }
0xa1: {  	s23 =	simm.s32 $0x1B8B  }
0xa2: {  	_ =	swait.ge [sflag:s23], $0x1  }
0xa3: {  	[sflag:s23] =	ssyncset.done $0x0  }
0xa4: {  	[sflag:s23] =	ssyncadd.s32 $0xFFFFFFFF  }
0xa5: {  	s4 =	sld [smem:$0x0]  }
0xa6: {  	s5 =	sand.u32 $0xFFFFFFFE, s1  }
0xa7: {  	p0 =	sne.s32 s1, s5  }
0xa8: {  	s5 =	sshll.u32 @p0 s5, $0xE  }
0xa9: {  	s5 =	sadd.s32 @p0 $0x11B8D, s5;
	s6 =	sshll.u32 @p0 s4, $0x11  }
0xaa: {  	s5 =	sor.u32 @p0 s6, s5  }
0xab: {  	[sflag:s5] =	ssyncadd.remote.s32 @p0 $0x1;
	_ =	sdelay $0x1  }
0xac: {  	s5 =	simm.s32 @p0 $0x1B8D  }
0xad: {  	_ =	swait.eq @p0 [sflag:s5], $0x1  }
0xae: {  	[sflag:s5] =	ssyncadd.s32 @p0 $0xFFFFFFFF  }
0xaf: {  	s6 =	sshll.u32 @!p0 s1, $0xE  }
0xb0: {  	s6 =	sor.u32 @!p0 $0x4000, s6;
	s5 =	simm.s32 @!p0 $0x1B8D  }
0xb1: {  	s4 =	sshll.u32 @!p0 s4, $0x11;
	s6 =	sadd.s32 @!p0 $0x11B8D, s6;
	_ =	swait.eq @!p0 [sflag:s5], $0x1  }
0xb2: {  	s4 =	sor.u32 @!p0 s4, s6;
	[sflag:s5] =	ssyncadd.s32 @!p0 $0xFFFFFFFF  }
0xb3: {  	s25 =	simm.s32 $0x1B8E;
	s24 =	sld [smem:$0x3FFE];
	[sflag:s4] =	ssyncadd.remote.s32 @!p0 $0x1  }
0xb4: {  	s26 =	simm.s32 $execute0_lowered;
	[smem:$0x3FD2] =	sst s25  }
0xb5: {  	s5 =	sshll.u32 s26, $0x1;
	_ =	strace $0x80000049;
	[dreg:$0x1] =	wrdreg $0xFFFFFFFF  }
0xb6: {  	s28 =	simm.s32 $_size_execute0_lowered;
	s3 =	sadd.s32 s3, s5;
	[dreg:$0x0] =	wrdreg $0x0  }
0xb7: {  	s5 =	sshll.u32 s28, $0x1;
	[dreg:$0x2] =	wrdreg s3  }
0xb8: {  	[dreg:$0x3] =	wrdreg s5  }
0xb9: {  	[dreg:$0x4] =	wrdreg $0xC0  }
0xba: {  	_ =	task [dreg:s22], $0x5FFFF  }
0xbb: {  	[dreg:$0x1] =	wrdreg $0xFFFFFFFF  }
0xbc: {  	[dreg:$0x0] =	wrdreg $0x60  }
0xbd: {  	[dreg:$0x2] =	wrdreg s24  }
0xbe: {  	[dreg:$0x3] =	wrdreg $0xC  }
0xbf: {  	_ =	task.clear_ibuf [dreg:s22], $0x4FFFF;
	_ =	strace $0x90000049  }
0xc0: {  	s29 =	simm.s32 $0xC;
	_ =	strace $0x8000004B  }
0xc1: {  	_ =	swait.ge [sflag:s29], $0x1  }
0xc2: {  	[sflag:s29] =	ssyncadd.s32 $0xFFFFFFFF  }
0xc3: {  	_ =	strace $0x9000004B  }
0xc4: {  	_ =	sfence  }
0xc5: {  	s30 =	sld [smem:$0x0];
	_ =	sdelay $0x2  }
0xc6: {  	s31 =	sshll.u32 s1, $0xD;
	s1 =	sshrl.u32 s1, $0x2  }
0xc7: {  	s4 =	sand.u32 $0x4000, s31;
	s1 =	sadd.s32 s1, s30  }
0xc8: {  	s0 =	sor.u32 s4, s0;
	s1 =	sshll.u32 s1, $0x11  }
0xc9: {  	s0 =	sor.u32 s1, s0  }
0xca: {  	s0 =	sadd.s32 $0x8F2B, s0  }
0xcb: {  	[sflag:s0] =	ssyncadd.remote.s32 $0x1  }
0xcc: {  	_ =	sfence.sel $0xFFFF  }
0xcd: {  	[dreg:$0x0] =	wrdreg $0xFFFFFFFF;
	(pc) =	sbr.abs _section_cstart, $3  }
0xce: {  	[dreg:$0x1] =	wrdreg $0xFFFFFFFF  }
0xcf: {  	_ =	task.clear_ibuf [dreg:s22], $0x2FFFF;
	_ =	strace $0x9FFFFFFF  }
0xd0: {  	(tm) =	ssettm $0x7FFFFFFF  }
0xd1: {  	_ =	shalt  }
tec
execute0_lowered:
.L_overlay_start_1:
0x0: {  	(tag) =	ssettag $0x1  }
0x1: {  	s0 =	rddreg [dreg:$0x0];
	s1 =	simm.s32 $0x0;
	s5 =	srdreg.scid  }
0x2: {  	s30 =	stileid.u32;
	s14 =	simm.s32 $0x1;
	s16 =	simm.s32 $0x50  }
0x3: {  	s17 =	simm.s32 $0x2EE0;
	s18 =	simm.s32 $0x2F80;
	s19 =	simm.s32 $0x2F30  }
0x4: {  	s20 =	simm.s32 $0x3C00;
	[smem:$0x7FF] =	sst s1;
	s2 =	sadd.s32 $0x82400, s0  }
0x5: {  	s3 =	sadd.s32 $0xB4400, s0;
	s4 =	sadd.s32 $0xF0400, s0;
	s29 =	sadd.s32 $0xE0400, s0  }
0x6: {  	s7 =	sadd.s32 $0x76400, s0;
	s8 =	sadd.s32 $0x66400, s0;
	s5 =	sand.u32 $0x1, s5  }
0x7: {  	v0 =	vlaneseq.u32;
	s9 =	sadd.s32 $0x56400, s0;
	s11 =	sshll.u32 s30, $0x1;
	s12 =	ssub.s32 $0x2, s5  }
0x8: {  	v4 =	vmul.u32 $0x28, v0;
	_ =	strace $0x8000004A;
	[dreg:$0x2] =	wrdreg s4;
	s13 =	sshrl.u32 s12, $0x1  }
0x9: {  	s10 =	sadd.s32 $0x46400, s0;
	[dreg:$0x3] =	wrdreg s29;
	s31 =	ssub.s32 s12, s13  }
0xa: {  	s5 =	sor.u32 s5, s11;
	s11 =	sadd.s32 $0x36D400, s0;
	v0 =	vadd.s32 $0x20, v4;
	v1 =	vadd.s32 $0x21, v4;
	s0 =	smax.u32 s31, $0x1  }
0xb: {  	s4 =	simm.s32 $0x0;
	v2 =	vadd.s32 $0x22, v4;
	v3 =	vadd.s32 $0x23, v4;
	v4 =	vadd.s32 $0x24, v4;
	s12 =	smul.u32 $0xFA0, s5;
	[dreg:$0x4] =	wrdreg s0  }
.LBB2_1:
0xc: {  	[dreg:$0x5] =	wrdreg s4;
	p1 =	por $0x1, $0x1;
	s0 =	simm.s32 $0x0  }
.LBB2_2:
0xd: {  	s22 =	sadd.s32 s12, s0  }
0xe: {  	s4 =	rddreg [dreg:$0x2];
	s0 =	sshrl.u32 s22, $0x3  }
0xf: {  	s23 =	simm.s32 $0x0;
	s5 =	sadd.s32 s4, s0  }
0x10: {  	[tilespmem:s23], [sflag:$0x1] =	stream.linear.gather [hbm4b:s5+s23], $0x7D0, $0x38;
	[tilespmem:$0x4600] =	vst v63  }
0x11: {  	_ =	swait.ge [sflag:s14], $0x7D0  }
0x12: {  	[sflag:s14] =	ssyncset.done $0x0;
	s25 =	rddreg [dreg:$0x3]  }
0x13: {  	s29 =	simm.s32 $0x7D0;
	[sflag:s14] =	ssyncadd.s32 $0xFFFFF830;
	s26 =	sadd.s32 s25, s0  }
0x14: {  	[tilespmem:s29], [sflag:$0x1] =	stream.linear.gather [hbm4b:s26+s23], $0x7D0, $0x38;
	[tilespmem:$0x4600] =	vst v63  }
0x15: {  	_ =	swait.ge [sflag:s14], $0x7D0  }
0x16: {  	[sflag:s14] =	ssyncset.done $0x0  }
0x17: {  	s21 =	simm.s32 $0xFA0;
	s30 =	sadd.s32 s7, s0;
	[sflag:s14] =	ssyncadd.s32 $0xFFFFF830  }
0x18: {  	[tilespmem:s21], [sflag:$0x1] =	stream.linear.gather [hbm4b:s30+s23], $0x7D0, $0x38;
	[tilespmem:$0x4600] =	vst v63  }
0x19: {  	_ =	swait.ge [sflag:s14], $0x7D0  }
0x1a: {  	[sflag:s14] =	ssyncset.done $0x0  }
0x1b: {  	s13 =	sadd.s32 s8, s0;
	s5 =	simm.s32 $0x1770;
	[sflag:s14] =	ssyncadd.s32 $0xFFFFF830  }
0x1c: {  	[tilespmem:s5], [sflag:$0x1] =	stream.linear.gather [hbm4b:s13+s23], $0x7D0, $0x38;
	[tilespmem:$0x4600] =	vst v63  }
0x1d: {  	_ =	swait.ge [sflag:s14], $0x7D0  }
0x1e: {  	[sflag:s14] =	ssyncset.done $0x0  }
0x1f: {  	s31 =	sadd.s32 s9, s0;
	s26 =	simm.s32 $0x1F40;
	[sflag:s14] =	ssyncadd.s32 $0xFFFFF830  }
0x20: {  	[tilespmem:s26], [sflag:$0x1] =	stream.linear.gather [hbm4b:s31+s23], $0x7D0, $0x38;
	[tilespmem:$0x4600] =	vst v63  }
0x21: {  	_ =	swait.ge [sflag:s14], $0x7D0  }
0x22: {  	[sflag:s14] =	ssyncset.done $0x0  }
0x23: {  	s28 =	simm.s32 $0x2710;
	s0 =	sadd.s32 s10, s0;
	[sflag:s14] =	ssyncadd.s32 $0xFFFFF830  }
0x24: {  	[tilespmem:s28], [sflag:$0x1] =	stream.linear.gather [hbm4b:s0+s23], $0x7D0, $0x38;
	[tilespmem:$0x4600] =	vst v63  }
0x25: {  	_ =	swait.ge [sflag:s14], $0x7D0  }
0x26: {  	[sflag:s14] =	ssyncset.done $0x0  }
0x27: {  	p0 =	por p1, p1;
	[sflag:s14] =	ssyncadd.s32 $0xFFFFF830  }
.LBB2_3:
0x28: {  	s29 =	smul.u32 $0x50, s23;
	_ =	sdelay $0x1  }
0x29: {  	s31 =	simm.s32 $0x0;
	s30 =	sadd.s32 s22, s29  }
.LBB2_4:
0x2a: {  	v5 =	vld [tilespmem:s29+$0x0];
	_ =	sdelay $0x2  }
0x2b: {  	s0 =	smul.u32 $0x2710, s31;
	_ =	sdelay $0x1  }
0x2c: {  	v5 =	vadd.s32 s0, v5  }
0x2d: {  	[tilespmem:$0x2EE0] =	vst v5  }
0x2e: {  	v5 =	vld [tilespmem:s29+$0x7D0];
	_ =	sdelay $0x4  }
0x2f: {  	v5 =	vadd.s32 s0, v5  }
0x30: {  	[tilespmem:$0x2F30] =	vst v5  }
0x31: {  	v5 =	vld [tilespmem:s29+$0x10];
	_ =	sdelay $0x4  }
0x32: {  	v5 =	vadd.s32 s0, v5  }
0x33: {  	[tilespmem:$0x2EF0] =	vst v5  }
0x34: {  	v5 =	vld [tilespmem:s29+$0x7E0];
	_ =	sdelay $0x4  }
0x35: {  	v5 =	vadd.s32 s0, v5  }
0x36: {  	[tilespmem:$0x2F40] =	vst v5  }
0x37: {  	v5 =	vld [tilespmem:s29+$0x20];
	_ =	sdelay $0x4  }
0x38: {  	v5 =	vadd.s32 s0, v5  }
0x39: {  	[tilespmem:$0x2F00] =	vst v5  }
0x3a: {  	v5 =	vld [tilespmem:s29+$0x7F0];
	_ =	sdelay $0x4  }
0x3b: {  	v5 =	vadd.s32 s0, v5  }
0x3c: {  	[tilespmem:$0x2F50] =	vst v5  }
0x3d: {  	v5 =	vld [tilespmem:s29+$0x30];
	_ =	sdelay $0x4  }
0x3e: {  	v5 =	vadd.s32 s0, v5  }
0x3f: {  	[tilespmem:$0x2F10] =	vst v5  }
0x40: {  	v5 =	vld [tilespmem:s29+$0x800];
	_ =	sdelay $0x4  }
0x41: {  	v5 =	vadd.s32 s0, v5  }
0x42: {  	[tilespmem:$0x2F60] =	vst v5  }
0x43: {  	v5 =	vld [tilespmem:s29+$0x40];
	_ =	sdelay $0x4  }
0x44: {  	v5 =	vadd.s32 s0, v5  }
0x45: {  	[tilespmem:$0x2F20] =	vst v5  }
0x46: {  	v5 =	vld [tilespmem:s29+$0x810];
	_ =	sdelay $0x4  }
0x47: {  	v5 =	vadd.s32 s0, v5  }
0x48: {  	[tilespmem:$0x2F70] =	vst v5  }
0x49: {  	[tilespmem:s18], [sflag:$0x1] =	stream.indirect.gather [hbm4b:s2+s16], $0x28, s17, s16, $0xb8;
	[tilespmem:$0x4600] =	vst v63  }
0x4a: {  	_ =	swait.ge [sflag:s14], $0xC80  }
0x4b: {  	[sflag:s14] =	ssyncset.done $0x0  }
0x4c: {  	[sflag:s14] =	ssyncadd.s32 $0xFFFFF380  }
0x4d: {  	[tilespmem:s20], [sflag:$0x1] =	stream.indirect.gather [hbm4b:s3+s16], $0x20, s19, s16, $0xb8;
	[tilespmem:$0x4600] =	vst v63  }
0x4e: {  	_ =	swait.ge [sflag:s14], $0xA00  }
0x4f: {  	[sflag:s14] =	ssyncset.done $0x0  }
0x50: {  	s0 =	simm.s32 $0x0;
	[sflag:s14] =	ssyncadd.s32 $0xFFFFF600  }
0x51: {  	s13 =	simm.s32 $0x0;
	s24 =	simm.s32 $0x3C10;
	s25 =	simm.s32 $0xA0;
	v5 =	vld [tilespmem:s0+$0x2F80]  }
.LBB2_5:
0x52: {  	p1 =	sne.s32 s25, $0x3160;
	v6 =	vld [tilespmem:s24+$0xFFFFFFF0];
	_ =	sdelay $0x4  }
0x53: {  	v5 =	vadd.f32 v6, v5;
	_ =	sdelay $0x1  }
0x54: {  	[tilespmem:s0+$0x2F80] =	vst v5;
	v5 =	vld [tilespmem:s0+$0x2F90]  }
0x55: {  	v6 =	vld [tilespmem:s24+$0x0];
	_ =	sdelay $0x2  }
.Ltmp0:
0x56: {  	(pc) =	sbr.rel @p1 .LBB2_5-.Ltmp0, $4  }
0x57: {  	_ = 	snop  }
0x58: {  	v6 =	vadd.f32 v6, v5  }
0x59: {  	s15 =	sshra.s32 s25, $0x2  }
0x5a: {  	s25 =	sadd.s32 $0xA0, s25;
	s24 =	sadd.s32 $0x20, s24;
	v5 =	vld [tilespmem:s15+$0x2F80];
	[tilespmem:s0+$0x2F90] =	vst v6;
	s0 =	smov.u32 s15  }
0x5b: {  	v6 =	vld [tilespmem:s24+$0xFFFFFFF0];
	_ =	sdelay $0x4  }
0x5c: {  	v5 =	vadd.f32 v6, v5;
	_ =	sdelay $0x1  }
0x5d: {  	[tilespmem:s0+$0x2F80] =	vst v5;
	v5 =	vld [tilespmem:s0+$0x2F90]  }
0x5e: {  	v7 =	vmov s13;
	v6 =	vld [tilespmem:s24+$0x0]  }
0x5f: {  	v7 =	vmul.u32 $0x28, v7;
	_ =	sdelay $0x1  }
0x60: {  	v7 =	vbroadcast v7, $0x0;
	_ =	sdelay $0x1  }
0x61: {  	v8 =	vadd.s32 v1, v7;
	v5 =	vadd.f32 v6, v5;
	_ =	sdelay $0x1  }
0x62: {  	v6 =	vadd.s32 v0, v7;
	[tilespmem:s0+$0x2F90] =	vst v5  }
0x63: {  	v5 =	vld [tilespmem:s21+$0x0]  }
0x64: {  	v10 =	vadd.s32 v2, v7;
	v9 =	vld [tilespmem:s26+$0x0]  }
0x65: {  	v8 =	vld.idx.msk [tilespmem:v8+s18+$0x0], $0xffff  }
0x66: {  	v11 =	vld [tilespmem:s5+$0x0]  }
0x67: {  	v6 =	vld.idx.msk [tilespmem:v6+s18+$0x0], $0xffff;
	_ =	sdelay $0x1  }
0x68: {  	s25 =	simm.s32 $0x10;
	[tilespmem:v10+s18+$0x0] =	vst.idx.msk $0xffff, v9  }
0x69: {  	v12 =	vadd.s32 v3, v7;
	v9 =	vmov s25;
	v10 =	vld [tilespmem:s28+$0x0]  }
0x6a: {  	v9 =	vmul.u32 $0x28, v9  }
0x6b: {  	v8 =	vmul.f32 v11, v8;
	v6 =	vmul.f32 v5, v6  }
0x6c: {  	v7 =	vadd.s32 v4, v7;
	v5 =	vbroadcast v9, $0x0  }
0x6d: {  	s15 =	simm.s32 $0x20;
	s13 =	sadd.s32 $0x10, s26;
	v9 =	vadd.f32 v8, v6  }
0x6e: {  	s24 =	smov.u32 s21;
	s0 =	sadd.s32 $0x10, s28;
	s25 =	smov.u32 s5;
	v8 =	vadd.s32 v0, v5;
	v6 =	vadd.s32 v1, v5;
	[tilespmem:v12+s18+$0x0] =	vst.idx.msk $0xffff, v10  }
.LBB2_7:
0x6f: {  	s24 =	sadd.s32 $0x10, s24  }
0x70: {  	v9 =	vmax.f32 v9, $0.0e+00;
	s25 =	sadd.s32 $0x10, s25;
	s4 =	smov.u32 s15;
	s6 =	sadd.s32 $0x10, s15  }
0x71: {  	p1 =	sne.s32 s15, $0x40;
	[tilespmem:v7+s18+$0x0] =	vst.idx.msk $0xffff, v9  }
0x72: {  	v7 =	vld [tilespmem:s24+$0x0]  }
0x73: {  	v10 =	vadd.s32 v2, v5;
	v9 =	vld [tilespmem:s13+$0x0]  }
0x74: {  	v8 =	vld.idx.msk [tilespmem:v8+s18+$0x0], $0xffff  }
0x75: {  	v6 =	vld.idx.msk [tilespmem:v6+s18+$0x0], $0xffff  }
0x76: {  	v11 =	vld [tilespmem:s25+$0x0];
	_ =	sdelay $0x1  }
0x77: {  	[tilespmem:v10+s18+$0x0] =	vst.idx.msk $0xffff, v9  }
0x78: {  	v12 =	vadd.s32 v3, v5;
	v9 =	vmov s4;
	v10 =	vld [tilespmem:s0+$0x0]  }
.Ltmp1:
0x79: {  	v9 =	vmul.u32 $0x28, v9;
	v8 =	vmul.f32 v7, v8;
	v7 =	vadd.s32 v4, v5;
	(pc) =	sbr.rel @p1 .LBB2_7-.Ltmp1, $4  }
0x7a: {  	v6 =	vmul.f32 v11, v6  }
0x7b: {  	v5 =	vbroadcast v9, $0x0  }
0x7c: {  	v9 =	vadd.f32 v6, v8  }
0x7d: {  	s15 =	smov.u32 s6;
	s13 =	sadd.s32 $0x10, s13;
	s0 =	sadd.s32 $0x10, s0;
	v8 =	vadd.s32 v0, v5;
	v6 =	vadd.s32 v1, v5;
	[tilespmem:v12+s18+$0x0] =	vst.idx.msk $0xffff, v10  }
0x7e: {  	_ =	sdelay $0x2  }
0x7f: {  	v9 =	vmax.f32 v9, $0.0e+00  }
0x80: {  	s4 =	sadd.s32 $0x10, s24;
	[tilespmem:v7+s18+$0x0] =	vst.idx.msk $0xffff, v9  }
0x81: {  	v7 =	vld [tilespmem:s4+$0x0]  }
0x82: {  	v9 =	vld [tilespmem:s13+$0x0]  }
0x83: {  	v10 =	vadd.s32 v2, v5;
	v8 =	vld.idx.msk [tilespmem:v8+s18+$0x0], $0xffff  }
0x84: {  	s24 =	sadd.s32 $0x10, s25;
	v6 =	vld.idx.msk [tilespmem:v6+s18+$0x0], $0xffff  }
0x85: {  	v11 =	vld [tilespmem:s24+$0x0];
	_ =	sdelay $0x2  }
0x86: {  	[tilespmem:v10+s18+$0x0] =	vst.idx.msk $0xffff, v9  }
0x87: {  	v63 =	vadd.s32 v3, v5;
	v9 =	vld [tilespmem:s0+$0x0]  }
0x88: {  	v5 =	vadd.s32 v4, v5;
	s25 =	smul.u32 $0x1F400, s31;
	v7 =	vmul.f32 v7, v8;
	v6 =	vmul.f32 v11, v6;
	_ =	sdelay $0x1  }
0x89: {  	s0 =	sadd.s32 s25, s30;
	v6 =	vadd.f32 v6, v7  }
0x8a: {  	s31 =	sadd.s32 $0x1, s31;
	s0 =	smul.u32 $0x5, s0  }
0x8b: {  	p1 =	sne.s32 s31, $0x4;
	v6 =	vmax.f32 v6, $0.0e+00;
	[tilespmem:v63+s18+$0x0] =	vst.idx.msk $0xffff, v9  }
.Ltmp2:
0x8c: {  	s0 =	sadd.s32 s11, s0;
	[tilespmem:v5+s18+$0x0] =	vst.idx.msk $0xffff, v6;
	(pc) =	sbr.rel @p1 .LBB2_4-.Ltmp2, $4  }
0x8d: {  	[hbm4b:s0+s1] =	stream.linear.scatter [tilespmem:s18], [sflag:$0x1], $0xC80, $0x38;
	[tilespmem:$0x4600] =	vst v63  }
0x8e: {  	_ =	swait.ge [sflag:s14], $0xC80  }
0x8f: {  	[sflag:s14] =	ssyncset.done $0x0  }
0x90: {  	[sflag:s14] =	ssyncadd.s32 $0xFFFFF380  }
0x91: {  	s23 =	sadd.s32 $0x1, s23  }
0x92: {  	p1 =	sne.s32 s23, $0x19  }
.Ltmp3:
0x93: {  	_ = 	snop;
	(pc) =	sbr.rel @p1 .LBB2_3-.Ltmp3, $3  }
0x94: {  	_ =	sdelay $0x1  }
0x95: {  	s21 =	sadd.s32 $0x50, s21  }
0x96: {  	s5 =	sadd.s32 $0x50, s5;
	s26 =	sadd.s32 $0x50, s26;
	s28 =	sadd.s32 $0x50, s28  }
.Ltmp4:
0x97: {  	(pc) =	sbr.rel @p0 .LBB2_2-.Ltmp4, $2  }
0x98: {  	_ =	sdelay $0x2  }
0x99: {  	s0 =	simm.s32 $0x7D0;
	p1 =	por $0x0, $0x0  }
0x9a: {  	s4 =	rddreg [dreg:$0x5]  }
0x9b: {  	s0 =	rddreg [dreg:$0x4];
	s4 =	sadd.s32 $0x1, s4  }
0x9c: {  	p0 =	sne.s32 s4, s0  }
.Ltmp5:
0x9d: {  	_ = 	snop;
	(pc) =	sbr.rel @p0 .LBB2_1-.Ltmp5, $1  }
0x9e: {  	_ =	sdelay $0x3  }
0x9f: {  	_ =	sfence.sel $0x180000  }
0xa0: {  	[bflag:$0x0] =	sbarrier.arrive $0xFFFF  }
0xa1: {  	_ =	strace $0x9000004A  }
0xa2: {  	s0 =	stileid.u32;
	[bflag:$0x2] =	sbarrier.arrive $0xFFFF  }
0xa3: {  	p0 =	sne.s32 s0, $0x0;
	s0 =	rddreg [dreg:$0x1]  }
0xa4: {  	s0 =	sadd.s32 @!p0 $0x100000, s0  }
0xa5: {  	[sflag:s0] =	ssyncadd.tile.s32 @!p0 $0x1;
	_ =	shalt  }
.Lfunc_end2:
_tile_overlayer_lowered:
.L_overlay_start_2:
0xa6: {  	(tag) =	ssettag $0x2  }
0xa7: {  	s0 =	rddreg [dreg:$0x0];
	s2 =	stileid.u32  }
0xa8: {  	s1 =	rddreg [dreg:$0x1];
	p0 =	sne.s32 s2, $0x0  }
0xa9: {  	s3 =	rddreg [dreg:$0x2];
	[bflag:$0x3] =	sbarrier.arrive $0xFFFF;
	s2 =	simm.s32 @!p0 $0x1C01  }
0xaa: {  	[timem:s3], [sflag:s2] =	dma.local @!p0 [hbm:s0], s1  }
0xab: {  	s0 =	simm.s32 @!p0 $0x1  }
0xac: {  	_ =	swait.ge @!p0 [sflag:s0], s1  }
0xad: {  	s1 =	ssub.s32 @!p0 $0x0, s1;
	[sflag:s0] =	ssyncset.done @!p0 $0x0  }
0xae: {  	[sflag:s0] =	ssyncadd.s32 @!p0 s1  }
0xaf: {  	[bflag:$0x3] =	sbarrier.arrive $0xFFFF  }
0xb0: {  	_ =	shalt  }

// kernel: kernel.32.cloned.1.call-start
scs
__scs_entry_jumppad:
0x0: {  	(pc) =	sbr.rel $0x88, $3  }
0x1: {  	(tag) =	ssettag $0x0;
	lr =	simm.s32 $0x1  }
0x2: {  	[smem:$0x3F96] =	sst lr;
	_ =	strace $0xD0000000  }
0x3: {  	_ = 	snop  }
0x4: {  	_ = 	snop  }
0x5: {  	_ = 	snop  }
0x6: {  	_ = 	snop  }
0x7: {  	_ = 	snop  }
__scs_overlays_trampoline_lowered:
0x8: {  	[smem:$0x3FA5] =	sst s0  }
0x9: {  	[smem:$0x3FA6] =	sst s1  }
0xa: {  	[smem:$0x3FA7] =	sst s2  }
0xb: {  	[smem:$0x3FA8] =	sst s3  }
0xc: {  	[smem:$0x3FA9] =	sst s4  }
0xd: {  	[smem:$0x3FAA] =	sst s5  }
0xe: {  	[smem:$0x3FAB] =	sst s6  }
0xf: {  	[smem:$0x3FAC] =	sst s7  }
0x10: {  	[smem:$0x3FAD] =	sst s8  }
0x11: {  	[smem:$0x3FAE] =	sst s9;
	s0 =	simm.s32 @!p0 $0x0  }
0x12: {  	s1 =	sld [smem:$0x3F94];
	s0 =	simm.s32 @p0 $0x1  }
0x13: {  	[smem:$0x3FAF] =	sst s0;
	s0 =	simm.s32 @!p1 $0x0  }
0x14: {  	s2 =	sld [smem:$0x3F93];
	s0 =	simm.s32 @p1 $0x1  }
0x15: {  	[smem:$0x3FB0] =	sst s0;
	s0 =	simm.s32 @!p2 $0x0  }
0x16: {  	s3 =	sld [smem:$0x3FDB];
	s0 =	simm.s32 @p2 $0x1  }
0x17: {  	s4 =	simm.s32 $0x1BF5;
	[smem:$0x3FB2] =	sst s0  }
0x18: {  	s0 =	sld [smem:$0x3F95];
	_ =	swait.ge [sflag:s4], $0x0  }
0x19: {  	s7 =	sld [smem:$0x3F96]  }
0x1a: {  	s8 =	sadd.s32 $0xFFFFE003, lr  }
0x1b: {  	s9 =	sadd.s32 $0xFFFFFEF7, lr;
	s5 =	simm.s32 $0xFFFFFFFF;
	p2 =	slt.u32 s8, $0xFFFFF086  }
0x1c: {  	p1 =	slt.u32 s9, $0xF7A;
	s5 =	simm.s32 @!p2 $0x0  }
0x1d: {  	s5 =	simm.s32 @p1 $0x1;
	p0 =	seq.s32 s7, s2  }
0x1e: {  	s7 =	smul.u32 @!p0 $0xF7A, s2;
	p2 =	seq.s32 @!p0 s5, $0x0  }
0x1f: {  	s9 =	smul.u32 $0xF7A, s1;
	s8 =	simm.s32 @!p0 $0x1BF5;
	p2 =	por !p2, p0  }
0x20: {  	[sflag:s8] =	ssyncset.s32 @!p0 $0xFFFFF086;
	s6 =	sadd.s32 @!p0 s3, s7;
	s7 =	simm.s32 @!p0 $0x108  }
0x21: {  	s3 =	sadd.s32 s3, s9;
	s6 =	sadd.s32 @!p0 $0x88, s6;
	s7 =	simm.s32 @p2 $0x1082  }
0x22: {  	[simem:s7], [sflag:s8] =	dma.local @!p0 [hbm:s6], $0xF7A  }
0x23: {  	s9 =	sor.u32 $0xD0000000, s2;
	s6 =	simm.s32 $0x108;
	_ =	swait.ge @!p0 [sflag:s8], $0x0  }
0x24: {  	s3 =	sadd.s32 $0x88, s3;
	s6 =	simm.s32 @!p1 $0x1082;
	[sflag:s4] =	ssyncset.s32 $0xFFFFF086  }
0x25: {  	[simem:s6], [sflag:s4] =	dma.local [hbm:s3], $0xF7A  }
0x26: {  	[smem:$0x3F96] =	sst s1;
	(tag) =	ssettag s2;
	_ =	strace s9  }
0x27: {  	s1 =	sld [smem:$0x3FA6]  }
0x28: {  	s2 =	sld [smem:$0x3FA7]  }
0x29: {  	s4 =	sld [smem:$0x3FA9]  }
0x2a: {  	p0 =	seq.s32 s5, $0x0;
	s5 =	sld [smem:$0x3FAA]  }
0x2b: {  	s6 =	sld [smem:$0x3FAB]  }
0x2c: {  	s7 =	sld [smem:$0x3FAC]  }
0x2d: {  	s3 =	simm.s32 $0x108;
	s8 =	sld [smem:$0x3FAD]  }
0x2e: {  	s3 =	simm.s32 @!p0 $0x1082;
	s9 =	sld [smem:$0x3FAE]  }
0x2f: {  	lr =	sadd.s32 s0, s3;
	s0 =	sld [smem:$0x3FA5]  }
0x30: {  	s3 =	sld [smem:$0x3FA8]  }
0x31: {  	[smem:$0x3FB1] =	sst s10  }
0x32: {  	s10 =	sld [smem:$0x3FAF];
	_ =	sdelay $0x3  }
0x33: {  	p0 =	seq.s32 s10, $0x1;
	s10 =	sld [smem:$0x3FB1];
	_ =	sdelay $0x3  }
0x34: {  	[smem:$0x3FB1] =	sst s10  }
0x35: {  	s10 =	sld [smem:$0x3FB0];
	_ =	sdelay $0x3  }
0x36: {  	p1 =	seq.s32 s10, $0x1;
	s10 =	sld [smem:$0x3FB1];
	_ =	sdelay $0x3  }
0x37: {  	[smem:$0x3FB1] =	sst s10  }
0x38: {  	s10 =	sld [smem:$0x3FB2]  }
0x39: {  	_ = 	snop;
	(pc) =	sbr.ind lr, $3  }
0x3a: {  	_ = 	snop  }
0x3b: {  	_ = 	snop  }
0x3c: {  	p2 =	seq.s32 s10, $0x1;
	s10 =	sld [smem:$0x3FB1]  }
0x3d: {  	_ =	shalt  }
0x3e: {  	_ =	shalt  }
0x3f: {  	_ =	shalt  }
0x40: {  	_ =	shalt  }
0x41: {  	_ =	shalt  }
0x42: {  	_ =	shalt  }
0x43: {  	_ =	shalt  }
0x44: {  	_ =	shalt  }
0x45: {  	_ =	shalt  }
0x46: {  	_ =	shalt  }
0x47: {  	_ =	shalt  }
0x48: {  	_ =	shalt  }
0x49: {  	_ =	shalt  }
0x4a: {  	_ =	shalt  }
0x4b: {  	_ =	shalt  }
0x4c: {  	_ =	shalt  }
0x4d: {  	_ =	shalt  }
0x4e: {  	_ =	shalt  }
0x4f: {  	_ =	shalt  }
0x50: {  	_ =	shalt  }
0x51: {  	_ =	shalt  }
0x52: {  	_ =	shalt  }
0x53: {  	_ =	shalt  }
0x54: {  	_ =	shalt  }
0x55: {  	_ =	shalt  }
0x56: {  	_ =	shalt  }
0x57: {  	_ =	shalt  }
0x58: {  	_ =	shalt  }
0x59: {  	_ =	shalt  }
0x5a: {  	_ =	shalt  }
0x5b: {  	_ =	shalt  }
0x5c: {  	_ =	shalt  }
0x5d: {  	_ =	shalt  }
0x5e: {  	_ =	shalt  }
0x5f: {  	_ =	shalt  }
0x60: {  	_ =	shalt  }
0x61: {  	_ =	shalt  }
0x62: {  	_ =	shalt  }
0x63: {  	_ =	shalt  }
0x64: {  	_ =	shalt  }
0x65: {  	_ =	shalt  }
0x66: {  	_ =	shalt  }
0x67: {  	_ =	shalt  }
0x68: {  	_ =	shalt  }
0x69: {  	_ =	shalt  }
0x6a: {  	_ =	shalt  }
0x6b: {  	_ =	shalt  }
0x6c: {  	_ =	shalt  }
0x6d: {  	_ =	shalt  }
0x6e: {  	_ =	shalt  }
0x6f: {  	_ =	shalt  }
0x70: {  	_ =	shalt  }
0x71: {  	_ =	shalt  }
0x72: {  	_ =	shalt  }
0x73: {  	_ =	shalt  }
0x74: {  	_ =	shalt  }
0x75: {  	_ =	shalt  }
0x76: {  	_ =	shalt  }
0x77: {  	_ =	shalt  }
0x78: {  	_ =	shalt  }
0x79: {  	_ =	shalt  }
0x7a: {  	_ =	shalt  }
0x7b: {  	_ =	shalt  }
0x7c: {  	_ =	shalt  }
0x7d: {  	_ =	shalt  }
0x7e: {  	_ =	shalt  }
0x7f: {  	_ =	shalt  }
0x80: {  	_ =	shalt  }
0x81: {  	_ =	shalt  }
0x82: {  	_ =	shalt  }
0x83: {  	_ =	shalt  }
0x84: {  	_ =	shalt  }
0x85: {  	_ =	shalt  }
0x86: {  	_ =	shalt  }
0x87: {  	_ =	shalt  }
.Lfunc_end0:
.L_simem_size_0:
called_computation.4_lowered:
.L_overlay_start_0:
0x88: {  	s2 =	sld [smem:$0x3FD9]  }
0x89: {  	s3 =	sld [smem:$0x3FFE];
	_ =	sdelay $0x1  }
0x8a: {  	s1 =	srdreg.scid  }
0x8b: {  	s0 =	sand.u32 $0x1, s1  }
0x8c: {  	s16 =	sshll.u32 s0, $0xA;
	s2 =	sadd.s32 s3, s2  }
0x8d: {  	s2 =	sadd.s32 s2, s16  }
0x8e: {  	[smem:$0x3FBD] =	sst s2  }
0x8f: {  	_ = 	snop  }
0x90: {  	(tm) =	ssettm $0x1  }
0x91: {  	s17 =	sld [smem:$0x3FFB];
	_ =	sdelay $0x3  }
0x92: {  	_ =	strace s17  }
0x93: {  	s2 =	sld [smem:$0x3FFC];
	_ =	sdelay $0x3  }
0x94: {  	_ =	strace s2  }
0x95: {  	s2 =	sld [smem:$0x3FFD];
	_ =	sdelay $0x3  }
0x96: {  	_ =	strace s2  }
0x97: {  	_ =	strace $0x8FFFFFFF  }
0x98: {  	s18 =	sld [smem:$0x3FDB];
	_ =	sdelay $0x1  }
0x99: {  	s19 =	simm.s32 $_scs_section_size  }
0x9a: {  	s4 =	simm.s32 $_size__tile_overlayer_lowered;
	s5 =	simm.s32 $_tile_overlayer_lowered  }
0x9b: {  	s22 =	simm.s32 $0x1BFF;
	s21 =	sshll.u32 s5, $0x1;
	s2 =	sadd.s32 s19, s18  }
0x9c: {  	s6 =	simm.s32 $0x0;
	s20 =	sshll.u32 s4, $0x1;
	s4 =	sadd.s32 s21, s2  }
0x9d: {  	[timem:s6], [sflag:s22] =	dma.local [hbm:s4], s20  }
0x9e: {  	_ =	swait.ge [sflag:s22], s20  }
0x9f: {  	s3 =	ssub.s32 $0x0, s20;
	[sflag:s22] =	ssyncset.done $0x0  }
0xa0: {  	[sflag:s22] =	ssyncadd.s32 s3;
	_ =	sdelay $0x1  }
0xa1: {  	s23 =	simm.s32 $0x1B8B  }
0xa2: {  	_ =	swait.ge [sflag:s23], $0x1  }
0xa3: {  	[sflag:s23] =	ssyncset.done $0x0  }
0xa4: {  	s25 =	simm.s32 $0x1B8E;
	s24 =	sld [smem:$0x3FFE];
	[sflag:s23] =	ssyncadd.s32 $0xFFFFFFFF  }
0xa5: {  	s26 =	simm.s32 $execute0_lowered;
	[smem:$0x3FD2] =	sst s25  }
0xa6: {  	s4 =	sshll.u32 s26, $0x1;
	_ =	strace $0x80000046;
	[dreg:$0x1] =	wrdreg $0xFFFFFFFF  }
0xa7: {  	s28 =	simm.s32 $_size_execute0_lowered;
	s2 =	sadd.s32 s2, s4;
	[dreg:$0x0] =	wrdreg $0x0  }
0xa8: {  	s4 =	sshll.u32 s28, $0x1;
	[dreg:$0x2] =	wrdreg s2  }
0xa9: {  	[dreg:$0x3] =	wrdreg s4  }
0xaa: {  	[dreg:$0x4] =	wrdreg $0xC0  }
0xab: {  	_ =	task [dreg:s6], $0x5FFFF  }
0xac: {  	[dreg:$0x1] =	wrdreg $0xFFFFFFFF  }
0xad: {  	[dreg:$0x0] =	wrdreg $0x60  }
0xae: {  	[dreg:$0x2] =	wrdreg s24  }
0xaf: {  	[dreg:$0x3] =	wrdreg $0xA  }
0xb0: {  	_ =	task.clear_ibuf [dreg:s6], $0x4FFFF;
	_ =	strace $0x90000046  }
0xb1: {  	s29 =	simm.s32 $0xA;
	_ =	strace $0x80000048  }
0xb2: {  	_ =	swait.ge [sflag:s29], $0x1  }
0xb3: {  	[sflag:s29] =	ssyncadd.s32 $0xFFFFFFFF  }
0xb4: {  	_ =	strace $0x90000048  }
0xb5: {  	_ =	sfence  }
0xb6: {  	s30 =	sld [smem:$0x0];
	_ =	sdelay $0x2  }
0xb7: {  	s31 =	sshll.u32 s1, $0xD;
	s1 =	sshrl.u32 s1, $0x2  }
0xb8: {  	s3 =	sand.u32 $0x4000, s31;
	s1 =	sadd.s32 s1, s30  }
0xb9: {  	s0 =	sor.u32 s3, s0;
	s1 =	sshll.u32 s1, $0x11  }
0xba: {  	s0 =	sor.u32 s1, s0  }
0xbb: {  	s0 =	sadd.s32 $0x8F2B, s0  }
0xbc: {  	[sflag:s0] =	ssyncadd.remote.s32 $0x1  }
0xbd: {  	_ =	sfence.sel $0xFFFF  }
0xbe: {  	[dreg:$0x0] =	wrdreg $0xFFFFFFFF;
	(pc) =	sbr.abs _section_cstart, $3  }
0xbf: {  	[dreg:$0x1] =	wrdreg $0xFFFFFFFF  }
0xc0: {  	_ =	task.clear_ibuf [dreg:s6], $0x2FFFF;
	_ =	strace $0x9FFFFFFF  }
0xc1: {  	(tm) =	ssettm $0x7FFFFFFF  }
tec
execute0_lowered:
.L_overlay_start_1:
0x0: {  	(tag) =	ssettag $0x1  }
0x1: {  	s0 =	rddreg [dreg:$0x0];
	s1 =	simm.s32 $0x0;
	s5 =	srdreg.scid  }
0x2: {  	s30 =	stileid.u32;
	s14 =	simm.s32 $0x1;
	s16 =	simm.s32 $0x50  }
0x3: {  	s17 =	simm.s32 $0x2EE0;
	s18 =	simm.s32 $0x2F80;
	s19 =	simm.s32 $0x2F30  }
0x4: {  	s20 =	simm.s32 $0x3C00;
	[smem:$0x7FF] =	sst s1;
	s2 =	sadd.s32 $0x82400, s0  }
0x5: {  	s3 =	sadd.s32 $0xB4400, s0;
	s4 =	sadd.s32 $0xEC400, s0;
	s29 =	sadd.s32 $0xDC400, s0  }
0x6: {  	s7 =	sadd.s32 $0x72400, s0;
	s8 =	sadd.s32 $0x62400, s0;
	s5 =	sand.u32 $0x1, s5  }
0x7: {  	v0 =	vlaneseq.u32;
	s9 =	sadd.s32 $0x52400, s0;
	s11 =	sshll.u32 s30, $0x1;
	s12 =	ssub.s32 $0x2, s5  }
0x8: {  	v4 =	vmul.u32 $0x28, v0;
	_ =	strace $0x80000047;
	[dreg:$0x2] =	wrdreg s4;
	s13 =	sshrl.u32 s12, $0x1  }
0x9: {  	s10 =	sadd.s32 $0x42400, s0;
	[dreg:$0x3] =	wrdreg s29;
	s31 =	ssub.s32 s12, s13  }
0xa: {  	s5 =	sor.u32 s5, s11;
	s11 =	sadd.s32 $0xFC400, s0;
	v0 =	vadd.s32 $0x20, v4;
	v1 =	vadd.s32 $0x21, v4;
	s0 =	smax.u32 s31, $0x1  }
0xb: {  	s4 =	simm.s32 $0x0;
	v2 =	vadd.s32 $0x22, v4;
	v3 =	vadd.s32 $0x23, v4;
	v4 =	vadd.s32 $0x24, v4;
	s12 =	smul.u32 $0xFA0, s5;
	[dreg:$0x4] =	wrdreg s0  }
.LBB2_1:
0xc: {  	[dreg:$0x5] =	wrdreg s4;
	p1 =	por $0x1, $0x1;
	s0 =	simm.s32 $0x0  }
.LBB2_2:
0xd: {  	s22 =	sadd.s32 s12, s0  }
0xe: {  	s4 =	rddreg [dreg:$0x2];
	s0 =	sshrl.u32 s22, $0x3  }
0xf: {  	s23 =	simm.s32 $0x0;
	s5 =	sadd.s32 s4, s0  }
0x10: {  	[tilespmem:s23], [sflag:$0x1] =	stream.linear.gather [hbm4b:s5+s23], $0x7D0, $0x38;
	[tilespmem:$0x4600] =	vst v63  }
0x11: {  	_ =	swait.ge [sflag:s14], $0x7D0  }
0x12: {  	[sflag:s14] =	ssyncset.done $0x0;
	s25 =	rddreg [dreg:$0x3]  }
0x13: {  	s29 =	simm.s32 $0x7D0;
	[sflag:s14] =	ssyncadd.s32 $0xFFFFF830;
	s26 =	sadd.s32 s25, s0  }
0x14: {  	[tilespmem:s29], [sflag:$0x1] =	stream.linear.gather [hbm4b:s26+s23], $0x7D0, $0x38;
	[tilespmem:$0x4600] =	vst v63  }
0x15: {  	_ =	swait.ge [sflag:s14], $0x7D0  }
0x16: {  	[sflag:s14] =	ssyncset.done $0x0  }
0x17: {  	s21 =	simm.s32 $0xFA0;
	s30 =	sadd.s32 s7, s0;
	[sflag:s14] =	ssyncadd.s32 $0xFFFFF830  }
0x18: {  	[tilespmem:s21], [sflag:$0x1] =	stream.linear.gather [hbm4b:s30+s23], $0x7D0, $0x38;
	[tilespmem:$0x4600] =	vst v63  }
0x19: {  	_ =	swait.ge [sflag:s14], $0x7D0  }
0x1a: {  	[sflag:s14] =	ssyncset.done $0x0  }
0x1b: {  	s13 =	sadd.s32 s8, s0;
	s5 =	simm.s32 $0x1770;
	[sflag:s14] =	ssyncadd.s32 $0xFFFFF830  }
0x1c: {  	[tilespmem:s5], [sflag:$0x1] =	stream.linear.gather [hbm4b:s13+s23], $0x7D0, $0x38;
	[tilespmem:$0x4600] =	vst v63  }
0x1d: {  	_ =	swait.ge [sflag:s14], $0x7D0  }
0x1e: {  	[sflag:s14] =	ssyncset.done $0x0  }
0x1f: {  	s31 =	sadd.s32 s9, s0;
	s26 =	simm.s32 $0x1F40;
	[sflag:s14] =	ssyncadd.s32 $0xFFFFF830  }
0x20: {  	[tilespmem:s26], [sflag:$0x1] =	stream.linear.gather [hbm4b:s31+s23], $0x7D0, $0x38;
	[tilespmem:$0x4600] =	vst v63  }
0x21: {  	_ =	swait.ge [sflag:s14], $0x7D0  }
0x22: {  	[sflag:s14] =	ssyncset.done $0x0  }
0x23: {  	s28 =	simm.s32 $0x2710;
	s0 =	sadd.s32 s10, s0;
	[sflag:s14] =	ssyncadd.s32 $0xFFFFF830  }
0x24: {  	[tilespmem:s28], [sflag:$0x1] =	stream.linear.gather [hbm4b:s0+s23], $0x7D0, $0x38;
	[tilespmem:$0x4600] =	vst v63  }
0x25: {  	_ =	swait.ge [sflag:s14], $0x7D0  }
0x26: {  	[sflag:s14] =	ssyncset.done $0x0  }
0x27: {  	p0 =	por p1, p1;
	[sflag:s14] =	ssyncadd.s32 $0xFFFFF830  }
.LBB2_3:
0x28: {  	s29 =	smul.u32 $0x50, s23;
	_ =	sdelay $0x1  }
0x29: {  	s31 =	simm.s32 $0x0;
	s30 =	sadd.s32 s22, s29  }
.LBB2_4:
0x2a: {  	v5 =	vld [tilespmem:s29+$0x0];
	_ =	sdelay $0x2  }
0x2b: {  	s0 =	smul.u32 $0x2710, s31;
	_ =	sdelay $0x1  }
0x2c: {  	v5 =	vadd.s32 s0, v5  }
0x2d: {  	[tilespmem:$0x2EE0] =	vst v5  }
0x2e: {  	v5 =	vld [tilespmem:s29+$0x7D0];
	_ =	sdelay $0x4  }
0x2f: {  	v5 =	vadd.s32 s0, v5  }
0x30: {  	[tilespmem:$0x2F30] =	vst v5  }
0x31: {  	v5 =	vld [tilespmem:s29+$0x10];
	_ =	sdelay $0x4  }
0x32: {  	v5 =	vadd.s32 s0, v5  }
0x33: {  	[tilespmem:$0x2EF0] =	vst v5  }
0x34: {  	v5 =	vld [tilespmem:s29+$0x7E0];
	_ =	sdelay $0x4  }
0x35: {  	v5 =	vadd.s32 s0, v5  }
0x36: {  	[tilespmem:$0x2F40] =	vst v5  }
0x37: {  	v5 =	vld [tilespmem:s29+$0x20];
	_ =	sdelay $0x4  }
0x38: {  	v5 =	vadd.s32 s0, v5  }
0x39: {  	[tilespmem:$0x2F00] =	vst v5  }
0x3a: {  	v5 =	vld [tilespmem:s29+$0x7F0];
	_ =	sdelay $0x4  }
0x3b: {  	v5 =	vadd.s32 s0, v5  }
0x3c: {  	[tilespmem:$0x2F50] =	vst v5  }
0x3d: {  	v5 =	vld [tilespmem:s29+$0x30];
	_ =	sdelay $0x4  }
0x3e: {  	v5 =	vadd.s32 s0, v5  }
0x3f: {  	[tilespmem:$0x2F10] =	vst v5  }
0x40: {  	v5 =	vld [tilespmem:s29+$0x800];
	_ =	sdelay $0x4  }
0x41: {  	v5 =	vadd.s32 s0, v5  }
0x42: {  	[tilespmem:$0x2F60] =	vst v5  }
0x43: {  	v5 =	vld [tilespmem:s29+$0x40];
	_ =	sdelay $0x4  }
0x44: {  	v5 =	vadd.s32 s0, v5  }
0x45: {  	[tilespmem:$0x2F20] =	vst v5  }
0x46: {  	v5 =	vld [tilespmem:s29+$0x810];
	_ =	sdelay $0x4  }
0x47: {  	v5 =	vadd.s32 s0, v5  }
0x48: {  	[tilespmem:$0x2F70] =	vst v5  }
0x49: {  	[tilespmem:s18], [sflag:$0x1] =	stream.indirect.gather [hbm4b:s2+s16], $0x28, s17, s16, $0xb8;
	[tilespmem:$0x4600] =	vst v63  }
0x4a: {  	_ =	swait.ge [sflag:s14], $0xC80  }
0x4b: {  	[sflag:s14] =	ssyncset.done $0x0  }
0x4c: {  	[sflag:s14] =	ssyncadd.s32 $0xFFFFF380  }
0x4d: {  	[tilespmem:s20], [sflag:$0x1] =	stream.indirect.gather [hbm4b:s3+s16], $0x20, s19, s16, $0xb8;
	[tilespmem:$0x4600] =	vst v63  }
0x4e: {  	_ =	swait.ge [sflag:s14], $0xA00  }
0x4f: {  	[sflag:s14] =	ssyncset.done $0x0  }
0x50: {  	s0 =	simm.s32 $0x0;
	[sflag:s14] =	ssyncadd.s32 $0xFFFFF600  }
0x51: {  	s13 =	simm.s32 $0x0;
	s24 =	simm.s32 $0x3C10;
	s25 =	simm.s32 $0xA0;
	v5 =	vld [tilespmem:s0+$0x2F80]  }
.LBB2_5:
0x52: {  	p1 =	sne.s32 s25, $0x3160;
	v6 =	vld [tilespmem:s24+$0xFFFFFFF0];
	_ =	sdelay $0x4  }
0x53: {  	v5 =	vadd.f32 v6, v5;
	_ =	sdelay $0x1  }
0x54: {  	[tilespmem:s0+$0x2F80] =	vst v5;
	v5 =	vld [tilespmem:s0+$0x2F90]  }
0x55: {  	v6 =	vld [tilespmem:s24+$0x0];
	_ =	sdelay $0x2  }
.Ltmp0:
0x56: {  	(pc) =	sbr.rel @p1 .LBB2_5-.Ltmp0, $4  }
0x57: {  	_ = 	snop  }
0x58: {  	v6 =	vadd.f32 v6, v5  }
0x59: {  	s15 =	sshra.s32 s25, $0x2  }
0x5a: {  	s25 =	sadd.s32 $0xA0, s25;
	s24 =	sadd.s32 $0x20, s24;
	v5 =	vld [tilespmem:s15+$0x2F80];
	[tilespmem:s0+$0x2F90] =	vst v6;
	s0 =	smov.u32 s15  }
0x5b: {  	v6 =	vld [tilespmem:s24+$0xFFFFFFF0];
	_ =	sdelay $0x4  }
0x5c: {  	v5 =	vadd.f32 v6, v5;
	_ =	sdelay $0x1  }
0x5d: {  	[tilespmem:s0+$0x2F80] =	vst v5;
	v5 =	vld [tilespmem:s0+$0x2F90]  }
0x5e: {  	v7 =	vmov s13;
	v6 =	vld [tilespmem:s24+$0x0]  }
0x5f: {  	v7 =	vmul.u32 $0x28, v7;
	_ =	sdelay $0x1  }
0x60: {  	v7 =	vbroadcast v7, $0x0;
	_ =	sdelay $0x1  }
0x61: {  	v8 =	vadd.s32 v1, v7;
	v5 =	vadd.f32 v6, v5;
	_ =	sdelay $0x1  }
0x62: {  	v6 =	vadd.s32 v0, v7;
	[tilespmem:s0+$0x2F90] =	vst v5  }
0x63: {  	v5 =	vld [tilespmem:s21+$0x0]  }
0x64: {  	v10 =	vadd.s32 v2, v7;
	v9 =	vld [tilespmem:s26+$0x0]  }
0x65: {  	v8 =	vld.idx.msk [tilespmem:v8+s18+$0x0], $0xffff  }
0x66: {  	v11 =	vld [tilespmem:s5+$0x0]  }
0x67: {  	v6 =	vld.idx.msk [tilespmem:v6+s18+$0x0], $0xffff;
	_ =	sdelay $0x1  }
0x68: {  	s25 =	simm.s32 $0x10;
	[tilespmem:v10+s18+$0x0] =	vst.idx.msk $0xffff, v9  }
0x69: {  	v12 =	vadd.s32 v3, v7;
	v9 =	vmov s25;
	v10 =	vld [tilespmem:s28+$0x0]  }
0x6a: {  	v9 =	vmul.u32 $0x28, v9  }
0x6b: {  	v8 =	vmul.f32 v11, v8;
	v6 =	vmul.f32 v5, v6  }
0x6c: {  	v7 =	vadd.s32 v4, v7;
	v5 =	vbroadcast v9, $0x0  }
0x6d: {  	s15 =	simm.s32 $0x20;
	s13 =	sadd.s32 $0x10, s26;
	v9 =	vadd.f32 v8, v6  }
0x6e: {  	s24 =	smov.u32 s21;
	s0 =	sadd.s32 $0x10, s28;
	s25 =	smov.u32 s5;
	v8 =	vadd.s32 v0, v5;
	v6 =	vadd.s32 v1, v5;
	[tilespmem:v12+s18+$0x0] =	vst.idx.msk $0xffff, v10  }
.LBB2_7:
0x6f: {  	s24 =	sadd.s32 $0x10, s24  }
0x70: {  	v9 =	vmax.f32 v9, $0.0e+00;
	s25 =	sadd.s32 $0x10, s25;
	s4 =	smov.u32 s15;
	s6 =	sadd.s32 $0x10, s15  }
0x71: {  	p1 =	sne.s32 s15, $0x40;
	[tilespmem:v7+s18+$0x0] =	vst.idx.msk $0xffff, v9  }
0x72: {  	v7 =	vld [tilespmem:s24+$0x0]  }
0x73: {  	v10 =	vadd.s32 v2, v5;
	v9 =	vld [tilespmem:s13+$0x0]  }
0x74: {  	v8 =	vld.idx.msk [tilespmem:v8+s18+$0x0], $0xffff  }
0x75: {  	v6 =	vld.idx.msk [tilespmem:v6+s18+$0x0], $0xffff  }
0x76: {  	v11 =	vld [tilespmem:s25+$0x0];
	_ =	sdelay $0x1  }
0x77: {  	[tilespmem:v10+s18+$0x0] =	vst.idx.msk $0xffff, v9  }
0x78: {  	v12 =	vadd.s32 v3, v5;
	v9 =	vmov s4;
	v10 =	vld [tilespmem:s0+$0x0]  }
.Ltmp1:
0x79: {  	v9 =	vmul.u32 $0x28, v9;
	v8 =	vmul.f32 v7, v8;
	v7 =	vadd.s32 v4, v5;
	(pc) =	sbr.rel @p1 .LBB2_7-.Ltmp1, $4  }
0x7a: {  	v6 =	vmul.f32 v11, v6  }
0x7b: {  	v5 =	vbroadcast v9, $0x0  }
0x7c: {  	v9 =	vadd.f32 v6, v8  }
0x7d: {  	s15 =	smov.u32 s6;
	s13 =	sadd.s32 $0x10, s13;
	s0 =	sadd.s32 $0x10, s0;
	v8 =	vadd.s32 v0, v5;
	v6 =	vadd.s32 v1, v5;
	[tilespmem:v12+s18+$0x0] =	vst.idx.msk $0xffff, v10  }
0x7e: {  	_ =	sdelay $0x2  }
0x7f: {  	v9 =	vmax.f32 v9, $0.0e+00  }
0x80: {  	s4 =	sadd.s32 $0x10, s24;
	[tilespmem:v7+s18+$0x0] =	vst.idx.msk $0xffff, v9  }
0x81: {  	v7 =	vld [tilespmem:s4+$0x0]  }
0x82: {  	v9 =	vld [tilespmem:s13+$0x0]  }
0x83: {  	v10 =	vadd.s32 v2, v5;
	v8 =	vld.idx.msk [tilespmem:v8+s18+$0x0], $0xffff  }
0x84: {  	s24 =	sadd.s32 $0x10, s25;
	v6 =	vld.idx.msk [tilespmem:v6+s18+$0x0], $0xffff  }
0x85: {  	v11 =	vld [tilespmem:s24+$0x0];
	_ =	sdelay $0x2  }
0x86: {  	[tilespmem:v10+s18+$0x0] =	vst.idx.msk $0xffff, v9  }
0x87: {  	v63 =	vadd.s32 v3, v5;
	v9 =	vld [tilespmem:s0+$0x0]  }
0x88: {  	v5 =	vadd.s32 v4, v5;
	s25 =	smul.u32 $0x1F400, s31;
	v7 =	vmul.f32 v7, v8;
	v6 =	vmul.f32 v11, v6;
	_ =	sdelay $0x1  }
0x89: {  	s0 =	sadd.s32 s25, s30;
	v6 =	vadd.f32 v6, v7  }
0x8a: {  	s31 =	sadd.s32 $0x1, s31;
	s0 =	smul.u32 $0x5, s0  }
0x8b: {  	p1 =	sne.s32 s31, $0x4;
	v6 =	vmax.f32 v6, $0.0e+00;
	[tilespmem:v63+s18+$0x0] =	vst.idx.msk $0xffff, v9  }
.Ltmp2:
0x8c: {  	s0 =	sadd.s32 s11, s0;
	[tilespmem:v5+s18+$0x0] =	vst.idx.msk $0xffff, v6;
	(pc) =	sbr.rel @p1 .LBB2_4-.Ltmp2, $4  }
0x8d: {  	[hbm4b:s0+s1] =	stream.linear.scatter [tilespmem:s18], [sflag:$0x1], $0xC80, $0x38;
	[tilespmem:$0x4600] =	vst v63  }
0x8e: {  	_ =	swait.ge [sflag:s14], $0xC80  }
0x8f: {  	[sflag:s14] =	ssyncset.done $0x0  }
0x90: {  	[sflag:s14] =	ssyncadd.s32 $0xFFFFF380  }
0x91: {  	s23 =	sadd.s32 $0x1, s23  }
0x92: {  	p1 =	sne.s32 s23, $0x19  }
.Ltmp3:
0x93: {  	_ = 	snop;
	(pc) =	sbr.rel @p1 .LBB2_3-.Ltmp3, $3  }
0x94: {  	_ =	sdelay $0x1  }
0x95: {  	s21 =	sadd.s32 $0x50, s21  }
0x96: {  	s5 =	sadd.s32 $0x50, s5;
	s26 =	sadd.s32 $0x50, s26;
	s28 =	sadd.s32 $0x50, s28  }
.Ltmp4:
0x97: {  	(pc) =	sbr.rel @p0 .LBB2_2-.Ltmp4, $2  }
0x98: {  	_ =	sdelay $0x2  }
0x99: {  	s0 =	simm.s32 $0x7D0;
	p1 =	por $0x0, $0x0  }
0x9a: {  	s4 =	rddreg [dreg:$0x5]  }
0x9b: {  	s0 =	rddreg [dreg:$0x4];
	s4 =	sadd.s32 $0x1, s4  }
0x9c: {  	p0 =	sne.s32 s4, s0  }
.Ltmp5:
0x9d: {  	_ = 	snop;
	(pc) =	sbr.rel @p0 .LBB2_1-.Ltmp5, $1  }
0x9e: {  	_ =	sdelay $0x3  }
0x9f: {  	_ =	sfence.sel $0x180000  }
0xa0: {  	[bflag:$0x0] =	sbarrier.arrive $0xFFFF  }
0xa1: {  	_ =	strace $0x90000047  }
0xa2: {  	s0 =	stileid.u32;
	[bflag:$0x2] =	sbarrier.arrive $0xFFFF  }
0xa3: {  	p0 =	sne.s32 s0, $0x0;
	s0 =	rddreg [dreg:$0x1]  }
0xa4: {  	s0 =	sadd.s32 @!p0 $0x100000, s0  }
0xa5: {  	[sflag:s0] =	ssyncadd.tile.s32 @!p0 $0x1;
	_ =	shalt  }
.Lfunc_end2:
_tile_overlayer_lowered:
.L_overlay_start_2:
0xa6: {  	(tag) =	ssettag $0x2  }
0xa7: {  	s0 =	rddreg [dreg:$0x0];
	s2 =	stileid.u32  }
0xa8: {  	s1 =	rddreg [dreg:$0x1];
	p0 =	sne.s32 s2, $0x0  }
0xa9: {  	s3 =	rddreg [dreg:$0x2];
	[bflag:$0x3] =	sbarrier.arrive $0xFFFF;
	s2 =	simm.s32 @!p0 $0x1C01  }
0xaa: {  	[timem:s3], [sflag:s2] =	dma.local @!p0 [hbm:s0], s1  }
0xab: {  	s0 =	simm.s32 @!p0 $0x1  }
0xac: {  	_ =	swait.ge @!p0 [sflag:s0], s1  }
0xad: {  	s1 =	ssub.s32 @!p0 $0x0, s1;
	[sflag:s0] =	ssyncset.done @!p0 $0x0  }
0xae: {  	[sflag:s0] =	ssyncadd.s32 @!p0 s1  }
0xaf: {  	[bflag:$0x3] =	sbarrier.arrive $0xFFFF  }
0xb0: {  	_ =	shalt  }

// kernel: kernel.35.cloned.1.call-start
scs
__scs_entry_jumppad:
0x0: {  	(pc) =	sbr.rel $0x88, $3  }
0x1: {  	(tag) =	ssettag $0x0;
	lr =	simm.s32 $0x1  }
0x2: {  	[smem:$0x3F96] =	sst lr;
	_ =	strace $0xD0000000  }
0x3: {  	_ = 	snop  }
0x4: {  	_ = 	snop  }
0x5: {  	_ = 	snop  }
0x6: {  	_ = 	snop  }
0x7: {  	_ = 	snop  }
__scs_overlays_trampoline_lowered:
0x8: {  	[smem:$0x3FA5] =	sst s0  }
0x9: {  	[smem:$0x3FA6] =	sst s1  }
0xa: {  	[smem:$0x3FA7] =	sst s2  }
0xb: {  	[smem:$0x3FA8] =	sst s3  }
0xc: {  	[smem:$0x3FA9] =	sst s4  }
0xd: {  	[smem:$0x3FAA] =	sst s5  }
0xe: {  	[smem:$0x3FAB] =	sst s6  }
0xf: {  	[smem:$0x3FAC] =	sst s7  }
0x10: {  	[smem:$0x3FAD] =	sst s8  }
0x11: {  	[smem:$0x3FAE] =	sst s9;
	s0 =	simm.s32 @!p0 $0x0  }
0x12: {  	s1 =	sld [smem:$0x3F94];
	s0 =	simm.s32 @p0 $0x1  }
0x13: {  	[smem:$0x3FAF] =	sst s0;
	s0 =	simm.s32 @!p1 $0x0  }
0x14: {  	s2 =	sld [smem:$0x3F93];
	s0 =	simm.s32 @p1 $0x1  }
0x15: {  	[smem:$0x3FB0] =	sst s0;
	s0 =	simm.s32 @!p2 $0x0  }
0x16: {  	s3 =	sld [smem:$0x3FDB];
	s0 =	simm.s32 @p2 $0x1  }
0x17: {  	s4 =	simm.s32 $0x1BF5;
	[smem:$0x3FB2] =	sst s0  }
0x18: {  	s0 =	sld [smem:$0x3F95];
	_ =	swait.ge [sflag:s4], $0x0  }
0x19: {  	s7 =	sld [smem:$0x3F96]  }
0x1a: {  	s8 =	sadd.s32 $0xFFFFE003, lr  }
0x1b: {  	s9 =	sadd.s32 $0xFFFFFEF7, lr;
	s5 =	simm.s32 $0xFFFFFFFF;
	p2 =	slt.u32 s8, $0xFFFFF086  }
0x1c: {  	p1 =	slt.u32 s9, $0xF7A;
	s5 =	simm.s32 @!p2 $0x0  }
0x1d: {  	s5 =	simm.s32 @p1 $0x1;
	p0 =	seq.s32 s7, s2  }
0x1e: {  	s7 =	smul.u32 @!p0 $0xF7A, s2;
	p2 =	seq.s32 @!p0 s5, $0x0  }
0x1f: {  	s9 =	smul.u32 $0xF7A, s1;
	s8 =	simm.s32 @!p0 $0x1BF5;
	p2 =	por !p2, p0  }
0x20: {  	[sflag:s8] =	ssyncset.s32 @!p0 $0xFFFFF086;
	s6 =	sadd.s32 @!p0 s3, s7;
	s7 =	simm.s32 @!p0 $0x108  }
0x21: {  	s3 =	sadd.s32 s3, s9;
	s6 =	sadd.s32 @!p0 $0x88, s6;
	s7 =	simm.s32 @p2 $0x1082  }
0x22: {  	[simem:s7], [sflag:s8] =	dma.local @!p0 [hbm:s6], $0xF7A  }
0x23: {  	s9 =	sor.u32 $0xD0000000, s2;
	s6 =	simm.s32 $0x108;
	_ =	swait.ge @!p0 [sflag:s8], $0x0  }
0x24: {  	s3 =	sadd.s32 $0x88, s3;
	s6 =	simm.s32 @!p1 $0x1082;
	[sflag:s4] =	ssyncset.s32 $0xFFFFF086  }
0x25: {  	[simem:s6], [sflag:s4] =	dma.local [hbm:s3], $0xF7A  }
0x26: {  	[smem:$0x3F96] =	sst s1;
	(tag) =	ssettag s2;
	_ =	strace s9  }
0x27: {  	s1 =	sld [smem:$0x3FA6]  }
0x28: {  	s2 =	sld [smem:$0x3FA7]  }
0x29: {  	s4 =	sld [smem:$0x3FA9]  }
0x2a: {  	p0 =	seq.s32 s5, $0x0;
	s5 =	sld [smem:$0x3FAA]  }
0x2b: {  	s6 =	sld [smem:$0x3FAB]  }
0x2c: {  	s7 =	sld [smem:$0x3FAC]  }
0x2d: {  	s3 =	simm.s32 $0x108;
	s8 =	sld [smem:$0x3FAD]  }
0x2e: {  	s3 =	simm.s32 @!p0 $0x1082;
	s9 =	sld [smem:$0x3FAE]  }
0x2f: {  	lr =	sadd.s32 s0, s3;
	s0 =	sld [smem:$0x3FA5]  }
0x30: {  	s3 =	sld [smem:$0x3FA8]  }
0x31: {  	[smem:$0x3FB1] =	sst s10  }
0x32: {  	s10 =	sld [smem:$0x3FAF];
	_ =	sdelay $0x3  }
0x33: {  	p0 =	seq.s32 s10, $0x1;
	s10 =	sld [smem:$0x3FB1];
	_ =	sdelay $0x3  }
0x34: {  	[smem:$0x3FB1] =	sst s10  }
0x35: {  	s10 =	sld [smem:$0x3FB0];
	_ =	sdelay $0x3  }
0x36: {  	p1 =	seq.s32 s10, $0x1;
	s10 =	sld [smem:$0x3FB1];
	_ =	sdelay $0x3  }
0x37: {  	[smem:$0x3FB1] =	sst s10  }
0x38: {  	s10 =	sld [smem:$0x3FB2]  }
0x39: {  	_ = 	snop;
	(pc) =	sbr.ind lr, $3  }
0x3a: {  	_ = 	snop  }
0x3b: {  	_ = 	snop  }
0x3c: {  	p2 =	seq.s32 s10, $0x1;
	s10 =	sld [smem:$0x3FB1]  }
0x3d: {  	_ =	shalt  }
0x3e: {  	_ =	shalt  }
0x3f: {  	_ =	shalt  }
0x40: {  	_ =	shalt  }
0x41: {  	_ =	shalt  }
0x42: {  	_ =	shalt  }
0x43: {  	_ =	shalt  }
0x44: {  	_ =	shalt  }
0x45: {  	_ =	shalt  }
0x46: {  	_ =	shalt  }
0x47: {  	_ =	shalt  }
0x48: {  	_ =	shalt  }
0x49: {  	_ =	shalt  }
0x4a: {  	_ =	shalt  }
0x4b: {  	_ =	shalt  }
0x4c: {  	_ =	shalt  }
0x4d: {  	_ =	shalt  }
0x4e: {  	_ =	shalt  }
0x4f: {  	_ =	shalt  }
0x50: {  	_ =	shalt  }
0x51: {  	_ =	shalt  }
0x52: {  	_ =	shalt  }
0x53: {  	_ =	shalt  }
0x54: {  	_ =	shalt  }
0x55: {  	_ =	shalt  }
0x56: {  	_ =	shalt  }
0x57: {  	_ =	shalt  }
0x58: {  	_ =	shalt  }
0x59: {  	_ =	shalt  }
0x5a: {  	_ =	shalt  }
0x5b: {  	_ =	shalt  }
0x5c: {  	_ =	shalt  }
0x5d: {  	_ =	shalt  }
0x5e: {  	_ =	shalt  }
0x5f: {  	_ =	shalt  }
0x60: {  	_ =	shalt  }
0x61: {  	_ =	shalt  }
0x62: {  	_ =	shalt  }
0x63: {  	_ =	shalt  }
0x64: {  	_ =	shalt  }
0x65: {  	_ =	shalt  }
0x66: {  	_ =	shalt  }
0x67: {  	_ =	shalt  }
0x68: {  	_ =	shalt  }
0x69: {  	_ =	shalt  }
0x6a: {  	_ =	shalt  }
0x6b: {  	_ =	shalt  }
0x6c: {  	_ =	shalt  }
0x6d: {  	_ =	shalt  }
0x6e: {  	_ =	shalt  }
0x6f: {  	_ =	shalt  }
0x70: {  	_ =	shalt  }
0x71: {  	_ =	shalt  }
0x72: {  	_ =	shalt  }
0x73: {  	_ =	shalt  }
0x74: {  	_ =	shalt  }
0x75: {  	_ =	shalt  }
0x76: {  	_ =	shalt  }
0x77: {  	_ =	shalt  }
0x78: {  	_ =	shalt  }
0x79: {  	_ =	shalt  }
0x7a: {  	_ =	shalt  }
0x7b: {  	_ =	shalt  }
0x7c: {  	_ =	shalt  }
0x7d: {  	_ =	shalt  }
0x7e: {  	_ =	shalt  }
0x7f: {  	_ =	shalt  }
0x80: {  	_ =	shalt  }
0x81: {  	_ =	shalt  }
0x82: {  	_ =	shalt  }
0x83: {  	_ =	shalt  }
0x84: {  	_ =	shalt  }
0x85: {  	_ =	shalt  }
0x86: {  	_ =	shalt  }
0x87: {  	_ =	shalt  }
.Lfunc_end0:
.L_simem_size_0:
called_computation.5_lowered:
.L_overlay_start_0:
0x88: {  	s2 =	sld [smem:$0x3FD9]  }
0x89: {  	s3 =	sld [smem:$0x3FFE];
	_ =	sdelay $0x1  }
0x8a: {  	s1 =	srdreg.scid  }
0x8b: {  	s0 =	sand.u32 $0x1, s1  }
0x8c: {  	s17 =	sshll.u32 s0, $0xA;
	s2 =	sadd.s32 s3, s2  }
0x8d: {  	s2 =	sadd.s32 s2, s17  }
0x8e: {  	[smem:$0x3FBD] =	sst s2  }
0x8f: {  	_ = 	snop  }
0x90: {  	s18 =	sld [smem:$0x3FD0];
	(tm) =	ssettm $0x1  }
0x91: {  	s19 =	sld [smem:$0x3FFB];
	_ =	sdelay $0x3  }
0x92: {  	_ =	strace s19  }
0x93: {  	s2 =	sld [smem:$0x3FFC];
	_ =	sdelay $0x3  }
0x94: {  	_ =	strace s2  }
0x95: {  	s2 =	sld [smem:$0x3FFD];
	_ =	sdelay $0x3  }
0x96: {  	_ =	strace s2  }
0x97: {  	_ =	strace $0x8FFFFFFF  }
0x98: {  	s20 =	sld [smem:$0x3FDB];
	_ =	sdelay $0x1  }
0x99: {  	s4 =	simm.s32 $_scs_section_size  }
0x9a: {  	s5 =	simm.s32 $_size__tile_overlayer_lowered;
	s6 =	simm.s32 $_tile_overlayer_lowered  }
0x9b: {  	s7 =	simm.s32 $0x1BFF;
	s21 =	sshll.u32 s6, $0x1;
	s4 =	sadd.s32 s4, s20  }
0x9c: {  	s22 =	simm.s32 $0x0;
	s5 =	sshll.u32 s5, $0x1;
	s6 =	sadd.s32 s21, s4  }
0x9d: {  	[timem:s22], [sflag:s7] =	dma.local [hbm:s6], s5  }
0x9e: {  	_ =	swait.ge [sflag:s7], s5  }
0x9f: {  	s5 =	ssub.s32 $0x0, s5;
	[sflag:s7] =	ssyncset.done $0x0  }
0xa0: {  	[sflag:s7] =	ssyncadd.s32 s5;
	_ =	sdelay $0x1  }
0xa1: {  	s23 =	simm.s32 $0x1B8B  }
0xa2: {  	_ =	swait.ge [sflag:s23], $0x1  }
0xa3: {  	[sflag:s23] =	ssyncset.done $0x0  }
0xa4: {  	[sflag:s23] =	ssyncadd.s32 $0xFFFFFFFF  }
0xa5: {  	s5 =	sld [smem:$0x0]  }
0xa6: {  	s6 =	sand.u32 $0xFFFFFFFE, s1  }
0xa7: {  	p0 =	sne.s32 s1, s6  }
0xa8: {  	s6 =	sshll.u32 @p0 s6, $0xE  }
0xa9: {  	s6 =	sadd.s32 @p0 $0x11B8D, s6;
	s7 =	sshll.u32 @p0 s5, $0x11  }
0xaa: {  	s6 =	sor.u32 @p0 s7, s6  }
0xab: {  	[sflag:s6] =	ssyncadd.remote.s32 @p0 $0x1;
	_ =	sdelay $0x1  }
0xac: {  	s6 =	simm.s32 @p0 $0x1B8D  }
0xad: {  	_ =	swait.eq @p0 [sflag:s6], $0x1  }
0xae: {  	[sflag:s6] =	ssyncadd.s32 @p0 $0xFFFFFFFF  }
0xaf: {  	s7 =	sshll.u32 @!p0 s1, $0xE  }
0xb0: {  	s7 =	sor.u32 @!p0 $0x4000, s7;
	s6 =	simm.s32 @!p0 $0x1B8D  }
0xb1: {  	s5 =	sshll.u32 @!p0 s5, $0x11;
	s7 =	sadd.s32 @!p0 $0x11B8D, s7;
	_ =	swait.eq @!p0 [sflag:s6], $0x1  }
0xb2: {  	s5 =	sor.u32 @!p0 s5, s7;
	[sflag:s6] =	ssyncadd.s32 @!p0 $0xFFFFFFFF  }
0xb3: {  	s25 =	simm.s32 $0x1B8E;
	s24 =	sld [smem:$0x3FFE];
	[sflag:s5] =	ssyncadd.remote.s32 @!p0 $0x1  }
0xb4: {  	s26 =	simm.s32 $execute0_lowered;
	[smem:$0x3FD2] =	sst s25  }
0xb5: {  	s6 =	sshll.u32 s26, $0x1;
	_ =	strace $0x80000061;
	[dreg:$0x1] =	wrdreg $0xFFFFFFFF  }
0xb6: {  	s28 =	simm.s32 $_size_execute0_lowered;
	s4 =	sadd.s32 s4, s6;
	[dreg:$0x0] =	wrdreg $0x0  }
0xb7: {  	s6 =	sshll.u32 s28, $0x1;
	[dreg:$0x2] =	wrdreg s4  }
0xb8: {  	[dreg:$0x3] =	wrdreg s6  }
0xb9: {  	[dreg:$0x4] =	wrdreg $0xC0  }
0xba: {  	_ =	task [dreg:s22], $0x5FFFF  }
0xbb: {  	[dreg:$0x1] =	wrdreg $0xFFFFFFFF  }
0xbc: {  	[dreg:$0x0] =	wrdreg $0x60  }
0xbd: {  	[dreg:$0x2] =	wrdreg s24  }
0xbe: {  	[dreg:$0x3] =	wrdreg s18  }
0xbf: {  	[dreg:$0x4] =	wrdreg $0x3CC00  }
0xc0: {  	[dreg:$0x5] =	wrdreg $0x9  }
0xc1: {  	_ =	task.clear_ibuf [dreg:s22], $0x6FFFF;
	_ =	strace $0x90000061  }
0xc2: {  	s29 =	simm.s32 $0x9;
	_ =	strace $0x80000063  }
0xc3: {  	_ =	swait.ge [sflag:s29], $0x1  }
0xc4: {  	[sflag:s29] =	ssyncadd.s32 $0xFFFFFFFF  }
0xc5: {  	_ =	strace $0x90000063  }
0xc6: {  	_ =	sfence  }
0xc7: {  	s30 =	sld [smem:$0x0];
	_ =	sdelay $0x2  }
0xc8: {  	s31 =	sshll.u32 s1, $0xD;
	s1 =	sshrl.u32 s1, $0x2  }
0xc9: {  	s4 =	sand.u32 $0x4000, s31;
	s1 =	sadd.s32 s1, s30  }
0xca: {  	s0 =	sor.u32 s4, s0;
	s1 =	sshll.u32 s1, $0x11  }
0xcb: {  	s0 =	sor.u32 s1, s0  }
0xcc: {  	s0 =	sadd.s32 $0x8F2B, s0  }
0xcd: {  	[sflag:s0] =	ssyncadd.remote.s32 $0x1  }
0xce: {  	_ =	sfence.sel $0xFFFF  }
0xcf: {  	[dreg:$0x0] =	wrdreg $0xFFFFFFFF;
	(pc) =	sbr.abs _section_cstart, $3  }
0xd0: {  	[dreg:$0x1] =	wrdreg $0xFFFFFFFF  }
0xd1: {  	_ =	task.clear_ibuf [dreg:s22], $0x2FFFF;
	_ =	strace $0x9FFFFFFF  }
0xd2: {  	(tm) =	ssettm $0x7FFFFFFF  }
0xd3: {  	_ =	shalt  }
tec
execute0_lowered:
.L_overlay_start_1:
0x0: {  	(tag) =	ssettag $0x1  }
0x1: {  	s7 =	rddreg [dreg:$0x0]  }
0x2: {  	s2 =	rddreg [dreg:$0x1]  }
0x3: {  	s0 =	srdreg.scid;
	s3 =	rddreg [dreg:$0x2]  }
0x4: {  	s1 =	stileid.u32;
	s4 =	simm.s32 $0x0;
	s13 =	simm.s32 $0x190  }
0x5: {  	s14 =	simm.s32 $0x50;
	s15 =	simm.s32 $0x28F0;
	s16 =	simm.s32 $0x28A0  }
0x6: {  	s8 =	sand.u32 $0x1, s0;
	s0 =	rddreg [dreg:$0x3];
	s9 =	smul.u32 $0xF000, s1  }
0x7: {  	s17 =	simm.s32 $0x2940;
	[smem:$0x7FF] =	sst s4;
	s30 =	smul.u32 $0x3C000, s1  }
0x8: {  	s6 =	sadd.s32 $0x78C400, s7;
	s11 =	sshll.u32 s1, $0x1;
	s5 =	smul.u32 $0xF0000, s8  }
0x9: {  	_ =	strace $0x80000062;
	s29 =	ssub.s32 $0x2, s8;
	s8 =	sor.u32 s8, s11  }
0xa: {  	s11 =	simm.s32 $0x30C0;
	s12 =	sshrl.u32 s29, $0x1;
	s18 =	sadd.s32 s9, s3  }
0xb: {  	s31 =	sshrl.u32 s30, $0x2;
	s10 =	sadd.s32 s9, s5;
	s5 =	sadd.s32 $0x17600, s7  }
0xc: {  	s12 =	ssub.s32 s29, s12;
	s18 =	sshrl.u32 s18, $0x3;
	s10 =	sshrl.u32 s10, $0x3  }
0xd: {  	s9 =	smax.u32 s12, $0x1;
	s12 =	simm.s32 $0x1;
	s10 =	sadd.s32 s10, s7  }
0xe: {  	v0 =	vimm.f32 $0.0e+00;
	s7 =	smul.u32 $0xFA0, s8;
	s8 =	sadd.s32 $0x57C00, s10;
	s10 =	sadd.s32 s31, s3  }
.LBB2_1:
0xf: {  	s19 =	simm.s32 $0x0  }
.LBB2_2:
0x10: {  	p0 =	sne.s32 s19, $0x2FA0  }
.Ltmp0:
0x11: {  	_ = 	snop;
	(pc) =	sbr.rel @p0 .LBB2_2-.Ltmp0, $4  }
0x12: {  	_ = 	snop  }
0x13: {  	s20 =	sshra.s32 s19, $0x2  }
0x14: {  	[tilespmem:s20+$0x30C0] =	vst v0  }
0x15: {  	s19 =	sadd.s32 $0x60, s19;
	[tilespmem:s20+$0x30C8] =	vst v0  }
0x16: {  	s19 =	sadd.s32 $0x0, s10  }
0x17: {  	[spmem:s19] =	stream.linear.scatter [tilespmem:s11], [sflag:$0x1], $0xC00, $0x38;
	[tilespmem:$0x12CC0] =	vst v63  }
0x18: {  	s19 =	simm.s32 $0x3000;
	_ =	swait.ge [sflag:s12], $0xC00  }
.LBB2_4:
0x19: {  	s20 =	sshra.s32 s19, $0x2;
	[sflag:s12] =	ssyncset.done $0x0;
	p0 =	sne.s32 s19, $0x39000  }
.Ltmp1:
0x1a: {  	s20 =	sadd.s32 s20, s10;
	[sflag:s12] =	ssyncadd.s32 $0xFFFFF400;
	(pc) =	sbr.rel @p0 .LBB2_4-.Ltmp1, $3  }
0x1b: {  	[spmem:s20] =	stream.linear.scatter [tilespmem:s11], [sflag:$0x1], $0xC00, $0x38;
	[tilespmem:$0x12CC0] =	vst v63  }
0x1c: {  	s19 =	sadd.s32 $0x3000, s19;
	_ =	sdelay $0x1  }
0x1d: {  	_ =	swait.ge [sflag:s12], $0xC00  }
0x1e: {  	[sflag:s12] =	ssyncset.done $0x0  }
0x1f: {  	[sflag:s12] =	ssyncadd.s32 $0xFFFFF400  }
0x20: {  	s19 =	simm.s32 $0x0;
	s20 =	simm.s32 $0x0;
	[bflag:$0x0] =	sbarrier.arrive $0xFFFF  }
.LBB2_6:
0x21: {  	s21 =	smul.u32 $0x190, s20;
	_ =	sdelay $0x1  }
0x22: {  	s21 =	sadd.s32 s7, s21  }
0x23: {  	s22 =	sshrl.u32 s21, $0x3  }
0x24: {  	s23 =	sadd.s32 s5, s22  }
0x25: {  	[tilespmem:s19], [sflag:$0x1] =	stream.linear.gather [hbm4b:s23+s19], $0x190, $0x38;
	[tilespmem:$0x12CC0] =	vst v63  }
0x26: {  	_ =	swait.ge [sflag:s12], $0x190  }
0x27: {  	[sflag:s12] =	ssyncset.done $0x0  }
0x28: {  	s22 =	sadd.s32 s2, s22;
	[sflag:s12] =	ssyncadd.s32 $0xFFFFFE70  }
0x29: {  	[tilespmem:s13], [sflag:$0x1] =	stream.linear.gather [hbm4b:s22+s19], $0x190, $0x38;
	[tilespmem:$0x12CC0] =	vst v63  }
0x2a: {  	_ =	swait.ge [sflag:s12], $0x190  }
0x2b: {  	[sflag:s12] =	ssyncset.done $0x0  }
0x2c: {  	s22 =	simm.s32 $0x0;
	[sflag:s12] =	ssyncadd.s32 $0xFFFFFE70  }
.LBB2_7:
0x2d: {  	s23 =	smul.u32 $0x1F400, s22;
	_ =	sdelay $0x1  }
0x2e: {  	s23 =	sadd.s32 s21, s23  }
0x2f: {  	s23 =	smul.u32 $0x3, s23;
	_ =	sdelay $0x1  }
0x30: {  	s24 =	simm.s32 $0x320;
	s25 =	sadd.s32 s6, s23;
	s23 =	simm.s32 $0x0  }
0x31: {  	[tilespmem:s24], [sflag:$0x1] =	stream.linear.gather [hbm4b:s25+s23], $0x2580, $0x38;
	[tilespmem:$0x12CC0] =	vst v63  }
0x32: {  	s31 =	smul.u32 $0x2710, s22;
	_ =	swait.ge [sflag:s12], $0x2580  }
0x33: {  	[sflag:s12] =	ssyncset.done $0x0  }
0x34: {  	v1 =	vmov s31;
	[sflag:s12] =	ssyncadd.s32 $0xFFFFDA80  }
.LBB2_8:
0x35: {  	s25 =	smul.u32 $0x50, s23;
	_ =	sdelay $0x1  }
0x36: {  	v2 =	vld [tilespmem:s25+$0x0];
	_ =	sdelay $0x4  }
0x37: {  	v2 =	vadd.s32 v1, v2  }
0x38: {  	[tilespmem:$0x28A0] =	vst v2  }
0x39: {  	v2 =	vld [tilespmem:s25+$0x190];
	_ =	sdelay $0x4  }
0x3a: {  	v2 =	vadd.s32 v1, v2  }
0x3b: {  	[tilespmem:$0x28F0] =	vst v2  }
0x3c: {  	v2 =	vld [tilespmem:s25+$0x10];
	_ =	sdelay $0x4  }
0x3d: {  	v2 =	vadd.s32 v1, v2  }
0x3e: {  	[tilespmem:$0x28B0] =	vst v2  }
0x3f: {  	v2 =	vld [tilespmem:s25+$0x1A0];
	_ =	sdelay $0x4  }
0x40: {  	v2 =	vadd.s32 v1, v2  }
0x41: {  	[tilespmem:$0x2900] =	vst v2  }
0x42: {  	v2 =	vld [tilespmem:s25+$0x20];
	_ =	sdelay $0x4  }
0x43: {  	v2 =	vadd.s32 v1, v2  }
0x44: {  	[tilespmem:$0x28C0] =	vst v2  }
0x45: {  	v2 =	vld [tilespmem:s25+$0x1B0];
	_ =	sdelay $0x4  }
0x46: {  	v2 =	vadd.s32 v1, v2  }
0x47: {  	[tilespmem:$0x2910] =	vst v2  }
0x48: {  	v2 =	vld [tilespmem:s25+$0x30];
	_ =	sdelay $0x4  }
0x49: {  	v2 =	vadd.s32 v1, v2  }
0x4a: {  	[tilespmem:$0x28D0] =	vst v2  }
0x4b: {  	v2 =	vld [tilespmem:s25+$0x1C0];
	_ =	sdelay $0x4  }
0x4c: {  	v2 =	vadd.s32 v1, v2  }
0x4d: {  	[tilespmem:$0x2920] =	vst v2  }
0x4e: {  	v2 =	vld [tilespmem:s25+$0x40];
	_ =	sdelay $0x4  }
0x4f: {  	v2 =	vadd.s32 v1, v2  }
0x50: {  	[tilespmem:$0x28E0] =	vst v2  }
0x51: {  	v3 =	vld [tilespmem:s25+$0x1D0];
	_ =	sdelay $0x1  }
0x52: {  	v2 =	vmov s24;
	_ =	sdelay $0x2  }
0x53: {  	v3 =	vadd.s32 v1, v3  }
0x54: {  	s25 =	simm.s32 $0x0;
	[tilespmem:$0x2930] =	vst v3  }
0x55: {  	v3 =	vld.idx.msk [tilespmem:v2+s25+$0x0 ss:$0x1], $0xffff;
	_ =	sdelay $0x4  }
0x56: {  	v3 =	vsub.f32 $0.0e+00, v3;
	_ =	sdelay $0x1  }
0x57: {  	[tilespmem:s25+$0x2940] =	vst v3  }
0x58: {  	v3 =	vld.idx.msk [tilespmem:v2+s25+$0x8 ss:$0x1], $0xffff;
	_ =	sdelay $0x4  }
0x59: {  	s26 =	simm.s32 $0x60;
	s28 =	simm.s32 $0xC0;
	v3 =	vsub.f32 $0.0e+00, v3  }
.LBB2_9:
0x5a: {  	p0 =	sne.s32 s28, $0x1DA0  }
0x5b: {  	[tilespmem:s25+$0x2948] =	vst v3;
	s25 =	sshra.s32 s26, $0x2;
	s26 =	smov.u32 s28;
	s28 =	sadd.s32 $0x60, s28  }
0x5c: {  	v3 =	vld.idx.msk [tilespmem:v2+s25+$0x0 ss:$0x1], $0xffff;
	_ =	sdelay $0x5  }
0x5d: {  	v3 =	vsub.f32 $0.0e+00, v3;
	_ =	sdelay $0x1  }
0x5e: {  	[tilespmem:s25+$0x2940] =	vst v3  }
0x5f: {  	v3 =	vld.idx.msk [tilespmem:v2+s25+$0x8 ss:$0x1], $0xffff;
	_ =	sdelay $0x1  }
.Ltmp2:
0x60: {  	(pc) =	sbr.rel @p0 .LBB2_9-.Ltmp2, $2  }
0x61: {  	_ =	sdelay $0x2  }
0x62: {  	v3 =	vsub.f32 $0.0e+00, v3  }
0x63: {  	_ =	sdelay $0x2  }
0x64: {  	s26 =	sshra.s32 s26, $0x2;
	[tilespmem:s25+$0x2948] =	vst v3  }
0x65: {  	v3 =	vld.idx.msk [tilespmem:v2+s26+$0x0 ss:$0x1], $0xffff;
	_ =	sdelay $0x4  }
0x66: {  	v3 =	vsub.f32 $0.0e+00, v3;
	_ =	sdelay $0x1  }
0x67: {  	[tilespmem:s26+$0x2940] =	vst v3  }
0x68: {  	v2 =	vld.idx.msk [tilespmem:v2+s26+$0x8 ss:$0x1], $0xffff;
	_ =	sdelay $0x3  }
0x69: {  	s31 =	smul.u32 $0x1E00, s23  }
0x6a: {  	v2 =	vsub.f32 $0.0e+00, v2  }
0x6b: {  	s25 =	sshra.s32 s31, $0x2  }
0x6c: {  	s25 =	sadd.s32 $0x320, s25;
	[tilespmem:s26+$0x2948] =	vst v2  }
0x6d: {  	[spmem:s3] =	stream.indirect.scatter.add.f32 [tilespmem:s25], [sflag:$0x1], $0x18, s15, s14, $0xb8;
	[tilespmem:$0x12CC0] =	vst v63  }
0x6e: {  	s23 =	sadd.s32 $0x1, s23;
	_ =	swait.ge [sflag:s12], $0x780  }
0x6f: {  	p0 =	sne.s32 s23, $0x5;
	[sflag:s12] =	ssyncset.done $0x0  }
.Ltmp3:
0x70: {  	[sflag:s12] =	ssyncadd.s32 $0xFFFFF880;
	(pc) =	sbr.rel @p0 .LBB2_8-.Ltmp3, $4  }
0x71: {  	[spmem:s3] =	stream.indirect.scatter.add.f32 [tilespmem:s17], [sflag:$0x1], $0x18, s16, s14, $0xb8;
	[tilespmem:$0x12CC0] =	vst v63  }
0x72: {  	_ =	swait.ge [sflag:s12], $0x780  }
0x73: {  	[sflag:s12] =	ssyncset.done $0x0  }
0x74: {  	s24 =	sadd.s32 $0x780, s24;
	[sflag:s12] =	ssyncadd.s32 $0xFFFFF880  }
0x75: {  	s22 =	sadd.s32 $0x1, s22  }
0x76: {  	p0 =	sne.s32 s22, $0x4  }
.Ltmp4:
0x77: {  	_ = 	snop;
	(pc) =	sbr.rel @p0 .LBB2_7-.Ltmp4, $1  }
0x78: {  	_ =	sdelay $0x3  }
0x79: {  	s20 =	sadd.s32 $0x1, s20  }
0x7a: {  	p0 =	sne.s32 s20, $0xA  }
.Ltmp5:
0x7b: {  	_ = 	snop;
	(pc) =	sbr.rel @p0 .LBB2_6-.Ltmp5, $1  }
0x7c: {  	_ =	sdelay $0x3  }
0x7d: {  	s4 =	sadd.s32 $0x1, s4  }
0x7e: {  	s19 =	sshll.u32 s1, $0x6;
	p0 =	sne.s32 s4, s9  }
.Ltmp6:
0x7f: {  	[bflag:$0x0] =	sbarrier.arrive $0xFFFF;
	s19 =	sor.u32 $0x1C01, s19;
	(pc) =	sbr.rel @p0 .LBB2_1-.Ltmp6, $4  }
0x80: {  	[hbm:s8], [sflag:s19] =	dma.local [spmem:s18], $0x1E00  }
0x81: {  	_ =	swait.ge [sflag:s12], $0x1E00  }
0x82: {  	[sflag:s12] =	ssyncset.done $0x0  }
0x83: {  	[sflag:s12] =	ssyncadd.s32 $0xFFFFE200  }
0x84: {  	_ =	sfence.sel $0x180000  }
0x85: {  	[bflag:$0x0] =	sbarrier.arrive $0xFFFF  }
0x86: {  	p0 =	sne.s32 s1, $0x0;
	_ =	strace $0x90000062  }
0x87: {  	s0 =	sadd.s32 @!p0 $0x100000, s0;
	[bflag:$0x2] =	sbarrier.arrive $0xFFFF  }
0x88: {  	[sflag:s0] =	ssyncadd.tile.s32 @!p0 $0x1;
	_ =	shalt  }
.Lfunc_end2:
_tile_overlayer_lowered:
.L_overlay_start_2:
0x89: {  	(tag) =	ssettag $0x2  }
0x8a: {  	s0 =	rddreg [dreg:$0x0];
	s2 =	stileid.u32  }
0x8b: {  	s1 =	rddreg [dreg:$0x1];
	p0 =	sne.s32 s2, $0x0  }
0x8c: {  	s3 =	rddreg [dreg:$0x2];
	[bflag:$0x3] =	sbarrier.arrive $0xFFFF;
	s2 =	simm.s32 @!p0 $0x1C01  }
0x8d: {  	[timem:s3], [sflag:s2] =	dma.local @!p0 [hbm:s0], s1  }
0x8e: {  	s0 =	simm.s32 @!p0 $0x1  }
0x8f: {  	_ =	swait.ge @!p0 [sflag:s0], s1  }
0x90: {  	s1 =	ssub.s32 @!p0 $0x0, s1;
	[sflag:s0] =	ssyncset.done @!p0 $0x0  }
0x91: {  	[sflag:s0] =	ssyncadd.s32 @!p0 s1  }
0x92: {  	[bflag:$0x3] =	sbarrier.arrive $0xFFFF  }
0x93: {  	_ =	shalt  }

// kernel: kernel.38.cloned.1.call-start
scs
__scs_entry_jumppad:
0x0: {  	(pc) =	sbr.rel $0x88, $3  }
0x1: {  	(tag) =	ssettag $0x0;
	lr =	simm.s32 $0x1  }
0x2: {  	[smem:$0x3F96] =	sst lr;
	_ =	strace $0xD0000000  }
0x3: {  	_ = 	snop  }
0x4: {  	_ = 	snop  }
0x5: {  	_ = 	snop  }
0x6: {  	_ = 	snop  }
0x7: {  	_ = 	snop  }
__scs_overlays_trampoline_lowered:
0x8: {  	[smem:$0x3FA5] =	sst s0  }
0x9: {  	[smem:$0x3FA6] =	sst s1  }
0xa: {  	[smem:$0x3FA7] =	sst s2  }
0xb: {  	[smem:$0x3FA8] =	sst s3  }
0xc: {  	[smem:$0x3FA9] =	sst s4  }
0xd: {  	[smem:$0x3FAA] =	sst s5  }
0xe: {  	[smem:$0x3FAB] =	sst s6  }
0xf: {  	[smem:$0x3FAC] =	sst s7  }
0x10: {  	[smem:$0x3FAD] =	sst s8  }
0x11: {  	[smem:$0x3FAE] =	sst s9;
	s0 =	simm.s32 @!p0 $0x0  }
0x12: {  	s1 =	sld [smem:$0x3F94];
	s0 =	simm.s32 @p0 $0x1  }
0x13: {  	[smem:$0x3FAF] =	sst s0;
	s0 =	simm.s32 @!p1 $0x0  }
0x14: {  	s2 =	sld [smem:$0x3F93];
	s0 =	simm.s32 @p1 $0x1  }
0x15: {  	[smem:$0x3FB0] =	sst s0;
	s0 =	simm.s32 @!p2 $0x0  }
0x16: {  	s3 =	sld [smem:$0x3FDB];
	s0 =	simm.s32 @p2 $0x1  }
0x17: {  	s4 =	simm.s32 $0x1BF5;
	[smem:$0x3FB2] =	sst s0  }
0x18: {  	s0 =	sld [smem:$0x3F95];
	_ =	swait.ge [sflag:s4], $0x0  }
0x19: {  	s7 =	sld [smem:$0x3F96]  }
0x1a: {  	s8 =	sadd.s32 $0xFFFFE003, lr  }
0x1b: {  	s9 =	sadd.s32 $0xFFFFFEF7, lr;
	s5 =	simm.s32 $0xFFFFFFFF;
	p2 =	slt.u32 s8, $0xFFFFF086  }
0x1c: {  	p1 =	slt.u32 s9, $0xF7A;
	s5 =	simm.s32 @!p2 $0x0  }
0x1d: {  	s5 =	simm.s32 @p1 $0x1;
	p0 =	seq.s32 s7, s2  }
0x1e: {  	s7 =	smul.u32 @!p0 $0xF7A, s2;
	p2 =	seq.s32 @!p0 s5, $0x0  }
0x1f: {  	s9 =	smul.u32 $0xF7A, s1;
	s8 =	simm.s32 @!p0 $0x1BF5;
	p2 =	por !p2, p0  }
0x20: {  	[sflag:s8] =	ssyncset.s32 @!p0 $0xFFFFF086;
	s6 =	sadd.s32 @!p0 s3, s7;
	s7 =	simm.s32 @!p0 $0x108  }
0x21: {  	s3 =	sadd.s32 s3, s9;
	s6 =	sadd.s32 @!p0 $0x88, s6;
	s7 =	simm.s32 @p2 $0x1082  }
0x22: {  	[simem:s7], [sflag:s8] =	dma.local @!p0 [hbm:s6], $0xF7A  }
0x23: {  	s9 =	sor.u32 $0xD0000000, s2;
	s6 =	simm.s32 $0x108;
	_ =	swait.ge @!p0 [sflag:s8], $0x0  }
0x24: {  	s3 =	sadd.s32 $0x88, s3;
	s6 =	simm.s32 @!p1 $0x1082;
	[sflag:s4] =	ssyncset.s32 $0xFFFFF086  }
0x25: {  	[simem:s6], [sflag:s4] =	dma.local [hbm:s3], $0xF7A  }
0x26: {  	[smem:$0x3F96] =	sst s1;
	(tag) =	ssettag s2;
	_ =	strace s9  }
0x27: {  	s1 =	sld [smem:$0x3FA6]  }
0x28: {  	s2 =	sld [smem:$0x3FA7]  }
0x29: {  	s4 =	sld [smem:$0x3FA9]  }
0x2a: {  	p0 =	seq.s32 s5, $0x0;
	s5 =	sld [smem:$0x3FAA]  }
0x2b: {  	s6 =	sld [smem:$0x3FAB]  }
0x2c: {  	s7 =	sld [smem:$0x3FAC]  }
0x2d: {  	s3 =	simm.s32 $0x108;
	s8 =	sld [smem:$0x3FAD]  }
0x2e: {  	s3 =	simm.s32 @!p0 $0x1082;
	s9 =	sld [smem:$0x3FAE]  }
0x2f: {  	lr =	sadd.s32 s0, s3;
	s0 =	sld [smem:$0x3FA5]  }
0x30: {  	s3 =	sld [smem:$0x3FA8]  }
0x31: {  	[smem:$0x3FB1] =	sst s10  }
0x32: {  	s10 =	sld [smem:$0x3FAF];
	_ =	sdelay $0x3  }
0x33: {  	p0 =	seq.s32 s10, $0x1;
	s10 =	sld [smem:$0x3FB1];
	_ =	sdelay $0x3  }
0x34: {  	[smem:$0x3FB1] =	sst s10  }
0x35: {  	s10 =	sld [smem:$0x3FB0];
	_ =	sdelay $0x3  }
0x36: {  	p1 =	seq.s32 s10, $0x1;
	s10 =	sld [smem:$0x3FB1];
	_ =	sdelay $0x3  }
0x37: {  	[smem:$0x3FB1] =	sst s10  }
0x38: {  	s10 =	sld [smem:$0x3FB2]  }
0x39: {  	_ = 	snop;
	(pc) =	sbr.ind lr, $3  }
0x3a: {  	_ = 	snop  }
0x3b: {  	_ = 	snop  }
0x3c: {  	p2 =	seq.s32 s10, $0x1;
	s10 =	sld [smem:$0x3FB1]  }
0x3d: {  	_ =	shalt  }
0x3e: {  	_ =	shalt  }
0x3f: {  	_ =	shalt  }
0x40: {  	_ =	shalt  }
0x41: {  	_ =	shalt  }
0x42: {  	_ =	shalt  }
0x43: {  	_ =	shalt  }
0x44: {  	_ =	shalt  }
0x45: {  	_ =	shalt  }
0x46: {  	_ =	shalt  }
0x47: {  	_ =	shalt  }
0x48: {  	_ =	shalt  }
0x49: {  	_ =	shalt  }
0x4a: {  	_ =	shalt  }
0x4b: {  	_ =	shalt  }
0x4c: {  	_ =	shalt  }
0x4d: {  	_ =	shalt  }
0x4e: {  	_ =	shalt  }
0x4f: {  	_ =	shalt  }
0x50: {  	_ =	shalt  }
0x51: {  	_ =	shalt  }
0x52: {  	_ =	shalt  }
0x53: {  	_ =	shalt  }
0x54: {  	_ =	shalt  }
0x55: {  	_ =	shalt  }
0x56: {  	_ =	shalt  }
0x57: {  	_ =	shalt  }
0x58: {  	_ =	shalt  }
0x59: {  	_ =	shalt  }
0x5a: {  	_ =	shalt  }
0x5b: {  	_ =	shalt  }
0x5c: {  	_ =	shalt  }
0x5d: {  	_ =	shalt  }
0x5e: {  	_ =	shalt  }
0x5f: {  	_ =	shalt  }
0x60: {  	_ =	shalt  }
0x61: {  	_ =	shalt  }
0x62: {  	_ =	shalt  }
0x63: {  	_ =	shalt  }
0x64: {  	_ =	shalt  }
0x65: {  	_ =	shalt  }
0x66: {  	_ =	shalt  }
0x67: {  	_ =	shalt  }
0x68: {  	_ =	shalt  }
0x69: {  	_ =	shalt  }
0x6a: {  	_ =	shalt  }
0x6b: {  	_ =	shalt  }
0x6c: {  	_ =	shalt  }
0x6d: {  	_ =	shalt  }
0x6e: {  	_ =	shalt  }
0x6f: {  	_ =	shalt  }
0x70: {  	_ =	shalt  }
0x71: {  	_ =	shalt  }
0x72: {  	_ =	shalt  }
0x73: {  	_ =	shalt  }
0x74: {  	_ =	shalt  }
0x75: {  	_ =	shalt  }
0x76: {  	_ =	shalt  }
0x77: {  	_ =	shalt  }
0x78: {  	_ =	shalt  }
0x79: {  	_ =	shalt  }
0x7a: {  	_ =	shalt  }
0x7b: {  	_ =	shalt  }
0x7c: {  	_ =	shalt  }
0x7d: {  	_ =	shalt  }
0x7e: {  	_ =	shalt  }
0x7f: {  	_ =	shalt  }
0x80: {  	_ =	shalt  }
0x81: {  	_ =	shalt  }
0x82: {  	_ =	shalt  }
0x83: {  	_ =	shalt  }
0x84: {  	_ =	shalt  }
0x85: {  	_ =	shalt  }
0x86: {  	_ =	shalt  }
0x87: {  	_ =	shalt  }
.Lfunc_end0:
.L_simem_size_0:
called_computation.6_lowered:
.L_overlay_start_0:
0x88: {  	s2 =	sld [smem:$0x3FD9]  }
0x89: {  	s3 =	sld [smem:$0x3FFE];
	_ =	sdelay $0x1  }
0x8a: {  	s1 =	srdreg.scid  }
0x8b: {  	s0 =	sand.u32 $0x1, s1  }
0x8c: {  	s17 =	sshll.u32 s0, $0xA;
	s2 =	sadd.s32 s3, s2  }
0x8d: {  	s2 =	sadd.s32 s2, s17  }
0x8e: {  	[smem:$0x3FBD] =	sst s2  }
0x8f: {  	_ = 	snop  }
0x90: {  	(tm) =	ssettm $0x1  }
0x91: {  	s18 =	sld [smem:$0x3FFB];
	_ =	sdelay $0x3  }
0x92: {  	_ =	strace s18  }
0x93: {  	s2 =	sld [smem:$0x3FFC];
	_ =	sdelay $0x3  }
0x94: {  	_ =	strace s2  }
0x95: {  	s2 =	sld [smem:$0x3FFD];
	_ =	sdelay $0x3  }
0x96: {  	_ =	strace s2  }
0x97: {  	_ =	strace $0x8FFFFFFF  }
0x98: {  	s19 =	sld [smem:$0x3FDB];
	_ =	sdelay $0x1  }
0x99: {  	s20 =	simm.s32 $_scs_section_size  }
0x9a: {  	s4 =	simm.s32 $_size__tile_overlayer_lowered;
	s5 =	simm.s32 $_tile_overlayer_lowered  }
0x9b: {  	s6 =	simm.s32 $0x1BFF;
	s21 =	sshll.u32 s5, $0x1;
	s3 =	sadd.s32 s20, s19  }
0x9c: {  	s22 =	simm.s32 $0x0;
	s4 =	sshll.u32 s4, $0x1;
	s5 =	sadd.s32 s21, s3  }
0x9d: {  	[timem:s22], [sflag:s6] =	dma.local [hbm:s5], s4  }
0x9e: {  	_ =	swait.ge [sflag:s6], s4  }
0x9f: {  	s4 =	ssub.s32 $0x0, s4;
	[sflag:s6] =	ssyncset.done $0x0  }
0xa0: {  	[sflag:s6] =	ssyncadd.s32 s4;
	_ =	sdelay $0x1  }
0xa1: {  	s23 =	simm.s32 $0x1B8B  }
0xa2: {  	_ =	swait.ge [sflag:s23], $0x1  }
0xa3: {  	[sflag:s23] =	ssyncset.done $0x0  }
0xa4: {  	[sflag:s23] =	ssyncadd.s32 $0xFFFFFFFF  }
0xa5: {  	s4 =	sld [smem:$0x0]  }
0xa6: {  	s5 =	sand.u32 $0xFFFFFFFE, s1  }
0xa7: {  	p0 =	sne.s32 s1, s5  }
0xa8: {  	s5 =	sshll.u32 @p0 s5, $0xE  }
0xa9: {  	s5 =	sadd.s32 @p0 $0x11B8D, s5;
	s6 =	sshll.u32 @p0 s4, $0x11  }
0xaa: {  	s5 =	sor.u32 @p0 s6, s5  }
0xab: {  	[sflag:s5] =	ssyncadd.remote.s32 @p0 $0x1;
	_ =	sdelay $0x1  }
0xac: {  	s5 =	simm.s32 @p0 $0x1B8D  }
0xad: {  	_ =	swait.eq @p0 [sflag:s5], $0x1  }
0xae: {  	[sflag:s5] =	ssyncadd.s32 @p0 $0xFFFFFFFF  }
0xaf: {  	s6 =	sshll.u32 @!p0 s1, $0xE  }
0xb0: {  	s6 =	sor.u32 @!p0 $0x4000, s6;
	s5 =	simm.s32 @!p0 $0x1B8D  }
0xb1: {  	s4 =	sshll.u32 @!p0 s4, $0x11;
	s6 =	sadd.s32 @!p0 $0x11B8D, s6;
	_ =	swait.eq @!p0 [sflag:s5], $0x1  }
0xb2: {  	s4 =	sor.u32 @!p0 s4, s6;
	[sflag:s5] =	ssyncadd.s32 @!p0 $0xFFFFFFFF  }
0xb3: {  	s25 =	simm.s32 $0x1B8E;
	s24 =	sld [smem:$0x3FFE];
	[sflag:s4] =	ssyncadd.remote.s32 @!p0 $0x1  }
0xb4: {  	s26 =	simm.s32 $execute0_lowered;
	[smem:$0x3FD2] =	sst s25  }
0xb5: {  	s5 =	sshll.u32 s26, $0x1;
	_ =	strace $0x8000005E;
	[dreg:$0x1] =	wrdreg $0xFFFFFFFF  }
0xb6: {  	s28 =	simm.s32 $_size_execute0_lowered;
	s3 =	sadd.s32 s3, s5;
	[dreg:$0x0] =	wrdreg $0x0  }
0xb7: {  	s5 =	sshll.u32 s28, $0x1;
	[dreg:$0x2] =	wrdreg s3  }
0xb8: {  	[dreg:$0x3] =	wrdreg s5  }
0xb9: {  	[dreg:$0x4] =	wrdreg $0xC0  }
0xba: {  	_ =	task [dreg:s22], $0x5FFFF  }
0xbb: {  	[dreg:$0x1] =	wrdreg $0xFFFFFFFF  }
0xbc: {  	[dreg:$0x0] =	wrdreg $0x60  }
0xbd: {  	[dreg:$0x2] =	wrdreg s24  }
0xbe: {  	[dreg:$0x3] =	wrdreg $0x3CC00  }
0xbf: {  	[dreg:$0x4] =	wrdreg $0xB  }
0xc0: {  	_ =	task.clear_ibuf [dreg:s22], $0x5FFFF;
	_ =	strace $0x9000005E  }
0xc1: {  	s29 =	simm.s32 $0xB;
	_ =	strace $0x80000060  }
0xc2: {  	_ =	swait.ge [sflag:s29], $0x1  }
0xc3: {  	[sflag:s29] =	ssyncadd.s32 $0xFFFFFFFF  }
0xc4: {  	_ =	strace $0x90000060  }
0xc5: {  	_ =	sfence  }
0xc6: {  	s30 =	sld [smem:$0x0];
	_ =	sdelay $0x2  }
0xc7: {  	s31 =	sshll.u32 s1, $0xD;
	s1 =	sshrl.u32 s1, $0x2  }
0xc8: {  	s4 =	sand.u32 $0x4000, s31;
	s1 =	sadd.s32 s1, s30  }
0xc9: {  	s0 =	sor.u32 s4, s0;
	s1 =	sshll.u32 s1, $0x11  }
0xca: {  	s0 =	sor.u32 s1, s0  }
0xcb: {  	s0 =	sadd.s32 $0x8F2B, s0  }
0xcc: {  	[sflag:s0] =	ssyncadd.remote.s32 $0x1  }
0xcd: {  	_ =	sfence.sel $0xFFFF  }
0xce: {  	[dreg:$0x0] =	wrdreg $0xFFFFFFFF;
	(pc) =	sbr.abs _section_cstart, $3  }
0xcf: {  	[dreg:$0x1] =	wrdreg $0xFFFFFFFF  }
0xd0: {  	_ =	task.clear_ibuf [dreg:s22], $0x2FFFF;
	_ =	strace $0x9FFFFFFF  }
0xd1: {  	(tm) =	ssettm $0x7FFFFFFF  }
tec
execute0_lowered:
.L_overlay_start_1:
0x0: {  	(tag) =	ssettag $0x1  }
0x1: {  	s7 =	rddreg [dreg:$0x0];
	s0 =	srdreg.scid  }
0x2: {  	s2 =	rddreg [dreg:$0x1];
	s1 =	stileid.u32  }
0x3: {  	s3 =	simm.s32 $0x0;
	s13 =	simm.s32 $0x190;
	s14 =	simm.s32 $0x50  }
0x4: {  	s15 =	simm.s32 $0x28F0;
	s16 =	simm.s32 $0x28A0;
	s17 =	simm.s32 $0x2940  }
0x5: {  	s8 =	sand.u32 $0x1, s0;
	s0 =	rddreg [dreg:$0x2];
	s9 =	smul.u32 $0xF000, s1  }
0x6: {  	[smem:$0x7FF] =	sst s3;
	s4 =	sadd.s32 $0xF8400, s7;
	s30 =	smul.u32 $0x3C000, s1  }
0x7: {  	s6 =	sadd.s32 $0x615400, s7;
	s11 =	sshll.u32 s1, $0x1;
	s5 =	smul.u32 $0xF0000, s8  }
0x8: {  	_ =	strace $0x8000005F;
	s29 =	ssub.s32 $0x2, s8;
	s8 =	sor.u32 s8, s11  }
0x9: {  	s11 =	simm.s32 $0x30C0;
	s12 =	sshrl.u32 s29, $0x1;
	s18 =	sadd.s32 s9, s2  }
0xa: {  	s31 =	sshrl.u32 s30, $0x2;
	s10 =	sadd.s32 s9, s5;
	s5 =	sadd.s32 $0xE8400, s7  }
0xb: {  	s12 =	ssub.s32 s29, s12;
	s18 =	sshrl.u32 s18, $0x3;
	s10 =	sshrl.u32 s10, $0x3  }
0xc: {  	s9 =	smax.u32 s12, $0x1;
	s12 =	simm.s32 $0x1;
	s10 =	sadd.s32 s10, s7  }
0xd: {  	v0 =	vimm.f32 $0.0e+00;
	s7 =	smul.u32 $0xFA0, s8;
	s8 =	sadd.s32 $0x1BC00, s10;
	s10 =	sadd.s32 s31, s2  }
.LBB2_1:
0xe: {  	s19 =	simm.s32 $0x0  }
.LBB2_2:
0xf: {  	p0 =	sne.s32 s19, $0x2FA0  }
.Ltmp0:
0x10: {  	_ = 	snop;
	(pc) =	sbr.rel @p0 .LBB2_2-.Ltmp0, $4  }
0x11: {  	_ = 	snop  }
0x12: {  	s20 =	sshra.s32 s19, $0x2  }
0x13: {  	[tilespmem:s20+$0x30C0] =	vst v0  }
0x14: {  	s19 =	sadd.s32 $0x60, s19;
	[tilespmem:s20+$0x30C8] =	vst v0  }
0x15: {  	s19 =	sadd.s32 $0x0, s10  }
0x16: {  	[spmem:s19] =	stream.linear.scatter [tilespmem:s11], [sflag:$0x1], $0xC00, $0x38;
	[tilespmem:$0x12CC0] =	vst v63  }
0x17: {  	s19 =	simm.s32 $0x3000;
	_ =	swait.ge [sflag:s12], $0xC00  }
.LBB2_4:
0x18: {  	s20 =	sshra.s32 s19, $0x2;
	[sflag:s12] =	ssyncset.done $0x0;
	p0 =	sne.s32 s19, $0x39000  }
.Ltmp1:
0x19: {  	s20 =	sadd.s32 s20, s10;
	[sflag:s12] =	ssyncadd.s32 $0xFFFFF400;
	(pc) =	sbr.rel @p0 .LBB2_4-.Ltmp1, $3  }
0x1a: {  	[spmem:s20] =	stream.linear.scatter [tilespmem:s11], [sflag:$0x1], $0xC00, $0x38;
	[tilespmem:$0x12CC0] =	vst v63  }
0x1b: {  	s19 =	sadd.s32 $0x3000, s19;
	_ =	sdelay $0x1  }
0x1c: {  	_ =	swait.ge [sflag:s12], $0xC00  }
0x1d: {  	[sflag:s12] =	ssyncset.done $0x0  }
0x1e: {  	[sflag:s12] =	ssyncadd.s32 $0xFFFFF400  }
0x1f: {  	s19 =	simm.s32 $0x0;
	s20 =	simm.s32 $0x0;
	[bflag:$0x0] =	sbarrier.arrive $0xFFFF  }
.LBB2_6:
0x20: {  	s21 =	smul.u32 $0x190, s20;
	_ =	sdelay $0x1  }
0x21: {  	s21 =	sadd.s32 s7, s21  }
0x22: {  	s22 =	sshrl.u32 s21, $0x3  }
0x23: {  	s23 =	sadd.s32 s4, s22  }
0x24: {  	[tilespmem:s19], [sflag:$0x1] =	stream.linear.gather [hbm4b:s23+s19], $0x190, $0x38;
	[tilespmem:$0x12CC0] =	vst v63  }
0x25: {  	_ =	swait.ge [sflag:s12], $0x190  }
0x26: {  	[sflag:s12] =	ssyncset.done $0x0  }
0x27: {  	s22 =	sadd.s32 s5, s22;
	[sflag:s12] =	ssyncadd.s32 $0xFFFFFE70  }
0x28: {  	[tilespmem:s13], [sflag:$0x1] =	stream.linear.gather [hbm4b:s22+s19], $0x190, $0x38;
	[tilespmem:$0x12CC0] =	vst v63  }
0x29: {  	_ =	swait.ge [sflag:s12], $0x190  }
0x2a: {  	[sflag:s12] =	ssyncset.done $0x0  }
0x2b: {  	s22 =	simm.s32 $0x0;
	[sflag:s12] =	ssyncadd.s32 $0xFFFFFE70  }
.LBB2_7:
0x2c: {  	s23 =	smul.u32 $0x1F400, s22;
	_ =	sdelay $0x1  }
0x2d: {  	s23 =	sadd.s32 s21, s23  }
0x2e: {  	s23 =	smul.u32 $0x3, s23;
	_ =	sdelay $0x1  }
0x2f: {  	s24 =	simm.s32 $0x320;
	s25 =	sadd.s32 s6, s23;
	s23 =	simm.s32 $0x0  }
0x30: {  	[tilespmem:s24], [sflag:$0x1] =	stream.linear.gather [hbm4b:s25+s23], $0x2580, $0x38;
	[tilespmem:$0x12CC0] =	vst v63  }
0x31: {  	s31 =	smul.u32 $0x2710, s22;
	_ =	swait.ge [sflag:s12], $0x2580  }
0x32: {  	[sflag:s12] =	ssyncset.done $0x0  }
0x33: {  	v1 =	vmov s31;
	[sflag:s12] =	ssyncadd.s32 $0xFFFFDA80  }
.LBB2_8:
0x34: {  	s25 =	smul.u32 $0x50, s23;
	_ =	sdelay $0x1  }
0x35: {  	v2 =	vld [tilespmem:s25+$0x0];
	_ =	sdelay $0x4  }
0x36: {  	v2 =	vadd.s32 v1, v2  }
0x37: {  	[tilespmem:$0x28A0] =	vst v2  }
0x38: {  	v2 =	vld [tilespmem:s25+$0x190];
	_ =	sdelay $0x4  }
0x39: {  	v2 =	vadd.s32 v1, v2  }
0x3a: {  	[tilespmem:$0x28F0] =	vst v2  }
0x3b: {  	v2 =	vld [tilespmem:s25+$0x10];
	_ =	sdelay $0x4  }
0x3c: {  	v2 =	vadd.s32 v1, v2  }
0x3d: {  	[tilespmem:$0x28B0] =	vst v2  }
0x3e: {  	v2 =	vld [tilespmem:s25+$0x1A0];
	_ =	sdelay $0x4  }
0x3f: {  	v2 =	vadd.s32 v1, v2  }
0x40: {  	[tilespmem:$0x2900] =	vst v2  }
0x41: {  	v2 =	vld [tilespmem:s25+$0x20];
	_ =	sdelay $0x4  }
0x42: {  	v2 =	vadd.s32 v1, v2  }
0x43: {  	[tilespmem:$0x28C0] =	vst v2  }
0x44: {  	v2 =	vld [tilespmem:s25+$0x1B0];
	_ =	sdelay $0x4  }
0x45: {  	v2 =	vadd.s32 v1, v2  }
0x46: {  	[tilespmem:$0x2910] =	vst v2  }
0x47: {  	v2 =	vld [tilespmem:s25+$0x30];
	_ =	sdelay $0x4  }
0x48: {  	v2 =	vadd.s32 v1, v2  }
0x49: {  	[tilespmem:$0x28D0] =	vst v2  }
0x4a: {  	v2 =	vld [tilespmem:s25+$0x1C0];
	_ =	sdelay $0x4  }
0x4b: {  	v2 =	vadd.s32 v1, v2  }
0x4c: {  	[tilespmem:$0x2920] =	vst v2  }
0x4d: {  	v2 =	vld [tilespmem:s25+$0x40];
	_ =	sdelay $0x4  }
0x4e: {  	v2 =	vadd.s32 v1, v2  }
0x4f: {  	[tilespmem:$0x28E0] =	vst v2  }
0x50: {  	v3 =	vld [tilespmem:s25+$0x1D0];
	_ =	sdelay $0x1  }
0x51: {  	v2 =	vmov s24;
	_ =	sdelay $0x2  }
0x52: {  	v3 =	vadd.s32 v1, v3  }
0x53: {  	s25 =	simm.s32 $0x0;
	[tilespmem:$0x2930] =	vst v3  }
0x54: {  	v3 =	vld.idx.msk [tilespmem:v2+s25+$0x0 ss:$0x1], $0xffff;
	_ =	sdelay $0x4  }
0x55: {  	v3 =	vsub.f32 $0.0e+00, v3;
	_ =	sdelay $0x1  }
0x56: {  	[tilespmem:s25+$0x2940] =	vst v3  }
0x57: {  	v3 =	vld.idx.msk [tilespmem:v2+s25+$0x8 ss:$0x1], $0xffff;
	_ =	sdelay $0x4  }
0x58: {  	s26 =	simm.s32 $0x60;
	s28 =	simm.s32 $0xC0;
	v3 =	vsub.f32 $0.0e+00, v3  }
.LBB2_9:
0x59: {  	p0 =	sne.s32 s28, $0x1DA0  }
0x5a: {  	[tilespmem:s25+$0x2948] =	vst v3;
	s25 =	sshra.s32 s26, $0x2;
	s26 =	smov.u32 s28;
	s28 =	sadd.s32 $0x60, s28  }
0x5b: {  	v3 =	vld.idx.msk [tilespmem:v2+s25+$0x0 ss:$0x1], $0xffff;
	_ =	sdelay $0x5  }
0x5c: {  	v3 =	vsub.f32 $0.0e+00, v3;
	_ =	sdelay $0x1  }
0x5d: {  	[tilespmem:s25+$0x2940] =	vst v3  }
0x5e: {  	v3 =	vld.idx.msk [tilespmem:v2+s25+$0x8 ss:$0x1], $0xffff;
	_ =	sdelay $0x1  }
.Ltmp2:
0x5f: {  	(pc) =	sbr.rel @p0 .LBB2_9-.Ltmp2, $2  }
0x60: {  	_ =	sdelay $0x2  }
0x61: {  	v3 =	vsub.f32 $0.0e+00, v3  }
0x62: {  	_ =	sdelay $0x2  }
0x63: {  	s26 =	sshra.s32 s26, $0x2;
	[tilespmem:s25+$0x2948] =	vst v3  }
0x64: {  	v3 =	vld.idx.msk [tilespmem:v2+s26+$0x0 ss:$0x1], $0xffff;
	_ =	sdelay $0x4  }
0x65: {  	v3 =	vsub.f32 $0.0e+00, v3;
	_ =	sdelay $0x1  }
0x66: {  	[tilespmem:s26+$0x2940] =	vst v3  }
0x67: {  	v2 =	vld.idx.msk [tilespmem:v2+s26+$0x8 ss:$0x1], $0xffff;
	_ =	sdelay $0x3  }
0x68: {  	s31 =	smul.u32 $0x1E00, s23  }
0x69: {  	v2 =	vsub.f32 $0.0e+00, v2  }
0x6a: {  	s25 =	sshra.s32 s31, $0x2  }
0x6b: {  	s25 =	sadd.s32 $0x320, s25;
	[tilespmem:s26+$0x2948] =	vst v2  }
0x6c: {  	[spmem:s2] =	stream.indirect.scatter.add.f32 [tilespmem:s25], [sflag:$0x1], $0x18, s15, s14, $0xb8;
	[tilespmem:$0x12CC0] =	vst v63  }
0x6d: {  	s23 =	sadd.s32 $0x1, s23;
	_ =	swait.ge [sflag:s12], $0x780  }
0x6e: {  	p0 =	sne.s32 s23, $0x5;
	[sflag:s12] =	ssyncset.done $0x0  }
.Ltmp3:
0x6f: {  	[sflag:s12] =	ssyncadd.s32 $0xFFFFF880;
	(pc) =	sbr.rel @p0 .LBB2_8-.Ltmp3, $4  }
0x70: {  	[spmem:s2] =	stream.indirect.scatter.add.f32 [tilespmem:s17], [sflag:$0x1], $0x18, s16, s14, $0xb8;
	[tilespmem:$0x12CC0] =	vst v63  }
0x71: {  	_ =	swait.ge [sflag:s12], $0x780  }
0x72: {  	[sflag:s12] =	ssyncset.done $0x0  }
0x73: {  	s24 =	sadd.s32 $0x780, s24;
	[sflag:s12] =	ssyncadd.s32 $0xFFFFF880  }
0x74: {  	s22 =	sadd.s32 $0x1, s22  }
0x75: {  	p0 =	sne.s32 s22, $0x4  }
.Ltmp4:
0x76: {  	_ = 	snop;
	(pc) =	sbr.rel @p0 .LBB2_7-.Ltmp4, $1  }
0x77: {  	_ =	sdelay $0x3  }
0x78: {  	s20 =	sadd.s32 $0x1, s20  }
0x79: {  	p0 =	sne.s32 s20, $0xA  }
.Ltmp5:
0x7a: {  	_ = 	snop;
	(pc) =	sbr.rel @p0 .LBB2_6-.Ltmp5, $1  }
0x7b: {  	_ =	sdelay $0x3  }
0x7c: {  	s3 =	sadd.s32 $0x1, s3  }
0x7d: {  	s19 =	sshll.u32 s1, $0x6;
	p0 =	sne.s32 s3, s9  }
.Ltmp6:
0x7e: {  	[bflag:$0x0] =	sbarrier.arrive $0xFFFF;
	s19 =	sor.u32 $0x1C01, s19;
	(pc) =	sbr.rel @p0 .LBB2_1-.Ltmp6, $4  }
0x7f: {  	[hbm:s8], [sflag:s19] =	dma.local [spmem:s18], $0x1E00  }
0x80: {  	_ =	swait.ge [sflag:s12], $0x1E00  }
0x81: {  	[sflag:s12] =	ssyncset.done $0x0  }
0x82: {  	[sflag:s12] =	ssyncadd.s32 $0xFFFFE200  }
0x83: {  	_ =	sfence.sel $0x180000  }
0x84: {  	[bflag:$0x0] =	sbarrier.arrive $0xFFFF  }
0x85: {  	p0 =	sne.s32 s1, $0x0;
	_ =	strace $0x9000005F  }
0x86: {  	s0 =	sadd.s32 @!p0 $0x100000, s0;
	[bflag:$0x2] =	sbarrier.arrive $0xFFFF  }
0x87: {  	[sflag:s0] =	ssyncadd.tile.s32 @!p0 $0x1;
	_ =	shalt  }
.Lfunc_end2:
_tile_overlayer_lowered:
.L_overlay_start_2:
0x88: {  	(tag) =	ssettag $0x2  }
0x89: {  	s0 =	rddreg [dreg:$0x0];
	s2 =	stileid.u32  }
0x8a: {  	s1 =	rddreg [dreg:$0x1];
	p0 =	sne.s32 s2, $0x0  }
0x8b: {  	s3 =	rddreg [dreg:$0x2];
	[bflag:$0x3] =	sbarrier.arrive $0xFFFF;
	s2 =	simm.s32 @!p0 $0x1C01  }
0x8c: {  	[timem:s3], [sflag:s2] =	dma.local @!p0 [hbm:s0], s1  }
0x8d: {  	s0 =	simm.s32 @!p0 $0x1  }
0x8e: {  	_ =	swait.ge @!p0 [sflag:s0], s1  }
0x8f: {  	s1 =	ssub.s32 @!p0 $0x0, s1;
	[sflag:s0] =	ssyncset.done @!p0 $0x0  }
0x90: {  	[sflag:s0] =	ssyncadd.s32 @!p0 s1  }
0x91: {  	[bflag:$0x3] =	sbarrier.arrive $0xFFFF  }
0x92: {  	_ =	shalt  }

// kernel: kernel.41.cloned.1.call-start
scs
__scs_entry_jumppad:
0x0: {  	(pc) =	sbr.rel $0x88, $3  }
0x1: {  	(tag) =	ssettag $0x0;
	lr =	simm.s32 $0x1  }
0x2: {  	[smem:$0x3F96] =	sst lr;
	_ =	strace $0xD0000000  }
0x3: {  	_ = 	snop  }
0x4: {  	_ = 	snop  }
0x5: {  	_ = 	snop  }
0x6: {  	_ = 	snop  }
0x7: {  	_ = 	snop  }
__scs_overlays_trampoline_lowered:
0x8: {  	[smem:$0x3FA5] =	sst s0  }
0x9: {  	[smem:$0x3FA6] =	sst s1  }
0xa: {  	[smem:$0x3FA7] =	sst s2  }
0xb: {  	[smem:$0x3FA8] =	sst s3  }
0xc: {  	[smem:$0x3FA9] =	sst s4  }
0xd: {  	[smem:$0x3FAA] =	sst s5  }
0xe: {  	[smem:$0x3FAB] =	sst s6  }
0xf: {  	[smem:$0x3FAC] =	sst s7  }
0x10: {  	[smem:$0x3FAD] =	sst s8  }
0x11: {  	[smem:$0x3FAE] =	sst s9;
	s0 =	simm.s32 @!p0 $0x0  }
0x12: {  	s1 =	sld [smem:$0x3F94];
	s0 =	simm.s32 @p0 $0x1  }
0x13: {  	[smem:$0x3FAF] =	sst s0;
	s0 =	simm.s32 @!p1 $0x0  }
0x14: {  	s2 =	sld [smem:$0x3F93];
	s0 =	simm.s32 @p1 $0x1  }
0x15: {  	[smem:$0x3FB0] =	sst s0;
	s0 =	simm.s32 @!p2 $0x0  }
0x16: {  	s3 =	sld [smem:$0x3FDB];
	s0 =	simm.s32 @p2 $0x1  }
0x17: {  	s4 =	simm.s32 $0x1BF5;
	[smem:$0x3FB2] =	sst s0  }
0x18: {  	s0 =	sld [smem:$0x3F95];
	_ =	swait.ge [sflag:s4], $0x0  }
0x19: {  	s7 =	sld [smem:$0x3F96]  }
0x1a: {  	s8 =	sadd.s32 $0xFFFFE003, lr  }
0x1b: {  	s9 =	sadd.s32 $0xFFFFFEF7, lr;
	s5 =	simm.s32 $0xFFFFFFFF;
	p2 =	slt.u32 s8, $0xFFFFF086  }
0x1c: {  	p1 =	slt.u32 s9, $0xF7A;
	s5 =	simm.s32 @!p2 $0x0  }
0x1d: {  	s5 =	simm.s32 @p1 $0x1;
	p0 =	seq.s32 s7, s2  }
0x1e: {  	s7 =	smul.u32 @!p0 $0xF7A, s2;
	p2 =	seq.s32 @!p0 s5, $0x0  }
0x1f: {  	s9 =	smul.u32 $0xF7A, s1;
	s8 =	simm.s32 @!p0 $0x1BF5;
	p2 =	por !p2, p0  }
0x20: {  	[sflag:s8] =	ssyncset.s32 @!p0 $0xFFFFF086;
	s6 =	sadd.s32 @!p0 s3, s7;
	s7 =	simm.s32 @!p0 $0x108  }
0x21: {  	s3 =	sadd.s32 s3, s9;
	s6 =	sadd.s32 @!p0 $0x88, s6;
	s7 =	simm.s32 @p2 $0x1082  }
0x22: {  	[simem:s7], [sflag:s8] =	dma.local @!p0 [hbm:s6], $0xF7A  }
0x23: {  	s9 =	sor.u32 $0xD0000000, s2;
	s6 =	simm.s32 $0x108;
	_ =	swait.ge @!p0 [sflag:s8], $0x0  }
0x24: {  	s3 =	sadd.s32 $0x88, s3;
	s6 =	simm.s32 @!p1 $0x1082;
	[sflag:s4] =	ssyncset.s32 $0xFFFFF086  }
0x25: {  	[simem:s6], [sflag:s4] =	dma.local [hbm:s3], $0xF7A  }
0x26: {  	[smem:$0x3F96] =	sst s1;
	(tag) =	ssettag s2;
	_ =	strace s9  }
0x27: {  	s1 =	sld [smem:$0x3FA6]  }
0x28: {  	s2 =	sld [smem:$0x3FA7]  }
0x29: {  	s4 =	sld [smem:$0x3FA9]  }
0x2a: {  	p0 =	seq.s32 s5, $0x0;
	s5 =	sld [smem:$0x3FAA]  }
0x2b: {  	s6 =	sld [smem:$0x3FAB]  }
0x2c: {  	s7 =	sld [smem:$0x3FAC]  }
0x2d: {  	s3 =	simm.s32 $0x108;
	s8 =	sld [smem:$0x3FAD]  }
0x2e: {  	s3 =	simm.s32 @!p0 $0x1082;
	s9 =	sld [smem:$0x3FAE]  }
0x2f: {  	lr =	sadd.s32 s0, s3;
	s0 =	sld [smem:$0x3FA5]  }
0x30: {  	s3 =	sld [smem:$0x3FA8]  }
0x31: {  	[smem:$0x3FB1] =	sst s10  }
0x32: {  	s10 =	sld [smem:$0x3FAF];
	_ =	sdelay $0x3  }
0x33: {  	p0 =	seq.s32 s10, $0x1;
	s10 =	sld [smem:$0x3FB1];
	_ =	sdelay $0x3  }
0x34: {  	[smem:$0x3FB1] =	sst s10  }
0x35: {  	s10 =	sld [smem:$0x3FB0];
	_ =	sdelay $0x3  }
0x36: {  	p1 =	seq.s32 s10, $0x1;
	s10 =	sld [smem:$0x3FB1];
	_ =	sdelay $0x3  }
0x37: {  	[smem:$0x3FB1] =	sst s10  }
0x38: {  	s10 =	sld [smem:$0x3FB2]  }
0x39: {  	_ = 	snop;
	(pc) =	sbr.ind lr, $3  }
0x3a: {  	_ = 	snop  }
0x3b: {  	_ = 	snop  }
0x3c: {  	p2 =	seq.s32 s10, $0x1;
	s10 =	sld [smem:$0x3FB1]  }
0x3d: {  	_ =	shalt  }
0x3e: {  	_ =	shalt  }
0x3f: {  	_ =	shalt  }
0x40: {  	_ =	shalt  }
0x41: {  	_ =	shalt  }
0x42: {  	_ =	shalt  }
0x43: {  	_ =	shalt  }
0x44: {  	_ =	shalt  }
0x45: {  	_ =	shalt  }
0x46: {  	_ =	shalt  }
0x47: {  	_ =	shalt  }
0x48: {  	_ =	shalt  }
0x49: {  	_ =	shalt  }
0x4a: {  	_ =	shalt  }
0x4b: {  	_ =	shalt  }
0x4c: {  	_ =	shalt  }
0x4d: {  	_ =	shalt  }
0x4e: {  	_ =	shalt  }
0x4f: {  	_ =	shalt  }
0x50: {  	_ =	shalt  }
0x51: {  	_ =	shalt  }
0x52: {  	_ =	shalt  }
0x53: {  	_ =	shalt  }
0x54: {  	_ =	shalt  }
0x55: {  	_ =	shalt  }
0x56: {  	_ =	shalt  }
0x57: {  	_ =	shalt  }
0x58: {  	_ =	shalt  }
0x59: {  	_ =	shalt  }
0x5a: {  	_ =	shalt  }
0x5b: {  	_ =	shalt  }
0x5c: {  	_ =	shalt  }
0x5d: {  	_ =	shalt  }
0x5e: {  	_ =	shalt  }
0x5f: {  	_ =	shalt  }
0x60: {  	_ =	shalt  }
0x61: {  	_ =	shalt  }
0x62: {  	_ =	shalt  }
0x63: {  	_ =	shalt  }
0x64: {  	_ =	shalt  }
0x65: {  	_ =	shalt  }
0x66: {  	_ =	shalt  }
0x67: {  	_ =	shalt  }
0x68: {  	_ =	shalt  }
0x69: {  	_ =	shalt  }
0x6a: {  	_ =	shalt  }
0x6b: {  	_ =	shalt  }
0x6c: {  	_ =	shalt  }
0x6d: {  	_ =	shalt  }
0x6e: {  	_ =	shalt  }
0x6f: {  	_ =	shalt  }
0x70: {  	_ =	shalt  }
0x71: {  	_ =	shalt  }
0x72: {  	_ =	shalt  }
0x73: {  	_ =	shalt  }
0x74: {  	_ =	shalt  }
0x75: {  	_ =	shalt  }
0x76: {  	_ =	shalt  }
0x77: {  	_ =	shalt  }
0x78: {  	_ =	shalt  }
0x79: {  	_ =	shalt  }
0x7a: {  	_ =	shalt  }
0x7b: {  	_ =	shalt  }
0x7c: {  	_ =	shalt  }
0x7d: {  	_ =	shalt  }
0x7e: {  	_ =	shalt  }
0x7f: {  	_ =	shalt  }
0x80: {  	_ =	shalt  }
0x81: {  	_ =	shalt  }
0x82: {  	_ =	shalt  }
0x83: {  	_ =	shalt  }
0x84: {  	_ =	shalt  }
0x85: {  	_ =	shalt  }
0x86: {  	_ =	shalt  }
0x87: {  	_ =	shalt  }
.Lfunc_end0:
.L_simem_size_0:
called_computation.7_lowered:
.L_overlay_start_0:
0x88: {  	s2 =	sld [smem:$0x3FD9]  }
0x89: {  	s3 =	sld [smem:$0x3FFE];
	_ =	sdelay $0x1  }
0x8a: {  	s1 =	srdreg.scid  }
0x8b: {  	s0 =	sand.u32 $0x1, s1  }
0x8c: {  	s17 =	sshll.u32 s0, $0xA;
	s2 =	sadd.s32 s3, s2  }
0x8d: {  	s2 =	sadd.s32 s2, s17  }
0x8e: {  	[smem:$0x3FBD] =	sst s2  }
0x8f: {  	_ = 	snop  }
0x90: {  	(tm) =	ssettm $0x1  }
0x91: {  	s18 =	sld [smem:$0x3FFB];
	_ =	sdelay $0x3  }
0x92: {  	_ =	strace s18  }
0x93: {  	s2 =	sld [smem:$0x3FFC];
	_ =	sdelay $0x3  }
0x94: {  	_ =	strace s2  }
0x95: {  	s2 =	sld [smem:$0x3FFD];
	_ =	sdelay $0x3  }
0x96: {  	_ =	strace s2  }
0x97: {  	_ =	strace $0x8FFFFFFF  }
0x98: {  	s19 =	sld [smem:$0x3FDB];
	_ =	sdelay $0x1  }
0x99: {  	s20 =	simm.s32 $_scs_section_size  }
0x9a: {  	s4 =	simm.s32 $_size__tile_overlayer_lowered;
	s5 =	simm.s32 $_tile_overlayer_lowered  }
0x9b: {  	s6 =	simm.s32 $0x1BFF;
	s21 =	sshll.u32 s5, $0x1;
	s3 =	sadd.s32 s20, s19  }
0x9c: {  	s22 =	simm.s32 $0x0;
	s4 =	sshll.u32 s4, $0x1;
	s5 =	sadd.s32 s21, s3  }
0x9d: {  	[timem:s22], [sflag:s6] =	dma.local [hbm:s5], s4  }
0x9e: {  	_ =	swait.ge [sflag:s6], s4  }
0x9f: {  	s4 =	ssub.s32 $0x0, s4;
	[sflag:s6] =	ssyncset.done $0x0  }
0xa0: {  	[sflag:s6] =	ssyncadd.s32 s4;
	_ =	sdelay $0x1  }
0xa1: {  	s23 =	simm.s32 $0x1B8B  }
0xa2: {  	_ =	swait.ge [sflag:s23], $0x1  }
0xa3: {  	[sflag:s23] =	ssyncset.done $0x0  }
0xa4: {  	[sflag:s23] =	ssyncadd.s32 $0xFFFFFFFF  }
0xa5: {  	s4 =	sld [smem:$0x0]  }
0xa6: {  	s5 =	sand.u32 $0xFFFFFFFE, s1  }
0xa7: {  	p0 =	sne.s32 s1, s5  }
0xa8: {  	s5 =	sshll.u32 @p0 s5, $0xE  }
0xa9: {  	s5 =	sadd.s32 @p0 $0x11B8D, s5;
	s6 =	sshll.u32 @p0 s4, $0x11  }
0xaa: {  	s5 =	sor.u32 @p0 s6, s5  }
0xab: {  	[sflag:s5] =	ssyncadd.remote.s32 @p0 $0x1;
	_ =	sdelay $0x1  }
0xac: {  	s5 =	simm.s32 @p0 $0x1B8D  }
0xad: {  	_ =	swait.eq @p0 [sflag:s5], $0x1  }
0xae: {  	[sflag:s5] =	ssyncadd.s32 @p0 $0xFFFFFFFF  }
0xaf: {  	s6 =	sshll.u32 @!p0 s1, $0xE  }
0xb0: {  	s6 =	sor.u32 @!p0 $0x4000, s6;
	s5 =	simm.s32 @!p0 $0x1B8D  }
0xb1: {  	s4 =	sshll.u32 @!p0 s4, $0x11;
	s6 =	sadd.s32 @!p0 $0x11B8D, s6;
	_ =	swait.eq @!p0 [sflag:s5], $0x1  }
0xb2: {  	s4 =	sor.u32 @!p0 s4, s6;
	[sflag:s5] =	ssyncadd.s32 @!p0 $0xFFFFFFFF  }
0xb3: {  	s25 =	simm.s32 $0x1B8E;
	s24 =	sld [smem:$0x3FFE];
	[sflag:s4] =	ssyncadd.remote.s32 @!p0 $0x1  }
0xb4: {  	s26 =	simm.s32 $execute0_lowered;
	[smem:$0x3FD2] =	sst s25  }
0xb5: {  	s5 =	sshll.u32 s26, $0x1;
	_ =	strace $0x8000005B;
	[dreg:$0x1] =	wrdreg $0xFFFFFFFF  }
0xb6: {  	s28 =	simm.s32 $_size_execute0_lowered;
	s3 =	sadd.s32 s3, s5;
	[dreg:$0x0] =	wrdreg $0x0  }
0xb7: {  	s5 =	sshll.u32 s28, $0x1;
	[dreg:$0x2] =	wrdreg s3  }
0xb8: {  	[dreg:$0x3] =	wrdreg s5  }
0xb9: {  	[dreg:$0x4] =	wrdreg $0xC0  }
0xba: {  	_ =	task [dreg:s22], $0x5FFFF  }
0xbb: {  	[dreg:$0x1] =	wrdreg $0xFFFFFFFF  }
0xbc: {  	[dreg:$0x0] =	wrdreg $0x60  }
0xbd: {  	[dreg:$0x2] =	wrdreg s24  }
0xbe: {  	[dreg:$0x3] =	wrdreg $0x3CC00  }
0xbf: {  	[dreg:$0x4] =	wrdreg $0xD  }
0xc0: {  	_ =	task.clear_ibuf [dreg:s22], $0x5FFFF;
	_ =	strace $0x9000005B  }
0xc1: {  	s29 =	simm.s32 $0xD;
	_ =	strace $0x8000005D  }
0xc2: {  	_ =	swait.ge [sflag:s29], $0x1  }
0xc3: {  	[sflag:s29] =	ssyncadd.s32 $0xFFFFFFFF  }
0xc4: {  	_ =	strace $0x9000005D  }
0xc5: {  	_ =	sfence  }
0xc6: {  	s30 =	sld [smem:$0x0];
	_ =	sdelay $0x2  }
0xc7: {  	s31 =	sshll.u32 s1, $0xD;
	s1 =	sshrl.u32 s1, $0x2  }
0xc8: {  	s4 =	sand.u32 $0x4000, s31;
	s1 =	sadd.s32 s1, s30  }
0xc9: {  	s0 =	sor.u32 s4, s0;
	s1 =	sshll.u32 s1, $0x11  }
0xca: {  	s0 =	sor.u32 s1, s0  }
0xcb: {  	s0 =	sadd.s32 $0x8F2B, s0  }
0xcc: {  	[sflag:s0] =	ssyncadd.remote.s32 $0x1  }
0xcd: {  	_ =	sfence.sel $0xFFFF  }
0xce: {  	[dreg:$0x0] =	wrdreg $0xFFFFFFFF;
	(pc) =	sbr.abs _section_cstart, $3  }
0xcf: {  	[dreg:$0x1] =	wrdreg $0xFFFFFFFF  }
0xd0: {  	_ =	task.clear_ibuf [dreg:s22], $0x2FFFF;
	_ =	strace $0x9FFFFFFF  }
0xd1: {  	(tm) =	ssettm $0x7FFFFFFF  }
tec
execute0_lowered:
.L_overlay_start_1:
0x0: {  	(tag) =	ssettag $0x1  }
0x1: {  	s7 =	rddreg [dreg:$0x0];
	s0 =	srdreg.scid  }
0x2: {  	s2 =	rddreg [dreg:$0x1];
	s1 =	stileid.u32  }
0x3: {  	s3 =	simm.s32 $0x0;
	s13 =	simm.s32 $0x190;
	s14 =	simm.s32 $0x50  }
0x4: {  	s15 =	simm.s32 $0x28F0;
	s16 =	simm.s32 $0x28A0;
	s17 =	simm.s32 $0x2940  }
0x5: {  	s8 =	sand.u32 $0x1, s0;
	s0 =	rddreg [dreg:$0x2];
	s9 =	smul.u32 $0xF000, s1  }
0x6: {  	[smem:$0x7FF] =	sst s3;
	s4 =	sadd.s32 $0xF4400, s7;
	s30 =	smul.u32 $0x3C000, s1  }
0x7: {  	s6 =	sadd.s32 $0x462400, s7;
	s11 =	sshll.u32 s1, $0x1;
	s5 =	smul.u32 $0xF0000, s8  }
0x8: {  	_ =	strace $0x8000005C;
	s29 =	ssub.s32 $0x2, s8;
	s8 =	sor.u32 s8, s11  }
0x9: {  	s11 =	simm.s32 $0x30C0;
	s12 =	sshrl.u32 s29, $0x1;
	s18 =	sadd.s32 s9, s2  }
0xa: {  	s31 =	sshrl.u32 s30, $0x2;
	s10 =	sadd.s32 s9, s5;
	s5 =	sadd.s32 $0xE4400, s7  }
0xb: {  	s12 =	ssub.s32 s29, s12;
	s18 =	sshrl.u32 s18, $0x3;
	s10 =	sshrl.u32 s10, $0x3  }
0xc: {  	s9 =	smax.u32 s12, $0x1;
	s12 =	simm.s32 $0x1;
	s10 =	sadd.s32 s10, s7  }
0xd: {  	v0 =	vimm.f32 $0.0e+00;
	s7 =	smul.u32 $0xFA0, s8;
	s8 =	sadd.s32 $0x5D9400, s10;
	s10 =	sadd.s32 s31, s2  }
.LBB2_1:
0xe: {  	s19 =	simm.s32 $0x0  }
.LBB2_2:
0xf: {  	p0 =	sne.s32 s19, $0x2FA0  }
.Ltmp0:
0x10: {  	_ = 	snop;
	(pc) =	sbr.rel @p0 .LBB2_2-.Ltmp0, $4  }
0x11: {  	_ = 	snop  }
0x12: {  	s20 =	sshra.s32 s19, $0x2  }
0x13: {  	[tilespmem:s20+$0x30C0] =	vst v0  }
0x14: {  	s19 =	sadd.s32 $0x60, s19;
	[tilespmem:s20+$0x30C8] =	vst v0  }
0x15: {  	s19 =	sadd.s32 $0x0, s10  }
0x16: {  	[spmem:s19] =	stream.linear.scatter [tilespmem:s11], [sflag:$0x1], $0xC00, $0x38;
	[tilespmem:$0x12CC0] =	vst v63  }
0x17: {  	s19 =	simm.s32 $0x3000;
	_ =	swait.ge [sflag:s12], $0xC00  }
.LBB2_4:
0x18: {  	s20 =	sshra.s32 s19, $0x2;
	[sflag:s12] =	ssyncset.done $0x0;
	p0 =	sne.s32 s19, $0x39000  }
.Ltmp1:
0x19: {  	s20 =	sadd.s32 s20, s10;
	[sflag:s12] =	ssyncadd.s32 $0xFFFFF400;
	(pc) =	sbr.rel @p0 .LBB2_4-.Ltmp1, $3  }
0x1a: {  	[spmem:s20] =	stream.linear.scatter [tilespmem:s11], [sflag:$0x1], $0xC00, $0x38;
	[tilespmem:$0x12CC0] =	vst v63  }
0x1b: {  	s19 =	sadd.s32 $0x3000, s19;
	_ =	sdelay $0x1  }
0x1c: {  	_ =	swait.ge [sflag:s12], $0xC00  }
0x1d: {  	[sflag:s12] =	ssyncset.done $0x0  }
0x1e: {  	[sflag:s12] =	ssyncadd.s32 $0xFFFFF400  }
0x1f: {  	s19 =	simm.s32 $0x0;
	s20 =	simm.s32 $0x0;
	[bflag:$0x0] =	sbarrier.arrive $0xFFFF  }
.LBB2_6:
0x20: {  	s21 =	smul.u32 $0x190, s20;
	_ =	sdelay $0x1  }
0x21: {  	s21 =	sadd.s32 s7, s21  }
0x22: {  	s22 =	sshrl.u32 s21, $0x3  }
0x23: {  	s23 =	sadd.s32 s4, s22  }
0x24: {  	[tilespmem:s19], [sflag:$0x1] =	stream.linear.gather [hbm4b:s23+s19], $0x190, $0x38;
	[tilespmem:$0x12CC0] =	vst v63  }
0x25: {  	_ =	swait.ge [sflag:s12], $0x190  }
0x26: {  	[sflag:s12] =	ssyncset.done $0x0  }
0x27: {  	s22 =	sadd.s32 s5, s22;
	[sflag:s12] =	ssyncadd.s32 $0xFFFFFE70  }
0x28: {  	[tilespmem:s13], [sflag:$0x1] =	stream.linear.gather [hbm4b:s22+s19], $0x190, $0x38;
	[tilespmem:$0x12CC0] =	vst v63  }
0x29: {  	_ =	swait.ge [sflag:s12], $0x190  }
0x2a: {  	[sflag:s12] =	ssyncset.done $0x0  }
0x2b: {  	s22 =	simm.s32 $0x0;
	[sflag:s12] =	ssyncadd.s32 $0xFFFFFE70  }
.LBB2_7:
0x2c: {  	s23 =	smul.u32 $0x1F400, s22;
	_ =	sdelay $0x1  }
0x2d: {  	s23 =	sadd.s32 s21, s23  }
0x2e: {  	s23 =	smul.u32 $0x3, s23;
	_ =	sdelay $0x1  }
0x2f: {  	s24 =	simm.s32 $0x320;
	s25 =	sadd.s32 s6, s23;
	s23 =	simm.s32 $0x0  }
0x30: {  	[tilespmem:s24], [sflag:$0x1] =	stream.linear.gather [hbm4b:s25+s23], $0x2580, $0x38;
	[tilespmem:$0x12CC0] =	vst v63  }
0x31: {  	s31 =	smul.u32 $0x2710, s22;
	_ =	swait.ge [sflag:s12], $0x2580  }
0x32: {  	[sflag:s12] =	ssyncset.done $0x0  }
0x33: {  	v1 =	vmov s31;
	[sflag:s12] =	ssyncadd.s32 $0xFFFFDA80  }
.LBB2_8:
0x34: {  	s25 =	smul.u32 $0x50, s23;
	_ =	sdelay $0x1  }
0x35: {  	v2 =	vld [tilespmem:s25+$0x0];
	_ =	sdelay $0x4  }
0x36: {  	v2 =	vadd.s32 v1, v2  }
0x37: {  	[tilespmem:$0x28A0] =	vst v2  }
0x38: {  	v2 =	vld [tilespmem:s25+$0x190];
	_ =	sdelay $0x4  }
0x39: {  	v2 =	vadd.s32 v1, v2  }
0x3a: {  	[tilespmem:$0x28F0] =	vst v2  }
0x3b: {  	v2 =	vld [tilespmem:s25+$0x10];
	_ =	sdelay $0x4  }
0x3c: {  	v2 =	vadd.s32 v1, v2  }
0x3d: {  	[tilespmem:$0x28B0] =	vst v2  }
0x3e: {  	v2 =	vld [tilespmem:s25+$0x1A0];
	_ =	sdelay $0x4  }
0x3f: {  	v2 =	vadd.s32 v1, v2  }
0x40: {  	[tilespmem:$0x2900] =	vst v2  }
0x41: {  	v2 =	vld [tilespmem:s25+$0x20];
	_ =	sdelay $0x4  }
0x42: {  	v2 =	vadd.s32 v1, v2  }
0x43: {  	[tilespmem:$0x28C0] =	vst v2  }
0x44: {  	v2 =	vld [tilespmem:s25+$0x1B0];
	_ =	sdelay $0x4  }
0x45: {  	v2 =	vadd.s32 v1, v2  }
0x46: {  	[tilespmem:$0x2910] =	vst v2  }
0x47: {  	v2 =	vld [tilespmem:s25+$0x30];
	_ =	sdelay $0x4  }
0x48: {  	v2 =	vadd.s32 v1, v2  }
0x49: {  	[tilespmem:$0x28D0] =	vst v2  }
0x4a: {  	v2 =	vld [tilespmem:s25+$0x1C0];
	_ =	sdelay $0x4  }
0x4b: {  	v2 =	vadd.s32 v1, v2  }
0x4c: {  	[tilespmem:$0x2920] =	vst v2  }
0x4d: {  	v2 =	vld [tilespmem:s25+$0x40];
	_ =	sdelay $0x4  }
0x4e: {  	v2 =	vadd.s32 v1, v2  }
0x4f: {  	[tilespmem:$0x28E0] =	vst v2  }
0x50: {  	v3 =	vld [tilespmem:s25+$0x1D0];
	_ =	sdelay $0x1  }
0x51: {  	v2 =	vmov s24;
	_ =	sdelay $0x2  }
0x52: {  	v3 =	vadd.s32 v1, v3  }
0x53: {  	s25 =	simm.s32 $0x0;
	[tilespmem:$0x2930] =	vst v3  }
0x54: {  	v3 =	vld.idx.msk [tilespmem:v2+s25+$0x0 ss:$0x1], $0xffff;
	_ =	sdelay $0x4  }
0x55: {  	v3 =	vsub.f32 $0.0e+00, v3;
	_ =	sdelay $0x1  }
0x56: {  	[tilespmem:s25+$0x2940] =	vst v3  }
0x57: {  	v3 =	vld.idx.msk [tilespmem:v2+s25+$0x8 ss:$0x1], $0xffff;
	_ =	sdelay $0x4  }
0x58: {  	s26 =	simm.s32 $0x60;
	s28 =	simm.s32 $0xC0;
	v3 =	vsub.f32 $0.0e+00, v3  }
.LBB2_9:
0x59: {  	p0 =	sne.s32 s28, $0x1DA0  }
0x5a: {  	[tilespmem:s25+$0x2948] =	vst v3;
	s25 =	sshra.s32 s26, $0x2;
	s26 =	smov.u32 s28;
	s28 =	sadd.s32 $0x60, s28  }
0x5b: {  	v3 =	vld.idx.msk [tilespmem:v2+s25+$0x0 ss:$0x1], $0xffff;
	_ =	sdelay $0x5  }
0x5c: {  	v3 =	vsub.f32 $0.0e+00, v3;
	_ =	sdelay $0x1  }
0x5d: {  	[tilespmem:s25+$0x2940] =	vst v3  }
0x5e: {  	v3 =	vld.idx.msk [tilespmem:v2+s25+$0x8 ss:$0x1], $0xffff;
	_ =	sdelay $0x1  }
.Ltmp2:
0x5f: {  	(pc) =	sbr.rel @p0 .LBB2_9-.Ltmp2, $2  }
0x60: {  	_ =	sdelay $0x2  }
0x61: {  	v3 =	vsub.f32 $0.0e+00, v3  }
0x62: {  	_ =	sdelay $0x2  }
0x63: {  	s26 =	sshra.s32 s26, $0x2;
	[tilespmem:s25+$0x2948] =	vst v3  }
0x64: {  	v3 =	vld.idx.msk [tilespmem:v2+s26+$0x0 ss:$0x1], $0xffff;
	_ =	sdelay $0x4  }
0x65: {  	v3 =	vsub.f32 $0.0e+00, v3;
	_ =	sdelay $0x1  }
0x66: {  	[tilespmem:s26+$0x2940] =	vst v3  }
0x67: {  	v2 =	vld.idx.msk [tilespmem:v2+s26+$0x8 ss:$0x1], $0xffff;
	_ =	sdelay $0x3  }
0x68: {  	s31 =	smul.u32 $0x1E00, s23  }
0x69: {  	v2 =	vsub.f32 $0.0e+00, v2  }
0x6a: {  	s25 =	sshra.s32 s31, $0x2  }
0x6b: {  	s25 =	sadd.s32 $0x320, s25;
	[tilespmem:s26+$0x2948] =	vst v2  }
0x6c: {  	[spmem:s2] =	stream.indirect.scatter.add.f32 [tilespmem:s25], [sflag:$0x1], $0x18, s15, s14, $0xb8;
	[tilespmem:$0x12CC0] =	vst v63  }
0x6d: {  	s23 =	sadd.s32 $0x1, s23;
	_ =	swait.ge [sflag:s12], $0x780  }
0x6e: {  	p0 =	sne.s32 s23, $0x5;
	[sflag:s12] =	ssyncset.done $0x0  }
.Ltmp3:
0x6f: {  	[sflag:s12] =	ssyncadd.s32 $0xFFFFF880;
	(pc) =	sbr.rel @p0 .LBB2_8-.Ltmp3, $4  }
0x70: {  	[spmem:s2] =	stream.indirect.scatter.add.f32 [tilespmem:s17], [sflag:$0x1], $0x18, s16, s14, $0xb8;
	[tilespmem:$0x12CC0] =	vst v63  }
0x71: {  	_ =	swait.ge [sflag:s12], $0x780  }
0x72: {  	[sflag:s12] =	ssyncset.done $0x0  }
0x73: {  	s24 =	sadd.s32 $0x780, s24;
	[sflag:s12] =	ssyncadd.s32 $0xFFFFF880  }
0x74: {  	s22 =	sadd.s32 $0x1, s22  }
0x75: {  	p0 =	sne.s32 s22, $0x4  }
.Ltmp4:
0x76: {  	_ = 	snop;
	(pc) =	sbr.rel @p0 .LBB2_7-.Ltmp4, $1  }
0x77: {  	_ =	sdelay $0x3  }
0x78: {  	s20 =	sadd.s32 $0x1, s20  }
0x79: {  	p0 =	sne.s32 s20, $0xA  }
.Ltmp5:
0x7a: {  	_ = 	snop;
	(pc) =	sbr.rel @p0 .LBB2_6-.Ltmp5, $1  }
0x7b: {  	_ =	sdelay $0x3  }
0x7c: {  	s3 =	sadd.s32 $0x1, s3  }
0x7d: {  	s19 =	sshll.u32 s1, $0x6;
	p0 =	sne.s32 s3, s9  }
.Ltmp6:
0x7e: {  	[bflag:$0x0] =	sbarrier.arrive $0xFFFF;
	s19 =	sor.u32 $0x1C01, s19;
	(pc) =	sbr.rel @p0 .LBB2_1-.Ltmp6, $4  }
0x7f: {  	[hbm:s8], [sflag:s19] =	dma.local [spmem:s18], $0x1E00  }
0x80: {  	_ =	swait.ge [sflag:s12], $0x1E00  }
0x81: {  	[sflag:s12] =	ssyncset.done $0x0  }
0x82: {  	[sflag:s12] =	ssyncadd.s32 $0xFFFFE200  }
0x83: {  	_ =	sfence.sel $0x180000  }
0x84: {  	[bflag:$0x0] =	sbarrier.arrive $0xFFFF  }
0x85: {  	p0 =	sne.s32 s1, $0x0;
	_ =	strace $0x9000005C  }
0x86: {  	s0 =	sadd.s32 @!p0 $0x100000, s0;
	[bflag:$0x2] =	sbarrier.arrive $0xFFFF  }
0x87: {  	[sflag:s0] =	ssyncadd.tile.s32 @!p0 $0x1;
	_ =	shalt  }
.Lfunc_end2:
_tile_overlayer_lowered:
.L_overlay_start_2:
0x88: {  	(tag) =	ssettag $0x2  }
0x89: {  	s0 =	rddreg [dreg:$0x0];
	s2 =	stileid.u32  }
0x8a: {  	s1 =	rddreg [dreg:$0x1];
	p0 =	sne.s32 s2, $0x0  }
0x8b: {  	s3 =	rddreg [dreg:$0x2];
	[bflag:$0x3] =	sbarrier.arrive $0xFFFF;
	s2 =	simm.s32 @!p0 $0x1C01  }
0x8c: {  	[timem:s3], [sflag:s2] =	dma.local @!p0 [hbm:s0], s1  }
0x8d: {  	s0 =	simm.s32 @!p0 $0x1  }
0x8e: {  	_ =	swait.ge @!p0 [sflag:s0], s1  }
0x8f: {  	s1 =	ssub.s32 @!p0 $0x0, s1;
	[sflag:s0] =	ssyncset.done @!p0 $0x0  }
0x90: {  	[sflag:s0] =	ssyncadd.s32 @!p0 s1  }
0x91: {  	[bflag:$0x3] =	sbarrier.arrive $0xFFFF  }
0x92: {  	_ =	shalt  }

// kernel: kernel.44.cloned.1.call-start
scs
__scs_entry_jumppad:
0x0: {  	(pc) =	sbr.rel $0x88, $3  }
0x1: {  	(tag) =	ssettag $0x0;
	lr =	simm.s32 $0x1  }
0x2: {  	[smem:$0x3F96] =	sst lr;
	_ =	strace $0xD0000000  }
0x3: {  	_ = 	snop  }
0x4: {  	_ = 	snop  }
0x5: {  	_ = 	snop  }
0x6: {  	_ = 	snop  }
0x7: {  	_ = 	snop  }
__scs_overlays_trampoline_lowered:
0x8: {  	[smem:$0x3FA5] =	sst s0  }
0x9: {  	[smem:$0x3FA6] =	sst s1  }
0xa: {  	[smem:$0x3FA7] =	sst s2  }
0xb: {  	[smem:$0x3FA8] =	sst s3  }
0xc: {  	[smem:$0x3FA9] =	sst s4  }
0xd: {  	[smem:$0x3FAA] =	sst s5  }
0xe: {  	[smem:$0x3FAB] =	sst s6  }
0xf: {  	[smem:$0x3FAC] =	sst s7  }
0x10: {  	[smem:$0x3FAD] =	sst s8  }
0x11: {  	[smem:$0x3FAE] =	sst s9;
	s0 =	simm.s32 @!p0 $0x0  }
0x12: {  	s1 =	sld [smem:$0x3F94];
	s0 =	simm.s32 @p0 $0x1  }
0x13: {  	[smem:$0x3FAF] =	sst s0;
	s0 =	simm.s32 @!p1 $0x0  }
0x14: {  	s2 =	sld [smem:$0x3F93];
	s0 =	simm.s32 @p1 $0x1  }
0x15: {  	[smem:$0x3FB0] =	sst s0;
	s0 =	simm.s32 @!p2 $0x0  }
0x16: {  	s3 =	sld [smem:$0x3FDB];
	s0 =	simm.s32 @p2 $0x1  }
0x17: {  	s4 =	simm.s32 $0x1BF5;
	[smem:$0x3FB2] =	sst s0  }
0x18: {  	s0 =	sld [smem:$0x3F95];
	_ =	swait.ge [sflag:s4], $0x0  }
0x19: {  	s7 =	sld [smem:$0x3F96]  }
0x1a: {  	s8 =	sadd.s32 $0xFFFFE003, lr  }
0x1b: {  	s9 =	sadd.s32 $0xFFFFFEF7, lr;
	s5 =	simm.s32 $0xFFFFFFFF;
	p2 =	slt.u32 s8, $0xFFFFF086  }
0x1c: {  	p1 =	slt.u32 s9, $0xF7A;
	s5 =	simm.s32 @!p2 $0x0  }
0x1d: {  	s5 =	simm.s32 @p1 $0x1;
	p0 =	seq.s32 s7, s2  }
0x1e: {  	s7 =	smul.u32 @!p0 $0xF7A, s2;
	p2 =	seq.s32 @!p0 s5, $0x0  }
0x1f: {  	s9 =	smul.u32 $0xF7A, s1;
	s8 =	simm.s32 @!p0 $0x1BF5;
	p2 =	por !p2, p0  }
0x20: {  	[sflag:s8] =	ssyncset.s32 @!p0 $0xFFFFF086;
	s6 =	sadd.s32 @!p0 s3, s7;
	s7 =	simm.s32 @!p0 $0x108  }
0x21: {  	s3 =	sadd.s32 s3, s9;
	s6 =	sadd.s32 @!p0 $0x88, s6;
	s7 =	simm.s32 @p2 $0x1082  }
0x22: {  	[simem:s7], [sflag:s8] =	dma.local @!p0 [hbm:s6], $0xF7A  }
0x23: {  	s9 =	sor.u32 $0xD0000000, s2;
	s6 =	simm.s32 $0x108;
	_ =	swait.ge @!p0 [sflag:s8], $0x0  }
0x24: {  	s3 =	sadd.s32 $0x88, s3;
	s6 =	simm.s32 @!p1 $0x1082;
	[sflag:s4] =	ssyncset.s32 $0xFFFFF086  }
0x25: {  	[simem:s6], [sflag:s4] =	dma.local [hbm:s3], $0xF7A  }
0x26: {  	[smem:$0x3F96] =	sst s1;
	(tag) =	ssettag s2;
	_ =	strace s9  }
0x27: {  	s1 =	sld [smem:$0x3FA6]  }
0x28: {  	s2 =	sld [smem:$0x3FA7]  }
0x29: {  	s4 =	sld [smem:$0x3FA9]  }
0x2a: {  	p0 =	seq.s32 s5, $0x0;
	s5 =	sld [smem:$0x3FAA]  }
0x2b: {  	s6 =	sld [smem:$0x3FAB]  }
0x2c: {  	s7 =	sld [smem:$0x3FAC]  }
0x2d: {  	s3 =	simm.s32 $0x108;
	s8 =	sld [smem:$0x3FAD]  }
0x2e: {  	s3 =	simm.s32 @!p0 $0x1082;
	s9 =	sld [smem:$0x3FAE]  }
0x2f: {  	lr =	sadd.s32 s0, s3;
	s0 =	sld [smem:$0x3FA5]  }
0x30: {  	s3 =	sld [smem:$0x3FA8]  }
0x31: {  	[smem:$0x3FB1] =	sst s10  }
0x32: {  	s10 =	sld [smem:$0x3FAF];
	_ =	sdelay $0x3  }
0x33: {  	p0 =	seq.s32 s10, $0x1;
	s10 =	sld [smem:$0x3FB1];
	_ =	sdelay $0x3  }
0x34: {  	[smem:$0x3FB1] =	sst s10  }
0x35: {  	s10 =	sld [smem:$0x3FB0];
	_ =	sdelay $0x3  }
0x36: {  	p1 =	seq.s32 s10, $0x1;
	s10 =	sld [smem:$0x3FB1];
	_ =	sdelay $0x3  }
0x37: {  	[smem:$0x3FB1] =	sst s10  }
0x38: {  	s10 =	sld [smem:$0x3FB2]  }
0x39: {  	_ = 	snop;
	(pc) =	sbr.ind lr, $3  }
0x3a: {  	_ = 	snop  }
0x3b: {  	_ = 	snop  }
0x3c: {  	p2 =	seq.s32 s10, $0x1;
	s10 =	sld [smem:$0x3FB1]  }
0x3d: {  	_ =	shalt  }
0x3e: {  	_ =	shalt  }
0x3f: {  	_ =	shalt  }
0x40: {  	_ =	shalt  }
0x41: {  	_ =	shalt  }
0x42: {  	_ =	shalt  }
0x43: {  	_ =	shalt  }
0x44: {  	_ =	shalt  }
0x45: {  	_ =	shalt  }
0x46: {  	_ =	shalt  }
0x47: {  	_ =	shalt  }
0x48: {  	_ =	shalt  }
0x49: {  	_ =	shalt  }
0x4a: {  	_ =	shalt  }
0x4b: {  	_ =	shalt  }
0x4c: {  	_ =	shalt  }
0x4d: {  	_ =	shalt  }
0x4e: {  	_ =	shalt  }
0x4f: {  	_ =	shalt  }
0x50: {  	_ =	shalt  }
0x51: {  	_ =	shalt  }
0x52: {  	_ =	shalt  }
0x53: {  	_ =	shalt  }
0x54: {  	_ =	shalt  }
0x55: {  	_ =	shalt  }
0x56: {  	_ =	shalt  }
0x57: {  	_ =	shalt  }
0x58: {  	_ =	shalt  }
0x59: {  	_ =	shalt  }
0x5a: {  	_ =	shalt  }
0x5b: {  	_ =	shalt  }
0x5c: {  	_ =	shalt  }
0x5d: {  	_ =	shalt  }
0x5e: {  	_ =	shalt  }
0x5f: {  	_ =	shalt  }
0x60: {  	_ =	shalt  }
0x61: {  	_ =	shalt  }
0x62: {  	_ =	shalt  }
0x63: {  	_ =	shalt  }
0x64: {  	_ =	shalt  }
0x65: {  	_ =	shalt  }
0x66: {  	_ =	shalt  }
0x67: {  	_ =	shalt  }
0x68: {  	_ =	shalt  }
0x69: {  	_ =	shalt  }
0x6a: {  	_ =	shalt  }
0x6b: {  	_ =	shalt  }
0x6c: {  	_ =	shalt  }
0x6d: {  	_ =	shalt  }
0x6e: {  	_ =	shalt  }
0x6f: {  	_ =	shalt  }
0x70: {  	_ =	shalt  }
0x71: {  	_ =	shalt  }
0x72: {  	_ =	shalt  }
0x73: {  	_ =	shalt  }
0x74: {  	_ =	shalt  }
0x75: {  	_ =	shalt  }
0x76: {  	_ =	shalt  }
0x77: {  	_ =	shalt  }
0x78: {  	_ =	shalt  }
0x79: {  	_ =	shalt  }
0x7a: {  	_ =	shalt  }
0x7b: {  	_ =	shalt  }
0x7c: {  	_ =	shalt  }
0x7d: {  	_ =	shalt  }
0x7e: {  	_ =	shalt  }
0x7f: {  	_ =	shalt  }
0x80: {  	_ =	shalt  }
0x81: {  	_ =	shalt  }
0x82: {  	_ =	shalt  }
0x83: {  	_ =	shalt  }
0x84: {  	_ =	shalt  }
0x85: {  	_ =	shalt  }
0x86: {  	_ =	shalt  }
0x87: {  	_ =	shalt  }
.Lfunc_end0:
.L_simem_size_0:
called_computation.8_lowered:
.L_overlay_start_0:
0x88: {  	s2 =	sld [smem:$0x3FD9]  }
0x89: {  	s3 =	sld [smem:$0x3FFE];
	_ =	sdelay $0x1  }
0x8a: {  	s1 =	srdreg.scid  }
0x8b: {  	s0 =	sand.u32 $0x1, s1  }
0x8c: {  	s17 =	sshll.u32 s0, $0xA;
	s2 =	sadd.s32 s3, s2  }
0x8d: {  	s2 =	sadd.s32 s2, s17  }
0x8e: {  	[smem:$0x3FBD] =	sst s2  }
0x8f: {  	_ = 	snop  }
0x90: {  	(tm) =	ssettm $0x1  }
0x91: {  	s18 =	sld [smem:$0x3FFB];
	_ =	sdelay $0x3  }
0x92: {  	_ =	strace s18  }
0x93: {  	s2 =	sld [smem:$0x3FFC];
	_ =	sdelay $0x3  }
0x94: {  	_ =	strace s2  }
0x95: {  	s2 =	sld [smem:$0x3FFD];
	_ =	sdelay $0x3  }
0x96: {  	_ =	strace s2  }
0x97: {  	_ =	strace $0x8FFFFFFF  }
0x98: {  	s19 =	sld [smem:$0x3FDB];
	_ =	sdelay $0x1  }
0x99: {  	s20 =	simm.s32 $_scs_section_size  }
0x9a: {  	s4 =	simm.s32 $_size__tile_overlayer_lowered;
	s5 =	simm.s32 $_tile_overlayer_lowered  }
0x9b: {  	s6 =	simm.s32 $0x1BFF;
	s21 =	sshll.u32 s5, $0x1;
	s3 =	sadd.s32 s20, s19  }
0x9c: {  	s22 =	simm.s32 $0x0;
	s4 =	sshll.u32 s4, $0x1;
	s5 =	sadd.s32 s21, s3  }
0x9d: {  	[timem:s22], [sflag:s6] =	dma.local [hbm:s5], s4  }
0x9e: {  	_ =	swait.ge [sflag:s6], s4  }
0x9f: {  	s4 =	ssub.s32 $0x0, s4;
	[sflag:s6] =	ssyncset.done $0x0  }
0xa0: {  	[sflag:s6] =	ssyncadd.s32 s4;
	_ =	sdelay $0x1  }
0xa1: {  	s23 =	simm.s32 $0x1B8B  }
0xa2: {  	_ =	swait.ge [sflag:s23], $0x1  }
0xa3: {  	[sflag:s23] =	ssyncset.done $0x0  }
0xa4: {  	[sflag:s23] =	ssyncadd.s32 $0xFFFFFFFF  }
0xa5: {  	s4 =	sld [smem:$0x0]  }
0xa6: {  	s5 =	sand.u32 $0xFFFFFFFE, s1  }
0xa7: {  	p0 =	sne.s32 s1, s5  }
0xa8: {  	s5 =	sshll.u32 @p0 s5, $0xE  }
0xa9: {  	s5 =	sadd.s32 @p0 $0x11B8D, s5;
	s6 =	sshll.u32 @p0 s4, $0x11  }
0xaa: {  	s5 =	sor.u32 @p0 s6, s5  }
0xab: {  	[sflag:s5] =	ssyncadd.remote.s32 @p0 $0x1;
	_ =	sdelay $0x1  }
0xac: {  	s5 =	simm.s32 @p0 $0x1B8D  }
0xad: {  	_ =	swait.eq @p0 [sflag:s5], $0x1  }
0xae: {  	[sflag:s5] =	ssyncadd.s32 @p0 $0xFFFFFFFF  }
0xaf: {  	s6 =	sshll.u32 @!p0 s1, $0xE  }
0xb0: {  	s6 =	sor.u32 @!p0 $0x4000, s6;
	s5 =	simm.s32 @!p0 $0x1B8D  }
0xb1: {  	s4 =	sshll.u32 @!p0 s4, $0x11;
	s6 =	sadd.s32 @!p0 $0x11B8D, s6;
	_ =	swait.eq @!p0 [sflag:s5], $0x1  }
0xb2: {  	s4 =	sor.u32 @!p0 s4, s6;
	[sflag:s5] =	ssyncadd.s32 @!p0 $0xFFFFFFFF  }
0xb3: {  	s25 =	simm.s32 $0x1B8E;
	s24 =	sld [smem:$0x3FFE];
	[sflag:s4] =	ssyncadd.remote.s32 @!p0 $0x1  }
0xb4: {  	s26 =	simm.s32 $execute0_lowered;
	[smem:$0x3FD2] =	sst s25  }
0xb5: {  	s5 =	sshll.u32 s26, $0x1;
	_ =	strace $0x80000058;
	[dreg:$0x1] =	wrdreg $0xFFFFFFFF  }
0xb6: {  	s28 =	simm.s32 $_size_execute0_lowered;
	s3 =	sadd.s32 s3, s5;
	[dreg:$0x0] =	wrdreg $0x0  }
0xb7: {  	s5 =	sshll.u32 s28, $0x1;
	[dreg:$0x2] =	wrdreg s3  }
0xb8: {  	[dreg:$0x3] =	wrdreg s5  }
0xb9: {  	[dreg:$0x4] =	wrdreg $0xC0  }
0xba: {  	_ =	task [dreg:s22], $0x5FFFF  }
0xbb: {  	[dreg:$0x1] =	wrdreg $0xFFFFFFFF  }
0xbc: {  	[dreg:$0x0] =	wrdreg $0x60  }
0xbd: {  	[dreg:$0x2] =	wrdreg s24  }
0xbe: {  	[dreg:$0x3] =	wrdreg $0x3CC00  }
0xbf: {  	[dreg:$0x4] =	wrdreg $0xC  }
0xc0: {  	_ =	task.clear_ibuf [dreg:s22], $0x5FFFF;
	_ =	strace $0x90000058  }
0xc1: {  	s29 =	simm.s32 $0xC;
	_ =	strace $0x8000005A  }
0xc2: {  	_ =	swait.ge [sflag:s29], $0x1  }
0xc3: {  	[sflag:s29] =	ssyncadd.s32 $0xFFFFFFFF  }
0xc4: {  	_ =	strace $0x9000005A  }
0xc5: {  	_ =	sfence  }
0xc6: {  	s30 =	sld [smem:$0x0];
	_ =	sdelay $0x2  }
0xc7: {  	s31 =	sshll.u32 s1, $0xD;
	s1 =	sshrl.u32 s1, $0x2  }
0xc8: {  	s4 =	sand.u32 $0x4000, s31;
	s1 =	sadd.s32 s1, s30  }
0xc9: {  	s0 =	sor.u32 s4, s0;
	s1 =	sshll.u32 s1, $0x11  }
0xca: {  	s0 =	sor.u32 s1, s0  }
0xcb: {  	s0 =	sadd.s32 $0x8F2B, s0  }
0xcc: {  	[sflag:s0] =	ssyncadd.remote.s32 $0x1  }
0xcd: {  	_ =	sfence.sel $0xFFFF  }
0xce: {  	[dreg:$0x0] =	wrdreg $0xFFFFFFFF;
	(pc) =	sbr.abs _section_cstart, $3  }
0xcf: {  	[dreg:$0x1] =	wrdreg $0xFFFFFFFF  }
0xd0: {  	_ =	task.clear_ibuf [dreg:s22], $0x2FFFF;
	_ =	strace $0x9FFFFFFF  }
0xd1: {  	(tm) =	ssettm $0x7FFFFFFF  }
tec
execute0_lowered:
.L_overlay_start_1:
0x0: {  	(tag) =	ssettag $0x1  }
0x1: {  	s7 =	rddreg [dreg:$0x0];
	s0 =	srdreg.scid  }
0x2: {  	s2 =	rddreg [dreg:$0x1];
	s1 =	stileid.u32  }
0x3: {  	s3 =	simm.s32 $0x0;
	s13 =	simm.s32 $0x190;
	s14 =	simm.s32 $0x50  }
0x4: {  	s15 =	simm.s32 $0x28F0;
	s16 =	simm.s32 $0x28A0;
	s17 =	simm.s32 $0x2940  }
0x5: {  	s8 =	sand.u32 $0x1, s0;
	s0 =	rddreg [dreg:$0x2];
	s9 =	smul.u32 $0xF000, s1  }
0x6: {  	[smem:$0x7FF] =	sst s3;
	s4 =	sadd.s32 $0xF0400, s7;
	s30 =	smul.u32 $0x3C000, s1  }
0x7: {  	s6 =	sadd.s32 $0x2AF400, s7;
	s11 =	sshll.u32 s1, $0x1;
	s5 =	smul.u32 $0xF0000, s8  }
0x8: {  	_ =	strace $0x80000059;
	s29 =	ssub.s32 $0x2, s8;
	s8 =	sor.u32 s8, s11  }
0x9: {  	s11 =	simm.s32 $0x30C0;
	s12 =	sshrl.u32 s29, $0x1;
	s18 =	sadd.s32 s9, s2  }
0xa: {  	s31 =	sshrl.u32 s30, $0x2;
	s10 =	sadd.s32 s9, s5;
	s5 =	sadd.s32 $0xE0400, s7  }
0xb: {  	s12 =	ssub.s32 s29, s12;
	s18 =	sshrl.u32 s18, $0x3;
	s10 =	sshrl.u32 s10, $0x3  }
0xc: {  	s9 =	smax.u32 s12, $0x1;
	s12 =	simm.s32 $0x1;
	s10 =	sadd.s32 s10, s7  }
0xd: {  	v0 =	vimm.f32 $0.0e+00;
	s7 =	smul.u32 $0xFA0, s8;
	s8 =	sadd.s32 $0x426400, s10;
	s10 =	sadd.s32 s31, s2  }
.LBB2_1:
0xe: {  	s19 =	simm.s32 $0x0  }
.LBB2_2:
0xf: {  	p0 =	sne.s32 s19, $0x2FA0  }
.Ltmp0:
0x10: {  	_ = 	snop;
	(pc) =	sbr.rel @p0 .LBB2_2-.Ltmp0, $4  }
0x11: {  	_ = 	snop  }
0x12: {  	s20 =	sshra.s32 s19, $0x2  }
0x13: {  	[tilespmem:s20+$0x30C0] =	vst v0  }
0x14: {  	s19 =	sadd.s32 $0x60, s19;
	[tilespmem:s20+$0x30C8] =	vst v0  }
0x15: {  	s19 =	sadd.s32 $0x0, s10  }
0x16: {  	[spmem:s19] =	stream.linear.scatter [tilespmem:s11], [sflag:$0x1], $0xC00, $0x38;
	[tilespmem:$0x12CC0] =	vst v63  }
0x17: {  	s19 =	simm.s32 $0x3000;
	_ =	swait.ge [sflag:s12], $0xC00  }
.LBB2_4:
0x18: {  	s20 =	sshra.s32 s19, $0x2;
	[sflag:s12] =	ssyncset.done $0x0;
	p0 =	sne.s32 s19, $0x39000  }
.Ltmp1:
0x19: {  	s20 =	sadd.s32 s20, s10;
	[sflag:s12] =	ssyncadd.s32 $0xFFFFF400;
	(pc) =	sbr.rel @p0 .LBB2_4-.Ltmp1, $3  }
0x1a: {  	[spmem:s20] =	stream.linear.scatter [tilespmem:s11], [sflag:$0x1], $0xC00, $0x38;
	[tilespmem:$0x12CC0] =	vst v63  }
0x1b: {  	s19 =	sadd.s32 $0x3000, s19;
	_ =	sdelay $0x1  }
0x1c: {  	_ =	swait.ge [sflag:s12], $0xC00  }
0x1d: {  	[sflag:s12] =	ssyncset.done $0x0  }
0x1e: {  	[sflag:s12] =	ssyncadd.s32 $0xFFFFF400  }
0x1f: {  	s19 =	simm.s32 $0x0;
	s20 =	simm.s32 $0x0;
	[bflag:$0x0] =	sbarrier.arrive $0xFFFF  }
.LBB2_6:
0x20: {  	s21 =	smul.u32 $0x190, s20;
	_ =	sdelay $0x1  }
0x21: {  	s21 =	sadd.s32 s7, s21  }
0x22: {  	s22 =	sshrl.u32 s21, $0x3  }
0x23: {  	s23 =	sadd.s32 s4, s22  }
0x24: {  	[tilespmem:s19], [sflag:$0x1] =	stream.linear.gather [hbm4b:s23+s19], $0x190, $0x38;
	[tilespmem:$0x12CC0] =	vst v63  }
0x25: {  	_ =	swait.ge [sflag:s12], $0x190  }
0x26: {  	[sflag:s12] =	ssyncset.done $0x0  }
0x27: {  	s22 =	sadd.s32 s5, s22;
	[sflag:s12] =	ssyncadd.s32 $0xFFFFFE70  }
0x28: {  	[tilespmem:s13], [sflag:$0x1] =	stream.linear.gather [hbm4b:s22+s19], $0x190, $0x38;
	[tilespmem:$0x12CC0] =	vst v63  }
0x29: {  	_ =	swait.ge [sflag:s12], $0x190  }
0x2a: {  	[sflag:s12] =	ssyncset.done $0x0  }
0x2b: {  	s22 =	simm.s32 $0x0;
	[sflag:s12] =	ssyncadd.s32 $0xFFFFFE70  }
.LBB2_7:
0x2c: {  	s23 =	smul.u32 $0x1F400, s22;
	_ =	sdelay $0x1  }
0x2d: {  	s23 =	sadd.s32 s21, s23  }
0x2e: {  	s23 =	smul.u32 $0x3, s23;
	_ =	sdelay $0x1  }
0x2f: {  	s24 =	simm.s32 $0x320;
	s25 =	sadd.s32 s6, s23;
	s23 =	simm.s32 $0x0  }
0x30: {  	[tilespmem:s24], [sflag:$0x1] =	stream.linear.gather [hbm4b:s25+s23], $0x2580, $0x38;
	[tilespmem:$0x12CC0] =	vst v63  }
0x31: {  	s31 =	smul.u32 $0x2710, s22;
	_ =	swait.ge [sflag:s12], $0x2580  }
0x32: {  	[sflag:s12] =	ssyncset.done $0x0  }
0x33: {  	v1 =	vmov s31;
	[sflag:s12] =	ssyncadd.s32 $0xFFFFDA80  }
.LBB2_8:
0x34: {  	s25 =	smul.u32 $0x50, s23;
	_ =	sdelay $0x1  }
0x35: {  	v2 =	vld [tilespmem:s25+$0x0];
	_ =	sdelay $0x4  }
0x36: {  	v2 =	vadd.s32 v1, v2  }
0x37: {  	[tilespmem:$0x28A0] =	vst v2  }
0x38: {  	v2 =	vld [tilespmem:s25+$0x190];
	_ =	sdelay $0x4  }
0x39: {  	v2 =	vadd.s32 v1, v2  }
0x3a: {  	[tilespmem:$0x28F0] =	vst v2  }
0x3b: {  	v2 =	vld [tilespmem:s25+$0x10];
	_ =	sdelay $0x4  }
0x3c: {  	v2 =	vadd.s32 v1, v2  }
0x3d: {  	[tilespmem:$0x28B0] =	vst v2  }
0x3e: {  	v2 =	vld [tilespmem:s25+$0x1A0];
	_ =	sdelay $0x4  }
0x3f: {  	v2 =	vadd.s32 v1, v2  }
0x40: {  	[tilespmem:$0x2900] =	vst v2  }
0x41: {  	v2 =	vld [tilespmem:s25+$0x20];
	_ =	sdelay $0x4  }
0x42: {  	v2 =	vadd.s32 v1, v2  }
0x43: {  	[tilespmem:$0x28C0] =	vst v2  }
0x44: {  	v2 =	vld [tilespmem:s25+$0x1B0];
	_ =	sdelay $0x4  }
0x45: {  	v2 =	vadd.s32 v1, v2  }
0x46: {  	[tilespmem:$0x2910] =	vst v2  }
0x47: {  	v2 =	vld [tilespmem:s25+$0x30];
	_ =	sdelay $0x4  }
0x48: {  	v2 =	vadd.s32 v1, v2  }
0x49: {  	[tilespmem:$0x28D0] =	vst v2  }
0x4a: {  	v2 =	vld [tilespmem:s25+$0x1C0];
	_ =	sdelay $0x4  }
0x4b: {  	v2 =	vadd.s32 v1, v2  }
0x4c: {  	[tilespmem:$0x2920] =	vst v2  }
0x4d: {  	v2 =	vld [tilespmem:s25+$0x40];
	_ =	sdelay $0x4  }
0x4e: {  	v2 =	vadd.s32 v1, v2  }
0x4f: {  	[tilespmem:$0x28E0] =	vst v2  }
0x50: {  	v3 =	vld [tilespmem:s25+$0x1D0];
	_ =	sdelay $0x1  }
0x51: {  	v2 =	vmov s24;
	_ =	sdelay $0x2  }
0x52: {  	v3 =	vadd.s32 v1, v3  }
0x53: {  	s25 =	simm.s32 $0x0;
	[tilespmem:$0x2930] =	vst v3  }
0x54: {  	v3 =	vld.idx.msk [tilespmem:v2+s25+$0x0 ss:$0x1], $0xffff;
	_ =	sdelay $0x4  }
0x55: {  	v3 =	vsub.f32 $0.0e+00, v3;
	_ =	sdelay $0x1  }
0x56: {  	[tilespmem:s25+$0x2940] =	vst v3  }
0x57: {  	v3 =	vld.idx.msk [tilespmem:v2+s25+$0x8 ss:$0x1], $0xffff;
	_ =	sdelay $0x4  }
0x58: {  	s26 =	simm.s32 $0x60;
	s28 =	simm.s32 $0xC0;
	v3 =	vsub.f32 $0.0e+00, v3  }
.LBB2_9:
0x59: {  	p0 =	sne.s32 s28, $0x1DA0  }
0x5a: {  	[tilespmem:s25+$0x2948] =	vst v3;
	s25 =	sshra.s32 s26, $0x2;
	s26 =	smov.u32 s28;
	s28 =	sadd.s32 $0x60, s28  }
0x5b: {  	v3 =	vld.idx.msk [tilespmem:v2+s25+$0x0 ss:$0x1], $0xffff;
	_ =	sdelay $0x5  }
0x5c: {  	v3 =	vsub.f32 $0.0e+00, v3;
	_ =	sdelay $0x1  }
0x5d: {  	[tilespmem:s25+$0x2940] =	vst v3  }
0x5e: {  	v3 =	vld.idx.msk [tilespmem:v2+s25+$0x8 ss:$0x1], $0xffff;
	_ =	sdelay $0x1  }
.Ltmp2:
0x5f: {  	(pc) =	sbr.rel @p0 .LBB2_9-.Ltmp2, $2  }
0x60: {  	_ =	sdelay $0x2  }
0x61: {  	v3 =	vsub.f32 $0.0e+00, v3  }
0x62: {  	_ =	sdelay $0x2  }
0x63: {  	s26 =	sshra.s32 s26, $0x2;
	[tilespmem:s25+$0x2948] =	vst v3  }
0x64: {  	v3 =	vld.idx.msk [tilespmem:v2+s26+$0x0 ss:$0x1], $0xffff;
	_ =	sdelay $0x4  }
0x65: {  	v3 =	vsub.f32 $0.0e+00, v3;
	_ =	sdelay $0x1  }
0x66: {  	[tilespmem:s26+$0x2940] =	vst v3  }
0x67: {  	v2 =	vld.idx.msk [tilespmem:v2+s26+$0x8 ss:$0x1], $0xffff;
	_ =	sdelay $0x3  }
0x68: {  	s31 =	smul.u32 $0x1E00, s23  }
0x69: {  	v2 =	vsub.f32 $0.0e+00, v2  }
0x6a: {  	s25 =	sshra.s32 s31, $0x2  }
0x6b: {  	s25 =	sadd.s32 $0x320, s25;
	[tilespmem:s26+$0x2948] =	vst v2  }
0x6c: {  	[spmem:s2] =	stream.indirect.scatter.add.f32 [tilespmem:s25], [sflag:$0x1], $0x18, s15, s14, $0xb8;
	[tilespmem:$0x12CC0] =	vst v63  }
0x6d: {  	s23 =	sadd.s32 $0x1, s23;
	_ =	swait.ge [sflag:s12], $0x780  }
0x6e: {  	p0 =	sne.s32 s23, $0x5;
	[sflag:s12] =	ssyncset.done $0x0  }
.Ltmp3:
0x6f: {  	[sflag:s12] =	ssyncadd.s32 $0xFFFFF880;
	(pc) =	sbr.rel @p0 .LBB2_8-.Ltmp3, $4  }
0x70: {  	[spmem:s2] =	stream.indirect.scatter.add.f32 [tilespmem:s17], [sflag:$0x1], $0x18, s16, s14, $0xb8;
	[tilespmem:$0x12CC0] =	vst v63  }
0x71: {  	_ =	swait.ge [sflag:s12], $0x780  }
0x72: {  	[sflag:s12] =	ssyncset.done $0x0  }
0x73: {  	s24 =	sadd.s32 $0x780, s24;
	[sflag:s12] =	ssyncadd.s32 $0xFFFFF880  }
0x74: {  	s22 =	sadd.s32 $0x1, s22  }
0x75: {  	p0 =	sne.s32 s22, $0x4  }
.Ltmp4:
0x76: {  	_ = 	snop;
	(pc) =	sbr.rel @p0 .LBB2_7-.Ltmp4, $1  }
0x77: {  	_ =	sdelay $0x3  }
0x78: {  	s20 =	sadd.s32 $0x1, s20  }
0x79: {  	p0 =	sne.s32 s20, $0xA  }
.Ltmp5:
0x7a: {  	_ = 	snop;
	(pc) =	sbr.rel @p0 .LBB2_6-.Ltmp5, $1  }
0x7b: {  	_ =	sdelay $0x3  }
0x7c: {  	s3 =	sadd.s32 $0x1, s3  }
0x7d: {  	s19 =	sshll.u32 s1, $0x6;
	p0 =	sne.s32 s3, s9  }
.Ltmp6:
0x7e: {  	[bflag:$0x0] =	sbarrier.arrive $0xFFFF;
	s19 =	sor.u32 $0x1C01, s19;
	(pc) =	sbr.rel @p0 .LBB2_1-.Ltmp6, $4  }
0x7f: {  	[hbm:s8], [sflag:s19] =	dma.local [spmem:s18], $0x1E00  }
0x80: {  	_ =	swait.ge [sflag:s12], $0x1E00  }
0x81: {  	[sflag:s12] =	ssyncset.done $0x0  }
0x82: {  	[sflag:s12] =	ssyncadd.s32 $0xFFFFE200  }
0x83: {  	_ =	sfence.sel $0x180000  }
0x84: {  	[bflag:$0x0] =	sbarrier.arrive $0xFFFF  }
0x85: {  	p0 =	sne.s32 s1, $0x0;
	_ =	strace $0x90000059  }
0x86: {  	s0 =	sadd.s32 @!p0 $0x100000, s0;
	[bflag:$0x2] =	sbarrier.arrive $0xFFFF  }
0x87: {  	[sflag:s0] =	ssyncadd.tile.s32 @!p0 $0x1;
	_ =	shalt  }
.Lfunc_end2:
_tile_overlayer_lowered:
.L_overlay_start_2:
0x88: {  	(tag) =	ssettag $0x2  }
0x89: {  	s0 =	rddreg [dreg:$0x0];
	s2 =	stileid.u32  }
0x8a: {  	s1 =	rddreg [dreg:$0x1];
	p0 =	sne.s32 s2, $0x0  }
0x8b: {  	s3 =	rddreg [dreg:$0x2];
	[bflag:$0x3] =	sbarrier.arrive $0xFFFF;
	s2 =	simm.s32 @!p0 $0x1C01  }
0x8c: {  	[timem:s3], [sflag:s2] =	dma.local @!p0 [hbm:s0], s1  }
0x8d: {  	s0 =	simm.s32 @!p0 $0x1  }
0x8e: {  	_ =	swait.ge @!p0 [sflag:s0], s1  }
0x8f: {  	s1 =	ssub.s32 @!p0 $0x0, s1;
	[sflag:s0] =	ssyncset.done @!p0 $0x0  }
0x90: {  	[sflag:s0] =	ssyncadd.s32 @!p0 s1  }
0x91: {  	[bflag:$0x3] =	sbarrier.arrive $0xFFFF  }
0x92: {  	_ =	shalt  }

// kernel: kernel.47.cloned.1.call-start
scs
__scs_entry_jumppad:
0x0: {  	(pc) =	sbr.rel $0x88, $3  }
0x1: {  	(tag) =	ssettag $0x0;
	lr =	simm.s32 $0x1  }
0x2: {  	[smem:$0x3F96] =	sst lr;
	_ =	strace $0xD0000000  }
0x3: {  	_ = 	snop  }
0x4: {  	_ = 	snop  }
0x5: {  	_ = 	snop  }
0x6: {  	_ = 	snop  }
0x7: {  	_ = 	snop  }
__scs_overlays_trampoline_lowered:
0x8: {  	[smem:$0x3FA5] =	sst s0  }
0x9: {  	[smem:$0x3FA6] =	sst s1  }
0xa: {  	[smem:$0x3FA7] =	sst s2  }
0xb: {  	[smem:$0x3FA8] =	sst s3  }
0xc: {  	[smem:$0x3FA9] =	sst s4  }
0xd: {  	[smem:$0x3FAA] =	sst s5  }
0xe: {  	[smem:$0x3FAB] =	sst s6  }
0xf: {  	[smem:$0x3FAC] =	sst s7  }
0x10: {  	[smem:$0x3FAD] =	sst s8  }
0x11: {  	[smem:$0x3FAE] =	sst s9;
	s0 =	simm.s32 @!p0 $0x0  }
0x12: {  	s1 =	sld [smem:$0x3F94];
	s0 =	simm.s32 @p0 $0x1  }
0x13: {  	[smem:$0x3FAF] =	sst s0;
	s0 =	simm.s32 @!p1 $0x0  }
0x14: {  	s2 =	sld [smem:$0x3F93];
	s0 =	simm.s32 @p1 $0x1  }
0x15: {  	[smem:$0x3FB0] =	sst s0;
	s0 =	simm.s32 @!p2 $0x0  }
0x16: {  	s3 =	sld [smem:$0x3FDB];
	s0 =	simm.s32 @p2 $0x1  }
0x17: {  	s4 =	simm.s32 $0x1BF5;
	[smem:$0x3FB2] =	sst s0  }
0x18: {  	s0 =	sld [smem:$0x3F95];
	_ =	swait.ge [sflag:s4], $0x0  }
0x19: {  	s7 =	sld [smem:$0x3F96]  }
0x1a: {  	s8 =	sadd.s32 $0xFFFFE003, lr  }
0x1b: {  	s9 =	sadd.s32 $0xFFFFFEF7, lr;
	s5 =	simm.s32 $0xFFFFFFFF;
	p2 =	slt.u32 s8, $0xFFFFF086  }
0x1c: {  	p1 =	slt.u32 s9, $0xF7A;
	s5 =	simm.s32 @!p2 $0x0  }
0x1d: {  	s5 =	simm.s32 @p1 $0x1;
	p0 =	seq.s32 s7, s2  }
0x1e: {  	s7 =	smul.u32 @!p0 $0xF7A, s2;
	p2 =	seq.s32 @!p0 s5, $0x0  }
0x1f: {  	s9 =	smul.u32 $0xF7A, s1;
	s8 =	simm.s32 @!p0 $0x1BF5;
	p2 =	por !p2, p0  }
0x20: {  	[sflag:s8] =	ssyncset.s32 @!p0 $0xFFFFF086;
	s6 =	sadd.s32 @!p0 s3, s7;
	s7 =	simm.s32 @!p0 $0x108  }
0x21: {  	s3 =	sadd.s32 s3, s9;
	s6 =	sadd.s32 @!p0 $0x88, s6;
	s7 =	simm.s32 @p2 $0x1082  }
0x22: {  	[simem:s7], [sflag:s8] =	dma.local @!p0 [hbm:s6], $0xF7A  }
0x23: {  	s9 =	sor.u32 $0xD0000000, s2;
	s6 =	simm.s32 $0x108;
	_ =	swait.ge @!p0 [sflag:s8], $0x0  }
0x24: {  	s3 =	sadd.s32 $0x88, s3;
	s6 =	simm.s32 @!p1 $0x1082;
	[sflag:s4] =	ssyncset.s32 $0xFFFFF086  }
0x25: {  	[simem:s6], [sflag:s4] =	dma.local [hbm:s3], $0xF7A  }
0x26: {  	[smem:$0x3F96] =	sst s1;
	(tag) =	ssettag s2;
	_ =	strace s9  }
0x27: {  	s1 =	sld [smem:$0x3FA6]  }
0x28: {  	s2 =	sld [smem:$0x3FA7]  }
0x29: {  	s4 =	sld [smem:$0x3FA9]  }
0x2a: {  	p0 =	seq.s32 s5, $0x0;
	s5 =	sld [smem:$0x3FAA]  }
0x2b: {  	s6 =	sld [smem:$0x3FAB]  }
0x2c: {  	s7 =	sld [smem:$0x3FAC]  }
0x2d: {  	s3 =	simm.s32 $0x108;
	s8 =	sld [smem:$0x3FAD]  }
0x2e: {  	s3 =	simm.s32 @!p0 $0x1082;
	s9 =	sld [smem:$0x3FAE]  }
0x2f: {  	lr =	sadd.s32 s0, s3;
	s0 =	sld [smem:$0x3FA5]  }
0x30: {  	s3 =	sld [smem:$0x3FA8]  }
0x31: {  	[smem:$0x3FB1] =	sst s10  }
0x32: {  	s10 =	sld [smem:$0x3FAF];
	_ =	sdelay $0x3  }
0x33: {  	p0 =	seq.s32 s10, $0x1;
	s10 =	sld [smem:$0x3FB1];
	_ =	sdelay $0x3  }
0x34: {  	[smem:$0x3FB1] =	sst s10  }
0x35: {  	s10 =	sld [smem:$0x3FB0];
	_ =	sdelay $0x3  }
0x36: {  	p1 =	seq.s32 s10, $0x1;
	s10 =	sld [smem:$0x3FB1];
	_ =	sdelay $0x3  }
0x37: {  	[smem:$0x3FB1] =	sst s10  }
0x38: {  	s10 =	sld [smem:$0x3FB2]  }
0x39: {  	_ = 	snop;
	(pc) =	sbr.ind lr, $3  }
0x3a: {  	_ = 	snop  }
0x3b: {  	_ = 	snop  }
0x3c: {  	p2 =	seq.s32 s10, $0x1;
	s10 =	sld [smem:$0x3FB1]  }
0x3d: {  	_ =	shalt  }
0x3e: {  	_ =	shalt  }
0x3f: {  	_ =	shalt  }
0x40: {  	_ =	shalt  }
0x41: {  	_ =	shalt  }
0x42: {  	_ =	shalt  }
0x43: {  	_ =	shalt  }
0x44: {  	_ =	shalt  }
0x45: {  	_ =	shalt  }
0x46: {  	_ =	shalt  }
0x47: {  	_ =	shalt  }
0x48: {  	_ =	shalt  }
0x49: {  	_ =	shalt  }
0x4a: {  	_ =	shalt  }
0x4b: {  	_ =	shalt  }
0x4c: {  	_ =	shalt  }
0x4d: {  	_ =	shalt  }
0x4e: {  	_ =	shalt  }
0x4f: {  	_ =	shalt  }
0x50: {  	_ =	shalt  }
0x51: {  	_ =	shalt  }
0x52: {  	_ =	shalt  }
0x53: {  	_ =	shalt  }
0x54: {  	_ =	shalt  }
0x55: {  	_ =	shalt  }
0x56: {  	_ =	shalt  }
0x57: {  	_ =	shalt  }
0x58: {  	_ =	shalt  }
0x59: {  	_ =	shalt  }
0x5a: {  	_ =	shalt  }
0x5b: {  	_ =	shalt  }
0x5c: {  	_ =	shalt  }
0x5d: {  	_ =	shalt  }
0x5e: {  	_ =	shalt  }
0x5f: {  	_ =	shalt  }
0x60: {  	_ =	shalt  }
0x61: {  	_ =	shalt  }
0x62: {  	_ =	shalt  }
0x63: {  	_ =	shalt  }
0x64: {  	_ =	shalt  }
0x65: {  	_ =	shalt  }
0x66: {  	_ =	shalt  }
0x67: {  	_ =	shalt  }
0x68: {  	_ =	shalt  }
0x69: {  	_ =	shalt  }
0x6a: {  	_ =	shalt  }
0x6b: {  	_ =	shalt  }
0x6c: {  	_ =	shalt  }
0x6d: {  	_ =	shalt  }
0x6e: {  	_ =	shalt  }
0x6f: {  	_ =	shalt  }
0x70: {  	_ =	shalt  }
0x71: {  	_ =	shalt  }
0x72: {  	_ =	shalt  }
0x73: {  	_ =	shalt  }
0x74: {  	_ =	shalt  }
0x75: {  	_ =	shalt  }
0x76: {  	_ =	shalt  }
0x77: {  	_ =	shalt  }
0x78: {  	_ =	shalt  }
0x79: {  	_ =	shalt  }
0x7a: {  	_ =	shalt  }
0x7b: {  	_ =	shalt  }
0x7c: {  	_ =	shalt  }
0x7d: {  	_ =	shalt  }
0x7e: {  	_ =	shalt  }
0x7f: {  	_ =	shalt  }
0x80: {  	_ =	shalt  }
0x81: {  	_ =	shalt  }
0x82: {  	_ =	shalt  }
0x83: {  	_ =	shalt  }
0x84: {  	_ =	shalt  }
0x85: {  	_ =	shalt  }
0x86: {  	_ =	shalt  }
0x87: {  	_ =	shalt  }
.Lfunc_end0:
.L_simem_size_0:
called_computation.9_lowered:
.L_overlay_start_0:
0x88: {  	s2 =	sld [smem:$0x3FD9]  }
0x89: {  	s3 =	sld [smem:$0x3FFE];
	_ =	sdelay $0x1  }
0x8a: {  	s1 =	srdreg.scid  }
0x8b: {  	s0 =	sand.u32 $0x1, s1  }
0x8c: {  	s17 =	sshll.u32 s0, $0xA;
	s2 =	sadd.s32 s3, s2  }
0x8d: {  	s2 =	sadd.s32 s2, s17  }
0x8e: {  	[smem:$0x3FBD] =	sst s2  }
0x8f: {  	_ = 	snop  }
0x90: {  	(tm) =	ssettm $0x1  }
0x91: {  	s18 =	sld [smem:$0x3FFB];
	_ =	sdelay $0x3  }
0x92: {  	_ =	strace s18  }
0x93: {  	s2 =	sld [smem:$0x3FFC];
	_ =	sdelay $0x3  }
0x94: {  	_ =	strace s2  }
0x95: {  	s2 =	sld [smem:$0x3FFD];
	_ =	sdelay $0x3  }
0x96: {  	_ =	strace s2  }
0x97: {  	_ =	strace $0x8FFFFFFF  }
0x98: {  	s19 =	sld [smem:$0x3FDB];
	_ =	sdelay $0x1  }
0x99: {  	s20 =	simm.s32 $_scs_section_size  }
0x9a: {  	s4 =	simm.s32 $_size__tile_overlayer_lowered;
	s5 =	simm.s32 $_tile_overlayer_lowered  }
0x9b: {  	s6 =	simm.s32 $0x1BFF;
	s21 =	sshll.u32 s5, $0x1;
	s3 =	sadd.s32 s20, s19  }
0x9c: {  	s22 =	simm.s32 $0x0;
	s4 =	sshll.u32 s4, $0x1;
	s5 =	sadd.s32 s21, s3  }
0x9d: {  	[timem:s22], [sflag:s6] =	dma.local [hbm:s5], s4  }
0x9e: {  	_ =	swait.ge [sflag:s6], s4  }
0x9f: {  	s4 =	ssub.s32 $0x0, s4;
	[sflag:s6] =	ssyncset.done $0x0  }
0xa0: {  	[sflag:s6] =	ssyncadd.s32 s4;
	_ =	sdelay $0x1  }
0xa1: {  	s23 =	simm.s32 $0x1B8B  }
0xa2: {  	_ =	swait.ge [sflag:s23], $0x1  }
0xa3: {  	[sflag:s23] =	ssyncset.done $0x0  }
0xa4: {  	[sflag:s23] =	ssyncadd.s32 $0xFFFFFFFF  }
0xa5: {  	s4 =	sld [smem:$0x0]  }
0xa6: {  	s5 =	sand.u32 $0xFFFFFFFE, s1  }
0xa7: {  	p0 =	sne.s32 s1, s5  }
0xa8: {  	s5 =	sshll.u32 @p0 s5, $0xE  }
0xa9: {  	s5 =	sadd.s32 @p0 $0x11B8D, s5;
	s6 =	sshll.u32 @p0 s4, $0x11  }
0xaa: {  	s5 =	sor.u32 @p0 s6, s5  }
0xab: {  	[sflag:s5] =	ssyncadd.remote.s32 @p0 $0x1;
	_ =	sdelay $0x1  }
0xac: {  	s5 =	simm.s32 @p0 $0x1B8D  }
0xad: {  	_ =	swait.eq @p0 [sflag:s5], $0x1  }
0xae: {  	[sflag:s5] =	ssyncadd.s32 @p0 $0xFFFFFFFF  }
0xaf: {  	s6 =	sshll.u32 @!p0 s1, $0xE  }
0xb0: {  	s6 =	sor.u32 @!p0 $0x4000, s6;
	s5 =	simm.s32 @!p0 $0x1B8D  }
0xb1: {  	s4 =	sshll.u32 @!p0 s4, $0x11;
	s6 =	sadd.s32 @!p0 $0x11B8D, s6;
	_ =	swait.eq @!p0 [sflag:s5], $0x1  }
0xb2: {  	s4 =	sor.u32 @!p0 s4, s6;
	[sflag:s5] =	ssyncadd.s32 @!p0 $0xFFFFFFFF  }
0xb3: {  	s25 =	simm.s32 $0x1B8E;
	s24 =	sld [smem:$0x3FFE];
	[sflag:s4] =	ssyncadd.remote.s32 @!p0 $0x1  }
0xb4: {  	s26 =	simm.s32 $execute0_lowered;
	[smem:$0x3FD2] =	sst s25  }
0xb5: {  	s5 =	sshll.u32 s26, $0x1;
	_ =	strace $0x80000055;
	[dreg:$0x1] =	wrdreg $0xFFFFFFFF  }
0xb6: {  	s28 =	simm.s32 $_size_execute0_lowered;
	s3 =	sadd.s32 s3, s5;
	[dreg:$0x0] =	wrdreg $0x0  }
0xb7: {  	s5 =	sshll.u32 s28, $0x1;
	[dreg:$0x2] =	wrdreg s3  }
0xb8: {  	[dreg:$0x3] =	wrdreg s5  }
0xb9: {  	[dreg:$0x4] =	wrdreg $0xC0  }
0xba: {  	_ =	task [dreg:s22], $0x5FFFF  }
0xbb: {  	[dreg:$0x1] =	wrdreg $0xFFFFFFFF  }
0xbc: {  	[dreg:$0x0] =	wrdreg $0x60  }
0xbd: {  	[dreg:$0x2] =	wrdreg s24  }
0xbe: {  	[dreg:$0x3] =	wrdreg $0x3CC00  }
0xbf: {  	[dreg:$0x4] =	wrdreg $0xA  }
0xc0: {  	_ =	task.clear_ibuf [dreg:s22], $0x5FFFF;
	_ =	strace $0x90000055  }
0xc1: {  	s29 =	simm.s32 $0xA;
	_ =	strace $0x80000057  }
0xc2: {  	_ =	swait.ge [sflag:s29], $0x1  }
0xc3: {  	[sflag:s29] =	ssyncadd.s32 $0xFFFFFFFF  }
0xc4: {  	_ =	strace $0x90000057  }
0xc5: {  	_ =	sfence  }
0xc6: {  	s30 =	sld [smem:$0x0];
	_ =	sdelay $0x2  }
0xc7: {  	s31 =	sshll.u32 s1, $0xD;
	s1 =	sshrl.u32 s1, $0x2  }
0xc8: {  	s4 =	sand.u32 $0x4000, s31;
	s1 =	sadd.s32 s1, s30  }
0xc9: {  	s0 =	sor.u32 s4, s0;
	s1 =	sshll.u32 s1, $0x11  }
0xca: {  	s0 =	sor.u32 s1, s0  }
0xcb: {  	s0 =	sadd.s32 $0x8F2B, s0  }
0xcc: {  	[sflag:s0] =	ssyncadd.remote.s32 $0x1  }
0xcd: {  	_ =	sfence.sel $0xFFFF  }
0xce: {  	[dreg:$0x0] =	wrdreg $0xFFFFFFFF;
	(pc) =	sbr.abs _section_cstart, $3  }
0xcf: {  	[dreg:$0x1] =	wrdreg $0xFFFFFFFF  }
0xd0: {  	_ =	task.clear_ibuf [dreg:s22], $0x2FFFF;
	_ =	strace $0x9FFFFFFF  }
0xd1: {  	(tm) =	ssettm $0x7FFFFFFF  }
tec
execute0_lowered:
.L_overlay_start_1:
0x0: {  	(tag) =	ssettag $0x1  }
0x1: {  	s7 =	rddreg [dreg:$0x0];
	s0 =	srdreg.scid  }
0x2: {  	s2 =	rddreg [dreg:$0x1];
	s1 =	stileid.u32  }
0x3: {  	s3 =	simm.s32 $0x0;
	s13 =	simm.s32 $0x190;
	s14 =	simm.s32 $0x50  }
0x4: {  	s15 =	simm.s32 $0x28F0;
	s16 =	simm.s32 $0x28A0;
	s17 =	simm.s32 $0x2940  }
0x5: {  	s8 =	sand.u32 $0x1, s0;
	s0 =	rddreg [dreg:$0x2];
	s9 =	smul.u32 $0xF000, s1  }
0x6: {  	[smem:$0x7FF] =	sst s3;
	s4 =	sadd.s32 $0xEC400, s7;
	s30 =	smul.u32 $0x3C000, s1  }
0x7: {  	s6 =	sadd.s32 $0xFC400, s7;
	s11 =	sshll.u32 s1, $0x1;
	s5 =	smul.u32 $0xF0000, s8  }
0x8: {  	_ =	strace $0x80000056;
	s29 =	ssub.s32 $0x2, s8;
	s8 =	sor.u32 s8, s11  }
0x9: {  	s11 =	simm.s32 $0x30C0;
	s12 =	sshrl.u32 s29, $0x1;
	s18 =	sadd.s32 s9, s2  }
0xa: {  	s31 =	sshrl.u32 s30, $0x2;
	s10 =	sadd.s32 s9, s5;
	s5 =	sadd.s32 $0xDC400, s7  }
0xb: {  	s12 =	ssub.s32 s29, s12;
	s18 =	sshrl.u32 s18, $0x3;
	s10 =	sshrl.u32 s10, $0x3  }
0xc: {  	s9 =	smax.u32 s12, $0x1;
	s12 =	simm.s32 $0x1;
	s10 =	sadd.s32 s10, s7  }
0xd: {  	v0 =	vimm.f32 $0.0e+00;
	s7 =	smul.u32 $0xFA0, s8;
	s8 =	sadd.s32 $0x273400, s10;
	s10 =	sadd.s32 s31, s2  }
.LBB2_1:
0xe: {  	s19 =	simm.s32 $0x0  }
.LBB2_2:
0xf: {  	p0 =	sne.s32 s19, $0x2FA0  }
.Ltmp0:
0x10: {  	_ = 	snop;
	(pc) =	sbr.rel @p0 .LBB2_2-.Ltmp0, $4  }
0x11: {  	_ = 	snop  }
0x12: {  	s20 =	sshra.s32 s19, $0x2  }
0x13: {  	[tilespmem:s20+$0x30C0] =	vst v0  }
0x14: {  	s19 =	sadd.s32 $0x60, s19;
	[tilespmem:s20+$0x30C8] =	vst v0  }
0x15: {  	s19 =	sadd.s32 $0x0, s10  }
0x16: {  	[spmem:s19] =	stream.linear.scatter [tilespmem:s11], [sflag:$0x1], $0xC00, $0x38;
	[tilespmem:$0x12CC0] =	vst v63  }
0x17: {  	s19 =	simm.s32 $0x3000;
	_ =	swait.ge [sflag:s12], $0xC00  }
.LBB2_4:
0x18: {  	s20 =	sshra.s32 s19, $0x2;
	[sflag:s12] =	ssyncset.done $0x0;
	p0 =	sne.s32 s19, $0x39000  }
.Ltmp1:
0x19: {  	s20 =	sadd.s32 s20, s10;
	[sflag:s12] =	ssyncadd.s32 $0xFFFFF400;
	(pc) =	sbr.rel @p0 .LBB2_4-.Ltmp1, $3  }
0x1a: {  	[spmem:s20] =	stream.linear.scatter [tilespmem:s11], [sflag:$0x1], $0xC00, $0x38;
	[tilespmem:$0x12CC0] =	vst v63  }
0x1b: {  	s19 =	sadd.s32 $0x3000, s19;
	_ =	sdelay $0x1  }
0x1c: {  	_ =	swait.ge [sflag:s12], $0xC00  }
0x1d: {  	[sflag:s12] =	ssyncset.done $0x0  }
0x1e: {  	[sflag:s12] =	ssyncadd.s32 $0xFFFFF400  }
0x1f: {  	s19 =	simm.s32 $0x0;
	s20 =	simm.s32 $0x0;
	[bflag:$0x0] =	sbarrier.arrive $0xFFFF  }
.LBB2_6:
0x20: {  	s21 =	smul.u32 $0x190, s20;
	_ =	sdelay $0x1  }
0x21: {  	s21 =	sadd.s32 s7, s21  }
0x22: {  	s22 =	sshrl.u32 s21, $0x3  }
0x23: {  	s23 =	sadd.s32 s4, s22  }
0x24: {  	[tilespmem:s19], [sflag:$0x1] =	stream.linear.gather [hbm4b:s23+s19], $0x190, $0x38;
	[tilespmem:$0x12CC0] =	vst v63  }
0x25: {  	_ =	swait.ge [sflag:s12], $0x190  }
0x26: {  	[sflag:s12] =	ssyncset.done $0x0  }
0x27: {  	s22 =	sadd.s32 s5, s22;
	[sflag:s12] =	ssyncadd.s32 $0xFFFFFE70  }
0x28: {  	[tilespmem:s13], [sflag:$0x1] =	stream.linear.gather [hbm4b:s22+s19], $0x190, $0x38;
	[tilespmem:$0x12CC0] =	vst v63  }
0x29: {  	_ =	swait.ge [sflag:s12], $0x190  }
0x2a: {  	[sflag:s12] =	ssyncset.done $0x0  }
0x2b: {  	s22 =	simm.s32 $0x0;
	[sflag:s12] =	ssyncadd.s32 $0xFFFFFE70  }
.LBB2_7:
0x2c: {  	s23 =	smul.u32 $0x1F400, s22;
	_ =	sdelay $0x1  }
0x2d: {  	s23 =	sadd.s32 s21, s23  }
0x2e: {  	s23 =	smul.u32 $0x3, s23;
	_ =	sdelay $0x1  }
0x2f: {  	s24 =	simm.s32 $0x320;
	s25 =	sadd.s32 s6, s23;
	s23 =	simm.s32 $0x0  }
0x30: {  	[tilespmem:s24], [sflag:$0x1] =	stream.linear.gather [hbm4b:s25+s23], $0x2580, $0x38;
	[tilespmem:$0x12CC0] =	vst v63  }
0x31: {  	s31 =	smul.u32 $0x2710, s22;
	_ =	swait.ge [sflag:s12], $0x2580  }
0x32: {  	[sflag:s12] =	ssyncset.done $0x0  }
0x33: {  	v1 =	vmov s31;
	[sflag:s12] =	ssyncadd.s32 $0xFFFFDA80  }
.LBB2_8:
0x34: {  	s25 =	smul.u32 $0x50, s23;
	_ =	sdelay $0x1  }
0x35: {  	v2 =	vld [tilespmem:s25+$0x0];
	_ =	sdelay $0x4  }
0x36: {  	v2 =	vadd.s32 v1, v2  }
0x37: {  	[tilespmem:$0x28A0] =	vst v2  }
0x38: {  	v2 =	vld [tilespmem:s25+$0x190];
	_ =	sdelay $0x4  }
0x39: {  	v2 =	vadd.s32 v1, v2  }
0x3a: {  	[tilespmem:$0x28F0] =	vst v2  }
0x3b: {  	v2 =	vld [tilespmem:s25+$0x10];
	_ =	sdelay $0x4  }
0x3c: {  	v2 =	vadd.s32 v1, v2  }
0x3d: {  	[tilespmem:$0x28B0] =	vst v2  }
0x3e: {  	v2 =	vld [tilespmem:s25+$0x1A0];
	_ =	sdelay $0x4  }
0x3f: {  	v2 =	vadd.s32 v1, v2  }
0x40: {  	[tilespmem:$0x2900] =	vst v2  }
0x41: {  	v2 =	vld [tilespmem:s25+$0x20];
	_ =	sdelay $0x4  }
0x42: {  	v2 =	vadd.s32 v1, v2  }
0x43: {  	[tilespmem:$0x28C0] =	vst v2  }
0x44: {  	v2 =	vld [tilespmem:s25+$0x1B0];
	_ =	sdelay $0x4  }
0x45: {  	v2 =	vadd.s32 v1, v2  }
0x46: {  	[tilespmem:$0x2910] =	vst v2  }
0x47: {  	v2 =	vld [tilespmem:s25+$0x30];
	_ =	sdelay $0x4  }
0x48: {  	v2 =	vadd.s32 v1, v2  }
0x49: {  	[tilespmem:$0x28D0] =	vst v2  }
0x4a: {  	v2 =	vld [tilespmem:s25+$0x1C0];
	_ =	sdelay $0x4  }
0x4b: {  	v2 =	vadd.s32 v1, v2  }
0x4c: {  	[tilespmem:$0x2920] =	vst v2  }
0x4d: {  	v2 =	vld [tilespmem:s25+$0x40];
	_ =	sdelay $0x4  }
0x4e: {  	v2 =	vadd.s32 v1, v2  }
0x4f: {  	[tilespmem:$0x28E0] =	vst v2  }
0x50: {  	v3 =	vld [tilespmem:s25+$0x1D0];
	_ =	sdelay $0x1  }
0x51: {  	v2 =	vmov s24;
	_ =	sdelay $0x2  }
0x52: {  	v3 =	vadd.s32 v1, v3  }
0x53: {  	s25 =	simm.s32 $0x0;
	[tilespmem:$0x2930] =	vst v3  }
0x54: {  	v3 =	vld.idx.msk [tilespmem:v2+s25+$0x0 ss:$0x1], $0xffff;
	_ =	sdelay $0x4  }
0x55: {  	v3 =	vsub.f32 $0.0e+00, v3;
	_ =	sdelay $0x1  }
0x56: {  	[tilespmem:s25+$0x2940] =	vst v3  }
0x57: {  	v3 =	vld.idx.msk [tilespmem:v2+s25+$0x8 ss:$0x1], $0xffff;
	_ =	sdelay $0x4  }
0x58: {  	s26 =	simm.s32 $0x60;
	s28 =	simm.s32 $0xC0;
	v3 =	vsub.f32 $0.0e+00, v3  }
.LBB2_9:
0x59: {  	p0 =	sne.s32 s28, $0x1DA0  }
0x5a: {  	[tilespmem:s25+$0x2948] =	vst v3;
	s25 =	sshra.s32 s26, $0x2;
	s26 =	smov.u32 s28;
	s28 =	sadd.s32 $0x60, s28  }
0x5b: {  	v3 =	vld.idx.msk [tilespmem:v2+s25+$0x0 ss:$0x1], $0xffff;
	_ =	sdelay $0x5  }
0x5c: {  	v3 =	vsub.f32 $0.0e+00, v3;
	_ =	sdelay $0x1  }
0x5d: {  	[tilespmem:s25+$0x2940] =	vst v3  }
0x5e: {  	v3 =	vld.idx.msk [tilespmem:v2+s25+$0x8 ss:$0x1], $0xffff;
	_ =	sdelay $0x1  }
.Ltmp2:
0x5f: {  	(pc) =	sbr.rel @p0 .LBB2_9-.Ltmp2, $2  }
0x60: {  	_ =	sdelay $0x2  }
0x61: {  	v3 =	vsub.f32 $0.0e+00, v3  }
0x62: {  	_ =	sdelay $0x2  }
0x63: {  	s26 =	sshra.s32 s26, $0x2;
	[tilespmem:s25+$0x2948] =	vst v3  }
0x64: {  	v3 =	vld.idx.msk [tilespmem:v2+s26+$0x0 ss:$0x1], $0xffff;
	_ =	sdelay $0x4  }
0x65: {  	v3 =	vsub.f32 $0.0e+00, v3;
	_ =	sdelay $0x1  }
0x66: {  	[tilespmem:s26+$0x2940] =	vst v3  }
0x67: {  	v2 =	vld.idx.msk [tilespmem:v2+s26+$0x8 ss:$0x1], $0xffff;
	_ =	sdelay $0x3  }
0x68: {  	s31 =	smul.u32 $0x1E00, s23  }
0x69: {  	v2 =	vsub.f32 $0.0e+00, v2  }
0x6a: {  	s25 =	sshra.s32 s31, $0x2  }
0x6b: {  	s25 =	sadd.s32 $0x320, s25;
	[tilespmem:s26+$0x2948] =	vst v2  }
0x6c: {  	[spmem:s2] =	stream.indirect.scatter.add.f32 [tilespmem:s25], [sflag:$0x1], $0x18, s15, s14, $0xb8;
	[tilespmem:$0x12CC0] =	vst v63  }
0x6d: {  	s23 =	sadd.s32 $0x1, s23;
	_ =	swait.ge [sflag:s12], $0x780  }
0x6e: {  	p0 =	sne.s32 s23, $0x5;
	[sflag:s12] =	ssyncset.done $0x0  }
.Ltmp3:
0x6f: {  	[sflag:s12] =	ssyncadd.s32 $0xFFFFF880;
	(pc) =	sbr.rel @p0 .LBB2_8-.Ltmp3, $4  }
0x70: {  	[spmem:s2] =	stream.indirect.scatter.add.f32 [tilespmem:s17], [sflag:$0x1], $0x18, s16, s14, $0xb8;
	[tilespmem:$0x12CC0] =	vst v63  }
0x71: {  	_ =	swait.ge [sflag:s12], $0x780  }
0x72: {  	[sflag:s12] =	ssyncset.done $0x0  }
0x73: {  	s24 =	sadd.s32 $0x780, s24;
	[sflag:s12] =	ssyncadd.s32 $0xFFFFF880  }
0x74: {  	s22 =	sadd.s32 $0x1, s22  }
0x75: {  	p0 =	sne.s32 s22, $0x4  }
.Ltmp4:
0x76: {  	_ = 	snop;
	(pc) =	sbr.rel @p0 .LBB2_7-.Ltmp4, $1  }
0x77: {  	_ =	sdelay $0x3  }
0x78: {  	s20 =	sadd.s32 $0x1, s20  }
0x79: {  	p0 =	sne.s32 s20, $0xA  }
.Ltmp5:
0x7a: {  	_ = 	snop;
	(pc) =	sbr.rel @p0 .LBB2_6-.Ltmp5, $1  }
0x7b: {  	_ =	sdelay $0x3  }
0x7c: {  	s3 =	sadd.s32 $0x1, s3  }
0x7d: {  	s19 =	sshll.u32 s1, $0x6;
	p0 =	sne.s32 s3, s9  }
.Ltmp6:
0x7e: {  	[bflag:$0x0] =	sbarrier.arrive $0xFFFF;
	s19 =	sor.u32 $0x1C01, s19;
	(pc) =	sbr.rel @p0 .LBB2_1-.Ltmp6, $4  }
0x7f: {  	[hbm:s8], [sflag:s19] =	dma.local [spmem:s18], $0x1E00  }
0x80: {  	_ =	swait.ge [sflag:s12], $0x1E00  }
0x81: {  	[sflag:s12] =	ssyncset.done $0x0  }
0x82: {  	[sflag:s12] =	ssyncadd.s32 $0xFFFFE200  }
0x83: {  	_ =	sfence.sel $0x180000  }
0x84: {  	[bflag:$0x0] =	sbarrier.arrive $0xFFFF  }
0x85: {  	p0 =	sne.s32 s1, $0x0;
	_ =	strace $0x90000056  }
0x86: {  	s0 =	sadd.s32 @!p0 $0x100000, s0;
	[bflag:$0x2] =	sbarrier.arrive $0xFFFF  }
0x87: {  	[sflag:s0] =	ssyncadd.tile.s32 @!p0 $0x1;
	_ =	shalt  }
.Lfunc_end2:
_tile_overlayer_lowered:
.L_overlay_start_2:
0x88: {  	(tag) =	ssettag $0x2  }
0x89: {  	s0 =	rddreg [dreg:$0x0];
	s2 =	stileid.u32  }
0x8a: {  	s1 =	rddreg [dreg:$0x1];
	p0 =	sne.s32 s2, $0x0  }
0x8b: {  	s3 =	rddreg [dreg:$0x2];
	[bflag:$0x3] =	sbarrier.arrive $0xFFFF;
	s2 =	simm.s32 @!p0 $0x1C01  }
0x8c: {  	[timem:s3], [sflag:s2] =	dma.local @!p0 [hbm:s0], s1  }
0x8d: {  	s0 =	simm.s32 @!p0 $0x1  }
0x8e: {  	_ =	swait.ge @!p0 [sflag:s0], s1  }
0x8f: {  	s1 =	ssub.s32 @!p0 $0x0, s1;
	[sflag:s0] =	ssyncset.done @!p0 $0x0  }
0x90: {  	[sflag:s0] =	ssyncadd.s32 @!p0 s1  }
0x91: {  	[bflag:$0x3] =	sbarrier.arrive $0xFFFF  }
0x92: {  	_ =	shalt  }

</sc_bundles>
